<compile_context>
chip_gen: v7x
topology: tpu7x:2x2x1
jax: 0.10.2.dev20260603
libtpu: 0.0.44.dev20260713+nightly
codegen_flags: <defaults>
</compile_context>

<pallas_src>
import jax
import jax.numpy as jnp
from jax.experimental import pallas as pl
from jax.experimental.pallas import tpu as pltpu

N = 100000
H = 20
THRESHOLD = 1.0


def _i0():
    return jnp.asarray(0, dtype=jnp.int32)


def _out0_body(x0_ref, g1t_ref, bias_ref, out_ref):
    z = jnp.dot(x0_ref[...], g1t_ref[...], preferred_element_type=jnp.float32)
    out_ref[...] = jax.nn.sigmoid(z + bias_ref[...])


def _out0(x0, gamma1, bias):
    blk = 1000
    return pl.pallas_call(
        _out0_body,
        grid=(N // blk,),
        in_specs=[
            pl.BlockSpec((blk, H), lambda i: (i, _i0())),
            pl.BlockSpec((H, H), lambda i: (_i0(), _i0())),
            pl.BlockSpec((1, H), lambda i: (_i0(), _i0())),
        ],
        out_specs=pl.BlockSpec((blk, H), lambda i: (i, _i0())),
        out_shape=jax.ShapeDtypeStruct((N, H), jnp.float32),
    )(x0, gamma1.T, bias.reshape(1, H))


def kernel(x, edge_index, edge_attr, a, b, gamma1, gamma2, bias, W1, b1, W2, b2):
    src = edge_index[0]
    dst = edge_index[1]
    Ea = src.shape[0]
    h1 = jax.nn.relu(edge_attr @ W1.T + b1)
    mlp_out = h1 @ W2.T + b2
    d = edge_attr[:, 0]
    idx = jnp.clip((d / (THRESHOLD / 10.0)).astype(jnp.int32), 0, 9)
    one_hot = jax.nn.one_hot(idx, 10, dtype=jnp.float32)
    eac = jnp.concatenate([one_hot, mlp_out], axis=1)
    denom = jax.ops.segment_sum(eac, src, num_segments=N)
    denom_e = denom[src]
    mask = denom_e != 0
    ratio = jnp.where(mask, eac / jnp.where(mask, denom_e, 1.0), 0.01)
    lin = src * N + dst
    rev = dst * N + src
    pos = jnp.searchsorted(lin, rev)
    pos_c = jnp.clip(pos, 0, Ea - 1)
    rev_exists = lin[pos_c] == rev
    use = jnp.where(rev_exists & (src > dst), pos_c, jnp.arange(Ea))
    ratio_used = ratio[use]
    rho = jnp.abs(a * x[src, 0, :] - (1.0 - a) * x[dst, 0, :]) ** b
    out1 = jax.ops.segment_sum(rho * ratio_used, src, num_segments=N)
    x0 = jnp.asarray(x[:, 0, :], dtype=jnp.float32)
    out0 = _out0(x0, gamma1, bias)
    return jnp.stack([out0, out1], axis=1)

# --- scband reference (transcript-rebuilt; emitter-appended) ---
"""Pipeline reference for scband-couchesintermediaires-gnn-84670985274045 (READ-ONLY COPY).

The authoritative reference and input builder live on the scoring server;
editing this copy changes nothing except your own understanding.
"""

import jax, jax.numpy as jnp
import numpy as np
jax.config.update('jax_enable_x64', True)

N = 100000
E = 3200000
H = 20
EH = 64
EO = 10
THRESHOLD = 1.0


def setup_inputs(seed: int = 0) -> dict:
    # generate a coalesced (sorted, deduplicated) edge set so that the
    # torch_geometric.utils.coalesce call in the original forward is an identity
    rng = np.random.default_rng(0)
    lin = np.unique(rng.integers(0, N * N, size=E, dtype=np.int64))
    src = (lin // N).astype(np.int64)
    dst = (lin % N).astype(np.int64)
    edge_index = jnp.stack([jnp.asarray(src), jnp.asarray(dst)])
    Ea = int(lin.shape[0])
    key = jax.random.key(seed)
    ks = jax.random.split(key, 12)
    x = jax.random.normal(ks[0], (N, 2, H), dtype=jnp.float32)
    # distances must lie in (epsilon, threshold]
    edge_attr = jax.random.uniform(ks[1], (Ea, 1), dtype=jnp.float32, minval=0.05, maxval=THRESHOLD)
    a = jax.random.uniform(ks[2], (1,), dtype=jnp.float32)
    b = jax.random.uniform(ks[3], (1,), dtype=jnp.float32) + 1.0
    gamma1 = jax.random.uniform(ks[4], (H, H), dtype=jnp.float32)
    gamma2 = jax.random.uniform(ks[5], (H, H), dtype=jnp.float32)
    bias = jax.random.uniform(ks[6], (H,), dtype=jnp.float32)
    lim1 = 1.0  # 1/sqrt(fan_in=1)
    W1 = jax.random.uniform(ks[7], (EH, 1), minval=-lim1, maxval=lim1, dtype=jnp.float32)
    b1 = jax.random.uniform(ks[8], (EH,), minval=-lim1, maxval=lim1, dtype=jnp.float32)
    lim2 = 1.0 / np.sqrt(EH)
    W2 = jax.random.uniform(ks[9], (EO, EH), minval=-lim2, maxval=lim2, dtype=jnp.float32)
    b2 = jax.random.uniform(ks[10], (EO,), minval=-lim2, maxval=lim2, dtype=jnp.float32)
    return dict(x=x, edge_index=edge_index, edge_attr=edge_attr, a=a, b=b,
                gamma1=gamma1, gamma2=gamma2, bias=bias, W1=W1, b1=b1, W2=W2, b2=b2)


def reference(x, edge_index, edge_attr, a, b, gamma1, gamma2, bias, W1, b1, W2, b2):
    src = edge_index[0]
    dst = edge_index[1]
    Ea = src.shape[0]
    # EdgeFeatureMLP2
    h1 = jax.nn.relu(edge_attr @ W1.T + b1)
    mlp_out = h1 @ W2.T + b2  # [E, 10]
    # one_hot_encode_distance, vectorized
    d = edge_attr[:, 0]
    idx = jnp.clip((d / (THRESHOLD / 10.0)).astype(jnp.int32), 0, 9)
    one_hot = jax.nn.one_hot(idx, 10, dtype=jnp.float32)
    eac = jnp.concatenate([one_hot, mlp_out], axis=1)  # edge_attr_combined [E, 20]
    # calculate_w_tilde: per-source-node normalization over (unique) neighbors
    denom = jax.ops.segment_sum(eac, src, num_segments=N)
    denom_e = denom[src]
    mask = denom_e != 0
    ratio = jnp.where(mask, eac / jnp.where(mask, denom_e, 1.0), 0.01)
    # cache semantics: key = sorted((j, j')); for edge (u,v) with u>v whose
    # reverse edge (v,u) exists, the cached w_tilde(v,u) is reused
    lin = src * N + dst  # sorted (edges are coalesced)
    rev = dst * N + src
    pos = jnp.searchsorted(lin, rev)
    pos_c = jnp.clip(pos, 0, Ea - 1)
    rev_exists = lin[pos_c] == rev
    use = jnp.where(rev_exists & (src > dst), pos_c, jnp.arange(Ea))
    ratio_used = ratio[use]
    # rho(h_j, h_j') per edge, then scatter-add into destination row 1
    rho = jnp.abs(a * x[src, 0, :] - (1.0 - a) * x[dst, 0, :]) ** b
    out1 = jax.ops.segment_sum(rho * ratio_used, src, num_segments=N)
    # second loop: new_node_features is never written in the original code -> zeros
    nnf = jnp.zeros((N, H), dtype=x.dtype)
    out0 = jax.nn.sigmoid(x[:, 0, :] @ gamma1.T + nnf @ gamma2.T + bias)
    new_x = jnp.stack([out0, out1], axis=1)  # [N, 2, 20]
    return new_x

if __name__ == "__main__":
    import jax
    _d = setup_inputs()
    print(jax.jit(kernel)(*tuple(_d.values())))

</pallas_src>

<mosaic_0001>
module attributes {stable_mosaic.version = 14 : i64} {
  func.func @_out0_body(%arg0: i32, %arg1: memref<1000x20xf32, #tpu.memory_space<vmem>>, %arg2: memref<20x20xf32, #tpu.memory_space<vmem>>, %arg3: memref<1x20xf32, #tpu.memory_space<vmem>>, %arg4: memref<1000x20xf32, #tpu.memory_space<vmem>>) attributes {dimension_semantics = [#tpu.dimension_semantics<arbitrary>], iteration_bounds = array<i64: 100>, scalar_prefetch = 0 : i64, scratch_operands = 0 : i64, tpu.core_type = #tpu.core_type<tc>, window_params = [{transform_indices = @transform_0, window_bounds = array<i64: 1000, 20>}, {pipeline_mode = #tpu.pipeline_mode<synchronous>, transform_indices = @transform_1, window_bounds = array<i64: 20, 20>}, {pipeline_mode = #tpu.pipeline_mode<synchronous>, transform_indices = @transform_2, window_bounds = array<i64: 1, 20>}, {transform_indices = @transform_3, window_bounds = array<i64: 1000, 20>}]} {
    %get3A = arith.constant 0 : index
    %get3A_0 = arith.constant 0 : index
    %get3A_1 = vector.load %arg1[%get3A, %get3A_0] : memref<1000x20xf32, #tpu.memory_space<vmem>>, vector<1000x20xf32>
    %get3A_2 = arith.constant 0 : index
    %get3A_3 = arith.constant 0 : index
    %get3A_4 = vector.load %arg2[%get3A_2, %get3A_3] : memref<20x20xf32, #tpu.memory_space<vmem>>, vector<20x20xf32>
    %dot_general3A = arith.constant dense<0.000000e+00> : vector<1000x20xf32>
    %dot_general3A_5 = tpu.matmul %get3A_1, %get3A_4, %dot_general3A {dimension_numbers = #tpu.dot_dimension_numbers<[1], [0], [0], [1], [0, 0, 1, 1], [], []>, transpose_lhs_hint = false} : vector<1000x20xf32>, vector<20x20xf32>, vector<1000x20xf32> -> vector<1000x20xf32>
    %get3A_6 = arith.constant 0 : index
    %get3A_7 = arith.constant 0 : index
    %get3A_8 = vector.load %arg3[%get3A_6, %get3A_7] : memref<1x20xf32, #tpu.memory_space<vmem>>, vector<1x20xf32>
    %add3A = vector.broadcast %get3A_8 : vector<1x20xf32> to vector<1000x20xf32>
    %add3A_9 = arith.addf %dot_general3A_5, %add3A : vector<1000x20xf32>
    %logistic3A = arith.negf %add3A_9 : vector<1000x20xf32>
    %logistic3A_10 = math.exp %logistic3A : vector<1000x20xf32>
    %logistic3A_11 = arith.constant 1.000000e+00 : f32
    %logistic3A_12 = vector.broadcast %logistic3A_11 : f32 to vector<1000x20xf32>
    %logistic3A_13 = arith.addf %logistic3A_12, %logistic3A_10 : vector<1000x20xf32>
    %logistic3A_14 = arith.divf %logistic3A_12, %logistic3A_13 : vector<1000x20xf32>
    %swap3A = arith.constant 0 : index
    %swap3A_15 = arith.constant 0 : index
    %swap3A_16 = vector.load %arg4[%swap3A, %swap3A_15] : memref<1000x20xf32, #tpu.memory_space<vmem>>, vector<1000x20xf32>
    tpu.vector_store %arg4[%swap3A, %swap3A_15], %logistic3A_14 {strides = array<i32>} : memref<1000x20xf32, #tpu.memory_space<vmem>>, vector<1000x20xf32>,
    return
  }
  func.func @transform_0(%arg0: i32) -> (i32, i32) {
    %c0_i32 = arith.constant 0 : i32
    %c0_i32_0 = arith.constant 0 : i32
    return %arg0, %c0_i32 : i32, i32
  }
  func.func @transform_1(%arg0: i32) -> (i32, i32) {
    %c0_i32 = arith.constant 0 : i32
    %c0_i32_0 = arith.constant 0 : i32
    %c0_i32_1 = arith.constant 0 : i32
    return %c0_i32, %c0_i32_0 : i32, i32
  }
  func.func @transform_2(%arg0: i32) -> (i32, i32) {
    %c0_i32 = arith.constant 0 : i32
    %c0_i32_0 = arith.constant 0 : i32
    %c0_i32_1 = arith.constant 0 : i32
    return %c0_i32, %c0_i32_0 : i32, i32
  }
  func.func @transform_3(%arg0: i32) -> (i32, i32) {
    %c0_i32 = arith.constant 0 : i32
    %c0_i32_0 = arith.constant 0 : i32
    return %arg0, %c0_i32 : i32, i32
  }
}

</mosaic_0001>

<sc_bundles>
// kernel: gather_offload_async_start
scs
__scs_entry_jumppad:
0x0: {  	(pc) =	sbr.rel $0x88, $3  }
0x1: {  	(tag) =	ssettag $0x0;
	lr =	simm.s32 $0x1  }
0x2: {  	[smem:$0x3F96] =	sst lr;
	_ =	strace $0xD0000000  }
0x3: {  	_ = 	snop  }
0x4: {  	_ = 	snop  }
0x5: {  	_ = 	snop  }
0x6: {  	_ = 	snop  }
0x7: {  	_ = 	snop  }
__scs_overlays_trampoline_lowered:
0x8: {  	[smem:$0x3FA5] =	sst s0  }
0x9: {  	[smem:$0x3FA6] =	sst s1  }
0xa: {  	[smem:$0x3FA7] =	sst s2  }
0xb: {  	[smem:$0x3FA8] =	sst s3  }
0xc: {  	[smem:$0x3FA9] =	sst s4  }
0xd: {  	[smem:$0x3FAA] =	sst s5  }
0xe: {  	[smem:$0x3FAB] =	sst s6  }
0xf: {  	[smem:$0x3FAC] =	sst s7  }
0x10: {  	[smem:$0x3FAD] =	sst s8  }
0x11: {  	[smem:$0x3FAE] =	sst s9;
	s0 =	simm.s32 @!p0 $0x0  }
0x12: {  	s1 =	sld [smem:$0x3F94];
	s0 =	simm.s32 @p0 $0x1  }
0x13: {  	[smem:$0x3FAF] =	sst s0;
	s0 =	simm.s32 @!p1 $0x0  }
0x14: {  	s2 =	sld [smem:$0x3F93];
	s0 =	simm.s32 @p1 $0x1  }
0x15: {  	[smem:$0x3FB0] =	sst s0;
	s0 =	simm.s32 @!p2 $0x0  }
0x16: {  	s3 =	sld [smem:$0x3FDB];
	s0 =	simm.s32 @p2 $0x1  }
0x17: {  	s4 =	simm.s32 $0x1BF5;
	[smem:$0x3FB2] =	sst s0  }
0x18: {  	s0 =	sld [smem:$0x3F95];
	_ =	swait.ge [sflag:s4], $0x0  }
0x19: {  	s7 =	sld [smem:$0x3F96]  }
0x1a: {  	s8 =	sadd.s32 $0xFFFFE003, lr  }
0x1b: {  	s9 =	sadd.s32 $0xFFFFFEF7, lr;
	s5 =	simm.s32 $0xFFFFFFFF;
	p2 =	slt.u32 s8, $0xFFFFF086  }
0x1c: {  	p1 =	slt.u32 s9, $0xF7A;
	s5 =	simm.s32 @!p2 $0x0  }
0x1d: {  	s5 =	simm.s32 @p1 $0x1;
	p0 =	seq.s32 s7, s2  }
0x1e: {  	s7 =	smul.u32 @!p0 $0xF7A, s2;
	p2 =	seq.s32 @!p0 s5, $0x0  }
0x1f: {  	s9 =	smul.u32 $0xF7A, s1;
	s8 =	simm.s32 @!p0 $0x1BF5;
	p2 =	por !p2, p0  }
0x20: {  	[sflag:s8] =	ssyncset.s32 @!p0 $0xFFFFF086;
	s6 =	sadd.s32 @!p0 s3, s7;
	s7 =	simm.s32 @!p0 $0x108  }
0x21: {  	s3 =	sadd.s32 s3, s9;
	s6 =	sadd.s32 @!p0 $0x88, s6;
	s7 =	simm.s32 @p2 $0x1082  }
0x22: {  	[simem:s7], [sflag:s8] =	dma.local @!p0 [hbm:s6], $0xF7A  }
0x23: {  	s9 =	sor.u32 $0xD0000000, s2;
	s6 =	simm.s32 $0x108;
	_ =	swait.ge @!p0 [sflag:s8], $0x0  }
0x24: {  	s3 =	sadd.s32 $0x88, s3;
	s6 =	simm.s32 @!p1 $0x1082;
	[sflag:s4] =	ssyncset.s32 $0xFFFFF086  }
0x25: {  	[simem:s6], [sflag:s4] =	dma.local [hbm:s3], $0xF7A  }
0x26: {  	[smem:$0x3F96] =	sst s1;
	(tag) =	ssettag s2;
	_ =	strace s9  }
0x27: {  	s1 =	sld [smem:$0x3FA6]  }
0x28: {  	s2 =	sld [smem:$0x3FA7]  }
0x29: {  	s4 =	sld [smem:$0x3FA9]  }
0x2a: {  	p0 =	seq.s32 s5, $0x0;
	s5 =	sld [smem:$0x3FAA]  }
0x2b: {  	s6 =	sld [smem:$0x3FAB]  }
0x2c: {  	s7 =	sld [smem:$0x3FAC]  }
0x2d: {  	s3 =	simm.s32 $0x108;
	s8 =	sld [smem:$0x3FAD]  }
0x2e: {  	s3 =	simm.s32 @!p0 $0x1082;
	s9 =	sld [smem:$0x3FAE]  }
0x2f: {  	lr =	sadd.s32 s0, s3;
	s0 =	sld [smem:$0x3FA5]  }
0x30: {  	s3 =	sld [smem:$0x3FA8]  }
0x31: {  	[smem:$0x3FB1] =	sst s10  }
0x32: {  	s10 =	sld [smem:$0x3FAF];
	_ =	sdelay $0x3  }
0x33: {  	p0 =	seq.s32 s10, $0x1;
	s10 =	sld [smem:$0x3FB1];
	_ =	sdelay $0x3  }
0x34: {  	[smem:$0x3FB1] =	sst s10  }
0x35: {  	s10 =	sld [smem:$0x3FB0];
	_ =	sdelay $0x3  }
0x36: {  	p1 =	seq.s32 s10, $0x1;
	s10 =	sld [smem:$0x3FB1];
	_ =	sdelay $0x3  }
0x37: {  	[smem:$0x3FB1] =	sst s10  }
0x38: {  	s10 =	sld [smem:$0x3FB2]  }
0x39: {  	_ = 	snop;
	(pc) =	sbr.ind lr, $3  }
0x3a: {  	_ = 	snop  }
0x3b: {  	_ = 	snop  }
0x3c: {  	p2 =	seq.s32 s10, $0x1;
	s10 =	sld [smem:$0x3FB1]  }
0x3d: {  	_ =	shalt  }
0x3e: {  	_ =	shalt  }
0x3f: {  	_ =	shalt  }
0x40: {  	_ =	shalt  }
0x41: {  	_ =	shalt  }
0x42: {  	_ =	shalt  }
0x43: {  	_ =	shalt  }
0x44: {  	_ =	shalt  }
0x45: {  	_ =	shalt  }
0x46: {  	_ =	shalt  }
0x47: {  	_ =	shalt  }
0x48: {  	_ =	shalt  }
0x49: {  	_ =	shalt  }
0x4a: {  	_ =	shalt  }
0x4b: {  	_ =	shalt  }
0x4c: {  	_ =	shalt  }
0x4d: {  	_ =	shalt  }
0x4e: {  	_ =	shalt  }
0x4f: {  	_ =	shalt  }
0x50: {  	_ =	shalt  }
0x51: {  	_ =	shalt  }
0x52: {  	_ =	shalt  }
0x53: {  	_ =	shalt  }
0x54: {  	_ =	shalt  }
0x55: {  	_ =	shalt  }
0x56: {  	_ =	shalt  }
0x57: {  	_ =	shalt  }
0x58: {  	_ =	shalt  }
0x59: {  	_ =	shalt  }
0x5a: {  	_ =	shalt  }
0x5b: {  	_ =	shalt  }
0x5c: {  	_ =	shalt  }
0x5d: {  	_ =	shalt  }
0x5e: {  	_ =	shalt  }
0x5f: {  	_ =	shalt  }
0x60: {  	_ =	shalt  }
0x61: {  	_ =	shalt  }
0x62: {  	_ =	shalt  }
0x63: {  	_ =	shalt  }
0x64: {  	_ =	shalt  }
0x65: {  	_ =	shalt  }
0x66: {  	_ =	shalt  }
0x67: {  	_ =	shalt  }
0x68: {  	_ =	shalt  }
0x69: {  	_ =	shalt  }
0x6a: {  	_ =	shalt  }
0x6b: {  	_ =	shalt  }
0x6c: {  	_ =	shalt  }
0x6d: {  	_ =	shalt  }
0x6e: {  	_ =	shalt  }
0x6f: {  	_ =	shalt  }
0x70: {  	_ =	shalt  }
0x71: {  	_ =	shalt  }
0x72: {  	_ =	shalt  }
0x73: {  	_ =	shalt  }
0x74: {  	_ =	shalt  }
0x75: {  	_ =	shalt  }
0x76: {  	_ =	shalt  }
0x77: {  	_ =	shalt  }
0x78: {  	_ =	shalt  }
0x79: {  	_ =	shalt  }
0x7a: {  	_ =	shalt  }
0x7b: {  	_ =	shalt  }
0x7c: {  	_ =	shalt  }
0x7d: {  	_ =	shalt  }
0x7e: {  	_ =	shalt  }
0x7f: {  	_ =	shalt  }
0x80: {  	_ =	shalt  }
0x81: {  	_ =	shalt  }
0x82: {  	_ =	shalt  }
0x83: {  	_ =	shalt  }
0x84: {  	_ =	shalt  }
0x85: {  	_ =	shalt  }
0x86: {  	_ =	shalt  }
0x87: {  	_ =	shalt  }
.Lfunc_end0:
.L_simem_size_0:
called_computation.7_lowered:
.L_overlay_start_0:
0x88: {  	s2 =	sld [smem:$0x3FD9]  }
0x89: {  	s3 =	sld [smem:$0x3FFE];
	_ =	sdelay $0x1  }
0x8a: {  	s1 =	srdreg.scid  }
0x8b: {  	s0 =	sand.u32 $0x1, s1  }
0x8c: {  	s17 =	sshll.u32 s0, $0xA;
	s2 =	sadd.s32 s3, s2  }
0x8d: {  	s2 =	sadd.s32 s2, s17  }
0x8e: {  	[smem:$0x3FBD] =	sst s2  }
0x8f: {  	_ = 	snop  }
0x90: {  	(tm) =	ssettm $0x1  }
0x91: {  	s18 =	sld [smem:$0x3FFB];
	_ =	sdelay $0x3  }
0x92: {  	_ =	strace s18  }
0x93: {  	s2 =	sld [smem:$0x3FFC];
	_ =	sdelay $0x3  }
0x94: {  	_ =	strace s2  }
0x95: {  	s2 =	sld [smem:$0x3FFD];
	_ =	sdelay $0x3  }
0x96: {  	_ =	strace s2  }
0x97: {  	_ =	strace $0x8FFFFFFF  }
0x98: {  	s19 =	sld [smem:$0x3FDB];
	_ =	sdelay $0x1  }
0x99: {  	s20 =	simm.s32 $_scs_section_size  }
0x9a: {  	s4 =	simm.s32 $_size__tile_overlayer_lowered;
	s5 =	simm.s32 $_tile_overlayer_lowered  }
0x9b: {  	s6 =	simm.s32 $0x1BFF;
	s21 =	sshll.u32 s5, $0x1;
	s3 =	sadd.s32 s20, s19  }
0x9c: {  	s22 =	simm.s32 $0x0;
	s4 =	sshll.u32 s4, $0x1;
	s5 =	sadd.s32 s21, s3  }
0x9d: {  	[timem:s22], [sflag:s6] =	dma.local [hbm:s5], s4  }
0x9e: {  	_ =	swait.ge [sflag:s6], s4  }
0x9f: {  	s4 =	ssub.s32 $0x0, s4;
	[sflag:s6] =	ssyncset.done $0x0  }
0xa0: {  	[sflag:s6] =	ssyncadd.s32 s4;
	_ =	sdelay $0x1  }
0xa1: {  	s23 =	simm.s32 $0x1B8B  }
0xa2: {  	_ =	swait.ge [sflag:s23], $0x1  }
0xa3: {  	[sflag:s23] =	ssyncset.done $0x0  }
0xa4: {  	[sflag:s23] =	ssyncadd.s32 $0xFFFFFFFF  }
0xa5: {  	s4 =	sld [smem:$0x0]  }
0xa6: {  	s5 =	sand.u32 $0xFFFFFFFE, s1  }
0xa7: {  	p0 =	sne.s32 s1, s5  }
0xa8: {  	s5 =	sshll.u32 @p0 s5, $0xE  }
0xa9: {  	s5 =	sadd.s32 @p0 $0x11B8D, s5;
	s6 =	sshll.u32 @p0 s4, $0x11  }
0xaa: {  	s5 =	sor.u32 @p0 s6, s5  }
0xab: {  	[sflag:s5] =	ssyncadd.remote.s32 @p0 $0x1;
	_ =	sdelay $0x1  }
0xac: {  	s5 =	simm.s32 @p0 $0x1B8D  }
0xad: {  	_ =	swait.eq @p0 [sflag:s5], $0x1  }
0xae: {  	[sflag:s5] =	ssyncadd.s32 @p0 $0xFFFFFFFF  }
0xaf: {  	s6 =	sshll.u32 @!p0 s1, $0xE  }
0xb0: {  	s6 =	sor.u32 @!p0 $0x4000, s6;
	s5 =	simm.s32 @!p0 $0x1B8D  }
0xb1: {  	s4 =	sshll.u32 @!p0 s4, $0x11;
	s6 =	sadd.s32 @!p0 $0x11B8D, s6;
	_ =	swait.eq @!p0 [sflag:s5], $0x1  }
0xb2: {  	s4 =	sor.u32 @!p0 s4, s6;
	[sflag:s5] =	ssyncadd.s32 @!p0 $0xFFFFFFFF  }
0xb3: {  	s25 =	simm.s32 $0x1B8E;
	s24 =	sld [smem:$0x3FFE];
	[sflag:s4] =	ssyncadd.remote.s32 @!p0 $0x1  }
0xb4: {  	s26 =	simm.s32 $execute0_lowered;
	[smem:$0x3FD2] =	sst s25  }
0xb5: {  	s5 =	sshll.u32 s26, $0x1;
	_ =	strace $0x80000058;
	[dreg:$0x1] =	wrdreg $0xFFFFFFFF  }
0xb6: {  	s28 =	simm.s32 $_size_execute0_lowered;
	s3 =	sadd.s32 s3, s5;
	[dreg:$0x0] =	wrdreg $0x0  }
0xb7: {  	s5 =	sshll.u32 s28, $0x1;
	[dreg:$0x2] =	wrdreg s3  }
0xb8: {  	[dreg:$0x3] =	wrdreg s5  }
0xb9: {  	[dreg:$0x4] =	wrdreg $0xC0  }
0xba: {  	_ =	task [dreg:s22], $0x5FFFF  }
0xbb: {  	[dreg:$0x1] =	wrdreg $0xFFFFFFFF  }
0xbc: {  	[dreg:$0x0] =	wrdreg $0x60  }
0xbd: {  	[dreg:$0x2] =	wrdreg s24  }
0xbe: {  	[dreg:$0x3] =	wrdreg $0xB  }
0xbf: {  	_ =	task.clear_ibuf [dreg:s22], $0x4FFFF;
	_ =	strace $0x90000058  }
0xc0: {  	s29 =	simm.s32 $0xB;
	_ =	strace $0x8000005A  }
0xc1: {  	_ =	swait.ge [sflag:s29], $0x1  }
0xc2: {  	[sflag:s29] =	ssyncadd.s32 $0xFFFFFFFF  }
0xc3: {  	_ =	strace $0x9000005A  }
0xc4: {  	_ =	sfence  }
0xc5: {  	s30 =	sld [smem:$0x0];
	_ =	sdelay $0x2  }
0xc6: {  	s31 =	sshll.u32 s1, $0xD;
	s1 =	sshrl.u32 s1, $0x2  }
0xc7: {  	s4 =	sand.u32 $0x4000, s31;
	s1 =	sadd.s32 s1, s30  }
0xc8: {  	s0 =	sor.u32 s4, s0;
	s1 =	sshll.u32 s1, $0x11  }
0xc9: {  	s0 =	sor.u32 s1, s0  }
0xca: {  	s0 =	sadd.s32 $0x8F2B, s0  }
0xcb: {  	[sflag:s0] =	ssyncadd.remote.s32 $0x1  }
0xcc: {  	_ =	sfence.sel $0xFFFF  }
0xcd: {  	[dreg:$0x0] =	wrdreg $0xFFFFFFFF;
	(pc) =	sbr.abs _section_cstart, $3  }
0xce: {  	[dreg:$0x1] =	wrdreg $0xFFFFFFFF  }
0xcf: {  	_ =	task.clear_ibuf [dreg:s22], $0x2FFFF;
	_ =	strace $0x9FFFFFFF  }
0xd0: {  	(tm) =	ssettm $0x7FFFFFFF  }
0xd1: {  	_ =	shalt  }
tec
execute0_lowered:
.L_overlay_start_1:
0x0: {  	(tag) =	ssettag $0x1  }
0x1: {  	s10 =	rddreg [dreg:$0x0];
	s2 =	srdreg.scid  }
0x2: {  	s0 =	rddreg [dreg:$0x1];
	s1 =	stileid.u32  }
0x3: {  	_ =	strace $0x80000059;
	s6 =	simm.s32 $0x1;
	s7 =	simm.s32 $0x2  }
0x4: {  	s11 =	simm.s32 $0x3;
	s12 =	simm.s32 $0x0;
	s2 =	sshll.u32 s2, $0x7  }
0x5: {  	s15 =	simm.s32 $0x0;
	s4 =	sshll.u32 s1, $0x8;
	s5 =	sand.u32 $0x80, s2  }
0x6: {  	s14 =	simm.s32 $0x0;
	s3 =	sadd.s32 $0x2C00, s10;
	s4 =	sor.u32 s4, s5  }
0x7: {  	[sflag:s6] =	ssyncpa.u1 $0x0;
	s2 =	sadd.s32 $0x61DC00, s10;
	s8 =	ssub.s32 $0x30D200, s4  }
.Ltmp0:
0x8: {  	[sflag:s7] =	ssyncpa.u1 $0x0;
	s9 =	sand.u32 $0xF80, s8;
	(pc) =	sbr.rel .LBB2_1-.Ltmp0, $4  }
0x9: {  	s5 =	sadd.s32 $0x4324600, s10;
	p0 =	sne.s32 s9, $0x0;
	s9 =	simm.s32 $0x1  }
0xa: {  	[sflag:s11] =	ssyncpa.u1 $0x0;
	s8 =	sshrl.u32 s8, $0xC;
	s9 =	simm.s32 @!p0 $0x0  }
0xb: {  	s13 =	smov.u32 s4;
	p0 =	por $0x0, $0x0;
	s8 =	sadd.s32 s9, s8  }
0xc: {  	vm0 =	vmmov $0xffff;
	v0 =	vlaneseq.u32;
	s9 =	sadd.s32 $0x4631800, s10;
	s10 =	sadd.s32 $0x493EA00, s10;
	s11 =	sadd.s32 $0x1, s8  }
.LBB2_4:
0xd: {  	_ =	sdelay $0x3  }
0xe: {  	[tilespmem:s24], [sflag:$0x1] =	stream.indirect_vreg.gather [hbm4b:s2+s12], $0x1, v1, vm0, $0x4038;
	[tilespmem:$0x1900] =	vst v63  }
0xf: {  	s18 =	sadd.s32 s20, s18  }
0x10: {  	v1 =	vld.msk [tilespmem:s18+$0x0 ss:$0x1], $0xffff;
	_ =	sdelay $0x4  }
0x11: {  	vm1 =	vgt.s32 v1, $0x0  }
0x12: {  	p1 =	sgt.s32 s21, $0x0;
	v1 =	vnsel vm1, $0x0, v1  }
0x13: {  	s21 =	simm.s32 @!p1 $0x0;
	v1 =	vmin.u32 v1, $0x30D1F6  }
0x14: {  	s25 =	smin.u32 s21, $0x10;
	v2 =	vshll.u32 v1, $0x3  }
0x15: {  	v3 =	vmov s25;
	v1 =	vand.u32 $0x7F, v1;
	v2 =	vand.u32 $0x1FFFC00, v2  }
0x16: {  	vm1 =	vgt.u32 v3, v0;
	v1 =	vor.u32 v1, v2  }
0x17: {  	v2 =	vnsel vm1, $0x7FFFFFFF, v1;
	_ =	sdelay $0x1  }
0x18: {  	v3 =	vor.u32 $0x80, v1  }
0x19: {  	(ifvalue) =	ssetifvalue $0x7FFFFFFF;
	v3 =	vnsel vm1, $0x7FFFFFFF, v3  }
0x1a: {  	s18 =	sadd.s32 s20, s19;
	(ifvalue) =	ssetifvalue $0x7FFFFFFF  }
0x1b: {  	v4 =	vor.u32 $0x100, v1;
	[tilespmem:s18], [sflag:$0x1] =	stream.indirect_vreg.gather [hbm4b:s2+s12], $0x1, v2, vm0, $0x4038;
	[tilespmem:$0x1900] =	vst v63  }
0x1c: {  	(ifvalue) =	ssetifvalue $0x7FFFFFFF;
	v2 =	vnsel vm1, $0x7FFFFFFF, v4  }
0x1d: {  	s19 =	sadd.s32 $0x80, s18;
	(ifvalue) =	ssetifvalue $0x7FFFFFFF  }
0x1e: {  	v44 =	vor.u32 $0x180, v1;
	[tilespmem:s19], [sflag:$0x1] =	stream.indirect_vreg.gather [hbm4b:s2+s12], $0x1, v3, vm0, $0x4038;
	[tilespmem:$0x1900] =	vst v63  }
0x1f: {  	v3 =	vnsel vm1, $0x7FFFFFFF, v44;
	(ifvalue) =	ssetifvalue $0x7FFFFFFF  }
0x20: {  	s26 =	sadd.s32 $0x100, s18;
	(ifvalue) =	ssetifvalue $0x7FFFFFFF  }
0x21: {  	v45 =	vor.u32 $0x200, v1;
	[tilespmem:s26], [sflag:$0x1] =	stream.indirect_vreg.gather [hbm4b:s2+s12], $0x1, v2, vm0, $0x4038;
	[tilespmem:$0x1900] =	vst v63  }
0x22: {  	(ifvalue) =	ssetifvalue $0x7FFFFFFF;
	v2 =	vnsel vm1, $0x7FFFFFFF, v45  }
0x23: {  	s28 =	sadd.s32 $0x180, s18;
	(ifvalue) =	ssetifvalue $0x7FFFFFFF  }
0x24: {  	v46 =	vor.u32 $0x280, v1;
	[tilespmem:s28], [sflag:$0x1] =	stream.indirect_vreg.gather [hbm4b:s2+s12], $0x1, v3, vm0, $0x4038;
	[tilespmem:$0x1900] =	vst v63  }
0x25: {  	v3 =	vnsel vm1, $0x7FFFFFFF, v46;
	(ifvalue) =	ssetifvalue $0x7FFFFFFF  }
0x26: {  	s29 =	sadd.s32 $0x200, s18;
	(ifvalue) =	ssetifvalue $0x7FFFFFFF  }
0x27: {  	v47 =	vor.u32 $0x300, v1;
	[tilespmem:s29], [sflag:$0x1] =	stream.indirect_vreg.gather [hbm4b:s2+s12], $0x1, v2, vm0, $0x4038;
	[tilespmem:$0x1900] =	vst v63  }
0x28: {  	(ifvalue) =	ssetifvalue $0x7FFFFFFF;
	v2 =	vnsel vm1, $0x7FFFFFFF, v47  }
0x29: {  	s30 =	sadd.s32 $0x280, s18;
	(ifvalue) =	ssetifvalue $0x7FFFFFFF  }
0x2a: {  	v48 =	vor.u32 $0x380, v1;
	[tilespmem:s30], [sflag:$0x1] =	stream.indirect_vreg.gather [hbm4b:s2+s12], $0x1, v3, vm0, $0x4038;
	[tilespmem:$0x1900] =	vst v63  }
0x2b: {  	v3 =	vnsel vm1, $0x7FFFFFFF, v48;
	(ifvalue) =	ssetifvalue $0x7FFFFFFF  }
0x2c: {  	s31 =	sadd.s32 $0x300, s18;
	(ifvalue) =	ssetifvalue $0x7FFFFFFF  }
0x2d: {  	v49 =	vadd.s32 $0x1869000, v1;
	[tilespmem:s31], [sflag:$0x1] =	stream.indirect_vreg.gather [hbm4b:s2+s12], $0x1, v2, vm0, $0x4038;
	[tilespmem:$0x1900] =	vst v63  }
0x2e: {  	(ifvalue) =	ssetifvalue $0x7FFFFFFF;
	v2 =	vnsel vm1, $0x7FFFFFFF, v49  }
0x2f: {  	s20 =	sadd.s32 $0x380, s18;
	(ifvalue) =	ssetifvalue $0x7FFFFFFF  }
0x30: {  	v50 =	vadd.s32 $0x1869080, v1;
	[tilespmem:s20], [sflag:$0x1] =	stream.indirect_vreg.gather [hbm4b:s2+s12], $0x1, v3, vm0, $0x4038;
	[tilespmem:$0x1900] =	vst v63  }
0x31: {  	v3 =	vnsel vm1, $0x7FFFFFFF, v50;
	(ifvalue) =	ssetifvalue $0x7FFFFFFF  }
0x32: {  	s21 =	sadd.s32 $0x400, s18;
	(ifvalue) =	ssetifvalue $0x7FFFFFFF  }
0x33: {  	v51 =	vadd.s32 $0x1869100, v1;
	[tilespmem:s21], [sflag:$0x1] =	stream.indirect_vreg.gather [hbm4b:s2+s12], $0x1, v2, vm0, $0x4038;
	[tilespmem:$0x1900] =	vst v63  }
0x34: {  	(ifvalue) =	ssetifvalue $0x7FFFFFFF;
	v2 =	vnsel vm1, $0x7FFFFFFF, v51  }
0x35: {  	s22 =	sadd.s32 $0x480, s18;
	(ifvalue) =	ssetifvalue $0x7FFFFFFF  }
0x36: {  	v52 =	vadd.s32 $0x1869180, v1;
	[tilespmem:s22], [sflag:$0x1] =	stream.indirect_vreg.gather [hbm4b:s2+s12], $0x1, v3, vm0, $0x4038;
	[tilespmem:$0x1900] =	vst v63  }
0x37: {  	v3 =	vnsel vm1, $0x7FFFFFFF, v52;
	(ifvalue) =	ssetifvalue $0x7FFFFFFF  }
0x38: {  	s23 =	sadd.s32 $0x500, s18;
	(ifvalue) =	ssetifvalue $0x7FFFFFFF  }
0x39: {  	v53 =	vadd.s32 $0x1869200, v1;
	[tilespmem:s23], [sflag:$0x1] =	stream.indirect_vreg.gather [hbm4b:s2+s12], $0x1, v2, vm0, $0x4038;
	[tilespmem:$0x1900] =	vst v63  }
0x3a: {  	(ifvalue) =	ssetifvalue $0x7FFFFFFF;
	v2 =	vnsel vm1, $0x7FFFFFFF, v53  }
0x3b: {  	s24 =	sadd.s32 $0x580, s18;
	(ifvalue) =	ssetifvalue $0x7FFFFFFF  }
0x3c: {  	v54 =	vadd.s32 $0x1869280, v1;
	[tilespmem:s24], [sflag:$0x1] =	stream.indirect_vreg.gather [hbm4b:s2+s12], $0x1, v3, vm0, $0x4038;
	[tilespmem:$0x1900] =	vst v63  }
0x3d: {  	v3 =	vnsel vm1, $0x7FFFFFFF, v54;
	(ifvalue) =	ssetifvalue $0x7FFFFFFF  }
0x3e: {  	s25 =	sadd.s32 $0x600, s18;
	(ifvalue) =	ssetifvalue $0x7FFFFFFF  }
0x3f: {  	v55 =	vadd.s32 $0x1869300, v1;
	[tilespmem:s25], [sflag:$0x1] =	stream.indirect_vreg.gather [hbm4b:s2+s12], $0x1, v2, vm0, $0x4038;
	[tilespmem:$0x1900] =	vst v63  }
0x40: {  	(ifvalue) =	ssetifvalue $0x7FFFFFFF;
	v2 =	vnsel vm1, $0x7FFFFFFF, v55  }
0x41: {  	s26 =	sadd.s32 $0x680, s18;
	(ifvalue) =	ssetifvalue $0x7FFFFFFF  }
0x42: {  	v56 =	vadd.s32 $0x1869380, v1;
	[tilespmem:s26], [sflag:$0x1] =	stream.indirect_vreg.gather [hbm4b:s2+s12], $0x1, v3, vm0, $0x4038;
	[tilespmem:$0x1900] =	vst v63  }
0x43: {  	v3 =	vnsel vm1, $0x7FFFFFFF, v56;
	(ifvalue) =	ssetifvalue $0x7FFFFFFF  }
0x44: {  	s28 =	sadd.s32 $0x700, s18;
	(ifvalue) =	ssetifvalue $0x7FFFFFFF  }
0x45: {  	v57 =	vadd.s32 $0x30D2000, v1;
	[tilespmem:s28], [sflag:$0x1] =	stream.indirect_vreg.gather [hbm4b:s2+s12], $0x1, v2, vm0, $0x4038;
	[tilespmem:$0x1900] =	vst v63  }
0x46: {  	(ifvalue) =	ssetifvalue $0x7FFFFFFF;
	v2 =	vnsel vm1, $0x7FFFFFFF, v57  }
0x47: {  	s29 =	sadd.s32 $0x780, s18;
	(ifvalue) =	ssetifvalue $0x7FFFFFFF  }
0x48: {  	v58 =	vadd.s32 $0x30D2080, v1;
	[tilespmem:s29], [sflag:$0x1] =	stream.indirect_vreg.gather [hbm4b:s2+s12], $0x1, v3, vm0, $0x4038;
	[tilespmem:$0x1900] =	vst v63  }
0x49: {  	v3 =	vnsel vm1, $0x7FFFFFFF, v58;
	(ifvalue) =	ssetifvalue $0x7FFFFFFF  }
0x4a: {  	s30 =	sadd.s32 $0x800, s18;
	(ifvalue) =	ssetifvalue $0x7FFFFFFF  }
0x4b: {  	v59 =	vadd.s32 $0x30D2100, v1;
	[tilespmem:s30], [sflag:$0x1] =	stream.indirect_vreg.gather [hbm4b:s2+s12], $0x1, v2, vm0, $0x4038;
	[tilespmem:$0x1900] =	vst v63  }
0x4c: {  	(ifvalue) =	ssetifvalue $0x7FFFFFFF;
	v2 =	vnsel vm1, $0x7FFFFFFF, v59  }
0x4d: {  	s31 =	sadd.s32 $0x880, s18;
	(ifvalue) =	ssetifvalue $0x7FFFFFFF  }
0x4e: {  	v60 =	vadd.s32 $0x30D2180, v1;
	[tilespmem:s31], [sflag:$0x1] =	stream.indirect_vreg.gather [hbm4b:s2+s12], $0x1, v3, vm0, $0x4038;
	[tilespmem:$0x1900] =	vst v63  }
0x4f: {  	v3 =	vnsel vm1, $0x7FFFFFFF, v60;
	(ifvalue) =	ssetifvalue $0x7FFFFFFF  }
0x50: {  	s20 =	sadd.s32 $0x900, s18;
	(ifvalue) =	ssetifvalue $0x7FFFFFFF  }
0x51: {  	v61 =	vadd.s32 $0x30D2200, v1;
	[tilespmem:s20], [sflag:$0x1] =	stream.indirect_vreg.gather [hbm4b:s2+s12], $0x1, v2, vm0, $0x4038;
	[tilespmem:$0x1900] =	vst v63  }
0x52: {  	(ifvalue) =	ssetifvalue $0x7FFFFFFF;
	v2 =	vnsel vm1, $0x7FFFFFFF, v61  }
0x53: {  	s21 =	sadd.s32 $0x980, s18;
	(ifvalue) =	ssetifvalue $0x7FFFFFFF  }
0x54: {  	v62 =	vadd.s32 $0x30D2280, v1;
	[tilespmem:s21], [sflag:$0x1] =	stream.indirect_vreg.gather [hbm4b:s2+s12], $0x1, v3, vm0, $0x4038;
	[tilespmem:$0x1900] =	vst v63  }
0x55: {  	v3 =	vnsel vm1, $0x7FFFFFFF, v62;
	(ifvalue) =	ssetifvalue $0x7FFFFFFF  }
0x56: {  	s22 =	sadd.s32 $0xA00, s18;
	(ifvalue) =	ssetifvalue $0x7FFFFFFF  }
0x57: {  	v63 =	vadd.s32 $0x30D2300, v1;
	[tilespmem:s22], [sflag:$0x1] =	stream.indirect_vreg.gather [hbm4b:s2+s12], $0x1, v2, vm0, $0x4038;
	[tilespmem:$0x1900] =	vst v63  }
0x58: {  	(ifvalue) =	ssetifvalue $0x7FFFFFFF;
	v2 =	vnsel vm1, $0x7FFFFFFF, v63  }
0x59: {  	s23 =	sadd.s32 $0xA80, s18;
	(ifvalue) =	ssetifvalue $0x7FFFFFFF  }
0x5a: {  	v1 =	vadd.s32 $0x30D2380, v1;
	[tilespmem:s23], [sflag:$0x1] =	stream.indirect_vreg.gather [hbm4b:s2+s12], $0x1, v3, vm0, $0x4038;
	[tilespmem:$0x1900] =	vst v63  }
0x5b: {  	v1 =	vnsel vm1, $0x7FFFFFFF, v1;
	(ifvalue) =	ssetifvalue $0x7FFFFFFF  }
0x5c: {  	s24 =	sadd.s32 $0xB00, s18;
	(ifvalue) =	ssetifvalue $0x7FFFFFFF  }
0x5d: {  	[tilespmem:s24], [sflag:$0x1] =	stream.indirect_vreg.gather [hbm4b:s2+s12], $0x1, v2, vm0, $0x4038;
	[tilespmem:$0x1900] =	vst v63  }
0x5e: {  	(ifvalue) =	ssetifvalue $0x7FFFFFFF  }
0x5f: {  	s18 =	sadd.s32 $0xB80, s18;
	s25 =	sshll.u32 s15, $0x3;
	(ifvalue) =	ssetifvalue $0x7FFFFFFF  }
0x60: {  	[tilespmem:s18], [sflag:$0x1] =	stream.indirect_vreg.gather [hbm4b:s2+s12], $0x1, v1, vm0, $0x4038;
	[tilespmem:$0x1900] =	vst v63  }
0x61: {  	s26 =	sand.u32 $0x78, s15;
	s18 =	sand.u32 $0xFFFFFC00, s25  }
0x62: {  	_ =	swait.ge [sflag:s6], $0xC00;
	s15 =	sor.u32 s26, s18  }
0x63: {  	[sflag:s6] =	ssyncset.done $0x0;
	s15 =	sshrl.u32 s15, $0x3  }
0x64: {  	[sflag:s6] =	ssyncadd.s32 $0xFFFFF400;
	s28 =	sadd.s32 s5, s15  }
0x65: {  	[hbm:s28] =	stream.linear.scatter [tilespmem:s17], [sflag:$0x3], $0x400, $0x38;
	[tilespmem:$0x1900] =	vst v63  }
0x66: {  	s29 =	sadd.s32 $0x500, s16;
	s30 =	sadd.s32 s15, s9  }
0x67: {  	[hbm:s30] =	stream.linear.scatter [tilespmem:s29], [sflag:$0x3], $0x400, $0x38;
	[tilespmem:$0x1900] =	vst v63  }
0x68: {  	s31 =	sadd.s32 $0x900, s16;
	s15 =	sadd.s32 s15, s10  }
0x69: {  	[hbm:s15] =	stream.linear.scatter [tilespmem:s31], [sflag:$0x3], $0x400, $0x38;
	[tilespmem:$0x1900] =	vst v63  }
.LBB2_5:
0x6a: {  	s17 =	sadd.s32 $0x1000, s13  }
0x6b: {  	p2 =	sgt.s32 s17, $0x30D1FF  }
0x6c: {  	s17 =	smov.u32 @p2 s4;
	p2 =	sne.s32 s14, s11  }
.Ltmp1:
0x6d: {  	p1 =	slt.u32 s14, $0x2;
	(pc) =	sbr.rel @!p2 .LBB2_6-.Ltmp1, $4  }
0x6e: {  	s16 =	simm.s32 @!p1 $0x3  }
0x6f: {  	s18 =	sadd.s32 $0x1, s14;
	_ =	swait.ge @!p1 [sflag:s16], $0xC00  }
0x70: {  	s15 =	smov.u32 s13;
	p0 =	por !p0, !p0;
	[sflag:s16] =	ssyncset.done @!p1 $0x0  }
0x71: {  	s14 =	smov.u32 s18;
	s13 =	smov.u32 s17;
	[sflag:s16] =	ssyncadd.s32 @!p1 $0xFFFFF400  }
.LBB2_1:
0x72: {  	p1 =	sge.u32 s14, s8  }
0x73: {  	s16 =	sxor.u32 @!p1 $0xFFFFFFFF, s14  }
0x74: {  	s31 =	sadd.s32 $0xFFFFFFFF, s14;
	s17 =	sshrl.u32 @!p1 s13, $0x3;
	s16 =	sshll.u32 @!p1 s16, $0x7  }
0x75: {  	s18 =	sand.u32 @!p1 $0x7, s13;
	s17 =	sadd.s32 @!p1 s3, s17;
	s16 =	sand.u32 @!p1 $0x80, s16  }
0x76: {  	[tilespmem:s16], [sflag:$0x2] =	stream.linear.gather @!p1 [hbm4b:s17+s18], $0x80, $0x38;
	[tilespmem:$0x1900] =	vst v63  }
0x77: {  	p1 =	sge.u32 s31, s8  }
.Ltmp2:
0x78: {  	_ = 	snop;
	(pc) =	sbr.rel @p1 .LBB2_5-.Ltmp2, $1  }
0x79: {  	_ =	sdelay $0x3  }
0x7a: {  	s16 =	simm.s32 $0x1  }
0x7b: {  	_ =	swait.ge [sflag:s7], $0x80;
	s16 =	simm.s32 @!p0 $0x0  }
0x7c: {  	[sflag:s7] =	ssyncset.done $0x0;
	s18 =	sshll.u32 s16, $0x7  }
0x7d: {  	[sflag:s7] =	ssyncadd.s32 $0xFFFFFF80;
	s17 =	sadd.s32 $0x0, s18  }
0x7e: {  	v1 =	vld.msk [tilespmem:s17+$0x0 ss:$0x1], $0xffff;
	_ =	sdelay $0x2  }
0x7f: {  	s21 =	ssub.s32 $0x30D1F7, s15  }
0x80: {  	p1 =	slt.s32 s21, $0x80  }
0x81: {  	s21 =	simm.s32 @!p1 $0x80;
	vm1 =	vgt.s32 v1, $0x0  }
0x82: {  	p1 =	sgt.s32 s21, $0x0;
	s17 =	smov.u32 s21;
	v1 =	vnsel vm1, $0x0, v1  }
0x83: {  	s17 =	simm.s32 @!p1 $0x0;
	v1 =	vmin.u32 v1, $0x30D1F6  }
0x84: {  	s17 =	smin.u32 s17, $0x10;
	v2 =	vshll.u32 v1, $0x3  }
0x85: {  	v3 =	vmov s17;
	v1 =	vand.u32 $0x7F, v1;
	v2 =	vand.u32 $0x1FFFC00, v2  }
0x86: {  	vm1 =	vgt.u32 v3, v0;
	v1 =	vor.u32 v1, v2  }
0x87: {  	s16 =	smul.u32 $0x3000, s16;
	v2 =	vnsel vm1, $0x7FFFFFFF, v1;
	_ =	sdelay $0x1  }
0x88: {  	s16 =	sshrl.u32 s16, $0x2;
	v3 =	vor.u32 $0x80, v1  }
0x89: {  	(ifvalue) =	ssetifvalue $0x7FFFFFFF;
	s19 =	sor.u32 $0x100, s16;
	v3 =	vnsel vm1, $0x7FFFFFFF, v3  }
0x8a: {  	(ifvalue) =	ssetifvalue $0x7FFFFFFF;
	s22 =	sadd.s32 $0x0, s19  }
0x8b: {  	v4 =	vor.u32 $0x100, v1;
	[tilespmem:s22], [sflag:$0x1] =	stream.indirect_vreg.gather [hbm4b:s2+s12], $0x1, v2, vm0, $0x4038;
	[tilespmem:$0x1900] =	vst v63  }
0x8c: {  	(ifvalue) =	ssetifvalue $0x7FFFFFFF;
	v2 =	vnsel vm1, $0x7FFFFFFF, v4  }
0x8d: {  	s30 =	sadd.s32 $0x80, s22;
	(ifvalue) =	ssetifvalue $0x7FFFFFFF  }
0x8e: {  	v44 =	vor.u32 $0x180, v1;
	[tilespmem:s30], [sflag:$0x1] =	stream.indirect_vreg.gather [hbm4b:s2+s12], $0x1, v3, vm0, $0x4038;
	[tilespmem:$0x1900] =	vst v63  }
0x8f: {  	v3 =	vnsel vm1, $0x7FFFFFFF, v44;
	(ifvalue) =	ssetifvalue $0x7FFFFFFF  }
0x90: {  	s31 =	sadd.s32 $0x100, s22;
	(ifvalue) =	ssetifvalue $0x7FFFFFFF  }
0x91: {  	v45 =	vor.u32 $0x200, v1;
	[tilespmem:s31], [sflag:$0x1] =	stream.indirect_vreg.gather [hbm4b:s2+s12], $0x1, v2, vm0, $0x4038;
	[tilespmem:$0x1900] =	vst v63  }
0x92: {  	(ifvalue) =	ssetifvalue $0x7FFFFFFF;
	v2 =	vnsel vm1, $0x7FFFFFFF, v45  }
0x93: {  	s17 =	sadd.s32 $0x180, s22;
	(ifvalue) =	ssetifvalue $0x7FFFFFFF  }
0x94: {  	v46 =	vor.u32 $0x280, v1;
	[tilespmem:s17], [sflag:$0x1] =	stream.indirect_vreg.gather [hbm4b:s2+s12], $0x1, v3, vm0, $0x4038;
	[tilespmem:$0x1900] =	vst v63  }
0x95: {  	v3 =	vnsel vm1, $0x7FFFFFFF, v46;
	(ifvalue) =	ssetifvalue $0x7FFFFFFF  }
0x96: {  	s20 =	sadd.s32 $0x200, s22;
	(ifvalue) =	ssetifvalue $0x7FFFFFFF  }
0x97: {  	v47 =	vor.u32 $0x300, v1;
	[tilespmem:s20], [sflag:$0x1] =	stream.indirect_vreg.gather [hbm4b:s2+s12], $0x1, v2, vm0, $0x4038;
	[tilespmem:$0x1900] =	vst v63  }
0x98: {  	(ifvalue) =	ssetifvalue $0x7FFFFFFF;
	v2 =	vnsel vm1, $0x7FFFFFFF, v47  }
0x99: {  	s23 =	sadd.s32 $0x280, s22;
	(ifvalue) =	ssetifvalue $0x7FFFFFFF  }
0x9a: {  	v48 =	vor.u32 $0x380, v1;
	[tilespmem:s23], [sflag:$0x1] =	stream.indirect_vreg.gather [hbm4b:s2+s12], $0x1, v3, vm0, $0x4038;
	[tilespmem:$0x1900] =	vst v63  }
0x9b: {  	v3 =	vnsel vm1, $0x7FFFFFFF, v48;
	(ifvalue) =	ssetifvalue $0x7FFFFFFF  }
0x9c: {  	s24 =	sadd.s32 $0x300, s22;
	(ifvalue) =	ssetifvalue $0x7FFFFFFF  }
0x9d: {  	v49 =	vadd.s32 $0x1869000, v1;
	[tilespmem:s24], [sflag:$0x1] =	stream.indirect_vreg.gather [hbm4b:s2+s12], $0x1, v2, vm0, $0x4038;
	[tilespmem:$0x1900] =	vst v63  }
0x9e: {  	(ifvalue) =	ssetifvalue $0x7FFFFFFF;
	v2 =	vnsel vm1, $0x7FFFFFFF, v49  }
0x9f: {  	s25 =	sadd.s32 $0x380, s22;
	(ifvalue) =	ssetifvalue $0x7FFFFFFF  }
0xa0: {  	v50 =	vadd.s32 $0x1869080, v1;
	[tilespmem:s25], [sflag:$0x1] =	stream.indirect_vreg.gather [hbm4b:s2+s12], $0x1, v3, vm0, $0x4038;
	[tilespmem:$0x1900] =	vst v63  }
0xa1: {  	v3 =	vnsel vm1, $0x7FFFFFFF, v50;
	(ifvalue) =	ssetifvalue $0x7FFFFFFF  }
0xa2: {  	s26 =	sadd.s32 $0x400, s22;
	(ifvalue) =	ssetifvalue $0x7FFFFFFF  }
0xa3: {  	v51 =	vadd.s32 $0x1869100, v1;
	[tilespmem:s26], [sflag:$0x1] =	stream.indirect_vreg.gather [hbm4b:s2+s12], $0x1, v2, vm0, $0x4038;
	[tilespmem:$0x1900] =	vst v63  }
0xa4: {  	(ifvalue) =	ssetifvalue $0x7FFFFFFF;
	v2 =	vnsel vm1, $0x7FFFFFFF, v51  }
0xa5: {  	s28 =	sadd.s32 $0x480, s22;
	(ifvalue) =	ssetifvalue $0x7FFFFFFF  }
0xa6: {  	v52 =	vadd.s32 $0x1869180, v1;
	[tilespmem:s28], [sflag:$0x1] =	stream.indirect_vreg.gather [hbm4b:s2+s12], $0x1, v3, vm0, $0x4038;
	[tilespmem:$0x1900] =	vst v63  }
0xa7: {  	v3 =	vnsel vm1, $0x7FFFFFFF, v52;
	(ifvalue) =	ssetifvalue $0x7FFFFFFF  }
0xa8: {  	s29 =	sadd.s32 $0x500, s22;
	(ifvalue) =	ssetifvalue $0x7FFFFFFF  }
0xa9: {  	v53 =	vadd.s32 $0x1869200, v1;
	[tilespmem:s29], [sflag:$0x1] =	stream.indirect_vreg.gather [hbm4b:s2+s12], $0x1, v2, vm0, $0x4038;
	[tilespmem:$0x1900] =	vst v63  }
0xaa: {  	(ifvalue) =	ssetifvalue $0x7FFFFFFF;
	v2 =	vnsel vm1, $0x7FFFFFFF, v53  }
0xab: {  	s30 =	sadd.s32 $0x580, s22;
	(ifvalue) =	ssetifvalue $0x7FFFFFFF  }
0xac: {  	v54 =	vadd.s32 $0x1869280, v1;
	[tilespmem:s30], [sflag:$0x1] =	stream.indirect_vreg.gather [hbm4b:s2+s12], $0x1, v3, vm0, $0x4038;
	[tilespmem:$0x1900] =	vst v63  }
0xad: {  	v3 =	vnsel vm1, $0x7FFFFFFF, v54;
	(ifvalue) =	ssetifvalue $0x7FFFFFFF  }
0xae: {  	s31 =	sadd.s32 $0x600, s22;
	(ifvalue) =	ssetifvalue $0x7FFFFFFF  }
0xaf: {  	v55 =	vadd.s32 $0x1869300, v1;
	[tilespmem:s31], [sflag:$0x1] =	stream.indirect_vreg.gather [hbm4b:s2+s12], $0x1, v2, vm0, $0x4038;
	[tilespmem:$0x1900] =	vst v63  }
0xb0: {  	(ifvalue) =	ssetifvalue $0x7FFFFFFF;
	v2 =	vnsel vm1, $0x7FFFFFFF, v55  }
0xb1: {  	s17 =	sadd.s32 $0x680, s22;
	(ifvalue) =	ssetifvalue $0x7FFFFFFF  }
0xb2: {  	v56 =	vadd.s32 $0x1869380, v1;
	[tilespmem:s17], [sflag:$0x1] =	stream.indirect_vreg.gather [hbm4b:s2+s12], $0x1, v3, vm0, $0x4038;
	[tilespmem:$0x1900] =	vst v63  }
0xb3: {  	v3 =	vnsel vm1, $0x7FFFFFFF, v56;
	(ifvalue) =	ssetifvalue $0x7FFFFFFF  }
0xb4: {  	s20 =	sadd.s32 $0x700, s22;
	(ifvalue) =	ssetifvalue $0x7FFFFFFF  }
0xb5: {  	v57 =	vadd.s32 $0x30D2000, v1;
	[tilespmem:s20], [sflag:$0x1] =	stream.indirect_vreg.gather [hbm4b:s2+s12], $0x1, v2, vm0, $0x4038;
	[tilespmem:$0x1900] =	vst v63  }
0xb6: {  	(ifvalue) =	ssetifvalue $0x7FFFFFFF;
	v2 =	vnsel vm1, $0x7FFFFFFF, v57  }
0xb7: {  	s23 =	sadd.s32 $0x780, s22;
	(ifvalue) =	ssetifvalue $0x7FFFFFFF  }
0xb8: {  	v58 =	vadd.s32 $0x30D2080, v1;
	[tilespmem:s23], [sflag:$0x1] =	stream.indirect_vreg.gather [hbm4b:s2+s12], $0x1, v3, vm0, $0x4038;
	[tilespmem:$0x1900] =	vst v63  }
0xb9: {  	v3 =	vnsel vm1, $0x7FFFFFFF, v58;
	(ifvalue) =	ssetifvalue $0x7FFFFFFF  }
0xba: {  	s24 =	sadd.s32 $0x800, s22;
	(ifvalue) =	ssetifvalue $0x7FFFFFFF  }
0xbb: {  	v59 =	vadd.s32 $0x30D2100, v1;
	[tilespmem:s24], [sflag:$0x1] =	stream.indirect_vreg.gather [hbm4b:s2+s12], $0x1, v2, vm0, $0x4038;
	[tilespmem:$0x1900] =	vst v63  }
0xbc: {  	(ifvalue) =	ssetifvalue $0x7FFFFFFF;
	v2 =	vnsel vm1, $0x7FFFFFFF, v59  }
0xbd: {  	s25 =	sadd.s32 $0x880, s22;
	(ifvalue) =	ssetifvalue $0x7FFFFFFF  }
0xbe: {  	v60 =	vadd.s32 $0x30D2180, v1;
	[tilespmem:s25], [sflag:$0x1] =	stream.indirect_vreg.gather [hbm4b:s2+s12], $0x1, v3, vm0, $0x4038;
	[tilespmem:$0x1900] =	vst v63  }
0xbf: {  	v3 =	vnsel vm1, $0x7FFFFFFF, v60;
	(ifvalue) =	ssetifvalue $0x7FFFFFFF  }
0xc0: {  	s26 =	sadd.s32 $0x900, s22;
	(ifvalue) =	ssetifvalue $0x7FFFFFFF  }
0xc1: {  	v61 =	vadd.s32 $0x30D2200, v1;
	[tilespmem:s26], [sflag:$0x1] =	stream.indirect_vreg.gather [hbm4b:s2+s12], $0x1, v2, vm0, $0x4038;
	[tilespmem:$0x1900] =	vst v63  }
0xc2: {  	(ifvalue) =	ssetifvalue $0x7FFFFFFF;
	v2 =	vnsel vm1, $0x7FFFFFFF, v61  }
0xc3: {  	s28 =	sadd.s32 $0x980, s22;
	(ifvalue) =	ssetifvalue $0x7FFFFFFF  }
0xc4: {  	v62 =	vadd.s32 $0x30D2280, v1;
	[tilespmem:s28], [sflag:$0x1] =	stream.indirect_vreg.gather [hbm4b:s2+s12], $0x1, v3, vm0, $0x4038;
	[tilespmem:$0x1900] =	vst v63  }
0xc5: {  	v3 =	vnsel vm1, $0x7FFFFFFF, v62;
	(ifvalue) =	ssetifvalue $0x7FFFFFFF  }
0xc6: {  	s29 =	sadd.s32 $0xA00, s22;
	(ifvalue) =	ssetifvalue $0x7FFFFFFF  }
0xc7: {  	v63 =	vadd.s32 $0x30D2300, v1;
	[tilespmem:s29], [sflag:$0x1] =	stream.indirect_vreg.gather [hbm4b:s2+s12], $0x1, v2, vm0, $0x4038;
	[tilespmem:$0x1900] =	vst v63  }
0xc8: {  	s30 =	sand.u32 $0x1, s14;
	(ifvalue) =	ssetifvalue $0x7FFFFFFF;
	v2 =	vnsel vm1, $0x7FFFFFFF, v63  }
0xc9: {  	s16 =	smul.u32 $0x3000, s30;
	s31 =	sadd.s32 $0xA80, s22;
	(ifvalue) =	ssetifvalue $0x7FFFFFFF  }
0xca: {  	v1 =	vadd.s32 $0x30D2380, v1;
	[tilespmem:s31], [sflag:$0x1] =	stream.indirect_vreg.gather [hbm4b:s2+s12], $0x1, v3, vm0, $0x4038;
	[tilespmem:$0x1900] =	vst v63  }
0xcb: {  	s21 =	sadd.s32 $0xFFFFFFF0, s21;
	v1 =	vnsel vm1, $0x7FFFFFFF, v1;
	(ifvalue) =	ssetifvalue $0x7FFFFFFF  }
0xcc: {  	s16 =	sshrl.u32 s16, $0x2;
	s20 =	sadd.s32 $0xB00, s22;
	(ifvalue) =	ssetifvalue $0x7FFFFFFF  }
0xcd: {  	[tilespmem:s20], [sflag:$0x1] =	stream.indirect_vreg.gather [hbm4b:s2+s12], $0x1, v2, vm0, $0x4038;
	[tilespmem:$0x1900] =	vst v63  }
0xce: {  	s17 =	sor.u32 $0x100, s16;
	s23 =	simm.s32 $0x80;
	(ifvalue) =	ssetifvalue $0x7FFFFFFF  }
0xcf: {  	s24 =	sadd.s32 $0xB80, s22;
	s20 =	simm.s32 $0x10;
	(ifvalue) =	ssetifvalue $0x7FFFFFFF  }
.LBB2_3:
0xd0: {  	[tilespmem:s24], [sflag:$0x1] =	stream.indirect_vreg.gather [hbm4b:s2+s12], $0x1, v1, vm0, $0x4038;
	[tilespmem:$0x1900] =	vst v63  }
0xd1: {  	s22 =	smov.u32 s23  }
0xd2: {  	s25 =	sadd.s32 s20, s18;
	s24 =	sshra.s32 s22, $0x2;
	s22 =	sadd.s32 $0x40, s23  }
0xd3: {  	p1 =	sne.s32 s23, $0x1C0;
	v1 =	vld.msk [tilespmem:s25+$0x0 ss:$0x1], $0xffff  }
0xd4: {  	(ifvalue) =	ssetifvalue $0x7FFFFFFF;
	_ =	sdelay $0x3  }
0xd5: {  	vm1 =	vgt.s32 v1, $0x0  }
0xd6: {  	p2 =	sgt.s32 s21, $0x0;
	s23 =	smov.u32 s21;
	v1 =	vnsel vm1, $0x0, v1  }
0xd7: {  	s23 =	simm.s32 @!p2 $0x0;
	v1 =	vmin.u32 v1, $0x30D1F6  }
0xd8: {  	s23 =	smin.u32 s23, $0x10;
	v2 =	vshll.u32 v1, $0x3  }
0xd9: {  	v3 =	vmov s23;
	v1 =	vand.u32 $0x7F, v1;
	v2 =	vand.u32 $0x1FFFC00, v2  }
0xda: {  	vm1 =	vgt.u32 v3, v0;
	v1 =	vor.u32 v1, v2  }
0xdb: {  	v2 =	vnsel vm1, $0x7FFFFFFF, v1;
	v3 =	vor.u32 $0x80, v1  }
0xdc: {  	v4 =	vor.u32 $0x100, v1;
	v7 =	vor.u32 $0x180, v1;
	v8 =	vor.u32 $0x200, v1  }
0xdd: {  	v9 =	vor.u32 $0x280, v1;
	v10 =	vor.u32 $0x300, v1;
	v11 =	vor.u32 $0x380, v1  }
0xde: {  	v12 =	vadd.s32 $0x1869000, v1;
	v13 =	vadd.s32 $0x1869080, v1;
	v14 =	vadd.s32 $0x1869100, v1  }
0xdf: {  	v15 =	vadd.s32 $0x1869180, v1;
	v16 =	vadd.s32 $0x1869200, v1;
	v3 =	vnsel vm1, $0x7FFFFFFF, v3  }
0xe0: {  	s23 =	sadd.s32 s20, s19;
	s20 =	smov.u32 s24;
	v17 =	vadd.s32 $0x1869280, v1;
	v18 =	vadd.s32 $0x1869300, v1;
	(ifvalue) =	ssetifvalue $0x7FFFFFFF  }
0xe1: {  	v19 =	vadd.s32 $0x1869380, v1;
	v21 =	vadd.s32 $0x30D2000, v1;
	[tilespmem:s23], [sflag:$0x1] =	stream.indirect_vreg.gather [hbm4b:s2+s12], $0x1, v2, vm0, $0x4038;
	[tilespmem:$0x1900] =	vst v63  }
0xe2: {  	v22 =	vadd.s32 $0x30D2080, v1;
	v20 =	vnsel vm1, $0x7FFFFFFF, v4;
	(ifvalue) =	ssetifvalue $0x7FFFFFFF  }
0xe3: {  	s24 =	sadd.s32 $0x80, s23;
	v6 =	vadd.s32 $0x30D2100, v1;
	v5 =	vadd.s32 $0x30D2180, v1;
	(ifvalue) =	ssetifvalue $0x7FFFFFFF  }
0xe4: {  	v4 =	vadd.s32 $0x30D2200, v1;
	[tilespmem:s24], [sflag:$0x1] =	stream.indirect_vreg.gather [hbm4b:s2+s12], $0x1, v3, vm0, $0x4038;
	v3 =	vadd.s32 $0x30D2280, v1;
	[tilespmem:$0x1900] =	vst v63  }
0xe5: {  	v7 =	vnsel vm1, $0x7FFFFFFF, v7;
	v2 =	vadd.s32 $0x30D2300, v1;
	(ifvalue) =	ssetifvalue $0x7FFFFFFF  }
0xe6: {  	s24 =	sadd.s32 $0x100, s23;
	v1 =	vadd.s32 $0x30D2380, v1;
	(ifvalue) =	ssetifvalue $0x7FFFFFFF  }
0xe7: {  	[tilespmem:s24], [sflag:$0x1] =	stream.indirect_vreg.gather [hbm4b:s2+s12], $0x1, v20, vm0, $0x4038;
	[tilespmem:$0x1900] =	vst v63  }
0xe8: {  	v8 =	vnsel vm1, $0x7FFFFFFF, v8;
	(ifvalue) =	ssetifvalue $0x7FFFFFFF  }
0xe9: {  	s24 =	sadd.s32 $0x180, s23;
	(ifvalue) =	ssetifvalue $0x7FFFFFFF  }
0xea: {  	[tilespmem:s24], [sflag:$0x1] =	stream.indirect_vreg.gather [hbm4b:s2+s12], $0x1, v7, vm0, $0x4038;
	[tilespmem:$0x1900] =	vst v63  }
0xeb: {  	v7 =	vnsel vm1, $0x7FFFFFFF, v9;
	(ifvalue) =	ssetifvalue $0x7FFFFFFF  }
0xec: {  	s24 =	sadd.s32 $0x200, s23;
	(ifvalue) =	ssetifvalue $0x7FFFFFFF  }
0xed: {  	[tilespmem:s24], [sflag:$0x1] =	stream.indirect_vreg.gather [hbm4b:s2+s12], $0x1, v8, vm0, $0x4038;
	[tilespmem:$0x1900] =	vst v63  }
0xee: {  	v8 =	vnsel vm1, $0x7FFFFFFF, v10;
	(ifvalue) =	ssetifvalue $0x7FFFFFFF  }
0xef: {  	s24 =	sadd.s32 $0x280, s23;
	(ifvalue) =	ssetifvalue $0x7FFFFFFF  }
0xf0: {  	[tilespmem:s24], [sflag:$0x1] =	stream.indirect_vreg.gather [hbm4b:s2+s12], $0x1, v7, vm0, $0x4038;
	[tilespmem:$0x1900] =	vst v63  }
0xf1: {  	v7 =	vnsel vm1, $0x7FFFFFFF, v11;
	(ifvalue) =	ssetifvalue $0x7FFFFFFF  }
0xf2: {  	s24 =	sadd.s32 $0x300, s23;
	(ifvalue) =	ssetifvalue $0x7FFFFFFF  }
0xf3: {  	[tilespmem:s24], [sflag:$0x1] =	stream.indirect_vreg.gather [hbm4b:s2+s12], $0x1, v8, vm0, $0x4038;
	[tilespmem:$0x1900] =	vst v63  }
0xf4: {  	v8 =	vnsel vm1, $0x7FFFFFFF, v12;
	(ifvalue) =	ssetifvalue $0x7FFFFFFF  }
0xf5: {  	s24 =	sadd.s32 $0x380, s23;
	(ifvalue) =	ssetifvalue $0x7FFFFFFF  }
0xf6: {  	[tilespmem:s24], [sflag:$0x1] =	stream.indirect_vreg.gather [hbm4b:s2+s12], $0x1, v7, vm0, $0x4038;
	[tilespmem:$0x1900] =	vst v63  }
0xf7: {  	v7 =	vnsel vm1, $0x7FFFFFFF, v13;
	(ifvalue) =	ssetifvalue $0x7FFFFFFF  }
0xf8: {  	s24 =	sadd.s32 $0x400, s23;
	(ifvalue) =	ssetifvalue $0x7FFFFFFF  }
0xf9: {  	[tilespmem:s24], [sflag:$0x1] =	stream.indirect_vreg.gather [hbm4b:s2+s12], $0x1, v8, vm0, $0x4038;
	[tilespmem:$0x1900] =	vst v63  }
0xfa: {  	v8 =	vnsel vm1, $0x7FFFFFFF, v14;
	(ifvalue) =	ssetifvalue $0x7FFFFFFF  }
0xfb: {  	s24 =	sadd.s32 $0x480, s23;
	(ifvalue) =	ssetifvalue $0x7FFFFFFF  }
0xfc: {  	[tilespmem:s24], [sflag:$0x1] =	stream.indirect_vreg.gather [hbm4b:s2+s12], $0x1, v7, vm0, $0x4038;
	[tilespmem:$0x1900] =	vst v63  }
0xfd: {  	v7 =	vnsel vm1, $0x7FFFFFFF, v15;
	(ifvalue) =	ssetifvalue $0x7FFFFFFF  }
0xfe: {  	s24 =	sadd.s32 $0x500, s23;
	(ifvalue) =	ssetifvalue $0x7FFFFFFF  }
0xff: {  	[tilespmem:s24], [sflag:$0x1] =	stream.indirect_vreg.gather [hbm4b:s2+s12], $0x1, v8, vm0, $0x4038;
	[tilespmem:$0x1900] =	vst v63  }
0x100: {  	v8 =	vnsel vm1, $0x7FFFFFFF, v16;
	(ifvalue) =	ssetifvalue $0x7FFFFFFF  }
0x101: {  	s24 =	sadd.s32 $0x580, s23;
	(ifvalue) =	ssetifvalue $0x7FFFFFFF  }
0x102: {  	[tilespmem:s24], [sflag:$0x1] =	stream.indirect_vreg.gather [hbm4b:s2+s12], $0x1, v7, vm0, $0x4038;
	[tilespmem:$0x1900] =	vst v63  }
0x103: {  	v7 =	vnsel vm1, $0x7FFFFFFF, v17;
	(ifvalue) =	ssetifvalue $0x7FFFFFFF  }
0x104: {  	s24 =	sadd.s32 $0x600, s23;
	(ifvalue) =	ssetifvalue $0x7FFFFFFF  }
0x105: {  	[tilespmem:s24], [sflag:$0x1] =	stream.indirect_vreg.gather [hbm4b:s2+s12], $0x1, v8, vm0, $0x4038;
	[tilespmem:$0x1900] =	vst v63  }
0x106: {  	v8 =	vnsel vm1, $0x7FFFFFFF, v18;
	(ifvalue) =	ssetifvalue $0x7FFFFFFF  }
0x107: {  	s24 =	sadd.s32 $0x680, s23;
	(ifvalue) =	ssetifvalue $0x7FFFFFFF  }
0x108: {  	[tilespmem:s24], [sflag:$0x1] =	stream.indirect_vreg.gather [hbm4b:s2+s12], $0x1, v7, vm0, $0x4038;
	[tilespmem:$0x1900] =	vst v63  }
0x109: {  	v7 =	vnsel vm1, $0x7FFFFFFF, v19;
	(ifvalue) =	ssetifvalue $0x7FFFFFFF  }
0x10a: {  	s24 =	sadd.s32 $0x700, s23;
	(ifvalue) =	ssetifvalue $0x7FFFFFFF  }
0x10b: {  	[tilespmem:s24], [sflag:$0x1] =	stream.indirect_vreg.gather [hbm4b:s2+s12], $0x1, v8, vm0, $0x4038;
	[tilespmem:$0x1900] =	vst v63  }
0x10c: {  	v8 =	vnsel vm1, $0x7FFFFFFF, v21;
	(ifvalue) =	ssetifvalue $0x7FFFFFFF  }
0x10d: {  	s24 =	sadd.s32 $0x780, s23;
	(ifvalue) =	ssetifvalue $0x7FFFFFFF  }
0x10e: {  	[tilespmem:s24], [sflag:$0x1] =	stream.indirect_vreg.gather [hbm4b:s2+s12], $0x1, v7, vm0, $0x4038;
	[tilespmem:$0x1900] =	vst v63  }
0x10f: {  	v7 =	vnsel vm1, $0x7FFFFFFF, v22;
	(ifvalue) =	ssetifvalue $0x7FFFFFFF  }
0x110: {  	s24 =	sadd.s32 $0x800, s23;
	(ifvalue) =	ssetifvalue $0x7FFFFFFF  }
0x111: {  	[tilespmem:s24], [sflag:$0x1] =	stream.indirect_vreg.gather [hbm4b:s2+s12], $0x1, v8, vm0, $0x4038;
	[tilespmem:$0x1900] =	vst v63  }
0x112: {  	v6 =	vnsel vm1, $0x7FFFFFFF, v6;
	(ifvalue) =	ssetifvalue $0x7FFFFFFF  }
0x113: {  	s24 =	sadd.s32 $0x880, s23;
	(ifvalue) =	ssetifvalue $0x7FFFFFFF  }
0x114: {  	[tilespmem:s24], [sflag:$0x1] =	stream.indirect_vreg.gather [hbm4b:s2+s12], $0x1, v7, vm0, $0x4038;
	[tilespmem:$0x1900] =	vst v63  }
0x115: {  	v5 =	vnsel vm1, $0x7FFFFFFF, v5;
	(ifvalue) =	ssetifvalue $0x7FFFFFFF  }
0x116: {  	s24 =	sadd.s32 $0x900, s23;
	(ifvalue) =	ssetifvalue $0x7FFFFFFF  }
0x117: {  	[tilespmem:s24], [sflag:$0x1] =	stream.indirect_vreg.gather [hbm4b:s2+s12], $0x1, v6, vm0, $0x4038;
	[tilespmem:$0x1900] =	vst v63  }
0x118: {  	v4 =	vnsel vm1, $0x7FFFFFFF, v4;
	(ifvalue) =	ssetifvalue $0x7FFFFFFF  }
0x119: {  	s24 =	sadd.s32 $0x980, s23;
	(ifvalue) =	ssetifvalue $0x7FFFFFFF  }
0x11a: {  	[tilespmem:s24], [sflag:$0x1] =	stream.indirect_vreg.gather [hbm4b:s2+s12], $0x1, v5, vm0, $0x4038;
	[tilespmem:$0x1900] =	vst v63  }
0x11b: {  	v3 =	vnsel vm1, $0x7FFFFFFF, v3;
	(ifvalue) =	ssetifvalue $0x7FFFFFFF  }
0x11c: {  	s24 =	sadd.s32 $0xA00, s23;
	(ifvalue) =	ssetifvalue $0x7FFFFFFF  }
0x11d: {  	[tilespmem:s24], [sflag:$0x1] =	stream.indirect_vreg.gather [hbm4b:s2+s12], $0x1, v4, vm0, $0x4038;
	[tilespmem:$0x1900] =	vst v63  }
0x11e: {  	v2 =	vnsel vm1, $0x7FFFFFFF, v2;
	(ifvalue) =	ssetifvalue $0x7FFFFFFF  }
0x11f: {  	s24 =	sadd.s32 $0xA80, s23;
	(ifvalue) =	ssetifvalue $0x7FFFFFFF  }
0x120: {  	[tilespmem:s24], [sflag:$0x1] =	stream.indirect_vreg.gather [hbm4b:s2+s12], $0x1, v3, vm0, $0x4038;
	[tilespmem:$0x1900] =	vst v63  }
.Ltmp3:
0x121: {  	v1 =	vnsel vm1, $0x7FFFFFFF, v1;
	(ifvalue) =	ssetifvalue $0x7FFFFFFF;
	(pc) =	sbr.rel @p1 .LBB2_3-.Ltmp3, $4  }
0x122: {  	s24 =	sadd.s32 $0xB00, s23;
	(ifvalue) =	ssetifvalue $0x7FFFFFFF  }
0x123: {  	[tilespmem:s24], [sflag:$0x1] =	stream.indirect_vreg.gather [hbm4b:s2+s12], $0x1, v2, vm0, $0x4038;
	[tilespmem:$0x1900] =	vst v63  }
0x124: {  	s21 =	sadd.s32 $0xFFFFFFF0, s21;
	(ifvalue) =	ssetifvalue $0x7FFFFFFF  }
0x125: {  	s24 =	sadd.s32 $0xB80, s23;
	s23 =	smov.u32 s22;
	(ifvalue) =	ssetifvalue $0x7FFFFFFF  }
.Ltmp4:
0x126: {  	_ = 	snop;
	(pc) =	sbr.rel .LBB2_4-.Ltmp4, $1  }
0x127: {  	_ =	sdelay $0x3  }
.LBB2_6:
0x128: {  	_ =	sfence.sel $0x180000  }
0x129: {  	s2 =	simm.s32 $0x2;
	[bflag:$0x0] =	sbarrier.arrive $0xFFFF  }
0x12a: {  	s30 =	simm.s32 $0x3;
	[sflag:s2] =	ssyncpa.u1 $0x1  }
0x12b: {  	s31 =	simm.s32 $0x1;
	[sflag:s30] =	ssyncpa.u1 $0x1  }
0x12c: {  	[sflag:s31] =	ssyncpa.u1 $0x1  }
0x12d: {  	p0 =	sne.s32 s1, $0x0;
	_ =	strace $0x90000059  }
0x12e: {  	s0 =	sadd.s32 @!p0 $0x100000, s0;
	[bflag:$0x2] =	sbarrier.arrive $0xFFFF  }
0x12f: {  	[sflag:s0] =	ssyncadd.tile.s32 @!p0 $0x1;
	_ =	shalt  }
.Lfunc_end2:
_tile_overlayer_lowered:
.L_overlay_start_2:
0x130: {  	(tag) =	ssettag $0x2  }
0x131: {  	s0 =	rddreg [dreg:$0x0];
	s2 =	stileid.u32  }
0x132: {  	s1 =	rddreg [dreg:$0x1];
	p0 =	sne.s32 s2, $0x0  }
0x133: {  	s3 =	rddreg [dreg:$0x2];
	[bflag:$0x3] =	sbarrier.arrive $0xFFFF;
	s2 =	simm.s32 @!p0 $0x1C01  }
0x134: {  	[timem:s3], [sflag:s2] =	dma.local @!p0 [hbm:s0], s1  }
0x135: {  	s0 =	simm.s32 @!p0 $0x1  }
0x136: {  	_ =	swait.ge @!p0 [sflag:s0], s1  }
0x137: {  	s1 =	ssub.s32 @!p0 $0x0, s1;
	[sflag:s0] =	ssyncset.done @!p0 $0x0  }
0x138: {  	[sflag:s0] =	ssyncadd.s32 @!p0 s1  }
0x139: {  	[bflag:$0x3] =	sbarrier.arrive $0xFFFF  }
0x13a: {  	_ =	shalt  }

// kernel: scatter_offload_async_start.1
scs
__scs_entry_jumppad:
0x0: {  	(pc) =	sbr.rel $0x88, $3  }
0x1: {  	(tag) =	ssettag $0x0;
	lr =	simm.s32 $0x1  }
0x2: {  	[smem:$0x3F96] =	sst lr;
	_ =	strace $0xD0000000  }
0x3: {  	_ = 	snop  }
0x4: {  	_ = 	snop  }
0x5: {  	_ = 	snop  }
0x6: {  	_ = 	snop  }
0x7: {  	_ = 	snop  }
__scs_overlays_trampoline_lowered:
0x8: {  	[smem:$0x3FA5] =	sst s0  }
0x9: {  	[smem:$0x3FA6] =	sst s1  }
0xa: {  	[smem:$0x3FA7] =	sst s2  }
0xb: {  	[smem:$0x3FA8] =	sst s3  }
0xc: {  	[smem:$0x3FA9] =	sst s4  }
0xd: {  	[smem:$0x3FAA] =	sst s5  }
0xe: {  	[smem:$0x3FAB] =	sst s6  }
0xf: {  	[smem:$0x3FAC] =	sst s7  }
0x10: {  	[smem:$0x3FAD] =	sst s8  }
0x11: {  	[smem:$0x3FAE] =	sst s9;
	s0 =	simm.s32 @!p0 $0x0  }
0x12: {  	s1 =	sld [smem:$0x3F94];
	s0 =	simm.s32 @p0 $0x1  }
0x13: {  	[smem:$0x3FAF] =	sst s0;
	s0 =	simm.s32 @!p1 $0x0  }
0x14: {  	s2 =	sld [smem:$0x3F93];
	s0 =	simm.s32 @p1 $0x1  }
0x15: {  	[smem:$0x3FB0] =	sst s0;
	s0 =	simm.s32 @!p2 $0x0  }
0x16: {  	s3 =	sld [smem:$0x3FDB];
	s0 =	simm.s32 @p2 $0x1  }
0x17: {  	s4 =	simm.s32 $0x1BF5;
	[smem:$0x3FB2] =	sst s0  }
0x18: {  	s0 =	sld [smem:$0x3F95];
	_ =	swait.ge [sflag:s4], $0x0  }
0x19: {  	s7 =	sld [smem:$0x3F96]  }
0x1a: {  	s8 =	sadd.s32 $0xFFFFE003, lr  }
0x1b: {  	s9 =	sadd.s32 $0xFFFFFEF7, lr;
	s5 =	simm.s32 $0xFFFFFFFF;
	p2 =	slt.u32 s8, $0xFFFFF086  }
0x1c: {  	p1 =	slt.u32 s9, $0xF7A;
	s5 =	simm.s32 @!p2 $0x0  }
0x1d: {  	s5 =	simm.s32 @p1 $0x1;
	p0 =	seq.s32 s7, s2  }
0x1e: {  	s7 =	smul.u32 @!p0 $0xF7A, s2;
	p2 =	seq.s32 @!p0 s5, $0x0  }
0x1f: {  	s9 =	smul.u32 $0xF7A, s1;
	s8 =	simm.s32 @!p0 $0x1BF5;
	p2 =	por !p2, p0  }
0x20: {  	[sflag:s8] =	ssyncset.s32 @!p0 $0xFFFFF086;
	s6 =	sadd.s32 @!p0 s3, s7;
	s7 =	simm.s32 @!p0 $0x108  }
0x21: {  	s3 =	sadd.s32 s3, s9;
	s6 =	sadd.s32 @!p0 $0x88, s6;
	s7 =	simm.s32 @p2 $0x1082  }
0x22: {  	[simem:s7], [sflag:s8] =	dma.local @!p0 [hbm:s6], $0xF7A  }
0x23: {  	s9 =	sor.u32 $0xD0000000, s2;
	s6 =	simm.s32 $0x108;
	_ =	swait.ge @!p0 [sflag:s8], $0x0  }
0x24: {  	s3 =	sadd.s32 $0x88, s3;
	s6 =	simm.s32 @!p1 $0x1082;
	[sflag:s4] =	ssyncset.s32 $0xFFFFF086  }
0x25: {  	[simem:s6], [sflag:s4] =	dma.local [hbm:s3], $0xF7A  }
0x26: {  	[smem:$0x3F96] =	sst s1;
	(tag) =	ssettag s2;
	_ =	strace s9  }
0x27: {  	s1 =	sld [smem:$0x3FA6]  }
0x28: {  	s2 =	sld [smem:$0x3FA7]  }
0x29: {  	s4 =	sld [smem:$0x3FA9]  }
0x2a: {  	p0 =	seq.s32 s5, $0x0;
	s5 =	sld [smem:$0x3FAA]  }
0x2b: {  	s6 =	sld [smem:$0x3FAB]  }
0x2c: {  	s7 =	sld [smem:$0x3FAC]  }
0x2d: {  	s3 =	simm.s32 $0x108;
	s8 =	sld [smem:$0x3FAD]  }
0x2e: {  	s3 =	simm.s32 @!p0 $0x1082;
	s9 =	sld [smem:$0x3FAE]  }
0x2f: {  	lr =	sadd.s32 s0, s3;
	s0 =	sld [smem:$0x3FA5]  }
0x30: {  	s3 =	sld [smem:$0x3FA8]  }
0x31: {  	[smem:$0x3FB1] =	sst s10  }
0x32: {  	s10 =	sld [smem:$0x3FAF];
	_ =	sdelay $0x3  }
0x33: {  	p0 =	seq.s32 s10, $0x1;
	s10 =	sld [smem:$0x3FB1];
	_ =	sdelay $0x3  }
0x34: {  	[smem:$0x3FB1] =	sst s10  }
0x35: {  	s10 =	sld [smem:$0x3FB0];
	_ =	sdelay $0x3  }
0x36: {  	p1 =	seq.s32 s10, $0x1;
	s10 =	sld [smem:$0x3FB1];
	_ =	sdelay $0x3  }
0x37: {  	[smem:$0x3FB1] =	sst s10  }
0x38: {  	s10 =	sld [smem:$0x3FB2]  }
0x39: {  	_ = 	snop;
	(pc) =	sbr.ind lr, $3  }
0x3a: {  	_ = 	snop  }
0x3b: {  	_ = 	snop  }
0x3c: {  	p2 =	seq.s32 s10, $0x1;
	s10 =	sld [smem:$0x3FB1]  }
0x3d: {  	_ =	shalt  }
0x3e: {  	_ =	shalt  }
0x3f: {  	_ =	shalt  }
0x40: {  	_ =	shalt  }
0x41: {  	_ =	shalt  }
0x42: {  	_ =	shalt  }
0x43: {  	_ =	shalt  }
0x44: {  	_ =	shalt  }
0x45: {  	_ =	shalt  }
0x46: {  	_ =	shalt  }
0x47: {  	_ =	shalt  }
0x48: {  	_ =	shalt  }
0x49: {  	_ =	shalt  }
0x4a: {  	_ =	shalt  }
0x4b: {  	_ =	shalt  }
0x4c: {  	_ =	shalt  }
0x4d: {  	_ =	shalt  }
0x4e: {  	_ =	shalt  }
0x4f: {  	_ =	shalt  }
0x50: {  	_ =	shalt  }
0x51: {  	_ =	shalt  }
0x52: {  	_ =	shalt  }
0x53: {  	_ =	shalt  }
0x54: {  	_ =	shalt  }
0x55: {  	_ =	shalt  }
0x56: {  	_ =	shalt  }
0x57: {  	_ =	shalt  }
0x58: {  	_ =	shalt  }
0x59: {  	_ =	shalt  }
0x5a: {  	_ =	shalt  }
0x5b: {  	_ =	shalt  }
0x5c: {  	_ =	shalt  }
0x5d: {  	_ =	shalt  }
0x5e: {  	_ =	shalt  }
0x5f: {  	_ =	shalt  }
0x60: {  	_ =	shalt  }
0x61: {  	_ =	shalt  }
0x62: {  	_ =	shalt  }
0x63: {  	_ =	shalt  }
0x64: {  	_ =	shalt  }
0x65: {  	_ =	shalt  }
0x66: {  	_ =	shalt  }
0x67: {  	_ =	shalt  }
0x68: {  	_ =	shalt  }
0x69: {  	_ =	shalt  }
0x6a: {  	_ =	shalt  }
0x6b: {  	_ =	shalt  }
0x6c: {  	_ =	shalt  }
0x6d: {  	_ =	shalt  }
0x6e: {  	_ =	shalt  }
0x6f: {  	_ =	shalt  }
0x70: {  	_ =	shalt  }
0x71: {  	_ =	shalt  }
0x72: {  	_ =	shalt  }
0x73: {  	_ =	shalt  }
0x74: {  	_ =	shalt  }
0x75: {  	_ =	shalt  }
0x76: {  	_ =	shalt  }
0x77: {  	_ =	shalt  }
0x78: {  	_ =	shalt  }
0x79: {  	_ =	shalt  }
0x7a: {  	_ =	shalt  }
0x7b: {  	_ =	shalt  }
0x7c: {  	_ =	shalt  }
0x7d: {  	_ =	shalt  }
0x7e: {  	_ =	shalt  }
0x7f: {  	_ =	shalt  }
0x80: {  	_ =	shalt  }
0x81: {  	_ =	shalt  }
0x82: {  	_ =	shalt  }
0x83: {  	_ =	shalt  }
0x84: {  	_ =	shalt  }
0x85: {  	_ =	shalt  }
0x86: {  	_ =	shalt  }
0x87: {  	_ =	shalt  }
.Lfunc_end0:
.L_simem_size_0:
called_computation.1_lowered:
.L_overlay_start_0:
0x88: {  	s0 =	sld [smem:$0x3FD9]  }
0x89: {  	s1 =	sld [smem:$0x3FFE];
	_ =	sdelay $0x3  }
0x8a: {  	s0 =	sadd.s32 s1, s0  }
0x8b: {  	[smem:$0x3FBD] =	sst s0  }
0x8c: {  	_ = 	snop  }
0x8d: {  	(tm) =	ssettm $0x1  }
0x8e: {  	s15 =	sld [smem:$0x3FFB];
	_ =	sdelay $0x3  }
0x8f: {  	_ =	strace s15  }
0x90: {  	s0 =	sld [smem:$0x3FFC];
	_ =	sdelay $0x3  }
0x91: {  	_ =	strace s0  }
0x92: {  	s0 =	sld [smem:$0x3FFD];
	_ =	sdelay $0x3  }
0x93: {  	_ =	strace s0  }
0x94: {  	_ =	strace $0x8FFFFFFF  }
0x95: {  	s16 =	sld [smem:$0x3FDB];
	_ =	sdelay $0x1  }
0x96: {  	s17 =	simm.s32 $_scs_section_size  }
0x97: {  	s2 =	simm.s32 $_size__tile_overlayer_lowered;
	s3 =	simm.s32 $_tile_overlayer_lowered  }
0x98: {  	s20 =	simm.s32 $0x1BFF;
	s19 =	sshll.u32 s3, $0x1;
	s0 =	sadd.s32 s17, s16  }
0x99: {  	s4 =	simm.s32 $0x0;
	s18 =	sshll.u32 s2, $0x1;
	s2 =	sadd.s32 s19, s0  }
0x9a: {  	[timem:s4], [sflag:s20] =	dma.local [hbm:s2], s18  }
0x9b: {  	_ =	swait.ge [sflag:s20], s18  }
0x9c: {  	s1 =	ssub.s32 $0x0, s18;
	[sflag:s20] =	ssyncset.done $0x0  }
0x9d: {  	[sflag:s20] =	ssyncadd.s32 s1;
	_ =	sdelay $0x1  }
0x9e: {  	s21 =	simm.s32 $0x1B8B  }
0x9f: {  	_ =	swait.ge [sflag:s21], $0x1  }
0xa0: {  	[sflag:s21] =	ssyncset.done $0x0  }
0xa1: {  	s23 =	simm.s32 $0x1B8E;
	s22 =	sld [smem:$0x3FFE];
	[sflag:s21] =	ssyncadd.s32 $0xFFFFFFFF  }
0xa2: {  	s24 =	simm.s32 $execute0_lowered;
	[smem:$0x3FD2] =	sst s23  }
0xa3: {  	s2 =	sshll.u32 s24, $0x1;
	_ =	strace $0x8000005E;
	[dreg:$0x1] =	wrdreg $0xFFFFFFFF  }
0xa4: {  	s25 =	simm.s32 $_size_execute0_lowered;
	s0 =	sadd.s32 s0, s2;
	[dreg:$0x0] =	wrdreg $0x0  }
0xa5: {  	s2 =	sshll.u32 s25, $0x1;
	[dreg:$0x2] =	wrdreg s0  }
0xa6: {  	[dreg:$0x3] =	wrdreg s2  }
0xa7: {  	[dreg:$0x4] =	wrdreg $0xC0  }
0xa8: {  	_ =	task [dreg:s4], $0x5FFFF  }
0xa9: {  	[dreg:$0x1] =	wrdreg $0xFFFFFFFF  }
0xaa: {  	[dreg:$0x0] =	wrdreg $0x60  }
0xab: {  	[dreg:$0x2] =	wrdreg s22  }
0xac: {  	[dreg:$0x3] =	wrdreg $0x9  }
0xad: {  	_ =	task.clear_ibuf [dreg:s4], $0x4FFFF;
	_ =	strace $0x9000005E  }
0xae: {  	s26 =	simm.s32 $0x9;
	_ =	strace $0x80000060  }
0xaf: {  	_ =	swait.ge [sflag:s26], $0x1  }
0xb0: {  	[sflag:s26] =	ssyncadd.s32 $0xFFFFFFFF  }
0xb1: {  	_ =	strace $0x90000060  }
0xb2: {  	_ =	sfence  }
0xb3: {  	s28 =	sld [smem:$0x0];
	_ =	sdelay $0x1  }
0xb4: {  	s29 =	srdreg.scid  }
0xb5: {  	s30 =	sshll.u32 s29, $0xD;
	s31 =	sshrl.u32 s29, $0x2  }
0xb6: {  	s1 =	sand.u32 $0x1, s29;
	s2 =	sand.u32 $0x4000, s30;
	s0 =	sadd.s32 s31, s28  }
0xb7: {  	s1 =	sor.u32 s2, s1;
	s0 =	sshll.u32 s0, $0x11  }
0xb8: {  	s0 =	sor.u32 s0, s1  }
0xb9: {  	s0 =	sadd.s32 $0x8F2B, s0  }
0xba: {  	[sflag:s0] =	ssyncadd.remote.s32 $0x1  }
0xbb: {  	_ =	sfence.sel $0xFFFF  }
0xbc: {  	[dreg:$0x0] =	wrdreg $0xFFFFFFFF;
	(pc) =	sbr.abs _section_cstart, $3  }
0xbd: {  	[dreg:$0x1] =	wrdreg $0xFFFFFFFF  }
0xbe: {  	_ =	task.clear_ibuf [dreg:s4], $0x2FFFF;
	_ =	strace $0x9FFFFFFF  }
0xbf: {  	(tm) =	ssettm $0x7FFFFFFF  }
tec
execute0_lowered:
.L_overlay_start_1:
0x0: {  	(tag) =	ssettag $0x1  }
0x1: {  	s3 =	rddreg [dreg:$0x0];
	_ =	strace $0x8000005F;
	s2 =	simm.s32 $0x1  }
0x2: {  	v0 =	vimm.s32 $0x0;
	[sflag:s2] =	ssyncpa.u1 $0x0  }
0x3: {  	[tilespmem:$0x48] =	vst v0  }
0x4: {  	[tilespmem:$0x58] =	vst v0  }
0x5: {  	[tilespmem:$0x68] =	vst v0  }
0x6: {  	[tilespmem:$0x78] =	vst v0  }
0x7: {  	[tilespmem:$0x88] =	vst v0  }
0x8: {  	[tilespmem:$0x98] =	vst v0  }
0x9: {  	[tilespmem:$0xA8] =	vst v0  }
0xa: {  	[tilespmem:$0xB8] =	vst v0  }
0xb: {  	[tilespmem:$0xC8] =	vst v0  }
0xc: {  	[tilespmem:$0xD8] =	vst v0  }
0xd: {  	[tilespmem:$0xE8] =	vst v0  }
0xe: {  	[tilespmem:$0xF8] =	vst v0  }
0xf: {  	[tilespmem:$0x108] =	vst v0  }
0x10: {  	[tilespmem:$0x118] =	vst v0  }
0x11: {  	[tilespmem:$0x128] =	vst v0  }
0x12: {  	[tilespmem:$0x138] =	vst v0  }
0x13: {  	[tilespmem:$0x148] =	vst v0  }
0x14: {  	[tilespmem:$0x158] =	vst v0  }
0x15: {  	[tilespmem:$0x168] =	vst v0  }
0x16: {  	[tilespmem:$0x178] =	vst v0  }
0x17: {  	[tilespmem:$0x188] =	vst v0  }
0x18: {  	[tilespmem:$0x198] =	vst v0  }
0x19: {  	[tilespmem:$0x1A8] =	vst v0  }
0x1a: {  	[tilespmem:$0x1B8] =	vst v0  }
0x1b: {  	[tilespmem:$0x1C8] =	vst v0  }
0x1c: {  	[tilespmem:$0x1D8] =	vst v0  }
0x1d: {  	[tilespmem:$0x1E8] =	vst v0  }
0x1e: {  	[tilespmem:$0x1F8] =	vst v0  }
0x1f: {  	[tilespmem:$0x208] =	vst v0  }
0x20: {  	[tilespmem:$0x218] =	vst v0  }
0x21: {  	[tilespmem:$0x228] =	vst v0  }
0x22: {  	[tilespmem:$0x238] =	vst v0  }
0x23: {  	[tilespmem:$0x248] =	vst v0  }
0x24: {  	[tilespmem:$0x258] =	vst v0  }
0x25: {  	[tilespmem:$0x268] =	vst v0  }
0x26: {  	[tilespmem:$0x278] =	vst v0  }
0x27: {  	[tilespmem:$0x288] =	vst v0  }
0x28: {  	[tilespmem:$0x298] =	vst v0  }
0x29: {  	[tilespmem:$0x2A8] =	vst v0  }
0x2a: {  	[tilespmem:$0x2B8] =	vst v0  }
0x2b: {  	[tilespmem:$0x2C8] =	vst v0  }
0x2c: {  	[tilespmem:$0x2D8] =	vst v0  }
0x2d: {  	[tilespmem:$0x2E8] =	vst v0  }
0x2e: {  	[tilespmem:$0x2F8] =	vst v0  }
0x2f: {  	[tilespmem:$0x308] =	vst v0  }
0x30: {  	[tilespmem:$0x318] =	vst v0  }
0x31: {  	[tilespmem:$0x328] =	vst v0  }
0x32: {  	[tilespmem:$0x338] =	vst v0  }
0x33: {  	[tilespmem:$0x348] =	vst v0  }
0x34: {  	[tilespmem:$0x358] =	vst v0  }
0x35: {  	[tilespmem:$0x368] =	vst v0  }
0x36: {  	[tilespmem:$0x378] =	vst v0  }
0x37: {  	[tilespmem:$0x388] =	vst v0  }
0x38: {  	[tilespmem:$0x398] =	vst v0  }
0x39: {  	[tilespmem:$0x3A8] =	vst v0  }
0x3a: {  	[tilespmem:$0x3B8] =	vst v0  }
0x3b: {  	[tilespmem:$0x3C8] =	vst v0  }
0x3c: {  	[tilespmem:$0x3D8] =	vst v0  }
0x3d: {  	[tilespmem:$0x3E8] =	vst v0  }
0x3e: {  	[tilespmem:$0x3F8] =	vst v0  }
0x3f: {  	[tilespmem:$0x408] =	vst v0  }
0x40: {  	[tilespmem:$0x418] =	vst v0  }
0x41: {  	[tilespmem:$0x428] =	vst v0  }
0x42: {  	[tilespmem:$0x438] =	vst v0  }
0x43: {  	[tilespmem:$0x448] =	vst v0  }
0x44: {  	[tilespmem:$0x458] =	vst v0  }
0x45: {  	[tilespmem:$0x468] =	vst v0  }
0x46: {  	[tilespmem:$0x478] =	vst v0  }
0x47: {  	[tilespmem:$0x488] =	vst v0  }
0x48: {  	[tilespmem:$0x498] =	vst v0  }
0x49: {  	[tilespmem:$0x4A8] =	vst v0  }
0x4a: {  	[tilespmem:$0x4B8] =	vst v0  }
0x4b: {  	[tilespmem:$0x4C8] =	vst v0  }
0x4c: {  	[tilespmem:$0x4D8] =	vst v0  }
0x4d: {  	[tilespmem:$0x4E8] =	vst v0  }
0x4e: {  	[tilespmem:$0x4F8] =	vst v0  }
0x4f: {  	[tilespmem:$0x508] =	vst v0  }
0x50: {  	[tilespmem:$0x518] =	vst v0  }
0x51: {  	[tilespmem:$0x528] =	vst v0  }
0x52: {  	[tilespmem:$0x538] =	vst v0  }
0x53: {  	[tilespmem:$0x548] =	vst v0  }
0x54: {  	[tilespmem:$0x558] =	vst v0  }
0x55: {  	[tilespmem:$0x568] =	vst v0  }
0x56: {  	[tilespmem:$0x578] =	vst v0  }
0x57: {  	[tilespmem:$0x588] =	vst v0  }
0x58: {  	[tilespmem:$0x598] =	vst v0  }
0x59: {  	[tilespmem:$0x5A8] =	vst v0  }
0x5a: {  	[tilespmem:$0x5B8] =	vst v0  }
0x5b: {  	[tilespmem:$0x5C8] =	vst v0  }
0x5c: {  	[tilespmem:$0x5D8] =	vst v0  }
0x5d: {  	[tilespmem:$0x5E8] =	vst v0  }
0x5e: {  	[tilespmem:$0x5F8] =	vst v0  }
0x5f: {  	[tilespmem:$0x608] =	vst v0  }
0x60: {  	[tilespmem:$0x618] =	vst v0  }
0x61: {  	[tilespmem:$0x628] =	vst v0  }
0x62: {  	[tilespmem:$0x638] =	vst v0  }
0x63: {  	[tilespmem:$0x648] =	vst v0  }
0x64: {  	[tilespmem:$0x658] =	vst v0  }
0x65: {  	[tilespmem:$0x668] =	vst v0  }
0x66: {  	[tilespmem:$0x678] =	vst v0  }
0x67: {  	[tilespmem:$0x688] =	vst v0  }
0x68: {  	[tilespmem:$0x698] =	vst v0  }
0x69: {  	[tilespmem:$0x6A8] =	vst v0  }
0x6a: {  	[tilespmem:$0x6B8] =	vst v0  }
0x6b: {  	[tilespmem:$0x6C8] =	vst v0  }
0x6c: {  	[tilespmem:$0x6D8] =	vst v0  }
0x6d: {  	[tilespmem:$0x6E8] =	vst v0  }
0x6e: {  	[tilespmem:$0x6F8] =	vst v0  }
0x6f: {  	[tilespmem:$0x708] =	vst v0  }
0x70: {  	[tilespmem:$0x718] =	vst v0  }
0x71: {  	[tilespmem:$0x728] =	vst v0  }
0x72: {  	[tilespmem:$0x738] =	vst v0  }
0x73: {  	[tilespmem:$0x748] =	vst v0  }
0x74: {  	[tilespmem:$0x758] =	vst v0  }
0x75: {  	[tilespmem:$0x768] =	vst v0  }
0x76: {  	[tilespmem:$0x778] =	vst v0  }
0x77: {  	[tilespmem:$0x788] =	vst v0  }
0x78: {  	[tilespmem:$0x798] =	vst v0  }
0x79: {  	[tilespmem:$0x7A8] =	vst v0  }
0x7a: {  	[tilespmem:$0x7B8] =	vst v0  }
0x7b: {  	[tilespmem:$0x7C8] =	vst v0  }
0x7c: {  	[tilespmem:$0x7D8] =	vst v0  }
0x7d: {  	[tilespmem:$0x7E8] =	vst v0  }
0x7e: {  	[tilespmem:$0x7F8] =	vst v0  }
0x7f: {  	[tilespmem:$0x808] =	vst v0  }
0x80: {  	[tilespmem:$0x818] =	vst v0  }
0x81: {  	[tilespmem:$0x828] =	vst v0  }
0x82: {  	[tilespmem:$0x838] =	vst v0  }
0x83: {  	[tilespmem:$0x848] =	vst v0  }
0x84: {  	[tilespmem:$0x858] =	vst v0  }
0x85: {  	[tilespmem:$0x868] =	vst v0  }
0x86: {  	[tilespmem:$0x878] =	vst v0  }
0x87: {  	[tilespmem:$0x888] =	vst v0  }
0x88: {  	[tilespmem:$0x898] =	vst v0  }
0x89: {  	[tilespmem:$0x8A8] =	vst v0  }
0x8a: {  	[tilespmem:$0x8B8] =	vst v0  }
0x8b: {  	[tilespmem:$0x8C8] =	vst v0  }
0x8c: {  	[tilespmem:$0x8D8] =	vst v0  }
0x8d: {  	[tilespmem:$0x8E8] =	vst v0  }
0x8e: {  	[tilespmem:$0x8F8] =	vst v0  }
0x8f: {  	[tilespmem:$0x908] =	vst v0  }
0x90: {  	[tilespmem:$0x918] =	vst v0  }
0x91: {  	[tilespmem:$0x928] =	vst v0  }
0x92: {  	[tilespmem:$0x938] =	vst v0  }
0x93: {  	[tilespmem:$0x948] =	vst v0  }
0x94: {  	[tilespmem:$0x958] =	vst v0  }
0x95: {  	[tilespmem:$0x968] =	vst v0  }
0x96: {  	[tilespmem:$0x978] =	vst v0  }
0x97: {  	[tilespmem:$0x988] =	vst v0  }
0x98: {  	[tilespmem:$0x998] =	vst v0  }
0x99: {  	[tilespmem:$0x9A8] =	vst v0  }
0x9a: {  	[tilespmem:$0x9B8] =	vst v0  }
0x9b: {  	[tilespmem:$0x9C8] =	vst v0  }
0x9c: {  	[tilespmem:$0x9D8] =	vst v0  }
0x9d: {  	[tilespmem:$0x9E8] =	vst v0  }
0x9e: {  	[tilespmem:$0x9F8] =	vst v0  }
0x9f: {  	[tilespmem:$0xA08] =	vst v0  }
0xa0: {  	[tilespmem:$0xA18] =	vst v0  }
0xa1: {  	[tilespmem:$0xA28] =	vst v0  }
0xa2: {  	[tilespmem:$0xA38] =	vst v0  }
0xa3: {  	[tilespmem:$0xA48] =	vst v0  }
0xa4: {  	[tilespmem:$0xA58] =	vst v0  }
0xa5: {  	[tilespmem:$0xA68] =	vst v0  }
0xa6: {  	[tilespmem:$0xA78] =	vst v0  }
0xa7: {  	[tilespmem:$0xA88] =	vst v0  }
0xa8: {  	[tilespmem:$0xA98] =	vst v0  }
0xa9: {  	[tilespmem:$0xAA8] =	vst v0  }
0xaa: {  	[tilespmem:$0xAB8] =	vst v0  }
0xab: {  	[tilespmem:$0xAC8] =	vst v0  }
0xac: {  	[tilespmem:$0xAD8] =	vst v0  }
0xad: {  	[tilespmem:$0xAE8] =	vst v0  }
0xae: {  	[tilespmem:$0xAF8] =	vst v0  }
0xaf: {  	[tilespmem:$0xB08] =	vst v0  }
0xb0: {  	[tilespmem:$0xB18] =	vst v0  }
0xb1: {  	[tilespmem:$0xB28] =	vst v0  }
0xb2: {  	[tilespmem:$0xB38] =	vst v0  }
0xb3: {  	[tilespmem:$0xB48] =	vst v0  }
0xb4: {  	[tilespmem:$0xB58] =	vst v0  }
0xb5: {  	[tilespmem:$0xB68] =	vst v0  }
0xb6: {  	[tilespmem:$0xB78] =	vst v0  }
0xb7: {  	[tilespmem:$0xB88] =	vst v0  }
0xb8: {  	[tilespmem:$0xB98] =	vst v0  }
0xb9: {  	[tilespmem:$0xBA8] =	vst v0  }
0xba: {  	[tilespmem:$0xBB8] =	vst v0  }
0xbb: {  	[tilespmem:$0xBC8] =	vst v0  }
0xbc: {  	[tilespmem:$0xBD8] =	vst v0  }
0xbd: {  	[tilespmem:$0xBE8] =	vst v0  }
0xbe: {  	[tilespmem:$0xBF8] =	vst v0  }
0xbf: {  	[tilespmem:$0xC08] =	vst v0  }
0xc0: {  	[tilespmem:$0xC18] =	vst v0  }
0xc1: {  	[tilespmem:$0xC28] =	vst v0  }
0xc2: {  	[tilespmem:$0xC38] =	vst v0  }
0xc3: {  	[tilespmem:$0xC48] =	vst v0  }
0xc4: {  	[tilespmem:$0xC58] =	vst v0  }
0xc5: {  	[tilespmem:$0xC68] =	vst v0  }
0xc6: {  	[tilespmem:$0xC78] =	vst v0  }
0xc7: {  	[tilespmem:$0xC88] =	vst v0  }
0xc8: {  	[tilespmem:$0xC98] =	vst v0  }
0xc9: {  	[tilespmem:$0xCA8] =	vst v0  }
0xca: {  	[tilespmem:$0xCB8] =	vst v0  }
0xcb: {  	[tilespmem:$0xCC8] =	vst v0  }
0xcc: {  	[tilespmem:$0xCD8] =	vst v0  }
0xcd: {  	[tilespmem:$0xCE8] =	vst v0  }
0xce: {  	[tilespmem:$0xCF8] =	vst v0  }
0xcf: {  	[tilespmem:$0xD08] =	vst v0  }
0xd0: {  	[tilespmem:$0xD18] =	vst v0  }
0xd1: {  	[tilespmem:$0xD28] =	vst v0  }
0xd2: {  	[tilespmem:$0xD38] =	vst v0  }
0xd3: {  	[tilespmem:$0xD48] =	vst v0  }
0xd4: {  	[tilespmem:$0xD58] =	vst v0  }
0xd5: {  	[tilespmem:$0xD68] =	vst v0  }
0xd6: {  	[tilespmem:$0xD78] =	vst v0  }
0xd7: {  	[tilespmem:$0xD88] =	vst v0  }
0xd8: {  	[tilespmem:$0xD98] =	vst v0  }
0xd9: {  	[tilespmem:$0xDA8] =	vst v0  }
0xda: {  	[tilespmem:$0xDB8] =	vst v0  }
0xdb: {  	[tilespmem:$0xDC8] =	vst v0  }
0xdc: {  	[tilespmem:$0xDD8] =	vst v0  }
0xdd: {  	[tilespmem:$0xDE8] =	vst v0  }
0xde: {  	[tilespmem:$0xDF8] =	vst v0  }
0xdf: {  	[tilespmem:$0xE08] =	vst v0  }
0xe0: {  	[tilespmem:$0xE18] =	vst v0  }
0xe1: {  	[tilespmem:$0xE28] =	vst v0  }
0xe2: {  	[tilespmem:$0xE38] =	vst v0  }
0xe3: {  	[tilespmem:$0xE48] =	vst v0  }
0xe4: {  	[tilespmem:$0xE58] =	vst v0  }
0xe5: {  	[tilespmem:$0xE68] =	vst v0  }
0xe6: {  	[tilespmem:$0xE78] =	vst v0  }
0xe7: {  	[tilespmem:$0xE88] =	vst v0  }
0xe8: {  	[tilespmem:$0xE98] =	vst v0  }
0xe9: {  	[tilespmem:$0xEA8] =	vst v0  }
0xea: {  	[tilespmem:$0xEB8] =	vst v0  }
0xeb: {  	[tilespmem:$0xEC8] =	vst v0  }
0xec: {  	[tilespmem:$0xED8] =	vst v0  }
0xed: {  	[tilespmem:$0xEE8] =	vst v0  }
0xee: {  	[tilespmem:$0xEF8] =	vst v0  }
0xef: {  	[tilespmem:$0xF08] =	vst v0  }
0xf0: {  	[tilespmem:$0xF18] =	vst v0  }
0xf1: {  	[tilespmem:$0xF28] =	vst v0  }
0xf2: {  	[tilespmem:$0xF38] =	vst v0  }
0xf3: {  	[tilespmem:$0xF48] =	vst v0  }
0xf4: {  	[tilespmem:$0xF58] =	vst v0  }
0xf5: {  	[tilespmem:$0xF68] =	vst v0  }
0xf6: {  	[tilespmem:$0xF78] =	vst v0  }
0xf7: {  	[tilespmem:$0xF88] =	vst v0  }
0xf8: {  	[tilespmem:$0xF98] =	vst v0  }
0xf9: {  	[tilespmem:$0xFA8] =	vst v0  }
0xfa: {  	[tilespmem:$0xFB8] =	vst v0  }
0xfb: {  	[tilespmem:$0xFC8] =	vst v0  }
0xfc: {  	[tilespmem:$0xFD8] =	vst v0  }
0xfd: {  	[tilespmem:$0xFE8] =	vst v0  }
0xfe: {  	[tilespmem:$0xFF8] =	vst v0  }
0xff: {  	[tilespmem:$0x1008] =	vst v0  }
0x100: {  	[tilespmem:$0x1018] =	vst v0  }
0x101: {  	[tilespmem:$0x1028] =	vst v0  }
0x102: {  	[tilespmem:$0x1038] =	vst v0  }
0x103: {  	[tilespmem:$0x1048] =	vst v0  }
0x104: {  	[tilespmem:$0x1058] =	vst v0  }
0x105: {  	[tilespmem:$0x1068] =	vst v0  }
0x106: {  	[tilespmem:$0x1078] =	vst v0  }
0x107: {  	[tilespmem:$0x1088] =	vst v0  }
0x108: {  	[tilespmem:$0x1098] =	vst v0  }
0x109: {  	[tilespmem:$0x10A8] =	vst v0  }
0x10a: {  	[tilespmem:$0x10B8] =	vst v0  }
0x10b: {  	[tilespmem:$0x10C8] =	vst v0  }
0x10c: {  	[tilespmem:$0x10D8] =	vst v0  }
0x10d: {  	[tilespmem:$0x10E8] =	vst v0  }
0x10e: {  	[tilespmem:$0x10F8] =	vst v0  }
0x10f: {  	[tilespmem:$0x1108] =	vst v0  }
0x110: {  	[tilespmem:$0x1118] =	vst v0  }
0x111: {  	[tilespmem:$0x1128] =	vst v0  }
0x112: {  	[tilespmem:$0x1138] =	vst v0  }
0x113: {  	[tilespmem:$0x1148] =	vst v0  }
0x114: {  	[tilespmem:$0x1158] =	vst v0  }
0x115: {  	[tilespmem:$0x1168] =	vst v0  }
0x116: {  	[tilespmem:$0x1178] =	vst v0  }
0x117: {  	[tilespmem:$0x1188] =	vst v0  }
0x118: {  	[tilespmem:$0x1198] =	vst v0  }
0x119: {  	[tilespmem:$0x11A8] =	vst v0  }
0x11a: {  	[tilespmem:$0x11B8] =	vst v0  }
0x11b: {  	[tilespmem:$0x11C8] =	vst v0  }
0x11c: {  	[tilespmem:$0x11D8] =	vst v0  }
0x11d: {  	[tilespmem:$0x11E8] =	vst v0  }
0x11e: {  	[tilespmem:$0x11F8] =	vst v0  }
0x11f: {  	[tilespmem:$0x1208] =	vst v0  }
0x120: {  	[tilespmem:$0x1218] =	vst v0  }
0x121: {  	[tilespmem:$0x1228] =	vst v0  }
0x122: {  	[tilespmem:$0x1238] =	vst v0  }
0x123: {  	[tilespmem:$0x1248] =	vst v0  }
0x124: {  	[tilespmem:$0x1258] =	vst v0  }
0x125: {  	[tilespmem:$0x1268] =	vst v0  }
0x126: {  	[tilespmem:$0x1278] =	vst v0  }
0x127: {  	[tilespmem:$0x1288] =	vst v0  }
0x128: {  	[tilespmem:$0x1298] =	vst v0  }
0x129: {  	[tilespmem:$0x12A8] =	vst v0  }
0x12a: {  	[tilespmem:$0x12B8] =	vst v0  }
0x12b: {  	[tilespmem:$0x12C8] =	vst v0  }
0x12c: {  	[tilespmem:$0x12D8] =	vst v0  }
0x12d: {  	[tilespmem:$0x12E8] =	vst v0  }
0x12e: {  	[tilespmem:$0x12F8] =	vst v0  }
0x12f: {  	[tilespmem:$0x1308] =	vst v0  }
0x130: {  	[tilespmem:$0x1318] =	vst v0  }
0x131: {  	[tilespmem:$0x1328] =	vst v0  }
0x132: {  	[tilespmem:$0x1338] =	vst v0  }
0x133: {  	[tilespmem:$0x1348] =	vst v0  }
0x134: {  	[tilespmem:$0x1358] =	vst v0  }
0x135: {  	[tilespmem:$0x1368] =	vst v0  }
0x136: {  	[tilespmem:$0x1378] =	vst v0  }
0x137: {  	[tilespmem:$0x1388] =	vst v0  }
0x138: {  	[tilespmem:$0x1398] =	vst v0  }
0x139: {  	[tilespmem:$0x13A8] =	vst v0  }
0x13a: {  	[tilespmem:$0x13B8] =	vst v0  }
0x13b: {  	[tilespmem:$0x13C8] =	vst v0  }
0x13c: {  	[tilespmem:$0x13D8] =	vst v0  }
0x13d: {  	[tilespmem:$0x13E8] =	vst v0  }
0x13e: {  	[tilespmem:$0x13F8] =	vst v0  }
0x13f: {  	[tilespmem:$0x1408] =	vst v0  }
0x140: {  	[tilespmem:$0x1418] =	vst v0  }
0x141: {  	[tilespmem:$0x1428] =	vst v0  }
0x142: {  	[tilespmem:$0x1438] =	vst v0  }
0x143: {  	[tilespmem:$0x1448] =	vst v0  }
0x144: {  	[tilespmem:$0x1458] =	vst v0  }
0x145: {  	[tilespmem:$0x1468] =	vst v0  }
0x146: {  	[tilespmem:$0x1478] =	vst v0  }
0x147: {  	[tilespmem:$0x1488] =	vst v0  }
0x148: {  	[tilespmem:$0x1498] =	vst v0  }
0x149: {  	[tilespmem:$0x14A8] =	vst v0  }
0x14a: {  	[tilespmem:$0x14B8] =	vst v0  }
0x14b: {  	[tilespmem:$0x14C8] =	vst v0  }
0x14c: {  	[tilespmem:$0x14D8] =	vst v0  }
0x14d: {  	[tilespmem:$0x14E8] =	vst v0  }
0x14e: {  	[tilespmem:$0x14F8] =	vst v0  }
0x14f: {  	[tilespmem:$0x1508] =	vst v0  }
0x150: {  	[tilespmem:$0x1518] =	vst v0  }
0x151: {  	[tilespmem:$0x1528] =	vst v0  }
0x152: {  	[tilespmem:$0x1538] =	vst v0  }
0x153: {  	[tilespmem:$0x1548] =	vst v0  }
0x154: {  	[tilespmem:$0x1558] =	vst v0  }
0x155: {  	[tilespmem:$0x1568] =	vst v0  }
0x156: {  	[tilespmem:$0x1578] =	vst v0  }
0x157: {  	[tilespmem:$0x1588] =	vst v0  }
0x158: {  	[tilespmem:$0x1598] =	vst v0  }
0x159: {  	[tilespmem:$0x15A8] =	vst v0  }
0x15a: {  	[tilespmem:$0x15B8] =	vst v0  }
0x15b: {  	[tilespmem:$0x15C8] =	vst v0  }
0x15c: {  	[tilespmem:$0x15D8] =	vst v0  }
0x15d: {  	[tilespmem:$0x15E8] =	vst v0  }
0x15e: {  	[tilespmem:$0x15F8] =	vst v0  }
0x15f: {  	[tilespmem:$0x1608] =	vst v0  }
0x160: {  	[tilespmem:$0x1618] =	vst v0  }
0x161: {  	[tilespmem:$0x1628] =	vst v0  }
0x162: {  	[tilespmem:$0x1638] =	vst v0  }
0x163: {  	[tilespmem:$0x1648] =	vst v0  }
0x164: {  	[tilespmem:$0x1658] =	vst v0  }
0x165: {  	[tilespmem:$0x1668] =	vst v0  }
0x166: {  	[tilespmem:$0x1678] =	vst v0  }
0x167: {  	[tilespmem:$0x1688] =	vst v0  }
0x168: {  	[tilespmem:$0x1698] =	vst v0  }
0x169: {  	[tilespmem:$0x16A8] =	vst v0  }
0x16a: {  	[tilespmem:$0x16B8] =	vst v0  }
0x16b: {  	[tilespmem:$0x16C8] =	vst v0  }
0x16c: {  	[tilespmem:$0x16D8] =	vst v0  }
0x16d: {  	[tilespmem:$0x16E8] =	vst v0  }
0x16e: {  	[tilespmem:$0x16F8] =	vst v0  }
0x16f: {  	[tilespmem:$0x1708] =	vst v0  }
0x170: {  	[tilespmem:$0x1718] =	vst v0  }
0x171: {  	[tilespmem:$0x1728] =	vst v0  }
0x172: {  	[tilespmem:$0x1738] =	vst v0  }
0x173: {  	[tilespmem:$0x1748] =	vst v0  }
0x174: {  	[tilespmem:$0x1758] =	vst v0  }
0x175: {  	[tilespmem:$0x1768] =	vst v0  }
0x176: {  	[tilespmem:$0x1778] =	vst v0  }
0x177: {  	[tilespmem:$0x1788] =	vst v0  }
0x178: {  	[tilespmem:$0x1798] =	vst v0  }
0x179: {  	[tilespmem:$0x17A8] =	vst v0  }
0x17a: {  	[tilespmem:$0x17B8] =	vst v0  }
0x17b: {  	[tilespmem:$0x17C8] =	vst v0  }
0x17c: {  	[tilespmem:$0x17D8] =	vst v0  }
0x17d: {  	[tilespmem:$0x17E8] =	vst v0  }
0x17e: {  	[tilespmem:$0x17F8] =	vst v0  }
0x17f: {  	[tilespmem:$0x1808] =	vst v0  }
0x180: {  	[tilespmem:$0x1818] =	vst v0  }
0x181: {  	[tilespmem:$0x1828] =	vst v0  }
0x182: {  	[tilespmem:$0x1838] =	vst v0  }
0x183: {  	[tilespmem:$0x1848] =	vst v0  }
0x184: {  	[tilespmem:$0x1858] =	vst v0  }
0x185: {  	[tilespmem:$0x1868] =	vst v0  }
0x186: {  	[tilespmem:$0x1878] =	vst v0  }
0x187: {  	[tilespmem:$0x1888] =	vst v0  }
0x188: {  	[tilespmem:$0x1898] =	vst v0  }
0x189: {  	[tilespmem:$0x18A8] =	vst v0  }
0x18a: {  	[tilespmem:$0x18B8] =	vst v0  }
0x18b: {  	[tilespmem:$0x18C8] =	vst v0  }
0x18c: {  	[tilespmem:$0x18D8] =	vst v0  }
0x18d: {  	[tilespmem:$0x18E8] =	vst v0  }
0x18e: {  	[tilespmem:$0x18F8] =	vst v0  }
0x18f: {  	[tilespmem:$0x1908] =	vst v0  }
0x190: {  	[tilespmem:$0x1918] =	vst v0  }
0x191: {  	[tilespmem:$0x1928] =	vst v0  }
0x192: {  	[tilespmem:$0x1938] =	vst v0  }
0x193: {  	[tilespmem:$0x1948] =	vst v0  }
0x194: {  	[tilespmem:$0x1958] =	vst v0  }
0x195: {  	[tilespmem:$0x1968] =	vst v0  }
0x196: {  	[tilespmem:$0x1978] =	vst v0  }
0x197: {  	[tilespmem:$0x1988] =	vst v0  }
0x198: {  	[tilespmem:$0x1998] =	vst v0  }
0x199: {  	[tilespmem:$0x19A8] =	vst v0  }
0x19a: {  	[tilespmem:$0x19B8] =	vst v0  }
0x19b: {  	[tilespmem:$0x19C8] =	vst v0  }
0x19c: {  	[tilespmem:$0x19D8] =	vst v0  }
0x19d: {  	[tilespmem:$0x19E8] =	vst v0  }
0x19e: {  	[tilespmem:$0x19F8] =	vst v0  }
0x19f: {  	[tilespmem:$0x1A08] =	vst v0  }
0x1a0: {  	[tilespmem:$0x1A18] =	vst v0  }
0x1a1: {  	[tilespmem:$0x1A28] =	vst v0  }
0x1a2: {  	[tilespmem:$0x1A38] =	vst v0  }
0x1a3: {  	[tilespmem:$0x1A48] =	vst v0  }
0x1a4: {  	[tilespmem:$0x1A58] =	vst v0  }
0x1a5: {  	[tilespmem:$0x1A68] =	vst v0  }
0x1a6: {  	[tilespmem:$0x1A78] =	vst v0  }
0x1a7: {  	[tilespmem:$0x1A88] =	vst v0  }
0x1a8: {  	[tilespmem:$0x1A98] =	vst v0  }
0x1a9: {  	[tilespmem:$0x1AA8] =	vst v0  }
0x1aa: {  	[tilespmem:$0x1AB8] =	vst v0  }
0x1ab: {  	[tilespmem:$0x1AC8] =	vst v0  }
0x1ac: {  	[tilespmem:$0x1AD8] =	vst v0  }
0x1ad: {  	[tilespmem:$0x1AE8] =	vst v0  }
0x1ae: {  	[tilespmem:$0x1AF8] =	vst v0  }
0x1af: {  	[tilespmem:$0x1B08] =	vst v0  }
0x1b0: {  	[tilespmem:$0x1B18] =	vst v0  }
0x1b1: {  	[tilespmem:$0x1B28] =	vst v0  }
0x1b2: {  	[tilespmem:$0x1B38] =	vst v0  }
0x1b3: {  	[tilespmem:$0x1B48] =	vst v0  }
0x1b4: {  	[tilespmem:$0x1B58] =	vst v0  }
0x1b5: {  	[tilespmem:$0x1B68] =	vst v0  }
0x1b6: {  	[tilespmem:$0x1B78] =	vst v0  }
0x1b7: {  	[tilespmem:$0x1B88] =	vst v0  }
0x1b8: {  	[tilespmem:$0x1B98] =	vst v0  }
0x1b9: {  	[tilespmem:$0x1BA8] =	vst v0  }
0x1ba: {  	[tilespmem:$0x1BB8] =	vst v0  }
0x1bb: {  	[tilespmem:$0x1BC8] =	vst v0  }
0x1bc: {  	[tilespmem:$0x1BD8] =	vst v0  }
0x1bd: {  	[tilespmem:$0x1BE8] =	vst v0  }
0x1be: {  	[tilespmem:$0x1BF8] =	vst v0  }
0x1bf: {  	[tilespmem:$0x1C08] =	vst v0  }
0x1c0: {  	[tilespmem:$0x1C18] =	vst v0  }
0x1c1: {  	[tilespmem:$0x1C28] =	vst v0  }
0x1c2: {  	[tilespmem:$0x1C38] =	vst v0  }
0x1c3: {  	[tilespmem:$0x1C48] =	vst v0  }
0x1c4: {  	[tilespmem:$0x1C58] =	vst v0  }
0x1c5: {  	[tilespmem:$0x1C68] =	vst v0  }
0x1c6: {  	[tilespmem:$0x1C78] =	vst v0  }
0x1c7: {  	[tilespmem:$0x1C88] =	vst v0  }
0x1c8: {  	[tilespmem:$0x1C98] =	vst v0  }
0x1c9: {  	[tilespmem:$0x1CA8] =	vst v0  }
0x1ca: {  	[tilespmem:$0x1CB8] =	vst v0  }
0x1cb: {  	[tilespmem:$0x1CC8] =	vst v0  }
0x1cc: {  	[tilespmem:$0x1CD8] =	vst v0  }
0x1cd: {  	[tilespmem:$0x1CE8] =	vst v0  }
0x1ce: {  	[tilespmem:$0x1CF8] =	vst v0  }
0x1cf: {  	[tilespmem:$0x1D08] =	vst v0  }
0x1d0: {  	[tilespmem:$0x1D18] =	vst v0  }
0x1d1: {  	[tilespmem:$0x1D28] =	vst v0  }
0x1d2: {  	[tilespmem:$0x1D38] =	vst v0  }
0x1d3: {  	[tilespmem:$0x1D48] =	vst v0  }
0x1d4: {  	[tilespmem:$0x1D58] =	vst v0  }
0x1d5: {  	[tilespmem:$0x1D68] =	vst v0  }
0x1d6: {  	[tilespmem:$0x1D78] =	vst v0  }
0x1d7: {  	[tilespmem:$0x1D88] =	vst v0  }
0x1d8: {  	[tilespmem:$0x1D98] =	vst v0  }
0x1d9: {  	[tilespmem:$0x1DA8] =	vst v0  }
0x1da: {  	[tilespmem:$0x1DB8] =	vst v0  }
0x1db: {  	[tilespmem:$0x1DC8] =	vst v0  }
0x1dc: {  	[tilespmem:$0x1DD8] =	vst v0  }
0x1dd: {  	[tilespmem:$0x1DE8] =	vst v0  }
0x1de: {  	[tilespmem:$0x1DF8] =	vst v0  }
0x1df: {  	[tilespmem:$0x1E08] =	vst v0  }
0x1e0: {  	[tilespmem:$0x1E18] =	vst v0  }
0x1e1: {  	[tilespmem:$0x1E28] =	vst v0  }
0x1e2: {  	[tilespmem:$0x1E38] =	vst v0  }
0x1e3: {  	[tilespmem:$0x1E48] =	vst v0  }
0x1e4: {  	[tilespmem:$0x1E58] =	vst v0  }
0x1e5: {  	[tilespmem:$0x1E68] =	vst v0  }
0x1e6: {  	[tilespmem:$0x1E78] =	vst v0  }
0x1e7: {  	[tilespmem:$0x1E88] =	vst v0  }
0x1e8: {  	[tilespmem:$0x1E98] =	vst v0  }
0x1e9: {  	[tilespmem:$0x1EA8] =	vst v0  }
0x1ea: {  	[tilespmem:$0x1EB8] =	vst v0  }
0x1eb: {  	[tilespmem:$0x1EC8] =	vst v0  }
0x1ec: {  	[tilespmem:$0x1ED8] =	vst v0  }
0x1ed: {  	[tilespmem:$0x1EE8] =	vst v0  }
0x1ee: {  	[tilespmem:$0x1EF8] =	vst v0  }
0x1ef: {  	[tilespmem:$0x1F08] =	vst v0  }
0x1f0: {  	[tilespmem:$0x1F18] =	vst v0  }
0x1f1: {  	[tilespmem:$0x1F28] =	vst v0  }
0x1f2: {  	[tilespmem:$0x1F38] =	vst v0  }
0x1f3: {  	[tilespmem:$0x1F48] =	vst v0  }
0x1f4: {  	[tilespmem:$0x1F58] =	vst v0  }
0x1f5: {  	[tilespmem:$0x1F68] =	vst v0  }
0x1f6: {  	[tilespmem:$0x1F78] =	vst v0  }
0x1f7: {  	[tilespmem:$0x1F88] =	vst v0  }
0x1f8: {  	[tilespmem:$0x1F98] =	vst v0  }
0x1f9: {  	[tilespmem:$0x1FA8] =	vst v0  }
0x1fa: {  	[tilespmem:$0x1FB8] =	vst v0  }
0x1fb: {  	[tilespmem:$0x1FC8] =	vst v0  }
0x1fc: {  	[tilespmem:$0x1FD8] =	vst v0  }
0x1fd: {  	[tilespmem:$0x1FE8] =	vst v0  }
0x1fe: {  	[tilespmem:$0x1FF8] =	vst v0  }
0x1ff: {  	[tilespmem:$0x2008] =	vst v0  }
0x200: {  	[tilespmem:$0x2018] =	vst v0  }
0x201: {  	[tilespmem:$0x2028] =	vst v0  }
0x202: {  	[tilespmem:$0x2038] =	vst v0  }
0x203: {  	[tilespmem:$0x2048] =	vst v0  }
0x204: {  	[tilespmem:$0x2058] =	vst v0  }
0x205: {  	[tilespmem:$0x2068] =	vst v0  }
0x206: {  	[tilespmem:$0x2078] =	vst v0  }
0x207: {  	[tilespmem:$0x2088] =	vst v0  }
0x208: {  	[tilespmem:$0x2098] =	vst v0  }
0x209: {  	[tilespmem:$0x20A8] =	vst v0  }
0x20a: {  	[tilespmem:$0x20B8] =	vst v0  }
0x20b: {  	[tilespmem:$0x20C8] =	vst v0  }
0x20c: {  	[tilespmem:$0x20D8] =	vst v0  }
0x20d: {  	[tilespmem:$0x20E8] =	vst v0  }
0x20e: {  	[tilespmem:$0x20F8] =	vst v0  }
0x20f: {  	[tilespmem:$0x2108] =	vst v0  }
0x210: {  	[tilespmem:$0x2118] =	vst v0  }
0x211: {  	[tilespmem:$0x2128] =	vst v0  }
0x212: {  	[tilespmem:$0x2138] =	vst v0  }
0x213: {  	[tilespmem:$0x2148] =	vst v0  }
0x214: {  	[tilespmem:$0x2158] =	vst v0  }
0x215: {  	[tilespmem:$0x2168] =	vst v0  }
0x216: {  	[tilespmem:$0x2188] =	vst v0  }
0x217: {  	[tilespmem:$0x2248] =	vst v0  }
0x218: {  	[tilespmem:$0x3058] =	vst v0  }
0x219: {  	[tilespmem:$0x3048] =	vst v0  }
0x21a: {  	[tilespmem:$0x3038] =	vst v0  }
0x21b: {  	[tilespmem:$0x3028] =	vst v0  }
0x21c: {  	[tilespmem:$0x3018] =	vst v0  }
0x21d: {  	[tilespmem:$0x3008] =	vst v0  }
0x21e: {  	[tilespmem:$0x2FF8] =	vst v0  }
0x21f: {  	[tilespmem:$0x2FE8] =	vst v0  }
0x220: {  	[tilespmem:$0x2FD8] =	vst v0  }
0x221: {  	[tilespmem:$0x2FC8] =	vst v0  }
0x222: {  	[tilespmem:$0x2FB8] =	vst v0  }
0x223: {  	[tilespmem:$0x2FA8] =	vst v0  }
0x224: {  	[tilespmem:$0x2F98] =	vst v0  }
0x225: {  	[tilespmem:$0x2F88] =	vst v0  }
0x226: {  	[tilespmem:$0x2F78] =	vst v0  }
0x227: {  	[tilespmem:$0x2F68] =	vst v0  }
0x228: {  	[tilespmem:$0x2F58] =	vst v0  }
0x229: {  	[tilespmem:$0x2F48] =	vst v0  }
0x22a: {  	[tilespmem:$0x2F38] =	vst v0  }
0x22b: {  	[tilespmem:$0x2F28] =	vst v0  }
0x22c: {  	[tilespmem:$0x2F18] =	vst v0  }
0x22d: {  	[tilespmem:$0x2F08] =	vst v0  }
0x22e: {  	[tilespmem:$0x2EF8] =	vst v0  }
0x22f: {  	[tilespmem:$0x2EE8] =	vst v0  }
0x230: {  	[tilespmem:$0x2ED8] =	vst v0  }
0x231: {  	[tilespmem:$0x2EC8] =	vst v0  }
0x232: {  	[tilespmem:$0x2EB8] =	vst v0  }
0x233: {  	[tilespmem:$0x2EA8] =	vst v0  }
0x234: {  	[tilespmem:$0x2E98] =	vst v0  }
0x235: {  	[tilespmem:$0x2E88] =	vst v0  }
0x236: {  	[tilespmem:$0x2E78] =	vst v0  }
0x237: {  	[tilespmem:$0x2E68] =	vst v0  }
0x238: {  	[tilespmem:$0x2E58] =	vst v0  }
0x239: {  	[tilespmem:$0x2E48] =	vst v0  }
0x23a: {  	[tilespmem:$0x2E38] =	vst v0  }
0x23b: {  	[tilespmem:$0x2E28] =	vst v0  }
0x23c: {  	[tilespmem:$0x2E18] =	vst v0  }
0x23d: {  	[tilespmem:$0x2E08] =	vst v0  }
0x23e: {  	[tilespmem:$0x2DF8] =	vst v0  }
0x23f: {  	[tilespmem:$0x2DE8] =	vst v0  }
0x240: {  	[tilespmem:$0x2DD8] =	vst v0  }
0x241: {  	[tilespmem:$0x2DC8] =	vst v0  }
0x242: {  	[tilespmem:$0x2DB8] =	vst v0  }
0x243: {  	[tilespmem:$0x2DA8] =	vst v0  }
0x244: {  	[tilespmem:$0x2D98] =	vst v0  }
0x245: {  	[tilespmem:$0x2D88] =	vst v0  }
0x246: {  	[tilespmem:$0x2D78] =	vst v0  }
0x247: {  	[tilespmem:$0x2D68] =	vst v0  }
0x248: {  	[tilespmem:$0x2D58] =	vst v0  }
0x249: {  	[tilespmem:$0x2D48] =	vst v0  }
0x24a: {  	[tilespmem:$0x2D38] =	vst v0  }
0x24b: {  	[tilespmem:$0x2D28] =	vst v0  }
0x24c: {  	[tilespmem:$0x2D18] =	vst v0  }
0x24d: {  	[tilespmem:$0x2D08] =	vst v0  }
0x24e: {  	[tilespmem:$0x2CF8] =	vst v0  }
0x24f: {  	[tilespmem:$0x2CE8] =	vst v0  }
0x250: {  	[tilespmem:$0x2CD8] =	vst v0  }
0x251: {  	[tilespmem:$0x2CC8] =	vst v0  }
0x252: {  	[tilespmem:$0x2CB8] =	vst v0  }
0x253: {  	[tilespmem:$0x2CA8] =	vst v0  }
0x254: {  	[tilespmem:$0x2C98] =	vst v0  }
0x255: {  	[tilespmem:$0x2C88] =	vst v0  }
0x256: {  	[tilespmem:$0x2C78] =	vst v0  }
0x257: {  	[tilespmem:$0x2C68] =	vst v0  }
0x258: {  	[tilespmem:$0x2C58] =	vst v0  }
0x259: {  	[tilespmem:$0x2C48] =	vst v0  }
0x25a: {  	[tilespmem:$0x2C38] =	vst v0  }
0x25b: {  	[tilespmem:$0x2C28] =	vst v0  }
0x25c: {  	[tilespmem:$0x2C18] =	vst v0  }
0x25d: {  	[tilespmem:$0x2C08] =	vst v0  }
0x25e: {  	[tilespmem:$0x2BF8] =	vst v0  }
0x25f: {  	[tilespmem:$0x2BE8] =	vst v0  }
0x260: {  	[tilespmem:$0x2BD8] =	vst v0  }
0x261: {  	[tilespmem:$0x2BC8] =	vst v0  }
0x262: {  	[tilespmem:$0x2BB8] =	vst v0  }
0x263: {  	[tilespmem:$0x2BA8] =	vst v0  }
0x264: {  	[tilespmem:$0x2B98] =	vst v0  }
0x265: {  	[tilespmem:$0x2B88] =	vst v0  }
0x266: {  	[tilespmem:$0x2B78] =	vst v0  }
0x267: {  	[tilespmem:$0x2B68] =	vst v0  }
0x268: {  	[tilespmem:$0x2B58] =	vst v0  }
0x269: {  	[tilespmem:$0x2B48] =	vst v0  }
0x26a: {  	[tilespmem:$0x2B38] =	vst v0  }
0x26b: {  	[tilespmem:$0x2B28] =	vst v0  }
0x26c: {  	[tilespmem:$0x2B18] =	vst v0  }
0x26d: {  	[tilespmem:$0x2B08] =	vst v0  }
0x26e: {  	[tilespmem:$0x2AF8] =	vst v0  }
0x26f: {  	[tilespmem:$0x2AE8] =	vst v0  }
0x270: {  	[tilespmem:$0x2AD8] =	vst v0  }
0x271: {  	[tilespmem:$0x2AC8] =	vst v0  }
0x272: {  	[tilespmem:$0x2AB8] =	vst v0  }
0x273: {  	[tilespmem:$0x2AA8] =	vst v0  }
0x274: {  	[tilespmem:$0x2A98] =	vst v0  }
0x275: {  	[tilespmem:$0x2A88] =	vst v0  }
0x276: {  	[tilespmem:$0x2A78] =	vst v0  }
0x277: {  	[tilespmem:$0x2A68] =	vst v0  }
0x278: {  	[tilespmem:$0x2A58] =	vst v0  }
0x279: {  	[tilespmem:$0x2A48] =	vst v0  }
0x27a: {  	[tilespmem:$0x2A38] =	vst v0  }
0x27b: {  	[tilespmem:$0x2A28] =	vst v0  }
0x27c: {  	[tilespmem:$0x2A18] =	vst v0  }
0x27d: {  	[tilespmem:$0x2A08] =	vst v0  }
0x27e: {  	[tilespmem:$0x29F8] =	vst v0  }
0x27f: {  	[tilespmem:$0x29E8] =	vst v0  }
0x280: {  	[tilespmem:$0x29D8] =	vst v0  }
0x281: {  	[tilespmem:$0x29C8] =	vst v0  }
0x282: {  	[tilespmem:$0x29B8] =	vst v0  }
0x283: {  	[tilespmem:$0x29A8] =	vst v0  }
0x284: {  	[tilespmem:$0x2998] =	vst v0  }
0x285: {  	[tilespmem:$0x2988] =	vst v0  }
0x286: {  	[tilespmem:$0x2978] =	vst v0  }
0x287: {  	[tilespmem:$0x2968] =	vst v0  }
0x288: {  	[tilespmem:$0x2958] =	vst v0  }
0x289: {  	[tilespmem:$0x2948] =	vst v0  }
0x28a: {  	[tilespmem:$0x2938] =	vst v0  }
0x28b: {  	[tilespmem:$0x2928] =	vst v0  }
0x28c: {  	[tilespmem:$0x2918] =	vst v0  }
0x28d: {  	[tilespmem:$0x2908] =	vst v0  }
0x28e: {  	[tilespmem:$0x28F8] =	vst v0  }
0x28f: {  	[tilespmem:$0x28E8] =	vst v0  }
0x290: {  	[tilespmem:$0x28D8] =	vst v0  }
0x291: {  	[tilespmem:$0x28C8] =	vst v0  }
0x292: {  	[tilespmem:$0x28B8] =	vst v0  }
0x293: {  	[tilespmem:$0x28A8] =	vst v0  }
0x294: {  	[tilespmem:$0x2898] =	vst v0  }
0x295: {  	[tilespmem:$0x2888] =	vst v0  }
0x296: {  	[tilespmem:$0x2878] =	vst v0  }
0x297: {  	[tilespmem:$0x2868] =	vst v0  }
0x298: {  	[tilespmem:$0x2858] =	vst v0  }
0x299: {  	[tilespmem:$0x2848] =	vst v0  }
0x29a: {  	[tilespmem:$0x2838] =	vst v0  }
0x29b: {  	[tilespmem:$0x2828] =	vst v0  }
0x29c: {  	[tilespmem:$0x2818] =	vst v0  }
0x29d: {  	[tilespmem:$0x2808] =	vst v0  }
0x29e: {  	[tilespmem:$0x27F8] =	vst v0  }
0x29f: {  	[tilespmem:$0x27E8] =	vst v0  }
0x2a0: {  	[tilespmem:$0x27D8] =	vst v0  }
0x2a1: {  	[tilespmem:$0x27C8] =	vst v0  }
0x2a2: {  	[tilespmem:$0x27B8] =	vst v0  }
0x2a3: {  	[tilespmem:$0x27A8] =	vst v0  }
0x2a4: {  	[tilespmem:$0x2798] =	vst v0  }
0x2a5: {  	[tilespmem:$0x2788] =	vst v0  }
0x2a6: {  	[tilespmem:$0x2778] =	vst v0  }
0x2a7: {  	[tilespmem:$0x2768] =	vst v0  }
0x2a8: {  	[tilespmem:$0x2758] =	vst v0  }
0x2a9: {  	[tilespmem:$0x2748] =	vst v0  }
0x2aa: {  	[tilespmem:$0x2738] =	vst v0  }
0x2ab: {  	[tilespmem:$0x2728] =	vst v0  }
0x2ac: {  	[tilespmem:$0x2718] =	vst v0  }
0x2ad: {  	[tilespmem:$0x2708] =	vst v0  }
0x2ae: {  	[tilespmem:$0x26F8] =	vst v0  }
0x2af: {  	[tilespmem:$0x26E8] =	vst v0  }
0x2b0: {  	[tilespmem:$0x26D8] =	vst v0  }
0x2b1: {  	[tilespmem:$0x26C8] =	vst v0  }
0x2b2: {  	[tilespmem:$0x26B8] =	vst v0  }
0x2b3: {  	[tilespmem:$0x26A8] =	vst v0  }
0x2b4: {  	[tilespmem:$0x2698] =	vst v0  }
0x2b5: {  	[tilespmem:$0x2688] =	vst v0  }
0x2b6: {  	[tilespmem:$0x2678] =	vst v0  }
0x2b7: {  	[tilespmem:$0x2668] =	vst v0  }
0x2b8: {  	[tilespmem:$0x2658] =	vst v0  }
0x2b9: {  	[tilespmem:$0x2648] =	vst v0  }
0x2ba: {  	[tilespmem:$0x2638] =	vst v0  }
0x2bb: {  	[tilespmem:$0x2628] =	vst v0  }
0x2bc: {  	[tilespmem:$0x2618] =	vst v0  }
0x2bd: {  	[tilespmem:$0x2608] =	vst v0  }
0x2be: {  	[tilespmem:$0x25F8] =	vst v0  }
0x2bf: {  	[tilespmem:$0x25E8] =	vst v0  }
0x2c0: {  	[tilespmem:$0x25D8] =	vst v0  }
0x2c1: {  	[tilespmem:$0x25C8] =	vst v0  }
0x2c2: {  	[tilespmem:$0x25B8] =	vst v0  }
0x2c3: {  	[tilespmem:$0x25A8] =	vst v0  }
0x2c4: {  	[tilespmem:$0x2598] =	vst v0  }
0x2c5: {  	[tilespmem:$0x2588] =	vst v0  }
0x2c6: {  	[tilespmem:$0x2578] =	vst v0  }
0x2c7: {  	[tilespmem:$0x2568] =	vst v0  }
0x2c8: {  	[tilespmem:$0x2558] =	vst v0  }
0x2c9: {  	[tilespmem:$0x2548] =	vst v0  }
0x2ca: {  	[tilespmem:$0x2538] =	vst v0  }
0x2cb: {  	[tilespmem:$0x2528] =	vst v0  }
0x2cc: {  	[tilespmem:$0x2518] =	vst v0  }
0x2cd: {  	[tilespmem:$0x2508] =	vst v0  }
0x2ce: {  	[tilespmem:$0x24F8] =	vst v0  }
0x2cf: {  	[tilespmem:$0x24E8] =	vst v0  }
0x2d0: {  	[tilespmem:$0x24D8] =	vst v0  }
0x2d1: {  	[tilespmem:$0x24C8] =	vst v0  }
0x2d2: {  	[tilespmem:$0x24B8] =	vst v0  }
0x2d3: {  	[tilespmem:$0x24A8] =	vst v0  }
0x2d4: {  	[tilespmem:$0x2498] =	vst v0  }
0x2d5: {  	[tilespmem:$0x2488] =	vst v0  }
0x2d6: {  	[tilespmem:$0x2478] =	vst v0  }
0x2d7: {  	[tilespmem:$0x2468] =	vst v0  }
0x2d8: {  	[tilespmem:$0x2458] =	vst v0  }
0x2d9: {  	[tilespmem:$0x2448] =	vst v0  }
0x2da: {  	[tilespmem:$0x2438] =	vst v0  }
0x2db: {  	[tilespmem:$0x2428] =	vst v0  }
0x2dc: {  	[tilespmem:$0x2418] =	vst v0  }
0x2dd: {  	[tilespmem:$0x2408] =	vst v0  }
0x2de: {  	[tilespmem:$0x23F8] =	vst v0  }
0x2df: {  	[tilespmem:$0x23E8] =	vst v0  }
0x2e0: {  	[tilespmem:$0x23D8] =	vst v0  }
0x2e1: {  	[tilespmem:$0x23C8] =	vst v0  }
0x2e2: {  	[tilespmem:$0x23B8] =	vst v0  }
0x2e3: {  	[tilespmem:$0x23A8] =	vst v0  }
0x2e4: {  	[tilespmem:$0x2398] =	vst v0  }
0x2e5: {  	[tilespmem:$0x2388] =	vst v0  }
0x2e6: {  	[tilespmem:$0x2378] =	vst v0  }
0x2e7: {  	[tilespmem:$0x2368] =	vst v0  }
0x2e8: {  	[tilespmem:$0x2358] =	vst v0  }
0x2e9: {  	[tilespmem:$0x2348] =	vst v0  }
0x2ea: {  	[tilespmem:$0x2338] =	vst v0  }
0x2eb: {  	[tilespmem:$0x2328] =	vst v0  }
0x2ec: {  	[tilespmem:$0x2318] =	vst v0  }
0x2ed: {  	[tilespmem:$0x2308] =	vst v0  }
0x2ee: {  	[tilespmem:$0x22F8] =	vst v0  }
0x2ef: {  	[tilespmem:$0x22E8] =	vst v0  }
0x2f0: {  	[tilespmem:$0x22D8] =	vst v0  }
0x2f1: {  	[tilespmem:$0x22C8] =	vst v0  }
0x2f2: {  	[tilespmem:$0x22B8] =	vst v0  }
0x2f3: {  	[tilespmem:$0x22A8] =	vst v0  }
0x2f4: {  	[tilespmem:$0x2298] =	vst v0  }
0x2f5: {  	[tilespmem:$0x2288] =	vst v0  }
0x2f6: {  	[tilespmem:$0x2278] =	vst v0  }
0x2f7: {  	s4 =	stileid.u32;
	[tilespmem:$0x2268] =	vst v0  }
0x2f8: {  	s0 =	smul.u32 $0x208, s4;
	[tilespmem:$0x2258] =	vst v0  }
0x2f9: {  	s1 =	smin.u32 s4, $0xC;
	[tilespmem:$0x2228] =	vst v0  }
0x2fa: {  	[tilespmem:$0x2238] =	vst v0;
	s0 =	sadd.s32 s1, s0  }
0x2fb: {  	p0 =	slt.u32 s4, $0xC;
	[tilespmem:$0x2218] =	vst v0;
	s1 =	simm.s32 $0x30D80;
	s5 =	smul.u32 $0x180, s0  }
0x2fc: {  	s1 =	simm.s32 @!p0 $0x30C00;
	[tilespmem:$0x21A8] =	vst v0  }
0x2fd: {  	[tilespmem:$0x2208] =	vst v0;
	s0 =	sadd.s32 s1, s5  }
0x2fe: {  	[tilespmem:$0x21F8] =	vst v0;
	s6 =	smin.u32 s0, $0x30D1F7  }
0x2ff: {  	[tilespmem:$0x21E8] =	vst v0;
	s0 =	ssub.s32 s6, s5  }
0x300: {  	s7 =	simm.s32 $0x2;
	[tilespmem:$0x21D8] =	vst v0;
	p0 =	sgt.s32 s0, $0x0  }
0x301: {  	s10 =	simm.s32 $0x7;
	s13 =	simm.s32 $0x8;
	[tilespmem:$0x21C8] =	vst v0;
	s0 =	simm.s32 @!p0 $0x0  }
0x302: {  	p4 =	por $0x0, $0x0;
	s14 =	simm.s32 $0xA;
	[tilespmem:$0x21B8] =	vst v0;
	s8 =	smulhi.u32 $0x2AAAAAAB, s0  }
0x303: {  	s18 =	simm.s32 $0x0;
	s15 =	simm.s32 $0x0;
	s17 =	simm.s32 $0x0;
	[tilespmem:$0x2198] =	vst v0  }
0x304: {  	s9 =	sadd.s32 $0x3D3A00, s3;
	[tilespmem:$0x2178] =	vst v0;
	[sflag:s7] =	ssyncpa.u1 $0x0;
	v0 =	vimm.s32 $0xFFFFFFFF;
	s12 =	sshrl.u32 s8, $0x6  }
0x305: {  	s31 =	sshll.u32 s4, $0x6;
	[tilespmem:$0x6088] =	vst v0;
	[sflag:s10] =	ssyncpa.u1 $0x0;
	s11 =	smul.u32 $0x180, s12  }
.Ltmp0:
0x306: {  	[dreg:$0x2] =	wrdreg s31;
	[sflag:s13] =	ssyncpa.u1 $0x0;
	(pc) =	sbr.rel .LBB2_1-.Ltmp0, $4  }
0x307: {  	s13 =	simm.s32 $0x0;
	s1 =	sadd.s32 $0x24D000, s3;
	p0 =	sne.s32 s0, s11  }
0x308: {  	s16 =	smov.u32 s5;
	s8 =	sadd.s32 $0x189800, s3;
	s2 =	simm.s32 @!p0 $0x0  }
0x309: {  	s3 =	sadd.s32 $0x1EB400, s3;
	s11 =	simm.s32 $0x9;
	s2 =	sadd.s32 s2, s12  }
0x30a: {  	v0 =	vlaneseq.u32;
	[sflag:s11] =	ssyncpa.u1 $0x0;
	p0 =	por $0x1, $0x1;
	s12 =	sadd.s32 $0x1, s2  }
.LBB2_18:
0x30b: {  	s0 =	simm.s32 $0x2  }
0x30c: {  	_ =	swait.ge [sflag:s0], $0x0  }
0x30d: {  	[sflag:s0] =	ssyncset.done $0x0;
	s0 =	simm.s32 $0x0  }
.LBB2_19:
0x30e: {  	_ =	swait.ge [sflag:s14], s0  }
0x30f: {  	s31 =	ssub.s32 $0x0, s0;
	v1 =	vmov s20;
	vm0 =	veq.s32 v0, $0x0;
	[sflag:s14] =	ssyncset.done $0x0  }
0x310: {  	vm15 =	veq.s32 v0, $0x2;
	v1 =	vsel vm0, s24, v1;
	[sflag:s14] =	ssyncadd.s32 s31  }
0x311: {  	v1 =	vsel vm15, s18, v1;
	[sflag:s14] =	ssyncpa.u1 $0x1  }
0x312: {  	[tilespmem:$0x6088] =	vst v1  }
.LBB2_20:
0x313: {  	s0 =	sadd.s32 $0x180, s16  }
0x314: {  	s4 =	smov.u32 s5;
	p1 =	slt.s32 s0, s6  }
0x315: {  	s4 =	smov.u32 @p1 s0;
	p1 =	sne.s32 s17, s12  }
.Ltmp1:
0x316: {  	_ = 	snop;
	(pc) =	sbr.rel @!p1 .LBB2_21-.Ltmp1, $4  }
0x317: {  	_ = 	snop  }
0x318: {  	s18 =	smov.u32 s15  }
0x319: {  	s31 =	sadd.s32 $0x1, s17;
	s15 =	smov.u32 s16;
	p0 =	por !p0, !p0  }
0x31a: {  	p4 =	por !p4, !p4;
	s17 =	smov.u32 s31;
	s16 =	smov.u32 s4  }
.LBB2_1:
0x31b: {  	p2 =	sge.u32 s17, s2  }
0x31c: {  	s0 =	smulhi.u32 @!p2 $0xAAAAAAAB, s17  }
0x31d: {  	s19 =	smov.u32 s16;
	p3 =	sgt.s32 @!p2 s16, $0x30D077  }
0x31e: {  	s20 =	sshra.s32 @!p2 s16, $0x1F;
	p3 =	por !p3, p2;
	s0 =	sshrl.u32 @!p2 s0, $0x1  }
0x31f: {  	s20 =	sand.u32 @!p2 s20, s16;
	s19 =	simm.s32 @p3 $0x30D077;
	s0 =	smul.u32 @!p2 $0x3, s0  }
0x320: {  	s19 =	ssub.s32 @!p2 s19, s20  }
0x321: {  	s19 =	sadd.s32 @!p2 $0xFFCF2F89, s19;
	s0 =	ssub.s32 @!p2 s17, s0  }
0x322: {  	s20 =	sshll.u32 @!p2 s19, $0x2;
	p3 =	sgt.s32 @!p2 s19, $0x17F;
	s0 =	smul.u32 @!p2 $0x600, s0  }
0x323: {  	s21 =	sand.u32 @!p2 $0x7, s16;
	s19 =	ssub.s32 @!p2 $0x600, s20;
	p3 =	por !p3, p2  }
0x324: {  	s20 =	sshrl.u32 @!p2 s16, $0x3;
	s19 =	sshrl.u32 @!p2 s19, $0x2;
	s0 =	sshrl.u32 @!p2 s0, $0x2  }
0x325: {  	s20 =	sadd.s32 @!p2 s3, s20;
	s19 =	simm.s32 @!p3 $0x0;
	s0 =	sadd.s32 @!p2 $0x64B8, s0  }
0x326: {  	[tilespmem:s0], [sflag:$0x8] =	stream.linear.gather @!p2 [hbm4b:s20+s21], s19, $0x38;
	[tilespmem:$0x1EC38] =	vst v63  }
0x327: {  	s20 =	sadd.s32 $0xFFFFFFFF, s17  }
0x328: {  	p2 =	sge.u32 s20, s2  }
0x329: {  	p3 =	sgt.s32 @!p2 s15, $0x30D077  }
0x32a: {  	s0 =	smov.u32 s15;
	s19 =	sshra.s32 @!p2 s15, $0x1F;
	p3 =	por !p3, p2  }
0x32b: {  	s19 =	sand.u32 @!p2 s19, s15;
	s0 =	simm.s32 @p3 $0x30D077  }
0x32c: {  	s0 =	ssub.s32 @!p2 s0, s19  }
0x32d: {  	s0 =	sadd.s32 @!p2 $0xFFCF2F89, s0  }
0x32e: {  	s19 =	sshll.u32 @!p2 s0, $0x2  }
0x32f: {  	p3 =	sgt.s32 @!p2 s0, $0x17F;
	s0 =	ssub.s32 @!p2 $0x600, s19  }
0x330: {  	p3 =	por !p3, p2;
	s0 =	sshrl.u32 @!p2 s0, $0x2  }
0x331: {  	s21 =	simm.s32 @!p2 $0x8;
	s19 =	sand.u32 @!p2 $0x1, s20;
	s0 =	simm.s32 @!p3 $0x0  }
0x332: {  	s19 =	smul.u32 @!p2 $0x600, s19;
	_ =	swait.ge @!p2 [sflag:s21], s0  }
0x333: {  	s22 =	ssub.s32 @!p2 $0x0, s0;
	[sflag:s21] =	ssyncset.done @!p2 $0x0  }
0x334: {  	s19 =	sshrl.u32 @!p2 s19, $0x2;
	[sflag:s21] =	ssyncadd.s32 @!p2 s22;
	s21 =	sshrl.u32 @!p2 s15, $0x3  }
0x335: {  	s19 =	sadd.s32 @!p2 $0x6938, s19;
	s22 =	sand.u32 @!p2 $0x7, s15;
	s21 =	sadd.s32 @!p2 s8, s21  }
0x336: {  	[tilespmem:s19], [sflag:$0x9] =	stream.linear.gather @!p2 [hbm4b:s21+s22], s0, $0x38;
	[tilespmem:$0x1EC38] =	vst v63  }
0x337: {  	s19 =	ssub.s32 @!p2 $0x30D1F7, s15  }
0x338: {  	p3 =	slt.s32 @!p2 s19, $0x1  }
0x339: {  	p3 =	por p2, p3  }
.Ltmp2:
0x33a: {  	_ = 	snop;
	(pc) =	sbr.rel @p3 .LBB2_7-.Ltmp2, $1  }
0x33b: {  	_ =	sdelay $0x3  }
0x33c: {  	s0 =	smulhi.u32 $0xAAAAAAAB, s20;
	_ =	sdelay $0x1  }
0x33d: {  	s0 =	sshrl.u32 s0, $0x1  }
0x33e: {  	s0 =	smul.u32 $0x3, s0;
	_ =	sdelay $0x1  }
0x33f: {  	s0 =	ssub.s32 s20, s0  }
0x340: {  	s21 =	simm.s32 $0x1;
	s0 =	smul.u32 $0x600, s0  }
.Ltmp3:
0x341: {  	s21 =	simm.s32 @!p0 $0x0;
	(pc) =	sbr.rel .LBB2_4-.Ltmp3, $4  }
0x342: {  	s31 =	smul.u32 $0x30000, s21  }
0x343: {  	p3 =	slt.s32 @!p2 s19, $0x180;
	s0 =	sshrl.u32 s0, $0x2  }
0x344: {  	p2 =	por !p3, p2;
	s20 =	sshrl.u32 s31, $0x2;
	s0 =	sadd.s32 $0x64B8, s0  }
0x345: {  	s19 =	simm.s32 @p2 $0x180;
	s21 =	simm.s32 $0x0;
	s20 =	sadd.s32 $0x6C38, s20;
	v1 =	vmov s0  }
.LBB2_3:
0x346: {  	p2 =	sge.s32 s21, s19  }
.Ltmp4:
0x347: {  	_ = 	snop;
	(pc) =	sbr.rel @p2 .LBB2_7-.Ltmp4, $2  }
0x348: {  	_ =	sdelay $0x2  }
0x349: {  	s20 =	sadd.s32 $0x800, s20  }
.LBB2_4:
0x34a: {  	p2 =	sle.s32 s19, s21  }
.Ltmp5:
0x34b: {  	_ = 	snop;
	(pc) =	sbr.rel @p2 .LBB2_3-.Ltmp5, $2  }
0x34c: {  	_ =	sdelay $0x2  }
0x34d: {  	s22 =	smov.u32 s21;
	s21 =	sadd.s32 $0x10, s21  }
0x34e: {  	s0 =	ssub.s32 s19, s22  }
0x34f: {  	p2 =	slt.s32 s0, $0x10  }
0x350: {  	s0 =	simm.s32 @!p2 $0x10  }
0x351: {  	v2 =	vmov s0  }
0x352: {  	vm0 =	vgt.s32 v2, v0;
	_ =	sdelay $0x5  }
0x353: {  	v2 =	vld.idx.msk [tilespmem:v1+s22+$0x0 ss:$0x1], vm0;
	_ =	sdelay $0x2  }
0x354: {  	s23 =	smov.u32 s19;
	p2 =	slt.s32 s21, s19  }
0x355: {  	s24 =	smov.u32 s20;
	s25 =	simm.s32 $0x0;
	s23 =	smov.u32 @p2 s21  }
.LBB2_6:
0x356: {  	(v2sf) =	vpush v2, s25;
	_ =	sdelay $0xc  }
0x357: {  	s25 =	sadd.s32 $0x1, s25  }
0x358: {  	s31 =	sadd.s32 s25, s22  }
0x359: {  	p2 =	slt.s32 s31, s23;
	s0 =	spop (v2sf)  }
.Ltmp6:
0x35a: {  	s0 =	sshll.u32 s0, $0x4;
	(pc) =	sbr.rel @p2 .LBB2_6-.Ltmp6, $4  }
0x35b: {  	s0 =	sand.u32 $0x1FFFFFF0, s0  }
0x35c: {  	s0 =	sadd.s32 s9, s0  }
0x35d: {  	[tilespmem:s24], [sflag:$0x7] =	stream.linear.gather [hbm4b:s0+s13], $0x14, $0x38;
	[tilespmem:$0x1EC38] =	vst v63  }
0x35e: {  	s24 =	sadd.s32 $0x80, s24  }
.Ltmp7:
0x35f: {  	_ = 	snop;
	(pc) =	sbr.rel .LBB2_3-.Ltmp7, $1  }
0x360: {  	_ =	sdelay $0x3  }
.LBB2_7:
0x361: {  	p2 =	slt.u32 s17, $0x2  }
.Ltmp8:
0x362: {  	_ = 	snop;
	(pc) =	sbr.rel @p2 .LBB2_20-.Ltmp8, $1  }
0x363: {  	_ =	sdelay $0x3  }
0x364: {  	s0 =	ssub.s32 $0x30D1F7, s18;
	p2 =	sgt.s32 s18, $0x30D077;
	s19 =	smov.u32 s18  }
0x365: {  	s20 =	sshra.s32 s18, $0x1F;
	p3 =	slt.s32 s0, $0x180;
	s21 =	smov.u32 s0  }
0x366: {  	s19 =	simm.s32 @!p2 $0x30D077;
	s20 =	sand.u32 s20, s18;
	s21 =	simm.s32 @!p3 $0x180  }
0x367: {  	s19 =	ssub.s32 s19, s20;
	s26 =	smul.u32 $0x50, s21  }
0x368: {  	s19 =	sadd.s32 $0xFFCF2F89, s19  }
0x369: {  	s28 =	sshll.u32 s19, $0x2;
	s20 =	sshrl.u32 s26, $0x2  }
0x36a: {  	p2 =	sgt.s32 s19, $0x17F;
	s29 =	ssub.s32 $0x600, s28;
	_ =	swait.ge [sflag:s10], s20  }
0x36b: {  	s20 =	ssub.s32 $0x0, s20;
	s19 =	sshrl.u32 s29, $0x2;
	[sflag:s10] =	ssyncset.done $0x0  }
0x36c: {  	s19 =	simm.s32 @p2 $0x0;
	[sflag:s10] =	ssyncadd.s32 s20  }
0x36d: {  	_ =	swait.ge [sflag:s11], s19  }
0x36e: {  	s19 =	ssub.s32 $0x0, s19;
	[sflag:s11] =	ssyncset.done $0x0  }
0x36f: {  	[sflag:s11] =	ssyncadd.s32 s19  }
0x370: {  	v1 =	vld [tilespmem:$0x6088];
	_ =	sdelay $0x4  }
0x371: {  	(v2sf) =	vpush v1, $0x0  }
0x372: {  	(v2sf) =	vpush v1, $0x1  }
0x373: {  	(v2sf) =	vpush v1, $0x2;
	_ =	sdelay $0x3  }
0x374: {  	s19 =	sadd.s32 $0x180, s18  }
0x375: {  	p2 =	slt.s32 s6, s19  }
0x376: {  	s19 =	smov.u32 @p2 s6;
	p2 =	sgt.s32 s0, $0x0  }
0x377: {  	s22 =	ssub.s32 s19, s18;
	s0 =	simm.s32 @!p2 $0x0  }
0x378: {  	p2 =	slt.s32 s0, s22  }
0x379: {  	s22 =	smov.u32 @p2 s0  }
0x37a: {  	s21 =	simm.s32 $0x1;
	p2 =	slt.s32 s22, $0x1  }
.Ltmp9:
0x37b: {  	s21 =	simm.s32 @!p4 $0x0;
	(pc) =	sbr.rel @p2 .LBB2_12-.Ltmp9, $4  }
0x37c: {  	s30 =	smul.u32 $0x600, s21  }
0x37d: {  	s23 =	spop (v2sf)  }
0x37e: {  	s31 =	sshrl.u32 s30, $0x2;
	s25 =	spop (v2sf)  }
0x37f: {  	s19 =	sadd.s32 $0x6938, s31;
	s18 =	spop (v2sf)  }
0x380: {  	s0 =	smin.u32 s22, $0x10  }
0x381: {  	v1 =	vmov s0  }
0x382: {  	p3 =	sgt.s32 s22, $0x10;
	vm1 =	vgt.u32 v1, v0  }
.Ltmp10:
0x383: {  	_ = 	snop;
	(pc) =	sbr.rel @!p3 .LBB2_11-.Ltmp10, $2  }
0x384: {  	_ =	sdelay $0x2  }
0x385: {  	s24 =	simm.s32 $0x10;
	s26 =	sadd.s32 $0xFFFFFFF0, s22;
	s20 =	smov.u32 s19;
	vm0 =	vmmov vm1  }
.LBB2_10:
0x386: {  	s0 =	smin.u32 s26, $0x10;
	s24 =	sadd.s32 $0x10, s24;
	v1 =	vld.msk [tilespmem:s20+$0x0 ss:$0x1], vm1  }
0x387: {  	v2 =	vmov s0;
	p3 =	slt.s32 s24, s22  }
0x388: {  	vm1 =	vgt.u32 v2, v0  }
.Ltmp11:
0x389: {  	(pc) =	sbr.rel @p3 .LBB2_10-.Ltmp11, $3  }
0x38a: {  	_ =	sdelay $0x1  }
0x38b: {  	v1 =	vshll.u32 v1, $0x4  }
0x38c: {  	s26 =	sadd.s32 $0xFFFFFFF0, s26;
	[tilespmem:s20+$0x0] =	vst.msk vm0, v1;
	s20 =	sadd.s32 $0x10, s20;
	vm0 =	vmmov vm1  }
.LBB2_11:
0x38d: {  	_ =	sdelay $0x4  }
0x38e: {  	v1 =	vld.msk [tilespmem:s20+$0x0 ss:$0x1], vm1;
	_ =	sdelay $0x4  }
0x38f: {  	v1 =	vshll.u32 v1, $0x4  }
0x390: {  	[tilespmem:s20+$0x0] =	vst.msk vm0, v1  }
.LBB2_12:
0x391: {  	s0 =	sand.u32 $0x1, s17  }
0x392: {  	s0 =	smul.u32 $0x180, s0  }
0x393: {  	p3 =	sne.s32 s25, $0xFFFFFFFF  }
0x394: {  	v1 =	vld.msk @!p3 [tilespmem:s0+$0x6938], $0x1;
	_ =	sdelay $0x4  }
0x395: {  	(v2sf) =	vpush @!p3 v1, $0x0;
	_ =	sdelay $0xc  }
.Ltmp12:
0x396: {  	_ = 	snop;
	(pc) =	sbr.rel @p2 .LBB2_18-.Ltmp12, $4  }
0x397: {  	_ = 	snop  }
0x398: {  	s24 =	spop @!p3 (v2sf)  }
0x399: {  	s18 =	simm.s32 @!p3 $0x0;
	s20 =	smov.u32 s24  }
0x39a: {  	[sflag:s14] =	ssyncpa.u1 $0x0;
	s24 =	smov.u32 @p3 s23;
	s20 =	smov.u32 @p3 s25  }
0x39b: {  	v1 =	vld.msk [tilespmem:s19+$0x0], $0x1;
	_ =	sdelay $0x4  }
0x39c: {  	(v2sf) =	vpush v1, $0x0;
	_ =	sdelay $0xd  }
0x39d: {  	s0 =	simm.s32 @!p4 $0x0  }
0x39e: {  	s26 =	smul.u32 $0x30000, s21;
	s25 =	ssub.s32 $0x0, s22;
	s28 =	spop (v2sf)  }
0x39f: {  	s0 =	simm.s32 @p4 $0x1;
	s23 =	sadd.s32 $0x1, s25;
	p2 =	seq.s32 s24, s28  }
0x3a0: {  	[smem:$0x7FD] =	sst s0;
	s0 =	sshrl.u32 s26, $0x2;
	p3 =	sgt.s32 @!p2 s24, $0x0  }
0x3a1: {  	s21 =	sadd.s32 $0x6C48, s0;
	s0 =	smov.u32 s24;
	p3 =	por !p3, p2  }
0x3a2: {  	s0 =	simm.s32 @p3 $0x0;
	p3 =	seq.s32 s23, $0x0  }
.Ltmp13:
0x3a3: {  	_ = 	snop;
	(pc) =	sbr.rel @p3 .LBB2_15-.Ltmp13, $4  }
0x3a4: {  	_ = 	snop  }
0x3a5: {  	s22 =	simm.s32 $0x0;
	s29 =	simm.s32 @!p2 $0x1;
	s0 =	smin.u32 @!p2 s0, $0x1869FD  }
0x3a6: {  	s30 =	simm.s32 @!p2 $0x3068;
	s29 =	smov.u32 @p2 s22;
	s26 =	sand.u32 @!p2 $0x1FFFF8, s0  }
0x3a7: {  	s31 =	sand.u32 @!p2 $0x7, s0;
	s0 =	sadd.s32 @!p2 s1, s26;
	s26 =	sadd.s32 $0x1, s19  }
.LBB2_14:
0x3a8: {  	s4 =	smov.u32 s29  }
0x3a9: {  	[tilespmem:s30], [sflag:$0x2] =	stream.linear.gather @!p2 [hbm4b:s0+s31], $0x14, $0x38;
	[tilespmem:$0x1EC38] =	vst v63  }
0x3aa: {  	s23 =	sadd.s32 $0x1, s23;
	s0 =	smov.u32 s28;
	v1 =	vld.msk [tilespmem:s26+$0x0], $0x1  }
0x3ab: {  	p3 =	seq.s32 s23, $0x0;
	_ =	sdelay $0x3  }
0x3ac: {  	(v2sf) =	vpush v1, $0x0;
	_ =	sdelay $0xe  }
0x3ad: {  	s28 =	spop (v2sf)  }
0x3ae: {  	p2 =	seq.s32 s0, s28  }
0x3af: {  	p4 =	sgt.s32 @!p2 s0, $0x0;
	s30 =	sshll.u32 @!p2 s29, $0x7;
	s29 =	sadd.s32 @!p2 $0x1, s29  }
.Ltmp14:
0x3b0: {  	p4 =	por !p4, p2;
	s30 =	sshra.s32 @!p2 s30, $0x2;
	(pc) =	sbr.rel @!p3 .LBB2_14-.Ltmp14, $4  }
0x3b1: {  	s29 =	smov.u32 @p2 s4;
	s0 =	simm.s32 @p4 $0x0;
	s30 =	sadd.s32 @!p2 $0x3068, s30  }
0x3b2: {  	s0 =	smin.u32 @!p2 s0, $0x1869FD  }
0x3b3: {  	s4 =	sand.u32 @!p2 $0x1FFFF8, s0;
	s31 =	sand.u32 @!p2 $0x7, s0  }
0x3b4: {  	s26 =	sadd.s32 $0x1, s26;
	s0 =	sadd.s32 @!p2 s1, s4  }
.LBB2_15:
0x3b5: {  	s4 =	smul.u32 $0x50, s29  }
0x3b6: {  	[tilespmem:s30], [sflag:$0x2] =	stream.linear.gather @!p2 [hbm4b:s0+s31], $0x14, $0x38;
	[tilespmem:$0x1EC38] =	vst v63  }
0x3b7: {  	s31 =	simm.s32 $0x2;
	s30 =	sshrl.u32 s4, $0x2  }
0x3b8: {  	_ =	swait.ge [sflag:s31], s30  }
0x3b9: {  	s0 =	ssub.s32 $0x0, s30;
	[sflag:s31] =	ssyncset.done $0x0  }
0x3ba: {  	[sflag:s31] =	ssyncadd.s32 s0  }
0x3bb: {  	v1 =	vld.msk [tilespmem:s19+$0x0], $0x1;
	_ =	sdelay $0x4  }
0x3bc: {  	(v2sf) =	vpush v1, $0x0;
	_ =	sdelay $0xe  }
0x3bd: {  	s23 =	spop (v2sf)  }
0x3be: {  	p2 =	sne.s32 s24, s23  }
0x3bf: {  	p4 =	sne.s32 @p2 s24, s20  }
0x3c0: {  	p3 =	por !p4, !p2  }
0x3c1: {  	s0 =	simm.s32 @!p3 $0x0  }
0x3c2: {  	v1 =	vld @!p3 [tilespmem:s0+$0x3068];
	_ =	sdelay $0x2  }
0x3c3: {  	s4 =	sshll.u32 @!p3 s18, $0x7  }
0x3c4: {  	s4 =	sshra.s32 @!p3 s4, $0x2  }
0x3c5: {  	[tilespmem:s4+$0x48] =	vst.add.f32.msk @!p3 $0xffff, v1  }
0x3c6: {  	v1 =	vld.msk @!p3 [tilespmem:s0+$0x3078], $0xf  }
0x3c7: {  	p5 =	sgt.u32 @!p3 s24, $0x1869FD  }
0x3c8: {  	p6 =	por @p2 p5, !p4  }
0x3c9: {  	p1 =	por p6, !p2;
	p6 =	por p4, !p2  }
0x3ca: {  	s28 =	sand.u32 @!p1 $0x1FFFF8, s24;
	s29 =	sshll.u32 @!p6 s18, $0x7;
	s24 =	sand.u32 @!p1 $0x7, s24  }
0x3cb: {  	s0 =	sadd.s32 @!p3 $0x48, s4;
	[tilespmem:s4+$0x58] =	vst.add.f32.msk @!p3 $0xf, v1;
	s4 =	sadd.s32 @!p1 s1, s28;
	s28 =	sshra.s32 @!p6 s29, $0x2  }
0x3cc: {  	[hbm4b:s4+s24] =	stream.linear.scatter @!p1 [tilespmem:s0], [sflag:$0xA], $0x14, $0x38;
	[tilespmem:$0x1EC38] =	vst v63  }
0x3cd: {  	s26 =	rddreg [dreg:$0x2];
	s0 =	sadd.s32 @!p6 $0x48, s28;
	s4 =	simm.s32 @!p6 $0x1  }
0x3ce: {  	[spmem:s26] =	stream.linear.scatter @!p6 [tilespmem:s0], [sflag:$0x1], $0x14, $0x38;
	[tilespmem:$0x1EC38] =	vst v63  }
0x3cf: {  	s0 =	sadd.s32 @p2 $0x1, s18;
	_ =	swait.ge @!p6 [sflag:s4], $0x14  }
0x3d0: {  	s24 =	smulhi.u32 @p2 $0xAAAAAAAB, s0;
	[sflag:s4] =	ssyncset.done @!p6 $0x0  }
0x3d1: {  	[sflag:s4] =	ssyncadd.s32 @!p6 $0xFFFFFFEC  }
0x3d2: {  	s4 =	sshrl.u32 @p2 s24, $0x8;
	v1 =	vld @p2 [tilespmem:s21+$0xFFFFFFF0]  }
0x3d3: {  	s4 =	smul.u32 @p2 $0x180, s4;
	_ =	sdelay $0x1  }
0x3d4: {  	s0 =	ssub.s32 @p2 s0, s4  }
0x3d5: {  	s4 =	sshll.u32 @p2 s0, $0x5  }
0x3d6: {  	[tilespmem:s4+$0x48] =	vst @p2 v1  }
0x3d7: {  	v1 =	vld.msk @p2 [tilespmem:s21+$0x0], $0xf;
	_ =	sdelay $0x4  }
0x3d8: {  	p1 =	por @p2 !p5, !p4;
	[tilespmem:s4+$0x58] =	vst.msk @p2 $0xf, v1  }
0x3d9: {  	p1 =	por !p1, !p2;
	s24 =	sadd.s32 $0x1, s25;
	s4 =	simm.s32 @!p3 $0x0;
	v1 =	vld @!p2 [tilespmem:s21+$0xFFFFFFF0]  }
0x3da: {  	s4 =	simm.s32 @!p1 $0x50;
	p1 =	seq.s32 s24, $0x0  }
.Ltmp15:
0x3db: {  	_ = 	snop;
	(pc) =	sbr.rel @p1 .LBB2_17-.Ltmp15, $4  }
0x3dc: {  	s26 =	sshll.u32 @!p2 s18, $0x7  }
0x3dd: {  	s26 =	sshra.s32 @!p2 s26, $0x2;
	s4 =	sadd.s32 @!p3 $0x0, s4  }
0x3de: {  	s28 =	simm.s32 @p2 $0x1;
	s25 =	simm.s32 $0x0;
	s4 =	smov.u32 @p3 s22;
	[tilespmem:s26+$0x48] =	vst.add.f32.msk @!p2 $0xffff, v1  }
0x3df: {  	s25 =	smov.u32 @p2 s28;
	s18 =	smov.u32 @p2 s0;
	s22 =	smov.u32 @p2 s4;
	v1 =	vld.msk @!p2 [tilespmem:s21+$0x0], $0xf  }
.LBB2_16:
0x3e0: {  	_ =	sdelay $0x3  }
0x3e1: {  	s19 =	sadd.s32 $0x1, s19;
	[tilespmem:s26+$0x58] =	vst.add.f32.msk @!p2 $0xf, v1  }
0x3e2: {  	v1 =	vld.msk [tilespmem:s19+$0x0], $0x1;
	_ =	sdelay $0x4  }
0x3e3: {  	(v2sf) =	vpush v1, $0x0;
	_ =	sdelay $0xe  }
0x3e4: {  	s28 =	smov.u32 s23;
	s23 =	spop (v2sf)  }
0x3e5: {  	p2 =	sne.s32 s28, s23  }
0x3e6: {  	p5 =	sne.s32 @p2 s28, s20  }
0x3e7: {  	p4 =	por !p5, !p2  }
0x3e8: {  	s0 =	sadd.s32 @p2 $0x1, s18;
	s30 =	sadd.s32 @p2 $0x1, s25;
	s31 =	sshll.u32 @!p4 s25, $0x7  }
0x3e9: {  	s4 =	smulhi.u32 @p2 $0xAAAAAAAB, s0;
	s25 =	smov.u32 @p2 s30;
	s30 =	sshra.s32 @!p4 s31, $0x2  }
0x3ea: {  	v1 =	vld @!p4 [tilespmem:s30+$0x3068]  }
0x3eb: {  	s4 =	sshrl.u32 @p2 s4, $0x8  }
0x3ec: {  	s4 =	smul.u32 @p2 $0x180, s4  }
0x3ed: {  	s7 =	sshll.u32 @!p4 s18, $0x7  }
0x3ee: {  	s0 =	ssub.s32 @p2 s0, s4;
	s4 =	sshra.s32 @!p4 s7, $0x2  }
0x3ef: {  	p1 =	sgt.u32 @!p4 s28, $0x1869FD;
	[tilespmem:s4+$0x48] =	vst.add.f32.msk @!p4 $0xffff, v1  }
0x3f0: {  	s29 =	smov.u32 s18;
	p6 =	por @p2 p1, !p5;
	p1 =	por @p2 !p1, !p5;
	v1 =	vld.msk @!p4 [tilespmem:s30+$0x3078], $0xf  }
0x3f1: {  	s31 =	simm.s32 @!p4 $0x0;
	p5 =	por p5, !p2;
	p1 =	por !p1, !p2  }
0x3f2: {  	s29 =	sshll.u32 @!p5 s29, $0x7;
	s31 =	simm.s32 @!p1 $0x50  }
0x3f3: {  	p1 =	por p6, !p2;
	s29 =	sshra.s32 @!p5 s29, $0x2;
	s7 =	sadd.s32 @!p4 s31, s22  }
0x3f4: {  	s31 =	sadd.s32 @!p4 $0x48, s4;
	s7 =	smov.u32 @p4 s22;
	s30 =	sand.u32 @!p1 $0x1FFFF8, s28  }
0x3f5: {  	s22 =	smov.u32 @p2 s7;
	s28 =	sand.u32 @!p1 $0x7, s28;
	[tilespmem:s4+$0x58] =	vst.add.f32.msk @!p4 $0xf, v1;
	s4 =	sadd.s32 @!p1 s1, s30  }
0x3f6: {  	[hbm4b:s4+s28] =	stream.linear.scatter @!p1 [tilespmem:s31], [sflag:$0xA], $0x14, $0x38;
	[tilespmem:$0x1EC38] =	vst v63  }
0x3f7: {  	s7 =	rddreg [dreg:$0x2];
	s4 =	sadd.s32 @!p5 $0x48, s29;
	s28 =	simm.s32 @!p5 $0x1  }
0x3f8: {  	[spmem:s7] =	stream.linear.scatter @!p5 [tilespmem:s4], [sflag:$0x1], $0x14, $0x38;
	[tilespmem:$0x1EC38] =	vst v63  }
0x3f9: {  	_ =	swait.ge @!p5 [sflag:s28], $0x14  }
0x3fa: {  	[sflag:s28] =	ssyncset.done @!p5 $0x0  }
0x3fb: {  	s21 =	sadd.s32 $0x80, s21;
	[sflag:s28] =	ssyncadd.s32 @!p5 $0xFFFFFFEC  }
0x3fc: {  	v1 =	vld @p2 [tilespmem:s21+$0xFFFFFFF0];
	_ =	sdelay $0x3  }
0x3fd: {  	s26 =	sshll.u32 @!p2 s18, $0x7;
	s18 =	smov.u32 @p2 s0;
	s0 =	sshll.u32 @p2 s0, $0x5  }
0x3fe: {  	[tilespmem:s0+$0x48] =	vst @p2 v1  }
0x3ff: {  	v1 =	vld.msk @p2 [tilespmem:s21+$0x0], $0xf;
	_ =	sdelay $0x4  }
0x400: {  	[tilespmem:s0+$0x58] =	vst.msk @p2 $0xf, v1  }
0x401: {  	s24 =	sadd.s32 $0x1, s24;
	v1 =	vld @!p2 [tilespmem:s21+$0xFFFFFFF0]  }
0x402: {  	p3 =	seq.s32 s24, $0x0  }
.Ltmp16:
0x403: {  	_ = 	snop;
	(pc) =	sbr.rel @!p3 .LBB2_16-.Ltmp16, $4  }
0x404: {  	_ = 	snop  }
0x405: {  	s26 =	sshra.s32 @!p2 s26, $0x2  }
0x406: {  	[tilespmem:s26+$0x48] =	vst.add.f32.msk @!p2 $0xffff, v1  }
0x407: {  	v1 =	vld.msk @!p2 [tilespmem:s21+$0x0], $0xf  }
.LBB2_17:
.Ltmp17:
0x408: {  	_ = 	snop;
	(pc) =	sbr.rel .LBB2_19-.Ltmp17, $2  }
0x409: {  	s4 =	sld [smem:$0x7FD];
	_ =	sdelay $0x2  }
0x40a: {  	s0 =	sshrl.u32 s22, $0x2;
	s24 =	smov.u32 s23;
	p4 =	seq.s32 s4, $0x1;
	[tilespmem:s26+$0x58] =	vst.add.f32.msk @!p2 $0xf, v1  }
.LBB2_21:
0x40b: {  	_ =	sfence.sel $0x180000  }
0x40c: {  	s0 =	simm.s32 $0x7;
	[bflag:$0x0] =	sbarrier.arrive $0xFFFF  }
0x40d: {  	s25 =	simm.s32 $0x8;
	[sflag:s0] =	ssyncpa.u1 $0x1  }
0x40e: {  	s26 =	simm.s32 $0x9;
	[sflag:s25] =	ssyncpa.u1 $0x1  }
0x40f: {  	s28 =	simm.s32 $0x2;
	[sflag:s26] =	ssyncpa.u1 $0x1  }
0x410: {  	[sflag:s28] =	ssyncpa.u1 $0x1  }
0x411: {  	v0 =	vld [tilespmem:$0x6088];
	_ =	sdelay $0x4  }
0x412: {  	(v2sf) =	vpush v0, $0x0  }
0x413: {  	(v2sf) =	vpush v0, $0x1;
	_ =	sdelay $0x1  }
0x414: {  	(v2sf) =	vpush v0, $0x2;
	_ =	sdelay $0xb  }
0x415: {  	s0 =	spop (v2sf)  }
0x416: {  	s2 =	spop (v2sf)  }
0x417: {  	s3 =	smov.u32 s0;
	p0 =	sne.s32 s0, s2  }
0x418: {  	s4 =	spop (v2sf);
	s3 =	simm.s32 @!p0 $0xFFFFFFFF  }
0x419: {  	v2 =	vimm.s32 $0x1;
	v3 =	vlaneseq.u32;
	p0 =	seq.s32 s4, $0xFFFFFFFF;
	v1 =	vmov s3  }
0x41a: {  	s7 =	stileid.u32;
	v0 =	vperm.xlane v0, v2;
	p1 =	sne.s32 @!p0 s0, s2;
	v1 =	vperm.xlane v1, v3  }
0x41b: {  	vm0 =	vcmask $0x3F04;
	s6 =	simm.s32 $0x6088;
	s0 =	simm.s32 @!p0 $0x1;
	p1 =	por !p1, p0  }
0x41c: {  	s3 =	sshll.u32 s7, $0x1;
	s2 =	sshll.u32 @!p0 s4, $0x7;
	s0 =	simm.s32 @p1 $0x0;
	v0 =	vsel vm0, v1, v0  }
0x41d: {  	s5 =	sor.u32 $0x400, s3;
	s2 =	sshra.s32 @!p0 s2, $0x2;
	s0 =	sor.u32 @!p0 s0, s3;
	[tilespmem:$0x6088] =	vst v0  }
0x41e: {  	[spmem:s5] =	stream.linear.scatter [tilespmem:s6], [sflag:$0x1], $0x2, $0x38;
	[tilespmem:$0x1EC38] =	vst v63  }
0x41f: {  	s2 =	sadd.s32 @!p0 $0x48, s2;
	s0 =	sshll.u32 @!p0 s0, $0x5  }
0x420: {  	[spmem:s0] =	stream.linear.scatter @!p0 [tilespmem:s2], [sflag:$0x1], $0x20, $0x38;
	[tilespmem:$0x1EC38] =	vst v63  }
0x421: {  	s0 =	simm.s32 @!p0 $0x22  }
0x422: {  	s2 =	simm.s32 $0x1;
	s0 =	simm.s32 @p0 $0x2  }
0x423: {  	_ =	swait.ge [sflag:s2], s0  }
0x424: {  	s0 =	ssub.s32 $0x0, s0;
	[sflag:s2] =	ssyncset.done $0x0  }
0x425: {  	[sflag:s2] =	ssyncadd.s32 s0  }
0x426: {  	_ =	sfence.stream.spmem  }
0x427: {  	s29 =	simm.s32 $0x3;
	[bflag:$0x0] =	sbarrier.arrive $0xFFFF  }
0x428: {  	s30 =	simm.s32 $0x4;
	[sflag:s29] =	ssyncpa.u1 $0x1  }
0x429: {  	s31 =	simm.s32 $0x3C;
	[sflag:s30] =	ssyncpa.u1 $0x1  }
0x42a: {  	p0 =	sne.s32 s7, $0x0;
	[sflag:s31] =	ssyncpa.u1 $0x1  }
0x42b: {  	_ =	sfence @p0  }
0x42c: {  	[sflag:s2] =	ssyncpa.u1 @p0 $0x1  }
0x42d: {  	_ =	strace @p0 $0x9000005F  }
0x42e: {  	[bflag:$0x2] =	sbarrier.arrive @p0 $0xFFFF  }
0x42f: {  	_ =	shalt @p0  }
.LBB2_22:
0x430: {  	_ =	sfence.stream.spmem;
	s0 =	simm.s32 $0x5  }
0x431: {  	s2 =	simm.s32 $0x400;
	s3 =	simm.s32 $0x6098;
	[sflag:s0] =	ssyncpa.u1 $0x0  }
0x432: {  	[tilespmem:s3], [sflag:$0x5] =	stream.linear.gather [spmem:s2], $0x20, $0x38;
	[tilespmem:$0x1EC38] =	vst v63  }
0x433: {  	s30 =	simm.s32 $0x60B8;
	s2 =	simm.s32 $0x0  }
0x434: {  	[tilespmem:s30], [sflag:$0x5] =	stream.linear.gather [spmem:s2], $0x400, $0x38;
	[tilespmem:$0x1EC38] =	vst v63  }
.Ltmp18:
0x435: {  	_ = 	snop;
	(pc) =	sbr.rel .LBB2_23-.Ltmp18, $4  }
0x436: {  	_ =	swait.ge [sflag:s0], $0x420  }
0x437: {  	[sflag:s0] =	ssyncset.done $0x0  }
0x438: {  	s31 =	simm.s32 $0x6;
	[sflag:s0] =	ssyncadd.s32 $0xFFFFFBE0  }
0x439: {  	s3 =	simm.s32 $0x0;
	[sflag:s31] =	ssyncpa.u1 $0x0  }
.LBB2_29:
0x43a: {  	p0 =	slt.u32 s4, $0x1869FE  }
0x43b: {  	s0 =	sand.u32 @p0 $0x1FFFF8, s4  }
0x43c: {  	s4 =	sand.u32 @p0 $0x7, s4;
	s5 =	simm.s32 @p0 $0x6068;
	s0 =	sadd.s32 @p0 s1, s0  }
0x43d: {  	[tilespmem:s5], [sflag:$0x6] =	stream.linear.gather @p0 [hbm4b:s0+s4], $0x14, $0x38;
	[tilespmem:$0x1EC38] =	vst v63  }
0x43e: {  	s0 =	simm.s32 @p0 $0x6  }
0x43f: {  	_ =	swait.ge @p0 [sflag:s0], $0x14  }
0x440: {  	[sflag:s0] =	ssyncset.done @p0 $0x0  }
0x441: {  	[sflag:s0] =	ssyncadd.s32 @p0 $0xFFFFFFEC  }
0x442: {  	v1 =	vld @p0 [tilespmem:$0x6068];
	_ =	sdelay $0x2  }
0x443: {  	s0 =	sshll.u32 @p0 s3, $0x7  }
0x444: {  	s4 =	sshrl.u32 @p0 s0, $0x2  }
0x445: {  	[tilespmem:s4+$0x60B8] =	vst.add.f32.msk @p0 $0xffff, v1  }
0x446: {  	v1 =	vld @p0 [tilespmem:$0x6078];
	_ =	sdelay $0x3  }
0x447: {  	s5 =	sshll.u32 @!p0 s3, $0x7  }
0x448: {  	s5 =	smov.u32 @p0 s0;
	[tilespmem:s4+$0x60C8] =	vst.add.f32.msk @p0 $0xffff, v1  }
0x449: {  	s0 =	sshrl.u32 s5, $0x2;
	[tilespmem:s2+$0x6098] =	vst.msk $0x1, v0  }
0x44a: {  	v0 =	vld [tilespmem:s0+$0x60B8];
	_ =	sdelay $0x2  }
0x44b: {  	s31 =	sshll.u32 s2, $0x7  }
0x44c: {  	s4 =	sshra.s32 s31, $0x2  }
0x44d: {  	[tilespmem:s4+$0x60B8] =	vst v0  }
0x44e: {  	v0 =	vld [tilespmem:s0+$0x60C8];
	_ =	sdelay $0x4  }
0x44f: {  	s2 =	sadd.s32 $0x1, s2;
	[tilespmem:s4+$0x60C8] =	vst v0  }
.LBB2_30:
0x450: {  	s3 =	sadd.s32 $0x1, s3  }
0x451: {  	p0 =	sne.s32 s3, $0x20  }
.Ltmp19:
0x452: {  	_ = 	snop;
	(pc) =	sbr.rel @!p0 .LBB2_31-.Ltmp19, $1  }
0x453: {  	_ =	sdelay $0x3  }
.LBB2_23:
0x454: {  	v0 =	vld.msk [tilespmem:s3+$0x6098], $0x1;
	_ =	sdelay $0x4  }
0x455: {  	(v2sf) =	vpush v0, $0x0;
	_ =	sdelay $0xe  }
0x456: {  	s4 =	spop (v2sf)  }
0x457: {  	p0 =	seq.s32 s4, $0xFFFFFFFF  }
.Ltmp20:
0x458: {  	_ = 	snop;
	(pc) =	sbr.rel @p0 .LBB2_30-.Ltmp20, $1  }
0x459: {  	_ =	sdelay $0x3  }
0x45a: {  	p0 =	slt.s32 s2, $0x1  }
.Ltmp21:
0x45b: {  	_ = 	snop;
	(pc) =	sbr.rel @p0 .LBB2_29-.Ltmp21, $1  }
0x45c: {  	_ =	sdelay $0x3  }
0x45d: {  	s5 =	simm.s32 $0x6098;
	p0 =	por $0x0, $0x0  }
0x45e: {  	v1 =	vld.msk @!p0 [tilespmem:s5+$0x0], $0x1;
	_ =	sdelay $0x4  }
0x45f: {  	(v2sf) =	vpush @!p0 v1, $0x0;
	_ =	sdelay $0xd  }
0x460: {  	p2 =	sne.s32 s2, $0x1  }
.Ltmp22:
0x461: {  	s0 =	spop @!p0 (v2sf);
	(pc) =	sbr.rel @!p2 .LBB2_27-.Ltmp22, $4  }
0x462: {  	p1 =	seq.s32 @!p0 s4, s0  }
0x463: {  	s6 =	simm.s32 $0x0;
	p1 =	por !p1, p0  }
0x464: {  	s0 =	simm.s32 $0xFFFFFFFF;
	s6 =	simm.s32 @p1 $0xFFFFFFFF  }
0x465: {  	s7 =	simm.s32 $0x1;
	s6 =	smov.u32 @p0 s0  }
.LBB2_26:
0x466: {  	s0 =	smov.u32 s6;
	p0 =	sne.s32 s6, $0xFFFFFFFF  }
0x467: {  	s5 =	sadd.s32 $0x1, s5;
	s6 =	smov.u32 s7;
	s7 =	sadd.s32 $0x1, s7  }
0x468: {  	p1 =	sne.s32 s2, s7;
	v1 =	vld.msk @!p0 [tilespmem:s5+$0x0], $0x1;
	_ =	sdelay $0x4  }
0x469: {  	(v2sf) =	vpush @!p0 v1, $0x0;
	_ =	sdelay $0xe  }
.Ltmp23:
0x46a: {  	s8 =	spop @!p0 (v2sf);
	(pc) =	sbr.rel @p1 .LBB2_26-.Ltmp23, $4  }
0x46b: {  	p2 =	seq.s32 @!p0 s4, s8  }
0x46c: {  	p2 =	por !p2, p0  }
0x46d: {  	s6 =	simm.s32 @p2 $0xFFFFFFFF  }
0x46e: {  	s6 =	smov.u32 @p0 s0  }
.LBB2_27:
0x46f: {  	p0 =	seq.s32 s6, $0xFFFFFFFF  }
.Ltmp24:
0x470: {  	_ = 	snop;
	(pc) =	sbr.rel @p0 .LBB2_29-.Ltmp24, $1  }
0x471: {  	_ =	sdelay $0x3  }
0x472: {  	s0 =	sshll.u32 s3, $0x5  }
0x473: {  	s0 =	sand.u32 $0x3FFFFFE0, s0  }
0x474: {  	v0 =	vld [tilespmem:s0+$0x60B8];
	_ =	sdelay $0x2  }
0x475: {  	s4 =	sshll.u32 s6, $0x7  }
0x476: {  	s4 =	sshra.s32 s4, $0x2  }
0x477: {  	[tilespmem:s4+$0x60B8] =	vst.add.f32.msk $0xffff, v0  }
0x478: {  	v0 =	vld [tilespmem:s0+$0x60C8]  }
.Ltmp25:
0x479: {  	_ = 	snop;
	(pc) =	sbr.rel .LBB2_30-.Ltmp25, $2  }
0x47a: {  	_ =	sdelay $0x2  }
0x47b: {  	[tilespmem:s4+$0x60C8] =	vst.add.f32.msk $0xffff, v0  }
.LBB2_31:
0x47c: {  	p0 =	slt.s32 s2, $0x1  }
.Ltmp26:
0x47d: {  	_ = 	snop;
	(pc) =	sbr.rel @p0 .LBB2_35-.Ltmp26, $3  }
0x47e: {  	_ =	sdelay $0x1  }
0x47f: {  	s0 =	simm.s32 $0x6  }
0x480: {  	s3 =	simm.s32 $0x0;
	[sflag:s0] =	ssyncpa.u1 $0x1  }
0x481: {  	s0 =	simm.s32 $0x6098  }
0x482: {  	v0 =	vld.msk [tilespmem:s0+$0x0], $0x1;
	_ =	sdelay $0x4  }
0x483: {  	(v2sf) =	vpush v0, $0x0;
	_ =	sdelay $0xd  }
0x484: {  	s2 =	sadd.s32 $0xFFFFFFFF, s2  }
0x485: {  	p1 =	sne.s32 s2, $0x0;
	s0 =	spop (v2sf)  }
.Ltmp27:
0x486: {  	p0 =	sgt.u32 s0, $0x1869FD;
	(pc) =	sbr.rel @!p1 .LBB2_34-.Ltmp27, $4  }
0x487: {  	s4 =	simm.s32 $0x60B8;
	s5 =	sand.u32 @!p0 $0x1FFFF8, s0  }
0x488: {  	s6 =	simm.s32 $0x0;
	s0 =	sand.u32 @!p0 $0x7, s0;
	s5 =	sadd.s32 @!p0 s1, s5  }
0x489: {  	[hbm4b:s5+s0] =	stream.linear.scatter @!p0 [tilespmem:s4], [sflag:$0x5], $0x14, $0x38;
	[tilespmem:$0x1EC38] =	vst v63  }
0x48a: {  	s6 =	simm.s32 @!p0 $0x50;
	s5 =	simm.s32 $0x6099  }
.LBB2_33:
0x48b: {  	v0 =	vld.msk [tilespmem:s5+$0x0], $0x1;
	s2 =	sadd.s32 $0xFFFFFFFF, s2;
	s3 =	sadd.s32 s3, s6  }
0x48c: {  	p0 =	sne.s32 s2, $0x0;
	_ =	sdelay $0x3  }
0x48d: {  	(v2sf) =	vpush v0, $0x0;
	_ =	sdelay $0xe  }
.Ltmp28:
0x48e: {  	s0 =	spop (v2sf);
	(pc) =	sbr.rel @p0 .LBB2_33-.Ltmp28, $4  }
0x48f: {  	s6 =	simm.s32 $0x0;
	p1 =	sgt.u32 s0, $0x1869FD  }
0x490: {  	s4 =	sadd.s32 $0x20, s4;
	s6 =	simm.s32 @!p1 $0x50;
	s7 =	sand.u32 @!p1 $0x1FFFF8, s0  }
0x491: {  	s5 =	sadd.s32 $0x1, s5;
	s0 =	sand.u32 @!p1 $0x7, s0;
	s7 =	sadd.s32 @!p1 s1, s7  }
0x492: {  	[hbm4b:s7+s0] =	stream.linear.scatter @!p1 [tilespmem:s4], [sflag:$0x5], $0x14, $0x38;
	[tilespmem:$0x1EC38] =	vst v63  }
.LBB2_34:
0x493: {  	s0 =	sadd.s32 s3, s6  }
0x494: {  	s3 =	sshrl.u32 s0, $0x2  }
.LBB2_35:
0x495: {  	s0 =	simm.s32 $0x5  }
0x496: {  	_ =	swait.ge [sflag:s0], s3  }
0x497: {  	s1 =	ssub.s32 $0x0, s3;
	[sflag:s0] =	ssyncset.done $0x0  }
0x498: {  	[sflag:s0] =	ssyncadd.s32 s1  }
0x499: {  	[sflag:s0] =	ssyncpa.u1 $0x1  }
0x49a: {  	s30 =	simm.s32 $0x1;
	_ =	sfence  }
0x49b: {  	[sflag:s30] =	ssyncpa.u1 $0x1  }
0x49c: {  	_ =	strace $0x9000005F  }
0x49d: {  	[bflag:$0x2] =	sbarrier.arrive $0xFFFF  }
0x49e: {  	s31 =	rddreg [dreg:$0x1]  }
0x49f: {  	s0 =	sadd.s32 $0x100000, s31  }
0x4a0: {  	[sflag:s0] =	ssyncadd.tile.s32 $0x1;
	_ =	shalt  }
.Lfunc_end2:
_tile_overlayer_lowered:
.L_overlay_start_2:
0x4a1: {  	(tag) =	ssettag $0x2  }
0x4a2: {  	s0 =	rddreg [dreg:$0x0];
	s2 =	stileid.u32  }
0x4a3: {  	s1 =	rddreg [dreg:$0x1];
	p0 =	sne.s32 s2, $0x0  }
0x4a4: {  	s3 =	rddreg [dreg:$0x2];
	[bflag:$0x3] =	sbarrier.arrive $0xFFFF;
	s2 =	simm.s32 @!p0 $0x1C01  }
0x4a5: {  	[timem:s3], [sflag:s2] =	dma.local @!p0 [hbm:s0], s1  }
0x4a6: {  	s0 =	simm.s32 @!p0 $0x1  }
0x4a7: {  	_ =	swait.ge @!p0 [sflag:s0], s1  }
0x4a8: {  	s1 =	ssub.s32 @!p0 $0x0, s1;
	[sflag:s0] =	ssyncset.done @!p0 $0x0  }
0x4a9: {  	[sflag:s0] =	ssyncadd.s32 @!p0 s1  }
0x4aa: {  	[bflag:$0x3] =	sbarrier.arrive $0xFFFF  }
0x4ab: {  	_ =	shalt  }

// kernel: scatter_offload_async_start
scs
__scs_entry_jumppad:
0x0: {  	(pc) =	sbr.rel $0x88, $3  }
0x1: {  	(tag) =	ssettag $0x0;
	lr =	simm.s32 $0x1  }
0x2: {  	[smem:$0x3F96] =	sst lr;
	_ =	strace $0xD0000000  }
0x3: {  	_ = 	snop  }
0x4: {  	_ = 	snop  }
0x5: {  	_ = 	snop  }
0x6: {  	_ = 	snop  }
0x7: {  	_ = 	snop  }
__scs_overlays_trampoline_lowered:
0x8: {  	[smem:$0x3FA5] =	sst s0  }
0x9: {  	[smem:$0x3FA6] =	sst s1  }
0xa: {  	[smem:$0x3FA7] =	sst s2  }
0xb: {  	[smem:$0x3FA8] =	sst s3  }
0xc: {  	[smem:$0x3FA9] =	sst s4  }
0xd: {  	[smem:$0x3FAA] =	sst s5  }
0xe: {  	[smem:$0x3FAB] =	sst s6  }
0xf: {  	[smem:$0x3FAC] =	sst s7  }
0x10: {  	[smem:$0x3FAD] =	sst s8  }
0x11: {  	[smem:$0x3FAE] =	sst s9;
	s0 =	simm.s32 @!p0 $0x0  }
0x12: {  	s1 =	sld [smem:$0x3F94];
	s0 =	simm.s32 @p0 $0x1  }
0x13: {  	[smem:$0x3FAF] =	sst s0;
	s0 =	simm.s32 @!p1 $0x0  }
0x14: {  	s2 =	sld [smem:$0x3F93];
	s0 =	simm.s32 @p1 $0x1  }
0x15: {  	[smem:$0x3FB0] =	sst s0;
	s0 =	simm.s32 @!p2 $0x0  }
0x16: {  	s3 =	sld [smem:$0x3FDB];
	s0 =	simm.s32 @p2 $0x1  }
0x17: {  	s4 =	simm.s32 $0x1BF5;
	[smem:$0x3FB2] =	sst s0  }
0x18: {  	s0 =	sld [smem:$0x3F95];
	_ =	swait.ge [sflag:s4], $0x0  }
0x19: {  	s7 =	sld [smem:$0x3F96]  }
0x1a: {  	s8 =	sadd.s32 $0xFFFFE003, lr  }
0x1b: {  	s9 =	sadd.s32 $0xFFFFFEF7, lr;
	s5 =	simm.s32 $0xFFFFFFFF;
	p2 =	slt.u32 s8, $0xFFFFF086  }
0x1c: {  	p1 =	slt.u32 s9, $0xF7A;
	s5 =	simm.s32 @!p2 $0x0  }
0x1d: {  	s5 =	simm.s32 @p1 $0x1;
	p0 =	seq.s32 s7, s2  }
0x1e: {  	s7 =	smul.u32 @!p0 $0xF7A, s2;
	p2 =	seq.s32 @!p0 s5, $0x0  }
0x1f: {  	s9 =	smul.u32 $0xF7A, s1;
	s8 =	simm.s32 @!p0 $0x1BF5;
	p2 =	por !p2, p0  }
0x20: {  	[sflag:s8] =	ssyncset.s32 @!p0 $0xFFFFF086;
	s6 =	sadd.s32 @!p0 s3, s7;
	s7 =	simm.s32 @!p0 $0x108  }
0x21: {  	s3 =	sadd.s32 s3, s9;
	s6 =	sadd.s32 @!p0 $0x88, s6;
	s7 =	simm.s32 @p2 $0x1082  }
0x22: {  	[simem:s7], [sflag:s8] =	dma.local @!p0 [hbm:s6], $0xF7A  }
0x23: {  	s9 =	sor.u32 $0xD0000000, s2;
	s6 =	simm.s32 $0x108;
	_ =	swait.ge @!p0 [sflag:s8], $0x0  }
0x24: {  	s3 =	sadd.s32 $0x88, s3;
	s6 =	simm.s32 @!p1 $0x1082;
	[sflag:s4] =	ssyncset.s32 $0xFFFFF086  }
0x25: {  	[simem:s6], [sflag:s4] =	dma.local [hbm:s3], $0xF7A  }
0x26: {  	[smem:$0x3F96] =	sst s1;
	(tag) =	ssettag s2;
	_ =	strace s9  }
0x27: {  	s1 =	sld [smem:$0x3FA6]  }
0x28: {  	s2 =	sld [smem:$0x3FA7]  }
0x29: {  	s4 =	sld [smem:$0x3FA9]  }
0x2a: {  	p0 =	seq.s32 s5, $0x0;
	s5 =	sld [smem:$0x3FAA]  }
0x2b: {  	s6 =	sld [smem:$0x3FAB]  }
0x2c: {  	s7 =	sld [smem:$0x3FAC]  }
0x2d: {  	s3 =	simm.s32 $0x108;
	s8 =	sld [smem:$0x3FAD]  }
0x2e: {  	s3 =	simm.s32 @!p0 $0x1082;
	s9 =	sld [smem:$0x3FAE]  }
0x2f: {  	lr =	sadd.s32 s0, s3;
	s0 =	sld [smem:$0x3FA5]  }
0x30: {  	s3 =	sld [smem:$0x3FA8]  }
0x31: {  	[smem:$0x3FB1] =	sst s10  }
0x32: {  	s10 =	sld [smem:$0x3FAF];
	_ =	sdelay $0x3  }
0x33: {  	p0 =	seq.s32 s10, $0x1;
	s10 =	sld [smem:$0x3FB1];
	_ =	sdelay $0x3  }
0x34: {  	[smem:$0x3FB1] =	sst s10  }
0x35: {  	s10 =	sld [smem:$0x3FB0];
	_ =	sdelay $0x3  }
0x36: {  	p1 =	seq.s32 s10, $0x1;
	s10 =	sld [smem:$0x3FB1];
	_ =	sdelay $0x3  }
0x37: {  	[smem:$0x3FB1] =	sst s10  }
0x38: {  	s10 =	sld [smem:$0x3FB2]  }
0x39: {  	_ = 	snop;
	(pc) =	sbr.ind lr, $3  }
0x3a: {  	_ = 	snop  }
0x3b: {  	_ = 	snop  }
0x3c: {  	p2 =	seq.s32 s10, $0x1;
	s10 =	sld [smem:$0x3FB1]  }
0x3d: {  	_ =	shalt  }
0x3e: {  	_ =	shalt  }
0x3f: {  	_ =	shalt  }
0x40: {  	_ =	shalt  }
0x41: {  	_ =	shalt  }
0x42: {  	_ =	shalt  }
0x43: {  	_ =	shalt  }
0x44: {  	_ =	shalt  }
0x45: {  	_ =	shalt  }
0x46: {  	_ =	shalt  }
0x47: {  	_ =	shalt  }
0x48: {  	_ =	shalt  }
0x49: {  	_ =	shalt  }
0x4a: {  	_ =	shalt  }
0x4b: {  	_ =	shalt  }
0x4c: {  	_ =	shalt  }
0x4d: {  	_ =	shalt  }
0x4e: {  	_ =	shalt  }
0x4f: {  	_ =	shalt  }
0x50: {  	_ =	shalt  }
0x51: {  	_ =	shalt  }
0x52: {  	_ =	shalt  }
0x53: {  	_ =	shalt  }
0x54: {  	_ =	shalt  }
0x55: {  	_ =	shalt  }
0x56: {  	_ =	shalt  }
0x57: {  	_ =	shalt  }
0x58: {  	_ =	shalt  }
0x59: {  	_ =	shalt  }
0x5a: {  	_ =	shalt  }
0x5b: {  	_ =	shalt  }
0x5c: {  	_ =	shalt  }
0x5d: {  	_ =	shalt  }
0x5e: {  	_ =	shalt  }
0x5f: {  	_ =	shalt  }
0x60: {  	_ =	shalt  }
0x61: {  	_ =	shalt  }
0x62: {  	_ =	shalt  }
0x63: {  	_ =	shalt  }
0x64: {  	_ =	shalt  }
0x65: {  	_ =	shalt  }
0x66: {  	_ =	shalt  }
0x67: {  	_ =	shalt  }
0x68: {  	_ =	shalt  }
0x69: {  	_ =	shalt  }
0x6a: {  	_ =	shalt  }
0x6b: {  	_ =	shalt  }
0x6c: {  	_ =	shalt  }
0x6d: {  	_ =	shalt  }
0x6e: {  	_ =	shalt  }
0x6f: {  	_ =	shalt  }
0x70: {  	_ =	shalt  }
0x71: {  	_ =	shalt  }
0x72: {  	_ =	shalt  }
0x73: {  	_ =	shalt  }
0x74: {  	_ =	shalt  }
0x75: {  	_ =	shalt  }
0x76: {  	_ =	shalt  }
0x77: {  	_ =	shalt  }
0x78: {  	_ =	shalt  }
0x79: {  	_ =	shalt  }
0x7a: {  	_ =	shalt  }
0x7b: {  	_ =	shalt  }
0x7c: {  	_ =	shalt  }
0x7d: {  	_ =	shalt  }
0x7e: {  	_ =	shalt  }
0x7f: {  	_ =	shalt  }
0x80: {  	_ =	shalt  }
0x81: {  	_ =	shalt  }
0x82: {  	_ =	shalt  }
0x83: {  	_ =	shalt  }
0x84: {  	_ =	shalt  }
0x85: {  	_ =	shalt  }
0x86: {  	_ =	shalt  }
0x87: {  	_ =	shalt  }
.Lfunc_end0:
.L_simem_size_0:
called_computation_lowered:
.L_overlay_start_0:
0x88: {  	s0 =	sld [smem:$0x3FD9]  }
0x89: {  	s1 =	sld [smem:$0x3FFE];
	_ =	sdelay $0x3  }
0x8a: {  	s0 =	sadd.s32 s1, s0  }
0x8b: {  	[smem:$0x3FBD] =	sst s0  }
0x8c: {  	_ = 	snop  }
0x8d: {  	(tm) =	ssettm $0x1  }
0x8e: {  	s14 =	sld [smem:$0x3FFB];
	_ =	sdelay $0x3  }
0x8f: {  	_ =	strace s14  }
0x90: {  	s0 =	sld [smem:$0x3FFC];
	_ =	sdelay $0x3  }
0x91: {  	_ =	strace s0  }
0x92: {  	s0 =	sld [smem:$0x3FFD];
	_ =	sdelay $0x3  }
0x93: {  	_ =	strace s0  }
0x94: {  	_ =	strace $0x8FFFFFFF  }
0x95: {  	s15 =	sld [smem:$0x3FDB];
	_ =	sdelay $0x1  }
0x96: {  	s16 =	simm.s32 $_scs_section_size  }
0x97: {  	s2 =	simm.s32 $_size__tile_overlayer_lowered;
	s3 =	simm.s32 $_tile_overlayer_lowered  }
0x98: {  	s4 =	simm.s32 $0x1BFF;
	s17 =	sshll.u32 s3, $0x1;
	s1 =	sadd.s32 s16, s15  }
0x99: {  	s18 =	simm.s32 $0x0;
	s2 =	sshll.u32 s2, $0x1;
	s3 =	sadd.s32 s17, s1  }
0x9a: {  	[timem:s18], [sflag:s4] =	dma.local [hbm:s3], s2  }
0x9b: {  	_ =	swait.ge [sflag:s4], s2  }
0x9c: {  	s2 =	ssub.s32 $0x0, s2;
	[sflag:s4] =	ssyncset.done $0x0  }
0x9d: {  	[sflag:s4] =	ssyncadd.s32 s2;
	_ =	sdelay $0x1  }
0x9e: {  	s19 =	simm.s32 $0x1B8B  }
0x9f: {  	_ =	swait.ge [sflag:s19], $0x1  }
0xa0: {  	[sflag:s19] =	ssyncset.done $0x0  }
0xa1: {  	s21 =	simm.s32 $0x1B8E;
	s20 =	sld [smem:$0x3FFE];
	[sflag:s19] =	ssyncadd.s32 $0xFFFFFFFF  }
0xa2: {  	s22 =	simm.s32 $execute0_lowered;
	[smem:$0x3FD2] =	sst s21  }
0xa3: {  	s3 =	sshll.u32 s22, $0x1;
	_ =	strace $0x80000049;
	[dreg:$0x1] =	wrdreg $0xFFFFFFFF  }
0xa4: {  	s23 =	simm.s32 $_size_execute0_lowered;
	s3 =	sadd.s32 s1, s3;
	[dreg:$0x0] =	wrdreg $0x0  }
0xa5: {  	s4 =	sshll.u32 s23, $0x1;
	[dreg:$0x2] =	wrdreg s3  }
0xa6: {  	[dreg:$0x3] =	wrdreg s4  }
0xa7: {  	[dreg:$0x4] =	wrdreg $0xC0  }
0xa8: {  	s24 =	simm.s32 $execute1_lowered;
	_ =	task [dreg:s18], $0x5FFFF  }
0xa9: {  	s3 =	sshll.u32 s24, $0x1;
	[dreg:$0x1] =	wrdreg $0xFFFFFFFF  }
0xaa: {  	s1 =	sadd.s32 s1, s3;
	[dreg:$0x0] =	wrdreg $0x60  }
0xab: {  	[dreg:$0x2] =	wrdreg s1  }
0xac: {  	[dreg:$0x3] =	wrdreg s20  }
0xad: {  	[dreg:$0x4] =	wrdreg $0x9  }
0xae: {  	_ =	task.clear_ibuf [dreg:s18], $0x5FFFF;
	_ =	strace $0x90000049  }
0xaf: {  	s25 =	simm.s32 $0x9;
	_ =	strace $0x8000004B  }
0xb0: {  	_ =	swait.ge [sflag:s25], $0x1  }
0xb1: {  	[sflag:s25] =	ssyncadd.s32 $0xFFFFFFFF  }
0xb2: {  	_ =	strace $0x9000004B  }
0xb3: {  	_ =	strace $0x8000004C;
	[dreg:$0x1] =	wrdreg $0xFFFFFFFF  }
0xb4: {  	[dreg:$0x0] =	wrdreg $0x2030  }
0xb5: {  	[dreg:$0x2] =	wrdreg s20  }
0xb6: {  	[dreg:$0x3] =	wrdreg $0xA  }
0xb7: {  	_ =	task.clear_ibuf [dreg:s18], $0x4FFFF;
	_ =	strace $0x9000004C  }
0xb8: {  	s26 =	simm.s32 $0xA;
	_ =	strace $0x8000004E  }
0xb9: {  	_ =	swait.ge [sflag:s26], $0x1  }
0xba: {  	[sflag:s26] =	ssyncadd.s32 $0xFFFFFFFF  }
0xbb: {  	_ =	strace $0x9000004E  }
0xbc: {  	_ =	sfence  }
0xbd: {  	s28 =	sld [smem:$0x0];
	_ =	sdelay $0x1  }
0xbe: {  	s29 =	srdreg.scid  }
0xbf: {  	s30 =	sshll.u32 s29, $0xD;
	s31 =	sshrl.u32 s29, $0x2  }
0xc0: {  	s2 =	sand.u32 $0x1, s29;
	s3 =	sand.u32 $0x4000, s30;
	s1 =	sadd.s32 s31, s28  }
0xc1: {  	s2 =	sor.u32 s3, s2;
	s1 =	sshll.u32 s1, $0x11  }
0xc2: {  	s1 =	sor.u32 s1, s2  }
0xc3: {  	s1 =	sadd.s32 $0x8F2B, s1  }
0xc4: {  	[sflag:s1] =	ssyncadd.remote.s32 $0x1  }
0xc5: {  	_ =	sfence.sel $0xFFFF  }
0xc6: {  	[dreg:$0x0] =	wrdreg $0xFFFFFFFF;
	(pc) =	sbr.abs _section_cstart, $3  }
0xc7: {  	[dreg:$0x1] =	wrdreg $0xFFFFFFFF  }
0xc8: {  	_ =	task.clear_ibuf [dreg:s18], $0x2FFFF;
	_ =	strace $0x9FFFFFFF  }
0xc9: {  	(tm) =	ssettm $0x7FFFFFFF  }
tec
execute0_lowered:
.L_overlay_start_1:
0x0: {  	(tag) =	ssettag $0x1  }
0x1: {  	s2 =	rddreg [dreg:$0x0]  }
0x2: {  	s5 =	rddreg [dreg:$0x1]  }
0x3: {  	s0 =	rddreg [dreg:$0x2];
	s3 =	stileid.u32  }
0x4: {  	[bflag:$0x3] =	sbarrier.arrive $0xFFFF;
	s1 =	simm.s32 $_size_execute1_lowered;
	s31 =	simm.s32 $0x2  }
0x5: {  	s13 =	simm.s32 $0x0;
	s8 =	simm.s32 $0x20;
	s9 =	simm.s32 $0x80  }
0x6: {  	s11 =	simm.s32 $0x0;
	s12 =	simm.s32 $0x0;
	p0 =	sne.s32 s3, $0x0  }
0x7: {  	s1 =	sshll.u32 s1, $0x1;
	s3 =	sshll.u32 s3, $0x9;
	s4 =	simm.s32 @!p0 $0x1C3F  }
.Ltmp0:
0x8: {  	s6 =	simm.s32 @!p0 $0x4060;
	s7 =	ssub.s32 $0x18600, s3;
	(pc) =	sbr.rel .LBB2_1-.Ltmp0, $4  }
0x9: {  	[timem:s6], [sflag:s4] =	dma.local @!p0 [hbm:s2], s1  }
0xa: {  	s10 =	smov.u32 s3;
	s4 =	simm.s32 $0x1;
	_ =	strace $0x8000004A  }
0xb: {  	s2 =	sadd.s32 $0x24D000, s5;
	s6 =	sshrl.u32 s7, $0xD;
	[sflag:s4] =	ssyncpa.u1 $0x0  }
0xc: {  	s5 =	sadd.s32 $0x3D3A00, s5;
	s7 =	sadd.s32 $0x2, s6;
	[sflag:s31] =	ssyncpa.u1 $0x0  }
.LBB2_5:
0xd: {  	_ =	sdelay $0x3  }
0xe: {  	[tilespmem:v1+s16+$0x0 ss:$0x1] =	vst.idx.msk $0xffff, v2  }
0xf: {  	[tilespmem:v1+s17+$0x0 ss:$0x1] =	vst.idx.msk $0xffff, v3  }
.LBB2_6:
0x10: {  	s16 =	sand.u32 $0x1FFFFFF, s11  }
0x11: {  	s17 =	smulhi.u32 $0x14F8B59, s16;
	_ =	sdelay $0x1  }
0x12: {  	s17 =	sshrl.u32 s17, $0x9  }
0x13: {  	s17 =	smul.u32 $0x186A0, s17;
	_ =	sdelay $0x1  }
0x14: {  	s16 =	ssub.s32 s16, s17  }
0x15: {  	s16 =	sshll.u32 s16, $0x4  }
0x16: {  	s16 =	sadd.s32 s5, s16  }
0x17: {  	[hbm4b:s16+s8] =	stream.strided.scatter [tilespmem:s15], [sflag:$0x2], s14, s9, s8, $0x38;
	[tilespmem:$0x10000] =	vst v63  }
.LBB2_7:
0x18: {  	p1 =	slt.u32 s12, $0x2  }
0x19: {  	p2 =	sgt.s32 @!p1 s13, $0x184A0  }
0x1a: {  	s14 =	smov.u32 s13;
	s15 =	sshra.s32 @!p1 s13, $0x1F;
	p2 =	por !p2, p1  }
0x1b: {  	s13 =	sand.u32 @!p1 s15, s13;
	s14 =	simm.s32 @p2 $0x184A0  }
0x1c: {  	s13 =	ssub.s32 @!p1 s14, s13  }
0x1d: {  	s13 =	sadd.s32 @!p1 $0xFFFE7B60, s13  }
0x1e: {  	s14 =	sshll.u32 @!p1 s13, $0x7  }
0x1f: {  	p2 =	sgt.s32 @!p1 s13, $0x1FF;
	s13 =	ssub.s32 @!p1 $0x10000, s14  }
0x20: {  	s15 =	sadd.s32 $0x2000, s10;
	p2 =	por !p2, p1;
	s13 =	sshrl.u32 @!p1 s13, $0x2  }
0x21: {  	s13 =	simm.s32 @!p2 $0x0;
	p2 =	sgt.s32 s15, $0x1869F  }
0x22: {  	s15 =	smov.u32 @p2 s3;
	p2 =	sne.s32 s12, s7  }
.Ltmp1:
0x23: {  	_ = 	snop;
	(pc) =	sbr.rel @!p2 .LBB2_8-.Ltmp1, $4  }
0x24: {  	s14 =	simm.s32 @!p1 $0x2  }
0x25: {  	_ =	swait.ge @!p1 [sflag:s14], s13;
	s16 =	ssub.s32 @!p1 $0x0, s13  }
0x26: {  	s13 =	smov.u32 s11;
	s12 =	sadd.s32 $0x1, s12;
	[sflag:s14] =	ssyncset.done @!p1 $0x0  }
0x27: {  	s11 =	smov.u32 s10;
	s10 =	smov.u32 s15;
	[sflag:s14] =	ssyncadd.s32 @!p1 s16  }
.LBB2_1:
0x28: {  	p1 =	sgt.u32 s12, s6  }
0x29: {  	s15 =	smov.u32 s10;
	p2 =	sgt.s32 @!p1 s10, $0x184A0  }
0x2a: {  	s14 =	sand.u32 @!p1 $0x1FFFFFF, s10;
	s16 =	sshra.s32 @!p1 s10, $0x1F;
	p2 =	por !p2, p1  }
0x2b: {  	s17 =	smulhi.u32 @!p1 $0x14F8B59, s14;
	s16 =	sand.u32 @!p1 s16, s10;
	s15 =	simm.s32 @p2 $0x184A0  }
0x2c: {  	s15 =	ssub.s32 @!p1 s15, s16  }
0x2d: {  	s16 =	sshrl.u32 @!p1 s17, $0x9;
	s15 =	sadd.s32 @!p1 $0xFFFE7B60, s15  }
0x2e: {  	s17 =	sxor.u32 @!p1 $0xFFFFFFFF, s12;
	s16 =	smul.u32 @!p1 $0x186A0, s16;
	s18 =	sshll.u32 @!p1 s15, $0x7  }
0x2f: {  	s17 =	sshll.u32 @!p1 s17, $0xE;
	p2 =	sgt.s32 @!p1 s15, $0x1FF;
	s15 =	ssub.s32 @!p1 $0x10000, s18  }
0x30: {  	s14 =	ssub.s32 @!p1 s14, s16;
	p2 =	por !p2, p1;
	s16 =	sand.u32 @!p1 $0x4000, s17  }
0x31: {  	s17 =	simm.s32 @!p1 $0x20;
	s15 =	sshrl.u32 @!p1 s15, $0x2;
	s14 =	sshll.u32 @!p1 s14, $0x4  }
0x32: {  	s18 =	simm.s32 @!p1 $0x80;
	s15 =	simm.s32 @!p2 $0x0;
	s14 =	sadd.s32 @!p1 s2, s14  }
0x33: {  	[tilespmem:s16], [sflag:$0x1] =	stream.strided.gather @!p1 [hbm4b:s14+s17], s15, s18, s17, $0x38;
	[tilespmem:$0x10000] =	vst v63  }
0x34: {  	p1 =	seq.s32 s12, $0x0  }
0x35: {  	p2 =	sge.u32 @!p1 s12, s7  }
0x36: {  	p1 =	por p1, p2  }
.Ltmp2:
0x37: {  	_ = 	snop;
	(pc) =	sbr.rel @p1 .LBB2_7-.Ltmp2, $1  }
0x38: {  	_ =	sdelay $0x3  }
0x39: {  	p1 =	sgt.s32 s11, $0x184A0;
	s14 =	smov.u32 s11;
	s15 =	sshra.s32 s11, $0x1F  }
0x3a: {  	s14 =	simm.s32 @!p1 $0x184A0;
	s15 =	sand.u32 s15, s11  }
0x3b: {  	s14 =	ssub.s32 s14, s15  }
0x3c: {  	s14 =	sadd.s32 $0xFFFE7B60, s14  }
0x3d: {  	s31 =	sshll.u32 s14, $0x7  }
0x3e: {  	s15 =	ssub.s32 $0x10000, s31  }
0x3f: {  	p1 =	sgt.s32 s14, $0x1FF;
	s14 =	sshrl.u32 s15, $0x2;
	s15 =	sadd.s32 $0x200, s11  }
0x40: {  	s14 =	simm.s32 @p1 $0x0;
	p1 =	slt.s32 s15, $0x186A0  }
0x41: {  	s15 =	simm.s32 @!p1 $0x186A0  }
0x42: {  	s18 =	ssub.s32 s15, s11  }
0x43: {  	p1 =	slt.s32 s18, $0x1  }
.Ltmp3:
0x44: {  	_ = 	snop;
	(pc) =	sbr.rel @p1 .LBB2_6-.Ltmp3, $4  }
0x45: {  	_ = 	snop  }
0x46: {  	s16 =	sshll.u32 s12, $0xE;
	_ =	swait.ge [sflag:s4], s14  }
0x47: {  	s16 =	sand.u32 $0x4000, s16;
	s17 =	ssub.s32 $0x0, s14;
	[sflag:s4] =	ssyncset.done $0x0  }
0x48: {  	s15 =	sor.u32 $0x8000, s16;
	[sflag:s4] =	ssyncadd.s32 s17  }
0x49: {  	v0 =	vmov s16;
	_ =	sdelay $0x2  }
0x4a: {  	s31 =	simm.s32 $0x0;
	p1 =	sne.s32 s18, $0x1  }
.Ltmp4:
0x4b: {  	s16 =	sand.u32 $0x3FE0, s31;
	(pc) =	sbr.rel @!p1 .LBB2_5-.Ltmp4, $3  }
0x4c: {  	v1 =	vmov s15;
	s17 =	sor.u32 $0x10, s16;
	v2 =	vld.idx.msk [tilespmem:v0+s16+$0x0 ss:$0x1], $0xffff  }
0x4d: {  	v3 =	vld.idx.msk [tilespmem:v0+s17+$0x0 ss:$0x1], $0xffff;
	_ =	sdelay $0x1  }
0x4e: {  	s18 =	sadd.s32 $0xFFFFFFFF, s18;
	s19 =	simm.s32 $0x20  }
.LBB2_4:
0x4f: {  	s20 =	sand.u32 $0x3FE0, s19;
	p1 =	sne.s32 s18, $0x1;
	s18 =	sadd.s32 $0xFFFFFFFF, s18  }
.Ltmp5:
0x50: {  	s21 =	sor.u32 $0x10, s20;
	[tilespmem:v1+s16+$0x0 ss:$0x1] =	vst.idx.msk $0xffff, v2;
	v2 =	vld.idx.msk [tilespmem:v0+s20+$0x0 ss:$0x1], $0xffff;
	s16 =	smov.u32 s20;
	(pc) =	sbr.rel @p1 .LBB2_4-.Ltmp5, $2  }
0x51: {  	[tilespmem:v1+s17+$0x0 ss:$0x1] =	vst.idx.msk $0xffff, v3;
	v3 =	vld.idx.msk [tilespmem:v0+s21+$0x0 ss:$0x1], $0xffff;
	s17 =	smov.u32 s21;
	_ =	sdelay $0x2  }
0x52: {  	s19 =	sadd.s32 $0x20, s19  }
.Ltmp6:
0x53: {  	_ = 	snop;
	(pc) =	sbr.rel .LBB2_5-.Ltmp6, $1  }
0x54: {  	_ =	sdelay $0x3  }
.LBB2_8:
0x55: {  	_ =	sfence.sel $0x180000  }
0x56: {  	s2 =	simm.s32 $0x1;
	[bflag:$0x0] =	sbarrier.arrive $0xFFFF  }
0x57: {  	s31 =	simm.s32 $0x2;
	[sflag:s2] =	ssyncpa.u1 $0x1  }
0x58: {  	[sflag:s31] =	ssyncpa.u1 $0x1  }
0x59: {  	_ =	strace $0x9000004A  }
0x5a: {  	s0 =	sadd.s32 @!p0 $0x100000, s0;
	[bflag:$0x2] =	sbarrier.arrive $0xFFFF  }
0x5b: {  	[sflag:s0] =	ssyncadd.tile.s32 @!p0 $0x1;
	s0 =	simm.s32 @!p0 $0x3F  }
0x5c: {  	_ =	swait.ge @!p0 [sflag:s0], s1  }
0x5d: {  	s1 =	ssub.s32 @!p0 $0x0, s1;
	[sflag:s0] =	ssyncset.done @!p0 $0x0  }
0x5e: {  	[sflag:s0] =	ssyncadd.s32 @!p0 s1  }
0x5f: {  	[bflag:$0x3] =	sbarrier.arrive $0xFFFF  }
0x60: {  	_ =	shalt  }
.Lfunc_end2:
execute1_lowered:
.L_overlay_start_2:
0x61: {  	(tag) =	ssettag $0x2  }
0x62: {  	s3 =	rddreg [dreg:$0x0];
	_ =	strace $0x8000004D;
	s2 =	simm.s32 $0x1  }
0x63: {  	v0 =	vimm.s32 $0x0;
	[sflag:s2] =	ssyncpa.u1 $0x0  }
0x64: {  	[tilespmem:$0x48] =	vst v0  }
0x65: {  	[tilespmem:$0x58] =	vst v0  }
0x66: {  	[tilespmem:$0x68] =	vst v0  }
0x67: {  	[tilespmem:$0x78] =	vst v0  }
0x68: {  	[tilespmem:$0x88] =	vst v0  }
0x69: {  	[tilespmem:$0x98] =	vst v0  }
0x6a: {  	[tilespmem:$0xA8] =	vst v0  }
0x6b: {  	[tilespmem:$0xB8] =	vst v0  }
0x6c: {  	[tilespmem:$0xC8] =	vst v0  }
0x6d: {  	[tilespmem:$0xD8] =	vst v0  }
0x6e: {  	[tilespmem:$0xE8] =	vst v0  }
0x6f: {  	[tilespmem:$0xF8] =	vst v0  }
0x70: {  	[tilespmem:$0x108] =	vst v0  }
0x71: {  	[tilespmem:$0x118] =	vst v0  }
0x72: {  	[tilespmem:$0x128] =	vst v0  }
0x73: {  	[tilespmem:$0x138] =	vst v0  }
0x74: {  	[tilespmem:$0x148] =	vst v0  }
0x75: {  	[tilespmem:$0x158] =	vst v0  }
0x76: {  	[tilespmem:$0x168] =	vst v0  }
0x77: {  	[tilespmem:$0x178] =	vst v0  }
0x78: {  	[tilespmem:$0x188] =	vst v0  }
0x79: {  	[tilespmem:$0x198] =	vst v0  }
0x7a: {  	[tilespmem:$0x1A8] =	vst v0  }
0x7b: {  	[tilespmem:$0x1B8] =	vst v0  }
0x7c: {  	[tilespmem:$0x1C8] =	vst v0  }
0x7d: {  	[tilespmem:$0x1D8] =	vst v0  }
0x7e: {  	[tilespmem:$0x1E8] =	vst v0  }
0x7f: {  	[tilespmem:$0x1F8] =	vst v0  }
0x80: {  	[tilespmem:$0x208] =	vst v0  }
0x81: {  	[tilespmem:$0x218] =	vst v0  }
0x82: {  	[tilespmem:$0x228] =	vst v0  }
0x83: {  	[tilespmem:$0x238] =	vst v0  }
0x84: {  	[tilespmem:$0x248] =	vst v0  }
0x85: {  	[tilespmem:$0x258] =	vst v0  }
0x86: {  	[tilespmem:$0x268] =	vst v0  }
0x87: {  	[tilespmem:$0x278] =	vst v0  }
0x88: {  	[tilespmem:$0x288] =	vst v0  }
0x89: {  	[tilespmem:$0x298] =	vst v0  }
0x8a: {  	[tilespmem:$0x2A8] =	vst v0  }
0x8b: {  	[tilespmem:$0x2B8] =	vst v0  }
0x8c: {  	[tilespmem:$0x2C8] =	vst v0  }
0x8d: {  	[tilespmem:$0x2D8] =	vst v0  }
0x8e: {  	[tilespmem:$0x2E8] =	vst v0  }
0x8f: {  	[tilespmem:$0x2F8] =	vst v0  }
0x90: {  	[tilespmem:$0x308] =	vst v0  }
0x91: {  	[tilespmem:$0x318] =	vst v0  }
0x92: {  	[tilespmem:$0x328] =	vst v0  }
0x93: {  	[tilespmem:$0x338] =	vst v0  }
0x94: {  	[tilespmem:$0x348] =	vst v0  }
0x95: {  	[tilespmem:$0x358] =	vst v0  }
0x96: {  	[tilespmem:$0x368] =	vst v0  }
0x97: {  	[tilespmem:$0x378] =	vst v0  }
0x98: {  	[tilespmem:$0x388] =	vst v0  }
0x99: {  	[tilespmem:$0x398] =	vst v0  }
0x9a: {  	[tilespmem:$0x3A8] =	vst v0  }
0x9b: {  	[tilespmem:$0x3B8] =	vst v0  }
0x9c: {  	[tilespmem:$0x3C8] =	vst v0  }
0x9d: {  	[tilespmem:$0x3D8] =	vst v0  }
0x9e: {  	[tilespmem:$0x3E8] =	vst v0  }
0x9f: {  	[tilespmem:$0x3F8] =	vst v0  }
0xa0: {  	[tilespmem:$0x408] =	vst v0  }
0xa1: {  	[tilespmem:$0x418] =	vst v0  }
0xa2: {  	[tilespmem:$0x428] =	vst v0  }
0xa3: {  	[tilespmem:$0x438] =	vst v0  }
0xa4: {  	[tilespmem:$0x448] =	vst v0  }
0xa5: {  	[tilespmem:$0x458] =	vst v0  }
0xa6: {  	[tilespmem:$0x468] =	vst v0  }
0xa7: {  	[tilespmem:$0x478] =	vst v0  }
0xa8: {  	[tilespmem:$0x488] =	vst v0  }
0xa9: {  	[tilespmem:$0x498] =	vst v0  }
0xaa: {  	[tilespmem:$0x4A8] =	vst v0  }
0xab: {  	[tilespmem:$0x4B8] =	vst v0  }
0xac: {  	[tilespmem:$0x4C8] =	vst v0  }
0xad: {  	[tilespmem:$0x4D8] =	vst v0  }
0xae: {  	[tilespmem:$0x4E8] =	vst v0  }
0xaf: {  	[tilespmem:$0x4F8] =	vst v0  }
0xb0: {  	[tilespmem:$0x508] =	vst v0  }
0xb1: {  	[tilespmem:$0x518] =	vst v0  }
0xb2: {  	[tilespmem:$0x528] =	vst v0  }
0xb3: {  	[tilespmem:$0x538] =	vst v0  }
0xb4: {  	[tilespmem:$0x548] =	vst v0  }
0xb5: {  	[tilespmem:$0x558] =	vst v0  }
0xb6: {  	[tilespmem:$0x568] =	vst v0  }
0xb7: {  	[tilespmem:$0x578] =	vst v0  }
0xb8: {  	[tilespmem:$0x588] =	vst v0  }
0xb9: {  	[tilespmem:$0x598] =	vst v0  }
0xba: {  	[tilespmem:$0x5A8] =	vst v0  }
0xbb: {  	[tilespmem:$0x5B8] =	vst v0  }
0xbc: {  	[tilespmem:$0x5C8] =	vst v0  }
0xbd: {  	[tilespmem:$0x5D8] =	vst v0  }
0xbe: {  	[tilespmem:$0x5E8] =	vst v0  }
0xbf: {  	[tilespmem:$0x5F8] =	vst v0  }
0xc0: {  	[tilespmem:$0x608] =	vst v0  }
0xc1: {  	[tilespmem:$0x618] =	vst v0  }
0xc2: {  	[tilespmem:$0x628] =	vst v0  }
0xc3: {  	[tilespmem:$0x638] =	vst v0  }
0xc4: {  	[tilespmem:$0x648] =	vst v0  }
0xc5: {  	[tilespmem:$0x658] =	vst v0  }
0xc6: {  	[tilespmem:$0x668] =	vst v0  }
0xc7: {  	[tilespmem:$0x678] =	vst v0  }
0xc8: {  	[tilespmem:$0x688] =	vst v0  }
0xc9: {  	[tilespmem:$0x698] =	vst v0  }
0xca: {  	[tilespmem:$0x6A8] =	vst v0  }
0xcb: {  	[tilespmem:$0x6B8] =	vst v0  }
0xcc: {  	[tilespmem:$0x6C8] =	vst v0  }
0xcd: {  	[tilespmem:$0x6D8] =	vst v0  }
0xce: {  	[tilespmem:$0x6E8] =	vst v0  }
0xcf: {  	[tilespmem:$0x6F8] =	vst v0  }
0xd0: {  	[tilespmem:$0x708] =	vst v0  }
0xd1: {  	[tilespmem:$0x718] =	vst v0  }
0xd2: {  	[tilespmem:$0x728] =	vst v0  }
0xd3: {  	[tilespmem:$0x738] =	vst v0  }
0xd4: {  	[tilespmem:$0x748] =	vst v0  }
0xd5: {  	[tilespmem:$0x758] =	vst v0  }
0xd6: {  	[tilespmem:$0x768] =	vst v0  }
0xd7: {  	[tilespmem:$0x778] =	vst v0  }
0xd8: {  	[tilespmem:$0x788] =	vst v0  }
0xd9: {  	[tilespmem:$0x798] =	vst v0  }
0xda: {  	[tilespmem:$0x7A8] =	vst v0  }
0xdb: {  	[tilespmem:$0x7B8] =	vst v0  }
0xdc: {  	[tilespmem:$0x7C8] =	vst v0  }
0xdd: {  	[tilespmem:$0x7D8] =	vst v0  }
0xde: {  	[tilespmem:$0x7E8] =	vst v0  }
0xdf: {  	[tilespmem:$0x7F8] =	vst v0  }
0xe0: {  	[tilespmem:$0x808] =	vst v0  }
0xe1: {  	[tilespmem:$0x818] =	vst v0  }
0xe2: {  	[tilespmem:$0x828] =	vst v0  }
0xe3: {  	[tilespmem:$0x838] =	vst v0  }
0xe4: {  	[tilespmem:$0x848] =	vst v0  }
0xe5: {  	[tilespmem:$0x858] =	vst v0  }
0xe6: {  	[tilespmem:$0x868] =	vst v0  }
0xe7: {  	[tilespmem:$0x878] =	vst v0  }
0xe8: {  	[tilespmem:$0x888] =	vst v0  }
0xe9: {  	[tilespmem:$0x898] =	vst v0  }
0xea: {  	[tilespmem:$0x8A8] =	vst v0  }
0xeb: {  	[tilespmem:$0x8B8] =	vst v0  }
0xec: {  	[tilespmem:$0x8C8] =	vst v0  }
0xed: {  	[tilespmem:$0x8D8] =	vst v0  }
0xee: {  	[tilespmem:$0x8E8] =	vst v0  }
0xef: {  	[tilespmem:$0x8F8] =	vst v0  }
0xf0: {  	[tilespmem:$0x908] =	vst v0  }
0xf1: {  	[tilespmem:$0x918] =	vst v0  }
0xf2: {  	[tilespmem:$0x928] =	vst v0  }
0xf3: {  	[tilespmem:$0x938] =	vst v0  }
0xf4: {  	[tilespmem:$0x948] =	vst v0  }
0xf5: {  	[tilespmem:$0x958] =	vst v0  }
0xf6: {  	[tilespmem:$0x968] =	vst v0  }
0xf7: {  	[tilespmem:$0x978] =	vst v0  }
0xf8: {  	[tilespmem:$0x988] =	vst v0  }
0xf9: {  	[tilespmem:$0x998] =	vst v0  }
0xfa: {  	[tilespmem:$0x9A8] =	vst v0  }
0xfb: {  	[tilespmem:$0x9B8] =	vst v0  }
0xfc: {  	[tilespmem:$0x9C8] =	vst v0  }
0xfd: {  	[tilespmem:$0x9D8] =	vst v0  }
0xfe: {  	[tilespmem:$0x9E8] =	vst v0  }
0xff: {  	[tilespmem:$0x9F8] =	vst v0  }
0x100: {  	[tilespmem:$0xA08] =	vst v0  }
0x101: {  	[tilespmem:$0xA18] =	vst v0  }
0x102: {  	[tilespmem:$0xA28] =	vst v0  }
0x103: {  	[tilespmem:$0xA38] =	vst v0  }
0x104: {  	[tilespmem:$0xA48] =	vst v0  }
0x105: {  	[tilespmem:$0xA58] =	vst v0  }
0x106: {  	[tilespmem:$0xA68] =	vst v0  }
0x107: {  	[tilespmem:$0xA78] =	vst v0  }
0x108: {  	[tilespmem:$0xA88] =	vst v0  }
0x109: {  	[tilespmem:$0xA98] =	vst v0  }
0x10a: {  	[tilespmem:$0xAA8] =	vst v0  }
0x10b: {  	[tilespmem:$0xAB8] =	vst v0  }
0x10c: {  	[tilespmem:$0xAC8] =	vst v0  }
0x10d: {  	[tilespmem:$0xAD8] =	vst v0  }
0x10e: {  	[tilespmem:$0xAE8] =	vst v0  }
0x10f: {  	[tilespmem:$0xAF8] =	vst v0  }
0x110: {  	[tilespmem:$0xB08] =	vst v0  }
0x111: {  	[tilespmem:$0xB18] =	vst v0  }
0x112: {  	[tilespmem:$0xB28] =	vst v0  }
0x113: {  	[tilespmem:$0xB38] =	vst v0  }
0x114: {  	[tilespmem:$0xB48] =	vst v0  }
0x115: {  	[tilespmem:$0xB58] =	vst v0  }
0x116: {  	[tilespmem:$0xB68] =	vst v0  }
0x117: {  	[tilespmem:$0xB78] =	vst v0  }
0x118: {  	[tilespmem:$0xB88] =	vst v0  }
0x119: {  	[tilespmem:$0xB98] =	vst v0  }
0x11a: {  	[tilespmem:$0xBA8] =	vst v0  }
0x11b: {  	[tilespmem:$0xBB8] =	vst v0  }
0x11c: {  	[tilespmem:$0xBC8] =	vst v0  }
0x11d: {  	[tilespmem:$0xBD8] =	vst v0  }
0x11e: {  	[tilespmem:$0xBE8] =	vst v0  }
0x11f: {  	[tilespmem:$0xBF8] =	vst v0  }
0x120: {  	[tilespmem:$0xC08] =	vst v0  }
0x121: {  	[tilespmem:$0xC18] =	vst v0  }
0x122: {  	[tilespmem:$0xC28] =	vst v0  }
0x123: {  	[tilespmem:$0xC38] =	vst v0  }
0x124: {  	[tilespmem:$0xC48] =	vst v0  }
0x125: {  	[tilespmem:$0xC58] =	vst v0  }
0x126: {  	[tilespmem:$0xC68] =	vst v0  }
0x127: {  	[tilespmem:$0xC78] =	vst v0  }
0x128: {  	[tilespmem:$0xC88] =	vst v0  }
0x129: {  	[tilespmem:$0xC98] =	vst v0  }
0x12a: {  	[tilespmem:$0xCA8] =	vst v0  }
0x12b: {  	[tilespmem:$0xCB8] =	vst v0  }
0x12c: {  	[tilespmem:$0xCC8] =	vst v0  }
0x12d: {  	[tilespmem:$0xCD8] =	vst v0  }
0x12e: {  	[tilespmem:$0xCE8] =	vst v0  }
0x12f: {  	[tilespmem:$0xCF8] =	vst v0  }
0x130: {  	[tilespmem:$0xD08] =	vst v0  }
0x131: {  	[tilespmem:$0xD18] =	vst v0  }
0x132: {  	[tilespmem:$0xD28] =	vst v0  }
0x133: {  	[tilespmem:$0xD38] =	vst v0  }
0x134: {  	[tilespmem:$0xD48] =	vst v0  }
0x135: {  	[tilespmem:$0xD58] =	vst v0  }
0x136: {  	[tilespmem:$0xD68] =	vst v0  }
0x137: {  	[tilespmem:$0xD78] =	vst v0  }
0x138: {  	[tilespmem:$0xD88] =	vst v0  }
0x139: {  	[tilespmem:$0xD98] =	vst v0  }
0x13a: {  	[tilespmem:$0xDA8] =	vst v0  }
0x13b: {  	[tilespmem:$0xDB8] =	vst v0  }
0x13c: {  	[tilespmem:$0xDC8] =	vst v0  }
0x13d: {  	[tilespmem:$0xDD8] =	vst v0  }
0x13e: {  	[tilespmem:$0xDE8] =	vst v0  }
0x13f: {  	[tilespmem:$0xDF8] =	vst v0  }
0x140: {  	[tilespmem:$0xE08] =	vst v0  }
0x141: {  	[tilespmem:$0xE18] =	vst v0  }
0x142: {  	[tilespmem:$0xE28] =	vst v0  }
0x143: {  	[tilespmem:$0xE38] =	vst v0  }
0x144: {  	[tilespmem:$0xE48] =	vst v0  }
0x145: {  	[tilespmem:$0xE58] =	vst v0  }
0x146: {  	[tilespmem:$0xE68] =	vst v0  }
0x147: {  	[tilespmem:$0xE78] =	vst v0  }
0x148: {  	[tilespmem:$0xE88] =	vst v0  }
0x149: {  	[tilespmem:$0xE98] =	vst v0  }
0x14a: {  	[tilespmem:$0xEA8] =	vst v0  }
0x14b: {  	[tilespmem:$0xEB8] =	vst v0  }
0x14c: {  	[tilespmem:$0xEC8] =	vst v0  }
0x14d: {  	[tilespmem:$0xED8] =	vst v0  }
0x14e: {  	[tilespmem:$0xEE8] =	vst v0  }
0x14f: {  	[tilespmem:$0xEF8] =	vst v0  }
0x150: {  	[tilespmem:$0xF08] =	vst v0  }
0x151: {  	[tilespmem:$0xF18] =	vst v0  }
0x152: {  	[tilespmem:$0xF28] =	vst v0  }
0x153: {  	[tilespmem:$0xF38] =	vst v0  }
0x154: {  	[tilespmem:$0xF48] =	vst v0  }
0x155: {  	[tilespmem:$0xF58] =	vst v0  }
0x156: {  	[tilespmem:$0xF68] =	vst v0  }
0x157: {  	[tilespmem:$0xF78] =	vst v0  }
0x158: {  	[tilespmem:$0xF88] =	vst v0  }
0x159: {  	[tilespmem:$0xF98] =	vst v0  }
0x15a: {  	[tilespmem:$0xFA8] =	vst v0  }
0x15b: {  	[tilespmem:$0xFB8] =	vst v0  }
0x15c: {  	[tilespmem:$0xFC8] =	vst v0  }
0x15d: {  	[tilespmem:$0xFD8] =	vst v0  }
0x15e: {  	[tilespmem:$0xFE8] =	vst v0  }
0x15f: {  	[tilespmem:$0xFF8] =	vst v0  }
0x160: {  	[tilespmem:$0x1008] =	vst v0  }
0x161: {  	[tilespmem:$0x1018] =	vst v0  }
0x162: {  	[tilespmem:$0x1028] =	vst v0  }
0x163: {  	[tilespmem:$0x1038] =	vst v0  }
0x164: {  	[tilespmem:$0x1048] =	vst v0  }
0x165: {  	[tilespmem:$0x1058] =	vst v0  }
0x166: {  	[tilespmem:$0x1068] =	vst v0  }
0x167: {  	[tilespmem:$0x1078] =	vst v0  }
0x168: {  	[tilespmem:$0x1088] =	vst v0  }
0x169: {  	[tilespmem:$0x1098] =	vst v0  }
0x16a: {  	[tilespmem:$0x10A8] =	vst v0  }
0x16b: {  	[tilespmem:$0x10B8] =	vst v0  }
0x16c: {  	[tilespmem:$0x10C8] =	vst v0  }
0x16d: {  	[tilespmem:$0x10D8] =	vst v0  }
0x16e: {  	[tilespmem:$0x10E8] =	vst v0  }
0x16f: {  	[tilespmem:$0x10F8] =	vst v0  }
0x170: {  	[tilespmem:$0x1108] =	vst v0  }
0x171: {  	[tilespmem:$0x1118] =	vst v0  }
0x172: {  	[tilespmem:$0x1128] =	vst v0  }
0x173: {  	[tilespmem:$0x1138] =	vst v0  }
0x174: {  	[tilespmem:$0x1148] =	vst v0  }
0x175: {  	[tilespmem:$0x1158] =	vst v0  }
0x176: {  	[tilespmem:$0x1168] =	vst v0  }
0x177: {  	[tilespmem:$0x1178] =	vst v0  }
0x178: {  	[tilespmem:$0x1188] =	vst v0  }
0x179: {  	[tilespmem:$0x1198] =	vst v0  }
0x17a: {  	[tilespmem:$0x11A8] =	vst v0  }
0x17b: {  	[tilespmem:$0x11B8] =	vst v0  }
0x17c: {  	[tilespmem:$0x11C8] =	vst v0  }
0x17d: {  	[tilespmem:$0x11D8] =	vst v0  }
0x17e: {  	[tilespmem:$0x11E8] =	vst v0  }
0x17f: {  	[tilespmem:$0x11F8] =	vst v0  }
0x180: {  	[tilespmem:$0x1208] =	vst v0  }
0x181: {  	[tilespmem:$0x1218] =	vst v0  }
0x182: {  	[tilespmem:$0x1228] =	vst v0  }
0x183: {  	[tilespmem:$0x1238] =	vst v0  }
0x184: {  	[tilespmem:$0x1248] =	vst v0  }
0x185: {  	[tilespmem:$0x1258] =	vst v0  }
0x186: {  	[tilespmem:$0x1268] =	vst v0  }
0x187: {  	[tilespmem:$0x1278] =	vst v0  }
0x188: {  	[tilespmem:$0x1288] =	vst v0  }
0x189: {  	[tilespmem:$0x1298] =	vst v0  }
0x18a: {  	[tilespmem:$0x12A8] =	vst v0  }
0x18b: {  	[tilespmem:$0x12B8] =	vst v0  }
0x18c: {  	[tilespmem:$0x12C8] =	vst v0  }
0x18d: {  	[tilespmem:$0x12D8] =	vst v0  }
0x18e: {  	[tilespmem:$0x12E8] =	vst v0  }
0x18f: {  	[tilespmem:$0x12F8] =	vst v0  }
0x190: {  	[tilespmem:$0x1308] =	vst v0  }
0x191: {  	[tilespmem:$0x1318] =	vst v0  }
0x192: {  	[tilespmem:$0x1328] =	vst v0  }
0x193: {  	[tilespmem:$0x1338] =	vst v0  }
0x194: {  	[tilespmem:$0x1348] =	vst v0  }
0x195: {  	[tilespmem:$0x1358] =	vst v0  }
0x196: {  	[tilespmem:$0x1368] =	vst v0  }
0x197: {  	[tilespmem:$0x1378] =	vst v0  }
0x198: {  	[tilespmem:$0x1388] =	vst v0  }
0x199: {  	[tilespmem:$0x1398] =	vst v0  }
0x19a: {  	[tilespmem:$0x13A8] =	vst v0  }
0x19b: {  	[tilespmem:$0x13B8] =	vst v0  }
0x19c: {  	[tilespmem:$0x13C8] =	vst v0  }
0x19d: {  	[tilespmem:$0x13D8] =	vst v0  }
0x19e: {  	[tilespmem:$0x13E8] =	vst v0  }
0x19f: {  	[tilespmem:$0x13F8] =	vst v0  }
0x1a0: {  	[tilespmem:$0x1408] =	vst v0  }
0x1a1: {  	[tilespmem:$0x1418] =	vst v0  }
0x1a2: {  	[tilespmem:$0x1428] =	vst v0  }
0x1a3: {  	[tilespmem:$0x1438] =	vst v0  }
0x1a4: {  	[tilespmem:$0x1448] =	vst v0  }
0x1a5: {  	[tilespmem:$0x1458] =	vst v0  }
0x1a6: {  	[tilespmem:$0x1468] =	vst v0  }
0x1a7: {  	[tilespmem:$0x1478] =	vst v0  }
0x1a8: {  	[tilespmem:$0x1488] =	vst v0  }
0x1a9: {  	[tilespmem:$0x1498] =	vst v0  }
0x1aa: {  	[tilespmem:$0x14A8] =	vst v0  }
0x1ab: {  	[tilespmem:$0x14B8] =	vst v0  }
0x1ac: {  	[tilespmem:$0x14C8] =	vst v0  }
0x1ad: {  	[tilespmem:$0x14D8] =	vst v0  }
0x1ae: {  	[tilespmem:$0x14E8] =	vst v0  }
0x1af: {  	[tilespmem:$0x14F8] =	vst v0  }
0x1b0: {  	[tilespmem:$0x1508] =	vst v0  }
0x1b1: {  	[tilespmem:$0x1518] =	vst v0  }
0x1b2: {  	[tilespmem:$0x1528] =	vst v0  }
0x1b3: {  	[tilespmem:$0x1538] =	vst v0  }
0x1b4: {  	[tilespmem:$0x1548] =	vst v0  }
0x1b5: {  	[tilespmem:$0x1558] =	vst v0  }
0x1b6: {  	[tilespmem:$0x1568] =	vst v0  }
0x1b7: {  	[tilespmem:$0x1578] =	vst v0  }
0x1b8: {  	[tilespmem:$0x1588] =	vst v0  }
0x1b9: {  	[tilespmem:$0x1598] =	vst v0  }
0x1ba: {  	[tilespmem:$0x15A8] =	vst v0  }
0x1bb: {  	[tilespmem:$0x15B8] =	vst v0  }
0x1bc: {  	[tilespmem:$0x15C8] =	vst v0  }
0x1bd: {  	[tilespmem:$0x15D8] =	vst v0  }
0x1be: {  	[tilespmem:$0x15E8] =	vst v0  }
0x1bf: {  	[tilespmem:$0x15F8] =	vst v0  }
0x1c0: {  	[tilespmem:$0x1608] =	vst v0  }
0x1c1: {  	[tilespmem:$0x1618] =	vst v0  }
0x1c2: {  	[tilespmem:$0x1628] =	vst v0  }
0x1c3: {  	[tilespmem:$0x1638] =	vst v0  }
0x1c4: {  	[tilespmem:$0x1648] =	vst v0  }
0x1c5: {  	[tilespmem:$0x1658] =	vst v0  }
0x1c6: {  	[tilespmem:$0x1668] =	vst v0  }
0x1c7: {  	[tilespmem:$0x1678] =	vst v0  }
0x1c8: {  	[tilespmem:$0x1688] =	vst v0  }
0x1c9: {  	[tilespmem:$0x1698] =	vst v0  }
0x1ca: {  	[tilespmem:$0x16A8] =	vst v0  }
0x1cb: {  	[tilespmem:$0x16B8] =	vst v0  }
0x1cc: {  	[tilespmem:$0x16C8] =	vst v0  }
0x1cd: {  	[tilespmem:$0x16D8] =	vst v0  }
0x1ce: {  	[tilespmem:$0x16E8] =	vst v0  }
0x1cf: {  	[tilespmem:$0x16F8] =	vst v0  }
0x1d0: {  	[tilespmem:$0x1708] =	vst v0  }
0x1d1: {  	[tilespmem:$0x1718] =	vst v0  }
0x1d2: {  	[tilespmem:$0x1728] =	vst v0  }
0x1d3: {  	[tilespmem:$0x1738] =	vst v0  }
0x1d4: {  	[tilespmem:$0x1748] =	vst v0  }
0x1d5: {  	[tilespmem:$0x1758] =	vst v0  }
0x1d6: {  	[tilespmem:$0x1768] =	vst v0  }
0x1d7: {  	[tilespmem:$0x1778] =	vst v0  }
0x1d8: {  	[tilespmem:$0x1788] =	vst v0  }
0x1d9: {  	[tilespmem:$0x1798] =	vst v0  }
0x1da: {  	[tilespmem:$0x17A8] =	vst v0  }
0x1db: {  	[tilespmem:$0x17B8] =	vst v0  }
0x1dc: {  	[tilespmem:$0x17C8] =	vst v0  }
0x1dd: {  	[tilespmem:$0x17D8] =	vst v0  }
0x1de: {  	[tilespmem:$0x17E8] =	vst v0  }
0x1df: {  	[tilespmem:$0x17F8] =	vst v0  }
0x1e0: {  	[tilespmem:$0x1808] =	vst v0  }
0x1e1: {  	[tilespmem:$0x1818] =	vst v0  }
0x1e2: {  	[tilespmem:$0x1828] =	vst v0  }
0x1e3: {  	[tilespmem:$0x1838] =	vst v0  }
0x1e4: {  	[tilespmem:$0x1848] =	vst v0  }
0x1e5: {  	[tilespmem:$0x1858] =	vst v0  }
0x1e6: {  	[tilespmem:$0x1868] =	vst v0  }
0x1e7: {  	[tilespmem:$0x1878] =	vst v0  }
0x1e8: {  	[tilespmem:$0x1888] =	vst v0  }
0x1e9: {  	[tilespmem:$0x1898] =	vst v0  }
0x1ea: {  	[tilespmem:$0x18A8] =	vst v0  }
0x1eb: {  	[tilespmem:$0x18B8] =	vst v0  }
0x1ec: {  	[tilespmem:$0x18C8] =	vst v0  }
0x1ed: {  	[tilespmem:$0x18D8] =	vst v0  }
0x1ee: {  	[tilespmem:$0x18E8] =	vst v0  }
0x1ef: {  	[tilespmem:$0x18F8] =	vst v0  }
0x1f0: {  	[tilespmem:$0x1908] =	vst v0  }
0x1f1: {  	[tilespmem:$0x1918] =	vst v0  }
0x1f2: {  	[tilespmem:$0x1928] =	vst v0  }
0x1f3: {  	[tilespmem:$0x1938] =	vst v0  }
0x1f4: {  	[tilespmem:$0x1948] =	vst v0  }
0x1f5: {  	[tilespmem:$0x1958] =	vst v0  }
0x1f6: {  	[tilespmem:$0x1968] =	vst v0  }
0x1f7: {  	[tilespmem:$0x1978] =	vst v0  }
0x1f8: {  	[tilespmem:$0x1988] =	vst v0  }
0x1f9: {  	[tilespmem:$0x1998] =	vst v0  }
0x1fa: {  	[tilespmem:$0x19A8] =	vst v0  }
0x1fb: {  	[tilespmem:$0x19B8] =	vst v0  }
0x1fc: {  	[tilespmem:$0x19C8] =	vst v0  }
0x1fd: {  	[tilespmem:$0x19D8] =	vst v0  }
0x1fe: {  	[tilespmem:$0x19E8] =	vst v0  }
0x1ff: {  	[tilespmem:$0x19F8] =	vst v0  }
0x200: {  	[tilespmem:$0x1A08] =	vst v0  }
0x201: {  	[tilespmem:$0x1A18] =	vst v0  }
0x202: {  	[tilespmem:$0x1A28] =	vst v0  }
0x203: {  	[tilespmem:$0x1A38] =	vst v0  }
0x204: {  	[tilespmem:$0x1A48] =	vst v0  }
0x205: {  	[tilespmem:$0x1A58] =	vst v0  }
0x206: {  	[tilespmem:$0x1A68] =	vst v0  }
0x207: {  	[tilespmem:$0x1A78] =	vst v0  }
0x208: {  	[tilespmem:$0x1A88] =	vst v0  }
0x209: {  	[tilespmem:$0x1A98] =	vst v0  }
0x20a: {  	[tilespmem:$0x1AA8] =	vst v0  }
0x20b: {  	[tilespmem:$0x1AB8] =	vst v0  }
0x20c: {  	[tilespmem:$0x1AC8] =	vst v0  }
0x20d: {  	[tilespmem:$0x1AD8] =	vst v0  }
0x20e: {  	[tilespmem:$0x1AE8] =	vst v0  }
0x20f: {  	[tilespmem:$0x1AF8] =	vst v0  }
0x210: {  	[tilespmem:$0x1B08] =	vst v0  }
0x211: {  	[tilespmem:$0x1B18] =	vst v0  }
0x212: {  	[tilespmem:$0x1B28] =	vst v0  }
0x213: {  	[tilespmem:$0x1B38] =	vst v0  }
0x214: {  	[tilespmem:$0x1B48] =	vst v0  }
0x215: {  	[tilespmem:$0x1B58] =	vst v0  }
0x216: {  	[tilespmem:$0x1B68] =	vst v0  }
0x217: {  	[tilespmem:$0x1B78] =	vst v0  }
0x218: {  	[tilespmem:$0x1B88] =	vst v0  }
0x219: {  	[tilespmem:$0x1B98] =	vst v0  }
0x21a: {  	[tilespmem:$0x1BA8] =	vst v0  }
0x21b: {  	[tilespmem:$0x1BB8] =	vst v0  }
0x21c: {  	[tilespmem:$0x1BC8] =	vst v0  }
0x21d: {  	[tilespmem:$0x1BD8] =	vst v0  }
0x21e: {  	[tilespmem:$0x1BE8] =	vst v0  }
0x21f: {  	[tilespmem:$0x1BF8] =	vst v0  }
0x220: {  	[tilespmem:$0x1C08] =	vst v0  }
0x221: {  	[tilespmem:$0x1C18] =	vst v0  }
0x222: {  	[tilespmem:$0x1C28] =	vst v0  }
0x223: {  	[tilespmem:$0x1C38] =	vst v0  }
0x224: {  	[tilespmem:$0x1C48] =	vst v0  }
0x225: {  	[tilespmem:$0x1C58] =	vst v0  }
0x226: {  	[tilespmem:$0x1C68] =	vst v0  }
0x227: {  	[tilespmem:$0x1C78] =	vst v0  }
0x228: {  	[tilespmem:$0x1C88] =	vst v0  }
0x229: {  	[tilespmem:$0x1C98] =	vst v0  }
0x22a: {  	[tilespmem:$0x1CA8] =	vst v0  }
0x22b: {  	[tilespmem:$0x1CB8] =	vst v0  }
0x22c: {  	[tilespmem:$0x1CC8] =	vst v0  }
0x22d: {  	[tilespmem:$0x1CD8] =	vst v0  }
0x22e: {  	[tilespmem:$0x1CE8] =	vst v0  }
0x22f: {  	[tilespmem:$0x1CF8] =	vst v0  }
0x230: {  	[tilespmem:$0x1D08] =	vst v0  }
0x231: {  	[tilespmem:$0x1D18] =	vst v0  }
0x232: {  	[tilespmem:$0x1D28] =	vst v0  }
0x233: {  	[tilespmem:$0x1D38] =	vst v0  }
0x234: {  	[tilespmem:$0x1D48] =	vst v0  }
0x235: {  	[tilespmem:$0x1D58] =	vst v0  }
0x236: {  	[tilespmem:$0x1D68] =	vst v0  }
0x237: {  	[tilespmem:$0x1D78] =	vst v0  }
0x238: {  	[tilespmem:$0x1D88] =	vst v0  }
0x239: {  	[tilespmem:$0x1D98] =	vst v0  }
0x23a: {  	[tilespmem:$0x1DA8] =	vst v0  }
0x23b: {  	[tilespmem:$0x1DB8] =	vst v0  }
0x23c: {  	[tilespmem:$0x1DC8] =	vst v0  }
0x23d: {  	[tilespmem:$0x1DD8] =	vst v0  }
0x23e: {  	[tilespmem:$0x1DE8] =	vst v0  }
0x23f: {  	[tilespmem:$0x1DF8] =	vst v0  }
0x240: {  	[tilespmem:$0x1E08] =	vst v0  }
0x241: {  	[tilespmem:$0x1E18] =	vst v0  }
0x242: {  	[tilespmem:$0x1E28] =	vst v0  }
0x243: {  	[tilespmem:$0x1E38] =	vst v0  }
0x244: {  	[tilespmem:$0x1E48] =	vst v0  }
0x245: {  	[tilespmem:$0x1E58] =	vst v0  }
0x246: {  	[tilespmem:$0x1E68] =	vst v0  }
0x247: {  	[tilespmem:$0x1E78] =	vst v0  }
0x248: {  	[tilespmem:$0x1E88] =	vst v0  }
0x249: {  	[tilespmem:$0x1E98] =	vst v0  }
0x24a: {  	[tilespmem:$0x1EA8] =	vst v0  }
0x24b: {  	[tilespmem:$0x1EB8] =	vst v0  }
0x24c: {  	[tilespmem:$0x1EC8] =	vst v0  }
0x24d: {  	[tilespmem:$0x1ED8] =	vst v0  }
0x24e: {  	[tilespmem:$0x1EE8] =	vst v0  }
0x24f: {  	[tilespmem:$0x1EF8] =	vst v0  }
0x250: {  	[tilespmem:$0x1F08] =	vst v0  }
0x251: {  	[tilespmem:$0x1F18] =	vst v0  }
0x252: {  	[tilespmem:$0x1F28] =	vst v0  }
0x253: {  	[tilespmem:$0x1F38] =	vst v0  }
0x254: {  	[tilespmem:$0x1F48] =	vst v0  }
0x255: {  	[tilespmem:$0x1F58] =	vst v0  }
0x256: {  	[tilespmem:$0x1F68] =	vst v0  }
0x257: {  	[tilespmem:$0x1F78] =	vst v0  }
0x258: {  	[tilespmem:$0x1F88] =	vst v0  }
0x259: {  	[tilespmem:$0x1F98] =	vst v0  }
0x25a: {  	[tilespmem:$0x1FA8] =	vst v0  }
0x25b: {  	[tilespmem:$0x1FB8] =	vst v0  }
0x25c: {  	[tilespmem:$0x1FC8] =	vst v0  }
0x25d: {  	[tilespmem:$0x1FD8] =	vst v0  }
0x25e: {  	[tilespmem:$0x1FE8] =	vst v0  }
0x25f: {  	[tilespmem:$0x1FF8] =	vst v0  }
0x260: {  	[tilespmem:$0x2008] =	vst v0  }
0x261: {  	[tilespmem:$0x2018] =	vst v0  }
0x262: {  	[tilespmem:$0x2028] =	vst v0  }
0x263: {  	[tilespmem:$0x2038] =	vst v0  }
0x264: {  	[tilespmem:$0x2048] =	vst v0  }
0x265: {  	[tilespmem:$0x2058] =	vst v0  }
0x266: {  	[tilespmem:$0x2068] =	vst v0  }
0x267: {  	[tilespmem:$0x2078] =	vst v0  }
0x268: {  	[tilespmem:$0x2088] =	vst v0  }
0x269: {  	[tilespmem:$0x2098] =	vst v0  }
0x26a: {  	[tilespmem:$0x20A8] =	vst v0  }
0x26b: {  	[tilespmem:$0x20B8] =	vst v0  }
0x26c: {  	[tilespmem:$0x20C8] =	vst v0  }
0x26d: {  	[tilespmem:$0x20D8] =	vst v0  }
0x26e: {  	[tilespmem:$0x20E8] =	vst v0  }
0x26f: {  	[tilespmem:$0x20F8] =	vst v0  }
0x270: {  	[tilespmem:$0x2108] =	vst v0  }
0x271: {  	[tilespmem:$0x2118] =	vst v0  }
0x272: {  	[tilespmem:$0x2128] =	vst v0  }
0x273: {  	[tilespmem:$0x2138] =	vst v0  }
0x274: {  	[tilespmem:$0x2148] =	vst v0  }
0x275: {  	[tilespmem:$0x2158] =	vst v0  }
0x276: {  	[tilespmem:$0x2168] =	vst v0  }
0x277: {  	[tilespmem:$0x2188] =	vst v0  }
0x278: {  	[tilespmem:$0x2248] =	vst v0  }
0x279: {  	[tilespmem:$0x3058] =	vst v0  }
0x27a: {  	[tilespmem:$0x3048] =	vst v0  }
0x27b: {  	[tilespmem:$0x3038] =	vst v0  }
0x27c: {  	[tilespmem:$0x3028] =	vst v0  }
0x27d: {  	[tilespmem:$0x3018] =	vst v0  }
0x27e: {  	[tilespmem:$0x3008] =	vst v0  }
0x27f: {  	[tilespmem:$0x2FF8] =	vst v0  }
0x280: {  	[tilespmem:$0x2FE8] =	vst v0  }
0x281: {  	[tilespmem:$0x2FD8] =	vst v0  }
0x282: {  	[tilespmem:$0x2FC8] =	vst v0  }
0x283: {  	[tilespmem:$0x2FB8] =	vst v0  }
0x284: {  	[tilespmem:$0x2FA8] =	vst v0  }
0x285: {  	[tilespmem:$0x2F98] =	vst v0  }
0x286: {  	[tilespmem:$0x2F88] =	vst v0  }
0x287: {  	[tilespmem:$0x2F78] =	vst v0  }
0x288: {  	[tilespmem:$0x2F68] =	vst v0  }
0x289: {  	[tilespmem:$0x2F58] =	vst v0  }
0x28a: {  	[tilespmem:$0x2F48] =	vst v0  }
0x28b: {  	[tilespmem:$0x2F38] =	vst v0  }
0x28c: {  	[tilespmem:$0x2F28] =	vst v0  }
0x28d: {  	[tilespmem:$0x2F18] =	vst v0  }
0x28e: {  	[tilespmem:$0x2F08] =	vst v0  }
0x28f: {  	[tilespmem:$0x2EF8] =	vst v0  }
0x290: {  	[tilespmem:$0x2EE8] =	vst v0  }
0x291: {  	[tilespmem:$0x2ED8] =	vst v0  }
0x292: {  	[tilespmem:$0x2EC8] =	vst v0  }
0x293: {  	[tilespmem:$0x2EB8] =	vst v0  }
0x294: {  	[tilespmem:$0x2EA8] =	vst v0  }
0x295: {  	[tilespmem:$0x2E98] =	vst v0  }
0x296: {  	[tilespmem:$0x2E88] =	vst v0  }
0x297: {  	[tilespmem:$0x2E78] =	vst v0  }
0x298: {  	[tilespmem:$0x2E68] =	vst v0  }
0x299: {  	[tilespmem:$0x2E58] =	vst v0  }
0x29a: {  	[tilespmem:$0x2E48] =	vst v0  }
0x29b: {  	[tilespmem:$0x2E38] =	vst v0  }
0x29c: {  	[tilespmem:$0x2E28] =	vst v0  }
0x29d: {  	[tilespmem:$0x2E18] =	vst v0  }
0x29e: {  	[tilespmem:$0x2E08] =	vst v0  }
0x29f: {  	[tilespmem:$0x2DF8] =	vst v0  }
0x2a0: {  	[tilespmem:$0x2DE8] =	vst v0  }
0x2a1: {  	[tilespmem:$0x2DD8] =	vst v0  }
0x2a2: {  	[tilespmem:$0x2DC8] =	vst v0  }
0x2a3: {  	[tilespmem:$0x2DB8] =	vst v0  }
0x2a4: {  	[tilespmem:$0x2DA8] =	vst v0  }
0x2a5: {  	[tilespmem:$0x2D98] =	vst v0  }
0x2a6: {  	[tilespmem:$0x2D88] =	vst v0  }
0x2a7: {  	[tilespmem:$0x2D78] =	vst v0  }
0x2a8: {  	[tilespmem:$0x2D68] =	vst v0  }
0x2a9: {  	[tilespmem:$0x2D58] =	vst v0  }
0x2aa: {  	[tilespmem:$0x2D48] =	vst v0  }
0x2ab: {  	[tilespmem:$0x2D38] =	vst v0  }
0x2ac: {  	[tilespmem:$0x2D28] =	vst v0  }
0x2ad: {  	[tilespmem:$0x2D18] =	vst v0  }
0x2ae: {  	[tilespmem:$0x2D08] =	vst v0  }
0x2af: {  	[tilespmem:$0x2CF8] =	vst v0  }
0x2b0: {  	[tilespmem:$0x2CE8] =	vst v0  }
0x2b1: {  	[tilespmem:$0x2CD8] =	vst v0  }
0x2b2: {  	[tilespmem:$0x2CC8] =	vst v0  }
0x2b3: {  	[tilespmem:$0x2CB8] =	vst v0  }
0x2b4: {  	[tilespmem:$0x2CA8] =	vst v0  }
0x2b5: {  	[tilespmem:$0x2C98] =	vst v0  }
0x2b6: {  	[tilespmem:$0x2C88] =	vst v0  }
0x2b7: {  	[tilespmem:$0x2C78] =	vst v0  }
0x2b8: {  	[tilespmem:$0x2C68] =	vst v0  }
0x2b9: {  	[tilespmem:$0x2C58] =	vst v0  }
0x2ba: {  	[tilespmem:$0x2C48] =	vst v0  }
0x2bb: {  	[tilespmem:$0x2C38] =	vst v0  }
0x2bc: {  	[tilespmem:$0x2C28] =	vst v0  }
0x2bd: {  	[tilespmem:$0x2C18] =	vst v0  }
0x2be: {  	[tilespmem:$0x2C08] =	vst v0  }
0x2bf: {  	[tilespmem:$0x2BF8] =	vst v0  }
0x2c0: {  	[tilespmem:$0x2BE8] =	vst v0  }
0x2c1: {  	[tilespmem:$0x2BD8] =	vst v0  }
0x2c2: {  	[tilespmem:$0x2BC8] =	vst v0  }
0x2c3: {  	[tilespmem:$0x2BB8] =	vst v0  }
0x2c4: {  	[tilespmem:$0x2BA8] =	vst v0  }
0x2c5: {  	[tilespmem:$0x2B98] =	vst v0  }
0x2c6: {  	[tilespmem:$0x2B88] =	vst v0  }
0x2c7: {  	[tilespmem:$0x2B78] =	vst v0  }
0x2c8: {  	[tilespmem:$0x2B68] =	vst v0  }
0x2c9: {  	[tilespmem:$0x2B58] =	vst v0  }
0x2ca: {  	[tilespmem:$0x2B48] =	vst v0  }
0x2cb: {  	[tilespmem:$0x2B38] =	vst v0  }
0x2cc: {  	[tilespmem:$0x2B28] =	vst v0  }
0x2cd: {  	[tilespmem:$0x2B18] =	vst v0  }
0x2ce: {  	[tilespmem:$0x2B08] =	vst v0  }
0x2cf: {  	[tilespmem:$0x2AF8] =	vst v0  }
0x2d0: {  	[tilespmem:$0x2AE8] =	vst v0  }
0x2d1: {  	[tilespmem:$0x2AD8] =	vst v0  }
0x2d2: {  	[tilespmem:$0x2AC8] =	vst v0  }
0x2d3: {  	[tilespmem:$0x2AB8] =	vst v0  }
0x2d4: {  	[tilespmem:$0x2AA8] =	vst v0  }
0x2d5: {  	[tilespmem:$0x2A98] =	vst v0  }
0x2d6: {  	[tilespmem:$0x2A88] =	vst v0  }
0x2d7: {  	[tilespmem:$0x2A78] =	vst v0  }
0x2d8: {  	[tilespmem:$0x2A68] =	vst v0  }
0x2d9: {  	[tilespmem:$0x2A58] =	vst v0  }
0x2da: {  	[tilespmem:$0x2A48] =	vst v0  }
0x2db: {  	[tilespmem:$0x2A38] =	vst v0  }
0x2dc: {  	[tilespmem:$0x2A28] =	vst v0  }
0x2dd: {  	[tilespmem:$0x2A18] =	vst v0  }
0x2de: {  	[tilespmem:$0x2A08] =	vst v0  }
0x2df: {  	[tilespmem:$0x29F8] =	vst v0  }
0x2e0: {  	[tilespmem:$0x29E8] =	vst v0  }
0x2e1: {  	[tilespmem:$0x29D8] =	vst v0  }
0x2e2: {  	[tilespmem:$0x29C8] =	vst v0  }
0x2e3: {  	[tilespmem:$0x29B8] =	vst v0  }
0x2e4: {  	[tilespmem:$0x29A8] =	vst v0  }
0x2e5: {  	[tilespmem:$0x2998] =	vst v0  }
0x2e6: {  	[tilespmem:$0x2988] =	vst v0  }
0x2e7: {  	[tilespmem:$0x2978] =	vst v0  }
0x2e8: {  	[tilespmem:$0x2968] =	vst v0  }
0x2e9: {  	[tilespmem:$0x2958] =	vst v0  }
0x2ea: {  	[tilespmem:$0x2948] =	vst v0  }
0x2eb: {  	[tilespmem:$0x2938] =	vst v0  }
0x2ec: {  	[tilespmem:$0x2928] =	vst v0  }
0x2ed: {  	[tilespmem:$0x2918] =	vst v0  }
0x2ee: {  	[tilespmem:$0x2908] =	vst v0  }
0x2ef: {  	[tilespmem:$0x28F8] =	vst v0  }
0x2f0: {  	[tilespmem:$0x28E8] =	vst v0  }
0x2f1: {  	[tilespmem:$0x28D8] =	vst v0  }
0x2f2: {  	[tilespmem:$0x28C8] =	vst v0  }
0x2f3: {  	[tilespmem:$0x28B8] =	vst v0  }
0x2f4: {  	[tilespmem:$0x28A8] =	vst v0  }
0x2f5: {  	[tilespmem:$0x2898] =	vst v0  }
0x2f6: {  	[tilespmem:$0x2888] =	vst v0  }
0x2f7: {  	[tilespmem:$0x2878] =	vst v0  }
0x2f8: {  	[tilespmem:$0x2868] =	vst v0  }
0x2f9: {  	[tilespmem:$0x2858] =	vst v0  }
0x2fa: {  	[tilespmem:$0x2848] =	vst v0  }
0x2fb: {  	[tilespmem:$0x2838] =	vst v0  }
0x2fc: {  	[tilespmem:$0x2828] =	vst v0  }
0x2fd: {  	[tilespmem:$0x2818] =	vst v0  }
0x2fe: {  	[tilespmem:$0x2808] =	vst v0  }
0x2ff: {  	[tilespmem:$0x27F8] =	vst v0  }
0x300: {  	[tilespmem:$0x27E8] =	vst v0  }
0x301: {  	[tilespmem:$0x27D8] =	vst v0  }
0x302: {  	[tilespmem:$0x27C8] =	vst v0  }
0x303: {  	[tilespmem:$0x27B8] =	vst v0  }
0x304: {  	[tilespmem:$0x27A8] =	vst v0  }
0x305: {  	[tilespmem:$0x2798] =	vst v0  }
0x306: {  	[tilespmem:$0x2788] =	vst v0  }
0x307: {  	[tilespmem:$0x2778] =	vst v0  }
0x308: {  	[tilespmem:$0x2768] =	vst v0  }
0x309: {  	[tilespmem:$0x2758] =	vst v0  }
0x30a: {  	[tilespmem:$0x2748] =	vst v0  }
0x30b: {  	[tilespmem:$0x2738] =	vst v0  }
0x30c: {  	[tilespmem:$0x2728] =	vst v0  }
0x30d: {  	[tilespmem:$0x2718] =	vst v0  }
0x30e: {  	[tilespmem:$0x2708] =	vst v0  }
0x30f: {  	[tilespmem:$0x26F8] =	vst v0  }
0x310: {  	[tilespmem:$0x26E8] =	vst v0  }
0x311: {  	[tilespmem:$0x26D8] =	vst v0  }
0x312: {  	[tilespmem:$0x26C8] =	vst v0  }
0x313: {  	[tilespmem:$0x26B8] =	vst v0  }
0x314: {  	[tilespmem:$0x26A8] =	vst v0  }
0x315: {  	[tilespmem:$0x2698] =	vst v0  }
0x316: {  	[tilespmem:$0x2688] =	vst v0  }
0x317: {  	[tilespmem:$0x2678] =	vst v0  }
0x318: {  	[tilespmem:$0x2668] =	vst v0  }
0x319: {  	[tilespmem:$0x2658] =	vst v0  }
0x31a: {  	[tilespmem:$0x2648] =	vst v0  }
0x31b: {  	[tilespmem:$0x2638] =	vst v0  }
0x31c: {  	[tilespmem:$0x2628] =	vst v0  }
0x31d: {  	[tilespmem:$0x2618] =	vst v0  }
0x31e: {  	[tilespmem:$0x2608] =	vst v0  }
0x31f: {  	[tilespmem:$0x25F8] =	vst v0  }
0x320: {  	[tilespmem:$0x25E8] =	vst v0  }
0x321: {  	[tilespmem:$0x25D8] =	vst v0  }
0x322: {  	[tilespmem:$0x25C8] =	vst v0  }
0x323: {  	[tilespmem:$0x25B8] =	vst v0  }
0x324: {  	[tilespmem:$0x25A8] =	vst v0  }
0x325: {  	[tilespmem:$0x2598] =	vst v0  }
0x326: {  	[tilespmem:$0x2588] =	vst v0  }
0x327: {  	[tilespmem:$0x2578] =	vst v0  }
0x328: {  	[tilespmem:$0x2568] =	vst v0  }
0x329: {  	[tilespmem:$0x2558] =	vst v0  }
0x32a: {  	[tilespmem:$0x2548] =	vst v0  }
0x32b: {  	[tilespmem:$0x2538] =	vst v0  }
0x32c: {  	[tilespmem:$0x2528] =	vst v0  }
0x32d: {  	[tilespmem:$0x2518] =	vst v0  }
0x32e: {  	[tilespmem:$0x2508] =	vst v0  }
0x32f: {  	[tilespmem:$0x24F8] =	vst v0  }
0x330: {  	[tilespmem:$0x24E8] =	vst v0  }
0x331: {  	[tilespmem:$0x24D8] =	vst v0  }
0x332: {  	[tilespmem:$0x24C8] =	vst v0  }
0x333: {  	[tilespmem:$0x24B8] =	vst v0  }
0x334: {  	[tilespmem:$0x24A8] =	vst v0  }
0x335: {  	[tilespmem:$0x2498] =	vst v0  }
0x336: {  	[tilespmem:$0x2488] =	vst v0  }
0x337: {  	[tilespmem:$0x2478] =	vst v0  }
0x338: {  	[tilespmem:$0x2468] =	vst v0  }
0x339: {  	[tilespmem:$0x2458] =	vst v0  }
0x33a: {  	[tilespmem:$0x2448] =	vst v0  }
0x33b: {  	[tilespmem:$0x2438] =	vst v0  }
0x33c: {  	[tilespmem:$0x2428] =	vst v0  }
0x33d: {  	[tilespmem:$0x2418] =	vst v0  }
0x33e: {  	[tilespmem:$0x2408] =	vst v0  }
0x33f: {  	[tilespmem:$0x23F8] =	vst v0  }
0x340: {  	[tilespmem:$0x23E8] =	vst v0  }
0x341: {  	[tilespmem:$0x23D8] =	vst v0  }
0x342: {  	[tilespmem:$0x23C8] =	vst v0  }
0x343: {  	[tilespmem:$0x23B8] =	vst v0  }
0x344: {  	[tilespmem:$0x23A8] =	vst v0  }
0x345: {  	[tilespmem:$0x2398] =	vst v0  }
0x346: {  	[tilespmem:$0x2388] =	vst v0  }
0x347: {  	[tilespmem:$0x2378] =	vst v0  }
0x348: {  	[tilespmem:$0x2368] =	vst v0  }
0x349: {  	[tilespmem:$0x2358] =	vst v0  }
0x34a: {  	[tilespmem:$0x2348] =	vst v0  }
0x34b: {  	[tilespmem:$0x2338] =	vst v0  }
0x34c: {  	[tilespmem:$0x2328] =	vst v0  }
0x34d: {  	[tilespmem:$0x2318] =	vst v0  }
0x34e: {  	[tilespmem:$0x2308] =	vst v0  }
0x34f: {  	[tilespmem:$0x22F8] =	vst v0  }
0x350: {  	[tilespmem:$0x22E8] =	vst v0  }
0x351: {  	[tilespmem:$0x22D8] =	vst v0  }
0x352: {  	[tilespmem:$0x22C8] =	vst v0  }
0x353: {  	[tilespmem:$0x22B8] =	vst v0  }
0x354: {  	[tilespmem:$0x22A8] =	vst v0  }
0x355: {  	[tilespmem:$0x2298] =	vst v0  }
0x356: {  	[tilespmem:$0x2288] =	vst v0  }
0x357: {  	[tilespmem:$0x2278] =	vst v0  }
0x358: {  	s4 =	stileid.u32;
	[tilespmem:$0x2268] =	vst v0  }
0x359: {  	s0 =	smul.u32 $0x208, s4;
	[tilespmem:$0x2258] =	vst v0  }
0x35a: {  	s1 =	smin.u32 s4, $0xC;
	[tilespmem:$0x2228] =	vst v0  }
0x35b: {  	[tilespmem:$0x2238] =	vst v0;
	s0 =	sadd.s32 s1, s0  }
0x35c: {  	p0 =	slt.u32 s4, $0xC;
	[tilespmem:$0x2218] =	vst v0;
	s1 =	simm.s32 $0x30D80;
	s5 =	smul.u32 $0x180, s0  }
0x35d: {  	s1 =	simm.s32 @!p0 $0x30C00;
	[tilespmem:$0x21A8] =	vst v0  }
0x35e: {  	[tilespmem:$0x2208] =	vst v0;
	s0 =	sadd.s32 s1, s5  }
0x35f: {  	[tilespmem:$0x21F8] =	vst v0;
	s6 =	smin.u32 s0, $0x30D1F7  }
0x360: {  	[tilespmem:$0x21E8] =	vst v0;
	s0 =	ssub.s32 s6, s5  }
0x361: {  	s7 =	simm.s32 $0x2;
	[tilespmem:$0x21D8] =	vst v0;
	p0 =	sgt.s32 s0, $0x0  }
0x362: {  	s10 =	simm.s32 $0x7;
	s13 =	simm.s32 $0x8;
	[tilespmem:$0x21C8] =	vst v0;
	s0 =	simm.s32 @!p0 $0x0  }
0x363: {  	p4 =	por $0x0, $0x0;
	s14 =	simm.s32 $0xA;
	[tilespmem:$0x21B8] =	vst v0;
	s8 =	smulhi.u32 $0x2AAAAAAB, s0  }
0x364: {  	s18 =	simm.s32 $0x0;
	s15 =	simm.s32 $0x0;
	s17 =	simm.s32 $0x0;
	[tilespmem:$0x2198] =	vst v0  }
0x365: {  	s9 =	sadd.s32 $0x155EA00, s3;
	[tilespmem:$0x2178] =	vst v0;
	[sflag:s7] =	ssyncpa.u1 $0x0;
	v0 =	vimm.s32 $0xFFFFFFFF;
	s12 =	sshrl.u32 s8, $0x6  }
0x366: {  	s31 =	sshll.u32 s4, $0x6;
	[tilespmem:$0x6088] =	vst v0;
	[sflag:s10] =	ssyncpa.u1 $0x0;
	s11 =	smul.u32 $0x180, s12  }
.Ltmp7:
0x367: {  	[dreg:$0x2] =	wrdreg s31;
	[sflag:s13] =	ssyncpa.u1 $0x0;
	(pc) =	sbr.rel .LBB3_1-.Ltmp7, $4  }
0x368: {  	s13 =	simm.s32 $0x0;
	s1 =	sadd.s32 $0x3D3A00, s3;
	p0 =	sne.s32 s0, s11  }
0x369: {  	s16 =	smov.u32 s5;
	s8 =	sadd.s32 $0x189800, s3;
	s2 =	simm.s32 @!p0 $0x0  }
0x36a: {  	s3 =	sadd.s32 $0x1EB400, s3;
	s11 =	simm.s32 $0x9;
	s2 =	sadd.s32 s2, s12  }
0x36b: {  	v0 =	vlaneseq.u32;
	[sflag:s11] =	ssyncpa.u1 $0x0;
	p0 =	por $0x1, $0x1;
	s12 =	sadd.s32 $0x1, s2  }
.LBB3_18:
0x36c: {  	s0 =	simm.s32 $0x2  }
0x36d: {  	_ =	swait.ge [sflag:s0], $0x0  }
0x36e: {  	[sflag:s0] =	ssyncset.done $0x0;
	s0 =	simm.s32 $0x0  }
.LBB3_19:
0x36f: {  	_ =	swait.ge [sflag:s14], s0  }
0x370: {  	s31 =	ssub.s32 $0x0, s0;
	v1 =	vmov s20;
	vm0 =	veq.s32 v0, $0x0;
	[sflag:s14] =	ssyncset.done $0x0  }
0x371: {  	vm15 =	veq.s32 v0, $0x2;
	v1 =	vsel vm0, s24, v1;
	[sflag:s14] =	ssyncadd.s32 s31  }
0x372: {  	v1 =	vsel vm15, s18, v1;
	[sflag:s14] =	ssyncpa.u1 $0x1  }
0x373: {  	[tilespmem:$0x6088] =	vst v1  }
.LBB3_20:
0x374: {  	s0 =	sadd.s32 $0x180, s16  }
0x375: {  	s4 =	smov.u32 s5;
	p1 =	slt.s32 s0, s6  }
0x376: {  	s4 =	smov.u32 @p1 s0;
	p1 =	sne.s32 s17, s12  }
.Ltmp8:
0x377: {  	_ = 	snop;
	(pc) =	sbr.rel @!p1 .LBB3_21-.Ltmp8, $4  }
0x378: {  	_ = 	snop  }
0x379: {  	s18 =	smov.u32 s15  }
0x37a: {  	s31 =	sadd.s32 $0x1, s17;
	s15 =	smov.u32 s16;
	p0 =	por !p0, !p0  }
0x37b: {  	p4 =	por !p4, !p4;
	s17 =	smov.u32 s31;
	s16 =	smov.u32 s4  }
.LBB3_1:
0x37c: {  	p2 =	sge.u32 s17, s2  }
0x37d: {  	s0 =	smulhi.u32 @!p2 $0xAAAAAAAB, s17  }
0x37e: {  	s19 =	smov.u32 s16;
	p3 =	sgt.s32 @!p2 s16, $0x30D077  }
0x37f: {  	s20 =	sshra.s32 @!p2 s16, $0x1F;
	p3 =	por !p3, p2;
	s0 =	sshrl.u32 @!p2 s0, $0x1  }
0x380: {  	s20 =	sand.u32 @!p2 s20, s16;
	s19 =	simm.s32 @p3 $0x30D077;
	s0 =	smul.u32 @!p2 $0x3, s0  }
0x381: {  	s19 =	ssub.s32 @!p2 s19, s20  }
0x382: {  	s19 =	sadd.s32 @!p2 $0xFFCF2F89, s19;
	s0 =	ssub.s32 @!p2 s17, s0  }
0x383: {  	s20 =	sshll.u32 @!p2 s19, $0x2;
	p3 =	sgt.s32 @!p2 s19, $0x17F;
	s0 =	smul.u32 @!p2 $0x600, s0  }
0x384: {  	s21 =	sand.u32 @!p2 $0x7, s16;
	s19 =	ssub.s32 @!p2 $0x600, s20;
	p3 =	por !p3, p2  }
0x385: {  	s20 =	sshrl.u32 @!p2 s16, $0x3;
	s19 =	sshrl.u32 @!p2 s19, $0x2;
	s0 =	sshrl.u32 @!p2 s0, $0x2  }
0x386: {  	s20 =	sadd.s32 @!p2 s3, s20;
	s19 =	simm.s32 @!p3 $0x0;
	s0 =	sadd.s32 @!p2 $0x64B8, s0  }
0x387: {  	[tilespmem:s0], [sflag:$0x8] =	stream.linear.gather @!p2 [hbm4b:s20+s21], s19, $0x38;
	[tilespmem:$0x1EC38] =	vst v63  }
0x388: {  	s20 =	sadd.s32 $0xFFFFFFFF, s17  }
0x389: {  	p2 =	sge.u32 s20, s2  }
0x38a: {  	p3 =	sgt.s32 @!p2 s15, $0x30D077  }
0x38b: {  	s0 =	smov.u32 s15;
	s19 =	sshra.s32 @!p2 s15, $0x1F;
	p3 =	por !p3, p2  }
0x38c: {  	s19 =	sand.u32 @!p2 s19, s15;
	s0 =	simm.s32 @p3 $0x30D077  }
0x38d: {  	s0 =	ssub.s32 @!p2 s0, s19  }
0x38e: {  	s0 =	sadd.s32 @!p2 $0xFFCF2F89, s0  }
0x38f: {  	s19 =	sshll.u32 @!p2 s0, $0x2  }
0x390: {  	p3 =	sgt.s32 @!p2 s0, $0x17F;
	s0 =	ssub.s32 @!p2 $0x600, s19  }
0x391: {  	p3 =	por !p3, p2;
	s0 =	sshrl.u32 @!p2 s0, $0x2  }
0x392: {  	s21 =	simm.s32 @!p2 $0x8;
	s19 =	sand.u32 @!p2 $0x1, s20;
	s0 =	simm.s32 @!p3 $0x0  }
0x393: {  	s19 =	smul.u32 @!p2 $0x600, s19;
	_ =	swait.ge @!p2 [sflag:s21], s0  }
0x394: {  	s22 =	ssub.s32 @!p2 $0x0, s0;
	[sflag:s21] =	ssyncset.done @!p2 $0x0  }
0x395: {  	s19 =	sshrl.u32 @!p2 s19, $0x2;
	[sflag:s21] =	ssyncadd.s32 @!p2 s22;
	s21 =	sshrl.u32 @!p2 s15, $0x3  }
0x396: {  	s19 =	sadd.s32 @!p2 $0x6938, s19;
	s22 =	sand.u32 @!p2 $0x7, s15;
	s21 =	sadd.s32 @!p2 s8, s21  }
0x397: {  	[tilespmem:s19], [sflag:$0x9] =	stream.linear.gather @!p2 [hbm4b:s21+s22], s0, $0x38;
	[tilespmem:$0x1EC38] =	vst v63  }
0x398: {  	s19 =	ssub.s32 @!p2 $0x30D1F7, s15  }
0x399: {  	p3 =	slt.s32 @!p2 s19, $0x1  }
0x39a: {  	p3 =	por p2, p3  }
.Ltmp9:
0x39b: {  	_ = 	snop;
	(pc) =	sbr.rel @p3 .LBB3_7-.Ltmp9, $1  }
0x39c: {  	_ =	sdelay $0x3  }
0x39d: {  	s0 =	smulhi.u32 $0xAAAAAAAB, s20;
	_ =	sdelay $0x1  }
0x39e: {  	s0 =	sshrl.u32 s0, $0x1  }
0x39f: {  	s0 =	smul.u32 $0x3, s0;
	_ =	sdelay $0x1  }
0x3a0: {  	s0 =	ssub.s32 s20, s0  }
0x3a1: {  	s21 =	simm.s32 $0x1;
	s0 =	smul.u32 $0x600, s0  }
.Ltmp10:
0x3a2: {  	s21 =	simm.s32 @!p0 $0x0;
	(pc) =	sbr.rel .LBB3_4-.Ltmp10, $4  }
0x3a3: {  	s31 =	smul.u32 $0x30000, s21  }
0x3a4: {  	p3 =	slt.s32 @!p2 s19, $0x180;
	s0 =	sshrl.u32 s0, $0x2  }
0x3a5: {  	p2 =	por !p3, p2;
	s20 =	sshrl.u32 s31, $0x2;
	s0 =	sadd.s32 $0x64B8, s0  }
0x3a6: {  	s19 =	simm.s32 @p2 $0x180;
	s21 =	simm.s32 $0x0;
	s20 =	sadd.s32 $0x6C38, s20;
	v1 =	vmov s0  }
.LBB3_3:
0x3a7: {  	p2 =	sge.s32 s21, s19  }
.Ltmp11:
0x3a8: {  	_ = 	snop;
	(pc) =	sbr.rel @p2 .LBB3_7-.Ltmp11, $2  }
0x3a9: {  	_ =	sdelay $0x2  }
0x3aa: {  	s20 =	sadd.s32 $0x800, s20  }
.LBB3_4:
0x3ab: {  	p2 =	sle.s32 s19, s21  }
.Ltmp12:
0x3ac: {  	_ = 	snop;
	(pc) =	sbr.rel @p2 .LBB3_3-.Ltmp12, $2  }
0x3ad: {  	_ =	sdelay $0x2  }
0x3ae: {  	s22 =	smov.u32 s21;
	s21 =	sadd.s32 $0x10, s21  }
0x3af: {  	s0 =	ssub.s32 s19, s22  }
0x3b0: {  	p2 =	slt.s32 s0, $0x10  }
0x3b1: {  	s0 =	simm.s32 @!p2 $0x10  }
0x3b2: {  	v2 =	vmov s0  }
0x3b3: {  	vm0 =	vgt.s32 v2, v0;
	_ =	sdelay $0x5  }
0x3b4: {  	v2 =	vld.idx.msk [tilespmem:v1+s22+$0x0 ss:$0x1], vm0;
	_ =	sdelay $0x2  }
0x3b5: {  	s23 =	smov.u32 s19;
	p2 =	slt.s32 s21, s19  }
0x3b6: {  	s24 =	smov.u32 s20;
	s25 =	simm.s32 $0x0;
	s23 =	smov.u32 @p2 s21  }
.LBB3_6:
0x3b7: {  	(v2sf) =	vpush v2, s25;
	_ =	sdelay $0xc  }
0x3b8: {  	s25 =	sadd.s32 $0x1, s25  }
0x3b9: {  	s31 =	sadd.s32 s25, s22  }
0x3ba: {  	p2 =	slt.s32 s31, s23;
	s0 =	spop (v2sf)  }
.Ltmp13:
0x3bb: {  	s0 =	sshll.u32 s0, $0x4;
	(pc) =	sbr.rel @p2 .LBB3_6-.Ltmp13, $4  }
0x3bc: {  	s0 =	sand.u32 $0x1FFFFFF0, s0  }
0x3bd: {  	s0 =	sadd.s32 s9, s0  }
0x3be: {  	[tilespmem:s24], [sflag:$0x7] =	stream.linear.gather [hbm4b:s0+s13], $0x14, $0x38;
	[tilespmem:$0x1EC38] =	vst v63  }
0x3bf: {  	s24 =	sadd.s32 $0x80, s24  }
.Ltmp14:
0x3c0: {  	_ = 	snop;
	(pc) =	sbr.rel .LBB3_3-.Ltmp14, $1  }
0x3c1: {  	_ =	sdelay $0x3  }
.LBB3_7:
0x3c2: {  	p2 =	slt.u32 s17, $0x2  }
.Ltmp15:
0x3c3: {  	_ = 	snop;
	(pc) =	sbr.rel @p2 .LBB3_20-.Ltmp15, $1  }
0x3c4: {  	_ =	sdelay $0x3  }
0x3c5: {  	s0 =	ssub.s32 $0x30D1F7, s18;
	p2 =	sgt.s32 s18, $0x30D077;
	s19 =	smov.u32 s18  }
0x3c6: {  	s20 =	sshra.s32 s18, $0x1F;
	p3 =	slt.s32 s0, $0x180;
	s21 =	smov.u32 s0  }
0x3c7: {  	s19 =	simm.s32 @!p2 $0x30D077;
	s20 =	sand.u32 s20, s18;
	s21 =	simm.s32 @!p3 $0x180  }
0x3c8: {  	s19 =	ssub.s32 s19, s20;
	s26 =	smul.u32 $0x50, s21  }
0x3c9: {  	s19 =	sadd.s32 $0xFFCF2F89, s19  }
0x3ca: {  	s28 =	sshll.u32 s19, $0x2;
	s20 =	sshrl.u32 s26, $0x2  }
0x3cb: {  	p2 =	sgt.s32 s19, $0x17F;
	s29 =	ssub.s32 $0x600, s28;
	_ =	swait.ge [sflag:s10], s20  }
0x3cc: {  	s20 =	ssub.s32 $0x0, s20;
	s19 =	sshrl.u32 s29, $0x2;
	[sflag:s10] =	ssyncset.done $0x0  }
0x3cd: {  	s19 =	simm.s32 @p2 $0x0;
	[sflag:s10] =	ssyncadd.s32 s20  }
0x3ce: {  	_ =	swait.ge [sflag:s11], s19  }
0x3cf: {  	s19 =	ssub.s32 $0x0, s19;
	[sflag:s11] =	ssyncset.done $0x0  }
0x3d0: {  	[sflag:s11] =	ssyncadd.s32 s19  }
0x3d1: {  	v1 =	vld [tilespmem:$0x6088];
	_ =	sdelay $0x4  }
0x3d2: {  	(v2sf) =	vpush v1, $0x0  }
0x3d3: {  	(v2sf) =	vpush v1, $0x1  }
0x3d4: {  	(v2sf) =	vpush v1, $0x2;
	_ =	sdelay $0x3  }
0x3d5: {  	s19 =	sadd.s32 $0x180, s18  }
0x3d6: {  	p2 =	slt.s32 s6, s19  }
0x3d7: {  	s19 =	smov.u32 @p2 s6;
	p2 =	sgt.s32 s0, $0x0  }
0x3d8: {  	s22 =	ssub.s32 s19, s18;
	s0 =	simm.s32 @!p2 $0x0  }
0x3d9: {  	p2 =	slt.s32 s0, s22  }
0x3da: {  	s22 =	smov.u32 @p2 s0  }
0x3db: {  	s21 =	simm.s32 $0x1;
	p2 =	slt.s32 s22, $0x1  }
.Ltmp16:
0x3dc: {  	s21 =	simm.s32 @!p4 $0x0;
	(pc) =	sbr.rel @p2 .LBB3_12-.Ltmp16, $4  }
0x3dd: {  	s30 =	smul.u32 $0x600, s21  }
0x3de: {  	s23 =	spop (v2sf)  }
0x3df: {  	s31 =	sshrl.u32 s30, $0x2;
	s25 =	spop (v2sf)  }
0x3e0: {  	s19 =	sadd.s32 $0x6938, s31;
	s18 =	spop (v2sf)  }
0x3e1: {  	s0 =	smin.u32 s22, $0x10  }
0x3e2: {  	v1 =	vmov s0  }
0x3e3: {  	p3 =	sgt.s32 s22, $0x10;
	vm1 =	vgt.u32 v1, v0  }
.Ltmp17:
0x3e4: {  	_ = 	snop;
	(pc) =	sbr.rel @!p3 .LBB3_11-.Ltmp17, $2  }
0x3e5: {  	_ =	sdelay $0x2  }
0x3e6: {  	s24 =	simm.s32 $0x10;
	s26 =	sadd.s32 $0xFFFFFFF0, s22;
	s20 =	smov.u32 s19;
	vm0 =	vmmov vm1  }
.LBB3_10:
0x3e7: {  	s0 =	smin.u32 s26, $0x10;
	s24 =	sadd.s32 $0x10, s24;
	v1 =	vld.msk [tilespmem:s20+$0x0 ss:$0x1], vm1  }
0x3e8: {  	v2 =	vmov s0;
	p3 =	slt.s32 s24, s22  }
0x3e9: {  	vm1 =	vgt.u32 v2, v0  }
.Ltmp18:
0x3ea: {  	(pc) =	sbr.rel @p3 .LBB3_10-.Ltmp18, $3  }
0x3eb: {  	_ =	sdelay $0x1  }
0x3ec: {  	v1 =	vshll.u32 v1, $0x4  }
0x3ed: {  	s26 =	sadd.s32 $0xFFFFFFF0, s26;
	[tilespmem:s20+$0x0] =	vst.msk vm0, v1;
	s20 =	sadd.s32 $0x10, s20;
	vm0 =	vmmov vm1  }
.LBB3_11:
0x3ee: {  	_ =	sdelay $0x4  }
0x3ef: {  	v1 =	vld.msk [tilespmem:s20+$0x0 ss:$0x1], vm1;
	_ =	sdelay $0x4  }
0x3f0: {  	v1 =	vshll.u32 v1, $0x4  }
0x3f1: {  	[tilespmem:s20+$0x0] =	vst.msk vm0, v1  }
.LBB3_12:
0x3f2: {  	s0 =	sand.u32 $0x1, s17  }
0x3f3: {  	s0 =	smul.u32 $0x180, s0  }
0x3f4: {  	p3 =	sne.s32 s25, $0xFFFFFFFF  }
0x3f5: {  	v1 =	vld.msk @!p3 [tilespmem:s0+$0x6938], $0x1;
	_ =	sdelay $0x4  }
0x3f6: {  	(v2sf) =	vpush @!p3 v1, $0x0;
	_ =	sdelay $0xc  }
.Ltmp19:
0x3f7: {  	_ = 	snop;
	(pc) =	sbr.rel @p2 .LBB3_18-.Ltmp19, $4  }
0x3f8: {  	_ = 	snop  }
0x3f9: {  	s24 =	spop @!p3 (v2sf)  }
0x3fa: {  	s18 =	simm.s32 @!p3 $0x0;
	s20 =	smov.u32 s24  }
0x3fb: {  	[sflag:s14] =	ssyncpa.u1 $0x0;
	s24 =	smov.u32 @p3 s23;
	s20 =	smov.u32 @p3 s25  }
0x3fc: {  	v1 =	vld.msk [tilespmem:s19+$0x0], $0x1;
	_ =	sdelay $0x4  }
0x3fd: {  	(v2sf) =	vpush v1, $0x0;
	_ =	sdelay $0xd  }
0x3fe: {  	s0 =	simm.s32 @!p4 $0x0  }
0x3ff: {  	s26 =	smul.u32 $0x30000, s21;
	s25 =	ssub.s32 $0x0, s22;
	s28 =	spop (v2sf)  }
0x400: {  	s0 =	simm.s32 @p4 $0x1;
	s23 =	sadd.s32 $0x1, s25;
	p2 =	seq.s32 s24, s28  }
0x401: {  	[smem:$0x7FD] =	sst s0;
	s0 =	sshrl.u32 s26, $0x2;
	p3 =	sgt.s32 @!p2 s24, $0x0  }
0x402: {  	s21 =	sadd.s32 $0x6C48, s0;
	s0 =	smov.u32 s24;
	p3 =	por !p3, p2  }
0x403: {  	s0 =	simm.s32 @p3 $0x0;
	p3 =	seq.s32 s23, $0x0  }
.Ltmp20:
0x404: {  	_ = 	snop;
	(pc) =	sbr.rel @p3 .LBB3_15-.Ltmp20, $4  }
0x405: {  	_ = 	snop  }
0x406: {  	s22 =	simm.s32 $0x0;
	s29 =	simm.s32 @!p2 $0x1;
	s0 =	smin.u32 @!p2 s0, $0x1869FD  }
0x407: {  	s30 =	simm.s32 @!p2 $0x3068;
	s29 =	smov.u32 @p2 s22;
	s26 =	sand.u32 @!p2 $0x1FFFF8, s0  }
0x408: {  	s31 =	sand.u32 @!p2 $0x7, s0;
	s0 =	sadd.s32 @!p2 s1, s26;
	s26 =	sadd.s32 $0x1, s19  }
.LBB3_14:
0x409: {  	s4 =	smov.u32 s29  }
0x40a: {  	[tilespmem:s30], [sflag:$0x2] =	stream.linear.gather @!p2 [hbm4b:s0+s31], $0x14, $0x38;
	[tilespmem:$0x1EC38] =	vst v63  }
0x40b: {  	s23 =	sadd.s32 $0x1, s23;
	s0 =	smov.u32 s28;
	v1 =	vld.msk [tilespmem:s26+$0x0], $0x1  }
0x40c: {  	p3 =	seq.s32 s23, $0x0;
	_ =	sdelay $0x3  }
0x40d: {  	(v2sf) =	vpush v1, $0x0;
	_ =	sdelay $0xe  }
0x40e: {  	s28 =	spop (v2sf)  }
0x40f: {  	p2 =	seq.s32 s0, s28  }
0x410: {  	p4 =	sgt.s32 @!p2 s0, $0x0;
	s30 =	sshll.u32 @!p2 s29, $0x7;
	s29 =	sadd.s32 @!p2 $0x1, s29  }
.Ltmp21:
0x411: {  	p4 =	por !p4, p2;
	s30 =	sshra.s32 @!p2 s30, $0x2;
	(pc) =	sbr.rel @!p3 .LBB3_14-.Ltmp21, $4  }
0x412: {  	s29 =	smov.u32 @p2 s4;
	s0 =	simm.s32 @p4 $0x0;
	s30 =	sadd.s32 @!p2 $0x3068, s30  }
0x413: {  	s0 =	smin.u32 @!p2 s0, $0x1869FD  }
0x414: {  	s4 =	sand.u32 @!p2 $0x1FFFF8, s0;
	s31 =	sand.u32 @!p2 $0x7, s0  }
0x415: {  	s26 =	sadd.s32 $0x1, s26;
	s0 =	sadd.s32 @!p2 s1, s4  }
.LBB3_15:
0x416: {  	s4 =	smul.u32 $0x50, s29  }
0x417: {  	[tilespmem:s30], [sflag:$0x2] =	stream.linear.gather @!p2 [hbm4b:s0+s31], $0x14, $0x38;
	[tilespmem:$0x1EC38] =	vst v63  }
0x418: {  	s31 =	simm.s32 $0x2;
	s30 =	sshrl.u32 s4, $0x2  }
0x419: {  	_ =	swait.ge [sflag:s31], s30  }
0x41a: {  	s0 =	ssub.s32 $0x0, s30;
	[sflag:s31] =	ssyncset.done $0x0  }
0x41b: {  	[sflag:s31] =	ssyncadd.s32 s0  }
0x41c: {  	v1 =	vld.msk [tilespmem:s19+$0x0], $0x1;
	_ =	sdelay $0x4  }
0x41d: {  	(v2sf) =	vpush v1, $0x0;
	_ =	sdelay $0xe  }
0x41e: {  	s23 =	spop (v2sf)  }
0x41f: {  	p2 =	sne.s32 s24, s23  }
0x420: {  	p4 =	sne.s32 @p2 s24, s20  }
0x421: {  	p3 =	por !p4, !p2  }
0x422: {  	s0 =	simm.s32 @!p3 $0x0  }
0x423: {  	v1 =	vld @!p3 [tilespmem:s0+$0x3068];
	_ =	sdelay $0x2  }
0x424: {  	s4 =	sshll.u32 @!p3 s18, $0x7  }
0x425: {  	s4 =	sshra.s32 @!p3 s4, $0x2  }
0x426: {  	[tilespmem:s4+$0x48] =	vst.add.f32.msk @!p3 $0xffff, v1  }
0x427: {  	v1 =	vld.msk @!p3 [tilespmem:s0+$0x3078], $0xf  }
0x428: {  	p5 =	sgt.u32 @!p3 s24, $0x1869FD  }
0x429: {  	p6 =	por @p2 p5, !p4  }
0x42a: {  	p1 =	por p6, !p2;
	p6 =	por p4, !p2  }
0x42b: {  	s28 =	sand.u32 @!p1 $0x1FFFF8, s24;
	s29 =	sshll.u32 @!p6 s18, $0x7;
	s24 =	sand.u32 @!p1 $0x7, s24  }
0x42c: {  	s0 =	sadd.s32 @!p3 $0x48, s4;
	[tilespmem:s4+$0x58] =	vst.add.f32.msk @!p3 $0xf, v1;
	s4 =	sadd.s32 @!p1 s1, s28;
	s28 =	sshra.s32 @!p6 s29, $0x2  }
0x42d: {  	[hbm4b:s4+s24] =	stream.linear.scatter @!p1 [tilespmem:s0], [sflag:$0xA], $0x14, $0x38;
	[tilespmem:$0x1EC38] =	vst v63  }
0x42e: {  	s26 =	rddreg [dreg:$0x2];
	s0 =	sadd.s32 @!p6 $0x48, s28;
	s4 =	simm.s32 @!p6 $0x1  }
0x42f: {  	[spmem:s26] =	stream.linear.scatter @!p6 [tilespmem:s0], [sflag:$0x1], $0x14, $0x38;
	[tilespmem:$0x1EC38] =	vst v63  }
0x430: {  	s0 =	sadd.s32 @p2 $0x1, s18;
	_ =	swait.ge @!p6 [sflag:s4], $0x14  }
0x431: {  	s24 =	smulhi.u32 @p2 $0xAAAAAAAB, s0;
	[sflag:s4] =	ssyncset.done @!p6 $0x0  }
0x432: {  	[sflag:s4] =	ssyncadd.s32 @!p6 $0xFFFFFFEC  }
0x433: {  	s4 =	sshrl.u32 @p2 s24, $0x8;
	v1 =	vld @p2 [tilespmem:s21+$0xFFFFFFF0]  }
0x434: {  	s4 =	smul.u32 @p2 $0x180, s4;
	_ =	sdelay $0x1  }
0x435: {  	s0 =	ssub.s32 @p2 s0, s4  }
0x436: {  	s4 =	sshll.u32 @p2 s0, $0x5  }
0x437: {  	[tilespmem:s4+$0x48] =	vst @p2 v1  }
0x438: {  	v1 =	vld.msk @p2 [tilespmem:s21+$0x0], $0xf;
	_ =	sdelay $0x4  }
0x439: {  	p1 =	por @p2 !p5, !p4;
	[tilespmem:s4+$0x58] =	vst.msk @p2 $0xf, v1  }
0x43a: {  	p1 =	por !p1, !p2;
	s24 =	sadd.s32 $0x1, s25;
	s4 =	simm.s32 @!p3 $0x0;
	v1 =	vld @!p2 [tilespmem:s21+$0xFFFFFFF0]  }
0x43b: {  	s4 =	simm.s32 @!p1 $0x50;
	p1 =	seq.s32 s24, $0x0  }
.Ltmp22:
0x43c: {  	_ = 	snop;
	(pc) =	sbr.rel @p1 .LBB3_17-.Ltmp22, $4  }
0x43d: {  	s26 =	sshll.u32 @!p2 s18, $0x7  }
0x43e: {  	s26 =	sshra.s32 @!p2 s26, $0x2;
	s4 =	sadd.s32 @!p3 $0x0, s4  }
0x43f: {  	s28 =	simm.s32 @p2 $0x1;
	s25 =	simm.s32 $0x0;
	s4 =	smov.u32 @p3 s22;
	[tilespmem:s26+$0x48] =	vst.add.f32.msk @!p2 $0xffff, v1  }
0x440: {  	s25 =	smov.u32 @p2 s28;
	s18 =	smov.u32 @p2 s0;
	s22 =	smov.u32 @p2 s4;
	v1 =	vld.msk @!p2 [tilespmem:s21+$0x0], $0xf  }
.LBB3_16:
0x441: {  	_ =	sdelay $0x3  }
0x442: {  	s19 =	sadd.s32 $0x1, s19;
	[tilespmem:s26+$0x58] =	vst.add.f32.msk @!p2 $0xf, v1  }
0x443: {  	v1 =	vld.msk [tilespmem:s19+$0x0], $0x1;
	_ =	sdelay $0x4  }
0x444: {  	(v2sf) =	vpush v1, $0x0;
	_ =	sdelay $0xe  }
0x445: {  	s28 =	smov.u32 s23;
	s23 =	spop (v2sf)  }
0x446: {  	p2 =	sne.s32 s28, s23  }
0x447: {  	p5 =	sne.s32 @p2 s28, s20  }
0x448: {  	p4 =	por !p5, !p2  }
0x449: {  	s0 =	sadd.s32 @p2 $0x1, s18;
	s30 =	sadd.s32 @p2 $0x1, s25;
	s31 =	sshll.u32 @!p4 s25, $0x7  }
0x44a: {  	s4 =	smulhi.u32 @p2 $0xAAAAAAAB, s0;
	s25 =	smov.u32 @p2 s30;
	s30 =	sshra.s32 @!p4 s31, $0x2  }
0x44b: {  	v1 =	vld @!p4 [tilespmem:s30+$0x3068]  }
0x44c: {  	s4 =	sshrl.u32 @p2 s4, $0x8  }
0x44d: {  	s4 =	smul.u32 @p2 $0x180, s4  }
0x44e: {  	s7 =	sshll.u32 @!p4 s18, $0x7  }
0x44f: {  	s0 =	ssub.s32 @p2 s0, s4;
	s4 =	sshra.s32 @!p4 s7, $0x2  }
0x450: {  	p1 =	sgt.u32 @!p4 s28, $0x1869FD;
	[tilespmem:s4+$0x48] =	vst.add.f32.msk @!p4 $0xffff, v1  }
0x451: {  	s29 =	smov.u32 s18;
	p6 =	por @p2 p1, !p5;
	p1 =	por @p2 !p1, !p5;
	v1 =	vld.msk @!p4 [tilespmem:s30+$0x3078], $0xf  }
0x452: {  	s31 =	simm.s32 @!p4 $0x0;
	p5 =	por p5, !p2;
	p1 =	por !p1, !p2  }
0x453: {  	s29 =	sshll.u32 @!p5 s29, $0x7;
	s31 =	simm.s32 @!p1 $0x50  }
0x454: {  	p1 =	por p6, !p2;
	s29 =	sshra.s32 @!p5 s29, $0x2;
	s7 =	sadd.s32 @!p4 s31, s22  }
0x455: {  	s31 =	sadd.s32 @!p4 $0x48, s4;
	s7 =	smov.u32 @p4 s22;
	s30 =	sand.u32 @!p1 $0x1FFFF8, s28  }
0x456: {  	s22 =	smov.u32 @p2 s7;
	s28 =	sand.u32 @!p1 $0x7, s28;
	[tilespmem:s4+$0x58] =	vst.add.f32.msk @!p4 $0xf, v1;
	s4 =	sadd.s32 @!p1 s1, s30  }
0x457: {  	[hbm4b:s4+s28] =	stream.linear.scatter @!p1 [tilespmem:s31], [sflag:$0xA], $0x14, $0x38;
	[tilespmem:$0x1EC38] =	vst v63  }
0x458: {  	s7 =	rddreg [dreg:$0x2];
	s4 =	sadd.s32 @!p5 $0x48, s29;
	s28 =	simm.s32 @!p5 $0x1  }
0x459: {  	[spmem:s7] =	stream.linear.scatter @!p5 [tilespmem:s4], [sflag:$0x1], $0x14, $0x38;
	[tilespmem:$0x1EC38] =	vst v63  }
0x45a: {  	_ =	swait.ge @!p5 [sflag:s28], $0x14  }
0x45b: {  	[sflag:s28] =	ssyncset.done @!p5 $0x0  }
0x45c: {  	s21 =	sadd.s32 $0x80, s21;
	[sflag:s28] =	ssyncadd.s32 @!p5 $0xFFFFFFEC  }
0x45d: {  	v1 =	vld @p2 [tilespmem:s21+$0xFFFFFFF0];
	_ =	sdelay $0x3  }
0x45e: {  	s26 =	sshll.u32 @!p2 s18, $0x7;
	s18 =	smov.u32 @p2 s0;
	s0 =	sshll.u32 @p2 s0, $0x5  }
0x45f: {  	[tilespmem:s0+$0x48] =	vst @p2 v1  }
0x460: {  	v1 =	vld.msk @p2 [tilespmem:s21+$0x0], $0xf;
	_ =	sdelay $0x4  }
0x461: {  	[tilespmem:s0+$0x58] =	vst.msk @p2 $0xf, v1  }
0x462: {  	s24 =	sadd.s32 $0x1, s24;
	v1 =	vld @!p2 [tilespmem:s21+$0xFFFFFFF0]  }
0x463: {  	p3 =	seq.s32 s24, $0x0  }
.Ltmp23:
0x464: {  	_ = 	snop;
	(pc) =	sbr.rel @!p3 .LBB3_16-.Ltmp23, $4  }
0x465: {  	_ = 	snop  }
0x466: {  	s26 =	sshra.s32 @!p2 s26, $0x2  }
0x467: {  	[tilespmem:s26+$0x48] =	vst.add.f32.msk @!p2 $0xffff, v1  }
0x468: {  	v1 =	vld.msk @!p2 [tilespmem:s21+$0x0], $0xf  }
.LBB3_17:
.Ltmp24:
0x469: {  	_ = 	snop;
	(pc) =	sbr.rel .LBB3_19-.Ltmp24, $2  }
0x46a: {  	s4 =	sld [smem:$0x7FD];
	_ =	sdelay $0x2  }
0x46b: {  	s0 =	sshrl.u32 s22, $0x2;
	s24 =	smov.u32 s23;
	p4 =	seq.s32 s4, $0x1;
	[tilespmem:s26+$0x58] =	vst.add.f32.msk @!p2 $0xf, v1  }
.LBB3_21:
0x46c: {  	_ =	sfence.sel $0x180000  }
0x46d: {  	s0 =	simm.s32 $0x7;
	[bflag:$0x0] =	sbarrier.arrive $0xFFFF  }
0x46e: {  	s25 =	simm.s32 $0x8;
	[sflag:s0] =	ssyncpa.u1 $0x1  }
0x46f: {  	s26 =	simm.s32 $0x9;
	[sflag:s25] =	ssyncpa.u1 $0x1  }
0x470: {  	s28 =	simm.s32 $0x2;
	[sflag:s26] =	ssyncpa.u1 $0x1  }
0x471: {  	[sflag:s28] =	ssyncpa.u1 $0x1  }
0x472: {  	v0 =	vld [tilespmem:$0x6088];
	_ =	sdelay $0x4  }
0x473: {  	(v2sf) =	vpush v0, $0x0  }
0x474: {  	(v2sf) =	vpush v0, $0x1;
	_ =	sdelay $0x1  }
0x475: {  	(v2sf) =	vpush v0, $0x2;
	_ =	sdelay $0xb  }
0x476: {  	s0 =	spop (v2sf)  }
0x477: {  	s2 =	spop (v2sf)  }
0x478: {  	s3 =	smov.u32 s0;
	p0 =	sne.s32 s0, s2  }
0x479: {  	s4 =	spop (v2sf);
	s3 =	simm.s32 @!p0 $0xFFFFFFFF  }
0x47a: {  	v2 =	vimm.s32 $0x1;
	v3 =	vlaneseq.u32;
	p0 =	seq.s32 s4, $0xFFFFFFFF;
	v1 =	vmov s3  }
0x47b: {  	s7 =	stileid.u32;
	v0 =	vperm.xlane v0, v2;
	p1 =	sne.s32 @!p0 s0, s2;
	v1 =	vperm.xlane v1, v3  }
0x47c: {  	vm0 =	vcmask $0x3F04;
	s6 =	simm.s32 $0x6088;
	s0 =	simm.s32 @!p0 $0x1;
	p1 =	por !p1, p0  }
0x47d: {  	s3 =	sshll.u32 s7, $0x1;
	s2 =	sshll.u32 @!p0 s4, $0x7;
	s0 =	simm.s32 @p1 $0x0;
	v0 =	vsel vm0, v1, v0  }
0x47e: {  	s5 =	sor.u32 $0x400, s3;
	s2 =	sshra.s32 @!p0 s2, $0x2;
	s0 =	sor.u32 @!p0 s0, s3;
	[tilespmem:$0x6088] =	vst v0  }
0x47f: {  	[spmem:s5] =	stream.linear.scatter [tilespmem:s6], [sflag:$0x1], $0x2, $0x38;
	[tilespmem:$0x1EC38] =	vst v63  }
0x480: {  	s2 =	sadd.s32 @!p0 $0x48, s2;
	s0 =	sshll.u32 @!p0 s0, $0x5  }
0x481: {  	[spmem:s0] =	stream.linear.scatter @!p0 [tilespmem:s2], [sflag:$0x1], $0x20, $0x38;
	[tilespmem:$0x1EC38] =	vst v63  }
0x482: {  	s0 =	simm.s32 @!p0 $0x22  }
0x483: {  	s2 =	simm.s32 $0x1;
	s0 =	simm.s32 @p0 $0x2  }
0x484: {  	_ =	swait.ge [sflag:s2], s0  }
0x485: {  	s0 =	ssub.s32 $0x0, s0;
	[sflag:s2] =	ssyncset.done $0x0  }
0x486: {  	[sflag:s2] =	ssyncadd.s32 s0  }
0x487: {  	_ =	sfence.stream.spmem  }
0x488: {  	s29 =	simm.s32 $0x3;
	[bflag:$0x0] =	sbarrier.arrive $0xFFFF  }
0x489: {  	s30 =	simm.s32 $0x4;
	[sflag:s29] =	ssyncpa.u1 $0x1  }
0x48a: {  	s31 =	simm.s32 $0x3C;
	[sflag:s30] =	ssyncpa.u1 $0x1  }
0x48b: {  	p0 =	sne.s32 s7, $0x0;
	[sflag:s31] =	ssyncpa.u1 $0x1  }
0x48c: {  	_ =	sfence @p0  }
0x48d: {  	[sflag:s2] =	ssyncpa.u1 @p0 $0x1  }
0x48e: {  	_ =	strace @p0 $0x9000004D  }
0x48f: {  	[bflag:$0x2] =	sbarrier.arrive @p0 $0xFFFF  }
0x490: {  	_ =	shalt @p0  }
.LBB3_22:
0x491: {  	_ =	sfence.stream.spmem;
	s0 =	simm.s32 $0x5  }
0x492: {  	s2 =	simm.s32 $0x400;
	s3 =	simm.s32 $0x6098;
	[sflag:s0] =	ssyncpa.u1 $0x0  }
0x493: {  	[tilespmem:s3], [sflag:$0x5] =	stream.linear.gather [spmem:s2], $0x20, $0x38;
	[tilespmem:$0x1EC38] =	vst v63  }
0x494: {  	s30 =	simm.s32 $0x60B8;
	s2 =	simm.s32 $0x0  }
0x495: {  	[tilespmem:s30], [sflag:$0x5] =	stream.linear.gather [spmem:s2], $0x400, $0x38;
	[tilespmem:$0x1EC38] =	vst v63  }
.Ltmp25:
0x496: {  	_ = 	snop;
	(pc) =	sbr.rel .LBB3_23-.Ltmp25, $4  }
0x497: {  	_ =	swait.ge [sflag:s0], $0x420  }
0x498: {  	[sflag:s0] =	ssyncset.done $0x0  }
0x499: {  	s31 =	simm.s32 $0x6;
	[sflag:s0] =	ssyncadd.s32 $0xFFFFFBE0  }
0x49a: {  	s3 =	simm.s32 $0x0;
	[sflag:s31] =	ssyncpa.u1 $0x0  }
.LBB3_29:
0x49b: {  	p0 =	slt.u32 s4, $0x1869FE  }
0x49c: {  	s0 =	sand.u32 @p0 $0x1FFFF8, s4  }
0x49d: {  	s4 =	sand.u32 @p0 $0x7, s4;
	s5 =	simm.s32 @p0 $0x6068;
	s0 =	sadd.s32 @p0 s1, s0  }
0x49e: {  	[tilespmem:s5], [sflag:$0x6] =	stream.linear.gather @p0 [hbm4b:s0+s4], $0x14, $0x38;
	[tilespmem:$0x1EC38] =	vst v63  }
0x49f: {  	s0 =	simm.s32 @p0 $0x6  }
0x4a0: {  	_ =	swait.ge @p0 [sflag:s0], $0x14  }
0x4a1: {  	[sflag:s0] =	ssyncset.done @p0 $0x0  }
0x4a2: {  	[sflag:s0] =	ssyncadd.s32 @p0 $0xFFFFFFEC  }
0x4a3: {  	v1 =	vld @p0 [tilespmem:$0x6068];
	_ =	sdelay $0x2  }
0x4a4: {  	s0 =	sshll.u32 @p0 s3, $0x7  }
0x4a5: {  	s4 =	sshrl.u32 @p0 s0, $0x2  }
0x4a6: {  	[tilespmem:s4+$0x60B8] =	vst.add.f32.msk @p0 $0xffff, v1  }
0x4a7: {  	v1 =	vld @p0 [tilespmem:$0x6078];
	_ =	sdelay $0x3  }
0x4a8: {  	s5 =	sshll.u32 @!p0 s3, $0x7  }
0x4a9: {  	s5 =	smov.u32 @p0 s0;
	[tilespmem:s4+$0x60C8] =	vst.add.f32.msk @p0 $0xffff, v1  }
0x4aa: {  	s0 =	sshrl.u32 s5, $0x2;
	[tilespmem:s2+$0x6098] =	vst.msk $0x1, v0  }
0x4ab: {  	v0 =	vld [tilespmem:s0+$0x60B8];
	_ =	sdelay $0x2  }
0x4ac: {  	s31 =	sshll.u32 s2, $0x7  }
0x4ad: {  	s4 =	sshra.s32 s31, $0x2  }
0x4ae: {  	[tilespmem:s4+$0x60B8] =	vst v0  }
0x4af: {  	v0 =	vld [tilespmem:s0+$0x60C8];
	_ =	sdelay $0x4  }
0x4b0: {  	s2 =	sadd.s32 $0x1, s2;
	[tilespmem:s4+$0x60C8] =	vst v0  }
.LBB3_30:
0x4b1: {  	s3 =	sadd.s32 $0x1, s3  }
0x4b2: {  	p0 =	sne.s32 s3, $0x20  }
.Ltmp26:
0x4b3: {  	_ = 	snop;
	(pc) =	sbr.rel @!p0 .LBB3_31-.Ltmp26, $1  }
0x4b4: {  	_ =	sdelay $0x3  }
.LBB3_23:
0x4b5: {  	v0 =	vld.msk [tilespmem:s3+$0x6098], $0x1;
	_ =	sdelay $0x4  }
0x4b6: {  	(v2sf) =	vpush v0, $0x0;
	_ =	sdelay $0xe  }
0x4b7: {  	s4 =	spop (v2sf)  }
0x4b8: {  	p0 =	seq.s32 s4, $0xFFFFFFFF  }
.Ltmp27:
0x4b9: {  	_ = 	snop;
	(pc) =	sbr.rel @p0 .LBB3_30-.Ltmp27, $1  }
0x4ba: {  	_ =	sdelay $0x3  }
0x4bb: {  	p0 =	slt.s32 s2, $0x1  }
.Ltmp28:
0x4bc: {  	_ = 	snop;
	(pc) =	sbr.rel @p0 .LBB3_29-.Ltmp28, $1  }
0x4bd: {  	_ =	sdelay $0x3  }
0x4be: {  	s5 =	simm.s32 $0x6098;
	p0 =	por $0x0, $0x0  }
0x4bf: {  	v1 =	vld.msk @!p0 [tilespmem:s5+$0x0], $0x1;
	_ =	sdelay $0x4  }
0x4c0: {  	(v2sf) =	vpush @!p0 v1, $0x0;
	_ =	sdelay $0xd  }
0x4c1: {  	p2 =	sne.s32 s2, $0x1  }
.Ltmp29:
0x4c2: {  	s0 =	spop @!p0 (v2sf);
	(pc) =	sbr.rel @!p2 .LBB3_27-.Ltmp29, $4  }
0x4c3: {  	p1 =	seq.s32 @!p0 s4, s0  }
0x4c4: {  	s6 =	simm.s32 $0x0;
	p1 =	por !p1, p0  }
0x4c5: {  	s0 =	simm.s32 $0xFFFFFFFF;
	s6 =	simm.s32 @p1 $0xFFFFFFFF  }
0x4c6: {  	s7 =	simm.s32 $0x1;
	s6 =	smov.u32 @p0 s0  }
.LBB3_26:
0x4c7: {  	s0 =	smov.u32 s6;
	p0 =	sne.s32 s6, $0xFFFFFFFF  }
0x4c8: {  	s5 =	sadd.s32 $0x1, s5;
	s6 =	smov.u32 s7;
	s7 =	sadd.s32 $0x1, s7  }
0x4c9: {  	p1 =	sne.s32 s2, s7;
	v1 =	vld.msk @!p0 [tilespmem:s5+$0x0], $0x1;
	_ =	sdelay $0x4  }
0x4ca: {  	(v2sf) =	vpush @!p0 v1, $0x0;
	_ =	sdelay $0xe  }
.Ltmp30:
0x4cb: {  	s8 =	spop @!p0 (v2sf);
	(pc) =	sbr.rel @p1 .LBB3_26-.Ltmp30, $4  }
0x4cc: {  	p2 =	seq.s32 @!p0 s4, s8  }
0x4cd: {  	p2 =	por !p2, p0  }
0x4ce: {  	s6 =	simm.s32 @p2 $0xFFFFFFFF  }
0x4cf: {  	s6 =	smov.u32 @p0 s0  }
.LBB3_27:
0x4d0: {  	p0 =	seq.s32 s6, $0xFFFFFFFF  }
.Ltmp31:
0x4d1: {  	_ = 	snop;
	(pc) =	sbr.rel @p0 .LBB3_29-.Ltmp31, $1  }
0x4d2: {  	_ =	sdelay $0x3  }
0x4d3: {  	s0 =	sshll.u32 s3, $0x5  }
0x4d4: {  	s0 =	sand.u32 $0x3FFFFFE0, s0  }
0x4d5: {  	v0 =	vld [tilespmem:s0+$0x60B8];
	_ =	sdelay $0x2  }
0x4d6: {  	s4 =	sshll.u32 s6, $0x7  }
0x4d7: {  	s4 =	sshra.s32 s4, $0x2  }
0x4d8: {  	[tilespmem:s4+$0x60B8] =	vst.add.f32.msk $0xffff, v0  }
0x4d9: {  	v0 =	vld [tilespmem:s0+$0x60C8]  }
.Ltmp32:
0x4da: {  	_ = 	snop;
	(pc) =	sbr.rel .LBB3_30-.Ltmp32, $2  }
0x4db: {  	_ =	sdelay $0x2  }
0x4dc: {  	[tilespmem:s4+$0x60C8] =	vst.add.f32.msk $0xffff, v0  }
.LBB3_31:
0x4dd: {  	p0 =	slt.s32 s2, $0x1  }
.Ltmp33:
0x4de: {  	_ = 	snop;
	(pc) =	sbr.rel @p0 .LBB3_35-.Ltmp33, $3  }
0x4df: {  	_ =	sdelay $0x1  }
0x4e0: {  	s0 =	simm.s32 $0x6  }
0x4e1: {  	s3 =	simm.s32 $0x0;
	[sflag:s0] =	ssyncpa.u1 $0x1  }
0x4e2: {  	s0 =	simm.s32 $0x6098  }
0x4e3: {  	v0 =	vld.msk [tilespmem:s0+$0x0], $0x1;
	_ =	sdelay $0x4  }
0x4e4: {  	(v2sf) =	vpush v0, $0x0;
	_ =	sdelay $0xd  }
0x4e5: {  	s2 =	sadd.s32 $0xFFFFFFFF, s2  }
0x4e6: {  	p1 =	sne.s32 s2, $0x0;
	s0 =	spop (v2sf)  }
.Ltmp34:
0x4e7: {  	p0 =	sgt.u32 s0, $0x1869FD;
	(pc) =	sbr.rel @!p1 .LBB3_34-.Ltmp34, $4  }
0x4e8: {  	s4 =	simm.s32 $0x60B8;
	s5 =	sand.u32 @!p0 $0x1FFFF8, s0  }
0x4e9: {  	s6 =	simm.s32 $0x0;
	s0 =	sand.u32 @!p0 $0x7, s0;
	s5 =	sadd.s32 @!p0 s1, s5  }
0x4ea: {  	[hbm4b:s5+s0] =	stream.linear.scatter @!p0 [tilespmem:s4], [sflag:$0x5], $0x14, $0x38;
	[tilespmem:$0x1EC38] =	vst v63  }
0x4eb: {  	s6 =	simm.s32 @!p0 $0x50;
	s5 =	simm.s32 $0x6099  }
.LBB3_33:
0x4ec: {  	v0 =	vld.msk [tilespmem:s5+$0x0], $0x1;
	s2 =	sadd.s32 $0xFFFFFFFF, s2;
	s3 =	sadd.s32 s3, s6  }
0x4ed: {  	p0 =	sne.s32 s2, $0x0;
	_ =	sdelay $0x3  }
0x4ee: {  	(v2sf) =	vpush v0, $0x0;
	_ =	sdelay $0xe  }
.Ltmp35:
0x4ef: {  	s0 =	spop (v2sf);
	(pc) =	sbr.rel @p0 .LBB3_33-.Ltmp35, $4  }
0x4f0: {  	s6 =	simm.s32 $0x0;
	p1 =	sgt.u32 s0, $0x1869FD  }
0x4f1: {  	s4 =	sadd.s32 $0x20, s4;
	s6 =	simm.s32 @!p1 $0x50;
	s7 =	sand.u32 @!p1 $0x1FFFF8, s0  }
0x4f2: {  	s5 =	sadd.s32 $0x1, s5;
	s0 =	sand.u32 @!p1 $0x7, s0;
	s7 =	sadd.s32 @!p1 s1, s7  }
0x4f3: {  	[hbm4b:s7+s0] =	stream.linear.scatter @!p1 [tilespmem:s4], [sflag:$0x5], $0x14, $0x38;
	[tilespmem:$0x1EC38] =	vst v63  }
.LBB3_34:
0x4f4: {  	s0 =	sadd.s32 s3, s6  }
0x4f5: {  	s3 =	sshrl.u32 s0, $0x2  }
.LBB3_35:
0x4f6: {  	s0 =	simm.s32 $0x5  }
0x4f7: {  	_ =	swait.ge [sflag:s0], s3  }
0x4f8: {  	s1 =	ssub.s32 $0x0, s3;
	[sflag:s0] =	ssyncset.done $0x0  }
0x4f9: {  	[sflag:s0] =	ssyncadd.s32 s1  }
0x4fa: {  	[sflag:s0] =	ssyncpa.u1 $0x1  }
0x4fb: {  	s30 =	simm.s32 $0x1;
	_ =	sfence  }
0x4fc: {  	[sflag:s30] =	ssyncpa.u1 $0x1  }
0x4fd: {  	_ =	strace $0x9000004D  }
0x4fe: {  	[bflag:$0x2] =	sbarrier.arrive $0xFFFF  }
0x4ff: {  	s31 =	rddreg [dreg:$0x1]  }
0x500: {  	s0 =	sadd.s32 $0x100000, s31  }
0x501: {  	[sflag:s0] =	ssyncadd.tile.s32 $0x1;
	_ =	shalt  }
.Lfunc_end3:
_tile_overlayer_lowered:
.L_overlay_start_3:
0x502: {  	(tag) =	ssettag $0x3  }
0x503: {  	s0 =	rddreg [dreg:$0x0];
	s2 =	stileid.u32  }
0x504: {  	s1 =	rddreg [dreg:$0x1];
	p0 =	sne.s32 s2, $0x0  }
0x505: {  	s3 =	rddreg [dreg:$0x2];
	[bflag:$0x3] =	sbarrier.arrive $0xFFFF;
	s2 =	simm.s32 @!p0 $0x1C01  }
0x506: {  	[timem:s3], [sflag:s2] =	dma.local @!p0 [hbm:s0], s1  }
0x507: {  	s0 =	simm.s32 @!p0 $0x1  }
0x508: {  	_ =	swait.ge @!p0 [sflag:s0], s1  }
0x509: {  	s1 =	ssub.s32 @!p0 $0x0, s1;
	[sflag:s0] =	ssyncset.done @!p0 $0x0  }
0x50a: {  	[sflag:s0] =	ssyncadd.s32 @!p0 s1  }
0x50b: {  	[bflag:$0x3] =	sbarrier.arrive $0xFFFF  }
0x50c: {  	_ =	shalt  }

// kernel: sparse-core-data-format-call.1.cloned.1.call-start
scs
called_computation.3_lowered:
.L_overlay_start_0:
0x0: {  	s2 =	sld [smem:$0x3FD9]  }
0x1: {  	s3 =	sld [smem:$0x3FFE];
	_ =	sdelay $0x1  }
0x2: {  	s1 =	srdreg.scid  }
0x3: {  	s0 =	sand.u32 $0x1, s1  }
0x4: {  	s18 =	sshll.u32 s0, $0xA;
	s2 =	sadd.s32 s3, s2  }
0x5: {  	s2 =	sadd.s32 s2, s18  }
0x6: {  	[smem:$0x3FBD] =	sst s2  }
0x7: {  	_ = 	snop  }
0x8: {  	(tm) =	ssettm $0x1  }
0x9: {  	s19 =	sld [smem:$0x3FFB];
	_ =	sdelay $0x3  }
0xa: {  	_ =	strace s19  }
0xb: {  	s2 =	sld [smem:$0x3FFC];
	_ =	sdelay $0x3  }
0xc: {  	_ =	strace s2  }
0xd: {  	s2 =	sld [smem:$0x3FFD];
	_ =	sdelay $0x3  }
0xe: {  	_ =	strace s2  }
0xf: {  	_ =	strace $0x8FFFFFFF  }
0x10: {  	s20 =	sld [smem:$0x3FDB];
	_ =	sdelay $0x1  }
0x11: {  	s21 =	simm.s32 $_scs_section_size  }
0x12: {  	s4 =	simm.s32 $_size__tile_overlayer_lowered;
	s5 =	simm.s32 $_tile_overlayer_lowered  }
0x13: {  	s6 =	simm.s32 $0x1BFF;
	s22 =	sshll.u32 s5, $0x1;
	s3 =	sadd.s32 s21, s20  }
0x14: {  	s23 =	simm.s32 $0x0;
	s4 =	sshll.u32 s4, $0x1;
	s5 =	sadd.s32 s22, s3  }
0x15: {  	[timem:s23], [sflag:s6] =	dma.local [hbm:s5], s4  }
0x16: {  	_ =	swait.ge [sflag:s6], s4  }
0x17: {  	s4 =	ssub.s32 $0x0, s4;
	[sflag:s6] =	ssyncset.done $0x0  }
0x18: {  	[sflag:s6] =	ssyncadd.s32 s4;
	_ =	sdelay $0x1  }
0x19: {  	s24 =	simm.s32 $0x1B8B  }
0x1a: {  	_ =	swait.ge [sflag:s24], $0x1  }
0x1b: {  	[sflag:s24] =	ssyncset.done $0x0  }
0x1c: {  	[sflag:s24] =	ssyncadd.s32 $0xFFFFFFFF  }
0x1d: {  	s4 =	sld [smem:$0x0]  }
0x1e: {  	s5 =	sand.u32 $0xFFFFFFFE, s1  }
0x1f: {  	p0 =	sne.s32 s1, s5  }
0x20: {  	s5 =	sshll.u32 @p0 s5, $0xE  }
0x21: {  	s5 =	sadd.s32 @p0 $0x11B8D, s5;
	s6 =	sshll.u32 @p0 s4, $0x11  }
0x22: {  	s5 =	sor.u32 @p0 s6, s5  }
0x23: {  	[sflag:s5] =	ssyncadd.remote.s32 @p0 $0x1;
	_ =	sdelay $0x1  }
0x24: {  	s5 =	simm.s32 @p0 $0x1B8D  }
0x25: {  	_ =	swait.eq @p0 [sflag:s5], $0x1  }
0x26: {  	[sflag:s5] =	ssyncadd.s32 @p0 $0xFFFFFFFF  }
0x27: {  	s6 =	sshll.u32 @!p0 s1, $0xE  }
0x28: {  	s6 =	sor.u32 @!p0 $0x4000, s6;
	s5 =	simm.s32 @!p0 $0x1B8D  }
0x29: {  	s4 =	sshll.u32 @!p0 s4, $0x11;
	s6 =	sadd.s32 @!p0 $0x11B8D, s6;
	_ =	swait.eq @!p0 [sflag:s5], $0x1  }
0x2a: {  	s4 =	sor.u32 @!p0 s4, s6;
	[sflag:s5] =	ssyncadd.s32 @!p0 $0xFFFFFFFF  }
0x2b: {  	s26 =	simm.s32 $0x1B8E;
	s25 =	sld [smem:$0x3FFE];
	[sflag:s4] =	ssyncadd.remote.s32 @!p0 $0x1  }
0x2c: {  	s27 =	simm.s32 $execute0_lowered;
	[smem:$0x3FD2] =	sst s26  }
0x2d: {  	s5 =	sshll.u32 s27, $0x1;
	_ =	strace $0x80000052;
	[dreg:$0x1] =	wrdreg $0xFFFFFFFF  }
0x2e: {  	s28 =	simm.s32 $_size_execute0_lowered;
	s3 =	sadd.s32 s3, s5;
	[dreg:$0x0] =	wrdreg $0x0  }
0x2f: {  	s5 =	sshll.u32 s28, $0x1;
	[dreg:$0x2] =	wrdreg s3  }
0x30: {  	[dreg:$0x3] =	wrdreg s5  }
0x31: {  	[dreg:$0x4] =	wrdreg $0xC0  }
0x32: {  	_ =	task [dreg:s23], $0x5FFFF  }
0x33: {  	[dreg:$0x1] =	wrdreg $0xFFFFFFFF  }
0x34: {  	[dreg:$0x0] =	wrdreg $0x60  }
0x35: {  	[dreg:$0x2] =	wrdreg s25  }
0x36: {  	[dreg:$0x3] =	wrdreg $0x9  }
0x37: {  	_ =	task.clear_ibuf [dreg:s23], $0x4FFFF;
	_ =	strace $0x90000052  }
0x38: {  	s29 =	simm.s32 $0x9;
	_ =	strace $0x80000054  }
0x39: {  	_ =	swait.ge [sflag:s29], $0x1  }
0x3a: {  	[sflag:s29] =	ssyncadd.s32 $0xFFFFFFFF  }
0x3b: {  	_ =	strace $0x90000054  }
0x3c: {  	_ =	sfence  }
0x3d: {  	s30 =	sld [smem:$0x0];
	_ =	sdelay $0x2  }
0x3e: {  	s31 =	sshll.u32 s1, $0xD;
	s1 =	sshrl.u32 s1, $0x2  }
0x3f: {  	s4 =	sand.u32 $0x4000, s31;
	s1 =	sadd.s32 s1, s30  }
0x40: {  	s0 =	sor.u32 s4, s0;
	s1 =	sshll.u32 s1, $0x11  }
0x41: {  	s0 =	sor.u32 s1, s0  }
0x42: {  	s0 =	sadd.s32 $0x8F2B, s0  }
0x43: {  	[sflag:s0] =	ssyncadd.remote.s32 $0x1  }
0x44: {  	_ =	sfence.sel $0xFFFF  }
0x45: {  	[dreg:$0x0] =	wrdreg $0xFFFFFFFF;
	(pc) =	sbr.abs _section_cstart, $3  }
0x46: {  	[dreg:$0x1] =	wrdreg $0xFFFFFFFF  }
0x47: {  	_ =	task.clear_ibuf [dreg:s23], $0x2FFFF;
	_ =	strace $0x9FFFFFFF  }
0x48: {  	(tm) =	ssettm $0x7FFFFFFF  }
0x49: {  	_ =	shalt  }
tec
execute0_lowered:
.L_overlay_start_1:
0x0: {  	(tag) =	ssettag $0x1  }
0x1: {  	s0 =	srdreg.scid  }
0x2: {  	s5 =	rddreg [dreg:$0x0];
	s1 =	sshll.u32 s0, $0x4  }
0x3: {  	s6 =	simm.s32 $0x2;
	s0 =	stileid.u32;
	s1 =	sand.u32 $0x10, s1  }
0x4: {  	s12 =	simm.s32 $0x0;
	p0 =	por $0x0, $0x0;
	s1 =	sor.u32 s0, s1  }
0x5: {  	s11 =	simm.s32 $0x0;
	s8 =	simm.s32 $0x0;
	s2 =	sshll.u32 s1, $0x7  }
.Ltmp0:
0x6: {  	s10 =	simm.s32 $0x0;
	s3 =	ssub.s32 $0x30D180, s2;
	(pc) =	sbr.rel .LBB1_1-.Ltmp0, $4  }
0x7: {  	s1 =	rddreg [dreg:$0x1];
	_ =	strace $0x80000053;
	s4 =	sshrl.u32 s3, $0xC  }
0x8: {  	s9 =	smov.u32 s2;
	s3 =	simm.s32 $0x1;
	s7 =	smul.u32 $0x3, s4  }
0x9: {  	s4 =	sadd.s32 $0x1252600, s5;
	[sflag:s3] =	ssyncpa.u1 $0x0;
	s5 =	sadd.s32 $0x7702A00, s5  }
0xa: {  	[sflag:s6] =	ssyncpa.u1 $0x0;
	s6 =	sadd.s32 $0x3, s7;
	s7 =	sadd.s32 $0x4, s7  }
.LBB1_5:
0xb: {  	s13 =	sadd.s32 $0x8, s8  }
0xc: {  	s11 =	sadd.s32 $0x1000, s9;
	s15 =	smov.u32 s9;
	p2 =	sgt.s32 s13, $0x13  }
0xd: {  	s15 =	smov.u32 @p2 s11  }
0xe: {  	s13 =	simm.s32 @p2 $0x0;
	p2 =	sgt.s32 s15, $0x30D1F6  }
0xf: {  	s15 =	smov.u32 @p2 s2;
	p2 =	sne.s32 s10, s7  }
.Ltmp1:
0x10: {  	p1 =	slt.u32 s10, $0x2;
	(pc) =	sbr.rel @!p2 .LBB1_6-.Ltmp1, $4  }
0x11: {  	s14 =	simm.s32 @!p1 $0x2  }
0x12: {  	s12 =	smov.u32 s8;
	p0 =	por !p0, !p0;
	_ =	swait.ge @!p1 [sflag:s14], $0x400  }
0x13: {  	s11 =	smov.u32 s9;
	[sflag:s14] =	ssyncset.done @!p1 $0x0;
	s8 =	smov.u32 s13  }
0x14: {  	s10 =	sadd.s32 $0x1, s10;
	[sflag:s14] =	ssyncadd.s32 @!p1 $0xFFFFFC00;
	s9 =	smov.u32 s15  }
.LBB1_1:
0x15: {  	p1 =	sge.u32 s10, s6  }
0x16: {  	s13 =	sshll.u32 @!p1 s9, $0x7  }
0x17: {  	s14 =	sshll.u32 @!p1 s8, $0x3;
	p2 =	sgt.s32 @!p1 s9, $0x30D178;
	s16 =	sshra.s32 @!p1 s8, $0x1F  }
0x18: {  	s15 =	sand.u32 @!p1 $0xFFFFFC00, s13;
	s14 =	sand.u32 @!p1 $0xFFFFFC00, s14;
	s13 =	sand.u32 @!p1 $0x380, s13  }
0x19: {  	p2 =	por !p2, p1;
	s16 =	sand.u32 @!p1 s16, s8;
	s14 =	sadd.s32 @!p1 s15, s14  }
0x1a: {  	s15 =	sshra.s32 @!p1 s9, $0x1F;
	s13 =	sor.u32 @!p1 s13, s14;
	s14 =	smov.u32 s9  }
0x1b: {  	s15 =	sand.u32 @!p1 s15, s9;
	s14 =	simm.s32 @p2 $0x30D178;
	p2 =	sgt.s32 @!p1 s8, $0x78  }
0x1c: {  	s14 =	ssub.s32 @!p1 s14, s15;
	p2 =	por !p2, p1;
	s15 =	smov.u32 s8  }
0x1d: {  	s13 =	sshrl.u32 @!p1 s13, $0x7;
	s17 =	sadd.s32 @!p1 $0xFFCF2E88, s14;
	s15 =	simm.s32 @p2 $0x78  }
0x1e: {  	s14 =	ssub.s32 @!p1 $0x30D1F8, s14;
	p2 =	sgt.s32 @!p1 s17, $0x7F;
	s15 =	ssub.s32 @!p1 s15, s16  }
0x1f: {  	s17 =	smulhi.u32 @!p1 $0x14F994F, s13;
	p2 =	por !p2, p1;
	s16 =	sadd.s32 @!p1 $0xFFFFFF88, s15  }
0x20: {  	s14 =	simm.s32 @!p2 $0x0;
	p2 =	sgt.s32 @!p1 s16, $0x7  }
0x21: {  	s15 =	ssub.s32 @!p1 $0x80, s15;
	s16 =	sshrl.u32 @!p1 s17, $0xE;
	p2 =	por !p2, p1  }
0x22: {  	s17 =	sxor.u32 @!p1 $0xFFFFFFFF, s10;
	s16 =	smul.u32 @!p1 $0x30D1F8, s16;
	s15 =	simm.s32 @!p2 $0x0  }
0x23: {  	s17 =	sshll.u32 @!p1 s17, $0xA;
	s14 =	smul.u32 @!p1 s14, s15  }
0x24: {  	s15 =	sand.u32 @!p1 $0x400, s17;
	s13 =	ssub.s32 @!p1 s13, s16;
	s16 =	sshrl.u32 @!p1 s8, $0x3  }
0x25: {  	s17 =	sand.u32 @!p1 $0x7, s8;
	s16 =	sand.u32 @!p1 $0xF, s16;
	s13 =	sshll.u32 @!p1 s13, $0x4  }
0x26: {  	s17 =	sshll.u32 @!p1 s17, $0x12;
	s14 =	sand.u32 @!p1 $0x3FFFFFFF, s14;
	s16 =	sadd.s32 @!p1 s4, s16  }
0x27: {  	s13 =	sadd.s32 @!p1 s13, s16;
	s16 =	sor.u32 @!p1 $0x8, s17;
	s17 =	simm.s32 @!p1 $0x80  }
0x28: {  	[tilespmem:s15], [sflag:$0x1] =	stream.strided.gather @!p1 [hbm4b:s13+s16], s14, s17, s16, $0x38;
	[tilespmem:$0x1010] =	vst v63  }
0x29: {  	p1 =	seq.s32 s10, $0x0  }
0x2a: {  	p2 =	sge.u32 @!p1 s10, s7  }
0x2b: {  	p1 =	por p1, p2  }
.Ltmp2:
0x2c: {  	_ = 	snop;
	(pc) =	sbr.rel @p1 .LBB1_5-.Ltmp2, $1  }
0x2d: {  	_ =	sdelay $0x3  }
0x2e: {  	p1 =	sgt.s32 s11, $0x30D178;
	s13 =	smov.u32 s11  }
0x2f: {  	s14 =	sshra.s32 s11, $0x1F;
	s15 =	smov.u32 s12;
	s16 =	sshra.s32 s12, $0x1F  }
0x30: {  	s13 =	simm.s32 @!p1 $0x30D178;
	s14 =	sand.u32 s14, s11;
	p1 =	sgt.s32 s12, $0x78  }
0x31: {  	s28 =	sand.u32 s16, s12;
	s13 =	ssub.s32 s13, s14;
	s15 =	simm.s32 @!p1 $0x78  }
0x32: {  	s29 =	sadd.s32 $0xFFCF2E88, s13;
	s14 =	ssub.s32 s15, s28  }
0x33: {  	s13 =	ssub.s32 $0x30D1F8, s13;
	s15 =	sadd.s32 $0xFFFFFF88, s14  }
0x34: {  	p1 =	sgt.s32 s29, $0x7F;
	s14 =	ssub.s32 $0x80, s14;
	p2 =	sgt.s32 s15, $0x7  }
0x35: {  	s13 =	simm.s32 @p1 $0x0;
	s14 =	simm.s32 @p2 $0x0  }
0x36: {  	s13 =	smul.u32 s13, s14;
	_ =	sdelay $0x1  }
0x37: {  	s14 =	simm.s32 $0x1;
	s13 =	sand.u32 $0x3FFFFFFF, s13  }
0x38: {  	s14 =	simm.s32 @!p0 $0x0;
	_ =	swait.ge [sflag:s3], s13  }
0x39: {  	s30 =	sshll.u32 s14, $0xA;
	s13 =	ssub.s32 $0x0, s13;
	[sflag:s3] =	ssyncset.done $0x0  }
0x3a: {  	s22 =	sor.u32 $0x20, s30;
	[sflag:s3] =	ssyncadd.s32 s13  }
0x3b: {  	v0 =	vld.msk [tilespmem:s22+$0xFFFFFFE0], $0xff  }
0x3c: {  	s31 =	smul.u32 $0x1020, s14;
	_ =	sdelay $0x1  }
0x3d: {  	s13 =	sshrl.u32 s31, $0x2  }
0x3e: {  	s13 =	sor.u32 $0x807, s13  }
0x3f: {  	[tilespmem:s13+$0xFFFFFFF9 ss:$0x81] =	vst.msk $0xff, v0  }
0x40: {  	v0 =	vld.msk [tilespmem:s22+$0xFFFFFFE8], $0xff  }
0x41: {  	s16 =	sadd.s32 $0x40, s22  }
0x42: {  	v1 =	vld.msk [tilespmem:s16+$0xFFFFFFE0], $0xff;
	_ =	sdelay $0x2  }
0x43: {  	[tilespmem:s13+$0xFFFFFFFA ss:$0x81] =	vst.msk $0xff, v0  }
0x44: {  	s14 =	sadd.s32 $0x8, s13;
	v0 =	vld.msk [tilespmem:s22+$0xFFFFFFF0], $0xff  }
0x45: {  	[tilespmem:s14+$0xFFFFFFF9 ss:$0x81] =	vst.msk $0xff, v1  }
0x46: {  	v1 =	vld.msk [tilespmem:s16+$0xFFFFFFE8], $0xff  }
0x47: {  	s17 =	sadd.s32 $0x40, s16  }
0x48: {  	v2 =	vld.msk [tilespmem:s17+$0xFFFFFFE0], $0xff  }
0x49: {  	[tilespmem:s13+$0xFFFFFFFB ss:$0x81] =	vst.msk $0xff, v0  }
0x4a: {  	v0 =	vld.msk [tilespmem:s22+$0xFFFFFFF8], $0xff  }
0x4b: {  	[tilespmem:s14+$0xFFFFFFFA ss:$0x81] =	vst.msk $0xff, v1  }
0x4c: {  	s15 =	sadd.s32 $0x8, s14;
	v1 =	vld.msk [tilespmem:s16+$0xFFFFFFF0], $0xff  }
0x4d: {  	[tilespmem:s15+$0xFFFFFFF9 ss:$0x81] =	vst.msk $0xff, v2  }
0x4e: {  	s20 =	sadd.s32 $0x40, s17;
	v2 =	vld.msk [tilespmem:s17+$0xFFFFFFE8], $0xff  }
0x4f: {  	[tilespmem:s13+$0xFFFFFFFC ss:$0x81] =	vst.msk $0xff, v0;
	v0 =	vld.msk [tilespmem:s20+$0xFFFFFFE0], $0xff  }
0x50: {  	v3 =	vld.msk [tilespmem:s22+$0x0], $0xff  }
0x51: {  	[tilespmem:s14+$0xFFFFFFFB ss:$0x81] =	vst.msk $0xff, v1  }
0x52: {  	v1 =	vld.msk [tilespmem:s16+$0xFFFFFFF8], $0xff  }
0x53: {  	s18 =	sadd.s32 $0x8, s15;
	[tilespmem:s15+$0xFFFFFFFA ss:$0x81] =	vst.msk $0xff, v2  }
0x54: {  	v2 =	vld.msk [tilespmem:s17+$0xFFFFFFF0], $0xff;
	[tilespmem:s18+$0xFFFFFFF9 ss:$0x81] =	vst.msk $0xff, v0  }
0x55: {  	v0 =	vld.msk [tilespmem:s20+$0xFFFFFFE8], $0xff;
	[tilespmem:s13+$0xFFFFFFFD ss:$0x81] =	vst.msk $0xff, v3  }
0x56: {  	s21 =	sadd.s32 $0x40, s20;
	v3 =	vld.msk [tilespmem:s22+$0x8], $0xff  }
0x57: {  	[tilespmem:s14+$0xFFFFFFFC ss:$0x81] =	vst.msk $0xff, v1;
	v1 =	vld.msk [tilespmem:s21+$0xFFFFFFE0], $0xff  }
0x58: {  	v4 =	vld.msk [tilespmem:s16+$0x0], $0xff  }
0x59: {  	[tilespmem:s15+$0xFFFFFFFB ss:$0x81] =	vst.msk $0xff, v2  }
0x5a: {  	v2 =	vld.msk [tilespmem:s17+$0xFFFFFFF8], $0xff;
	[tilespmem:s18+$0xFFFFFFFA ss:$0x81] =	vst.msk $0xff, v0  }
0x5b: {  	s19 =	sadd.s32 $0x8, s18;
	v0 =	vld.msk [tilespmem:s20+$0xFFFFFFF0], $0xff;
	[tilespmem:s13+$0xFFFFFFFE ss:$0x81] =	vst.msk $0xff, v3  }
0x5c: {  	[tilespmem:s19+$0xFFFFFFF9 ss:$0x81] =	vst.msk $0xff, v1;
	v1 =	vld.msk [tilespmem:s22+$0x10], $0xff  }
0x5d: {  	[tilespmem:s14+$0xFFFFFFFD ss:$0x81] =	vst.msk $0xff, v4;
	v3 =	vld.msk [tilespmem:s21+$0xFFFFFFE8], $0xff  }
0x5e: {  	s24 =	sadd.s32 $0x40, s21;
	v4 =	vld.msk [tilespmem:s16+$0x8], $0xff  }
0x5f: {  	[tilespmem:s15+$0xFFFFFFFC ss:$0x81] =	vst.msk $0xff, v2;
	v2 =	vld.msk [tilespmem:s24+$0xFFFFFFE0], $0xff  }
0x60: {  	v5 =	vld.msk [tilespmem:s17+$0x0], $0xff;
	[tilespmem:s18+$0xFFFFFFFB ss:$0x81] =	vst.msk $0xff, v0  }
0x61: {  	v6 =	vld.msk [tilespmem:s20+$0xFFFFFFF8], $0xff;
	[tilespmem:s13+$0xFFFFFFFF ss:$0x81] =	vst.msk $0xff, v1  }
0x62: {  	s23 =	sand.u32 $0x1, s10;
	[tilespmem:s19+$0xFFFFFFFA ss:$0x81] =	vst.msk $0xff, v3;
	v0 =	vld.msk [tilespmem:s22+$0x18], $0xff  }
0x63: {  	s23 =	smul.u32 $0x1020, s23;
	[tilespmem:s14+$0xFFFFFFFE ss:$0x81] =	vst.msk $0xff, v4;
	v3 =	vld.msk [tilespmem:s21+$0xFFFFFFF0], $0xff;
	s22 =	sadd.s32 $0x8, s19  }
0x64: {  	v1 =	vld.msk [tilespmem:s16+$0x10], $0xff;
	[tilespmem:s22+$0xFFFFFFF9 ss:$0x81] =	vst.msk $0xff, v2  }
0x65: {  	s23 =	sshrl.u32 s23, $0x2;
	[tilespmem:s15+$0xFFFFFFFD ss:$0x81] =	vst.msk $0xff, v5;
	v4 =	vld.msk [tilespmem:s24+$0xFFFFFFE8], $0xff  }
0x66: {  	s25 =	simm.s32 $0x28;
	s23 =	sor.u32 $0x800, s23;
	s26 =	sadd.s32 $0x40, s24;
	v2 =	vld.msk [tilespmem:s17+$0x8], $0xff;
	[tilespmem:s18+$0xFFFFFFFC ss:$0x81] =	vst.msk $0xff, v6  }
.LBB1_3:
0x67: {  	v5 =	vld.msk [tilespmem:s26+$0xFFFFFFE0], $0xff;
	[tilespmem:s13+$0x0 ss:$0x81] =	vst.msk $0xff, v0;
	s13 =	smov.u32 s14;
	s14 =	smov.u32 s15;
	s15 =	smov.u32 s18  }
0x68: {  	s25 =	sadd.s32 $0x8, s25;
	s18 =	smov.u32 s19;
	[tilespmem:s19+$0xFFFFFFFB ss:$0x81] =	vst.msk $0xff, v3;
	v6 =	vld.msk [tilespmem:s20+$0x0], $0xff;
	s19 =	smov.u32 s22  }
0x69: {  	p1 =	slt.u32 s25, $0x78;
	v7 =	vld.msk [tilespmem:s21+$0xFFFFFFF8], $0xff;
	[tilespmem:s13+$0xFFFFFFFF ss:$0x81] =	vst.msk $0xff, v1  }
.Ltmp3:
0x6a: {  	[tilespmem:s22+$0xFFFFFFFA ss:$0x81] =	vst.msk $0xff, v4;
	v0 =	vld.msk [tilespmem:s16+$0x18], $0xff;
	s16 =	smov.u32 s17;
	s17 =	smov.u32 s20;
	(pc) =	sbr.rel @p1 .LBB1_3-.Ltmp3, $4  }
0x6b: {  	s22 =	sadd.s32 $0x8, s22;
	s20 =	smov.u32 s21;
	s21 =	smov.u32 s24;
	v3 =	vld.msk [tilespmem:s24+$0xFFFFFFF0], $0xff;
	[tilespmem:s14+$0xFFFFFFFE ss:$0x81] =	vst.msk $0xff, v2  }
0x6c: {  	s24 =	smov.u32 s26;
	[tilespmem:s22+$0xFFFFFFF9 ss:$0x81] =	vst.msk $0xff, v5;
	v1 =	vld.msk [tilespmem:s16+$0x10], $0xff  }
0x6d: {  	v4 =	vld.msk [tilespmem:s26+$0xFFFFFFE8], $0xff;
	[tilespmem:s15+$0xFFFFFFFD ss:$0x81] =	vst.msk $0xff, v6  }
0x6e: {  	s26 =	sadd.s32 $0x40, s26;
	[tilespmem:s18+$0xFFFFFFFC ss:$0x81] =	vst.msk $0xff, v7;
	v2 =	vld.msk [tilespmem:s17+$0x8], $0xff  }
0x6f: {  	_ =	sdelay $0x2  }
0x70: {  	[tilespmem:s22+$0xFFFFFFFA ss:$0x81] =	vst.msk $0xff, v4  }
0x71: {  	v4 =	vld.msk [tilespmem:s24+$0xFFFFFFF0], $0xff;
	_ =	sdelay $0x3  }
0x72: {  	[tilespmem:s19+$0xFFFFFFFB ss:$0x81] =	vst.msk $0xff, v3  }
0x73: {  	v3 =	vld.msk [tilespmem:s21+$0xFFFFFFF8], $0xff;
	[tilespmem:s22+$0xFFFFFFFB ss:$0x81] =	vst.msk $0xff, v4  }
0x74: {  	v4 =	vld.msk [tilespmem:s24+$0xFFFFFFF8], $0xff;
	_ =	sdelay $0x3  }
0x75: {  	v5 =	vld.msk [tilespmem:s20+$0x0], $0xff;
	[tilespmem:s19+$0xFFFFFFFC ss:$0x81] =	vst.msk $0xff, v3  }
0x76: {  	v3 =	vld.msk [tilespmem:s21+$0x0], $0xff;
	[tilespmem:s22+$0xFFFFFFFC ss:$0x81] =	vst.msk $0xff, v4  }
0x77: {  	v4 =	vld.msk [tilespmem:s24+$0x0], $0xff;
	_ =	sdelay $0x2  }
0x78: {  	[tilespmem:s18+$0xFFFFFFFD ss:$0x81] =	vst.msk $0xff, v5  }
0x79: {  	v5 =	vld.msk [tilespmem:s20+$0x8], $0xff;
	[tilespmem:s19+$0xFFFFFFFD ss:$0x81] =	vst.msk $0xff, v3  }
0x7a: {  	s25 =	sshrl.u32 s12, $0x3;
	v3 =	vld.msk [tilespmem:s21+$0x8], $0xff;
	[tilespmem:s22+$0xFFFFFFFD ss:$0x81] =	vst.msk $0xff, v4  }
0x7b: {  	s26 =	sshll.u32 s11, $0x3;
	s25 =	smul.u32 $0x1869000, s25;
	v4 =	vld.msk [tilespmem:s24+$0x8], $0xff  }
0x7c: {  	s27 =	sshll.u32 s12, $0x7;
	s26 =	sand.u32 $0xFFFFFC00, s26  }
0x7d: {  	s12 =	sand.u32 $0x380, s27;
	s25 =	sadd.s32 s26, s25;
	[tilespmem:s15+$0xFFFFFFFE ss:$0x81] =	vst.msk $0xff, v2  }
0x7e: {  	s12 =	sor.u32 s12, s25;
	v2 =	vld.msk [tilespmem:s17+$0x10], $0xff;
	[tilespmem:s18+$0xFFFFFFFE ss:$0x81] =	vst.msk $0xff, v5  }
0x7f: {  	s25 =	sshrl.u32 s12, $0x9;
	v5 =	vld.msk [tilespmem:s20+$0x10], $0xff;
	[tilespmem:s19+$0xFFFFFFFE ss:$0x81] =	vst.msk $0xff, v3  }
0x80: {  	s25 =	smulhi.u32 $0x29F323, s25;
	v3 =	vld.msk [tilespmem:s21+$0x10], $0xff;
	[tilespmem:s22+$0xFFFFFFFE ss:$0x81] =	vst.msk $0xff, v4  }
0x81: {  	v4 =	vld.msk [tilespmem:s24+$0x10], $0xff  }
0x82: {  	[tilespmem:s14+$0xFFFFFFFF ss:$0x81] =	vst.msk $0xff, v1;
	s25 =	sshrl.u32 s25, $0x2  }
0x83: {  	v1 =	vld.msk [tilespmem:s16+$0x18], $0xff;
	s28 =	smul.u32 $0xAAB, s25;
	[tilespmem:s15+$0xFFFFFFFF ss:$0x81] =	vst.msk $0xff, v2  }
0x84: {  	v2 =	vld.msk [tilespmem:s17+$0x18], $0xff;
	[tilespmem:s18+$0xFFFFFFFF ss:$0x81] =	vst.msk $0xff, v5  }
0x85: {  	s16 =	sshrl.u32 s28, $0x10;
	v61 =	vld.msk [tilespmem:s20+$0x18], $0xff;
	[tilespmem:s19+$0xFFFFFFFF ss:$0x81] =	vst.msk $0xff, v3  }
0x86: {  	s16 =	smul.u32 $0x18, s16;
	v62 =	vld.msk [tilespmem:s21+$0x18], $0xff;
	[tilespmem:s22+$0xFFFFFFFF ss:$0x81] =	vst.msk $0xff, v4  }
0x87: {  	[tilespmem:s13+$0x0 ss:$0x81] =	vst.msk $0xff, v0;
	s29 =	sand.u32 $0x7F, s11;
	s30 =	smul.u32 $0x30D200, s25;
	v63 =	vld.msk [tilespmem:s24+$0x18], $0xff  }
0x88: {  	s11 =	sor.u32 s29, s12;
	[tilespmem:s14+$0x0 ss:$0x81] =	vst.msk $0xff, v1;
	s31 =	ssub.s32 s25, s16  }
.Ltmp4:
0x89: {  	s11 =	ssub.s32 s11, s30;
	s12 =	sand.u32 $0xFFFF, s31;
	[tilespmem:s15+$0x0 ss:$0x81] =	vst.msk $0xff, v2;
	(pc) =	sbr.rel .LBB1_5-.Ltmp4, $4  }
0x8a: {  	s13 =	sshrl.u32 s11, $0x3;
	s12 =	smul.u32 $0x61A40, s12;
	[tilespmem:s18+$0x0 ss:$0x81] =	vst.msk $0xff, v61  }
0x8b: {  	s13 =	sadd.s32 s5, s13;
	[tilespmem:s19+$0x0 ss:$0x81] =	vst.msk $0xff, v62  }
0x8c: {  	s11 =	sand.u32 $0x7, s11;
	s12 =	sadd.s32 s12, s13;
	[tilespmem:s22+$0x0 ss:$0x81] =	vst.msk $0xff, v63  }
0x8d: {  	[hbm4b:s12+s11] =	stream.linear.scatter [tilespmem:s23], [sflag:$0x2], $0x400, $0x20;
	[tilespmem:$0x1010] =	vst v63  }
.LBB1_6:
0x8e: {  	_ =	sfence.sel $0x180000  }
0x8f: {  	s2 =	simm.s32 $0x1;
	[bflag:$0x0] =	sbarrier.arrive $0xFFFF  }
0x90: {  	s31 =	simm.s32 $0x2;
	[sflag:s2] =	ssyncpa.u1 $0x1  }
0x91: {  	[sflag:s31] =	ssyncpa.u1 $0x1  }
0x92: {  	p0 =	sne.s32 s0, $0x0;
	_ =	strace $0x90000053  }
0x93: {  	s0 =	sadd.s32 @!p0 $0x100000, s1;
	[bflag:$0x2] =	sbarrier.arrive $0xFFFF  }
0x94: {  	[sflag:s0] =	ssyncadd.tile.s32 @!p0 $0x1;
	_ =	shalt  }
.Lfunc_end1:
_tile_overlayer_lowered:
.L_overlay_start_2:
0x95: {  	(tag) =	ssettag $0x2  }
0x96: {  	s0 =	rddreg [dreg:$0x0];
	s2 =	stileid.u32  }
0x97: {  	s1 =	rddreg [dreg:$0x1];
	p0 =	sne.s32 s2, $0x0  }
0x98: {  	s3 =	rddreg [dreg:$0x2];
	[bflag:$0x3] =	sbarrier.arrive $0xFFFF;
	s2 =	simm.s32 @!p0 $0x1C01  }
0x99: {  	[timem:s3], [sflag:s2] =	dma.local @!p0 [hbm:s0], s1  }
0x9a: {  	s0 =	simm.s32 @!p0 $0x1  }
0x9b: {  	_ =	swait.ge @!p0 [sflag:s0], s1  }
0x9c: {  	s1 =	ssub.s32 @!p0 $0x0, s1;
	[sflag:s0] =	ssyncset.done @!p0 $0x0  }
0x9d: {  	[sflag:s0] =	ssyncadd.s32 @!p0 s1  }
0x9e: {  	[bflag:$0x3] =	sbarrier.arrive $0xFFFF  }
0x9f: {  	_ =	shalt  }

// kernel: sparse-core-data-format-call.2.cloned.1.call-start
scs
called_computation.4_lowered:
.L_overlay_start_0:
0x0: {  	s2 =	sld [smem:$0x3FD9]  }
0x1: {  	s3 =	sld [smem:$0x3FFE];
	_ =	sdelay $0x1  }
0x2: {  	s1 =	srdreg.scid  }
0x3: {  	s0 =	sand.u32 $0x1, s1  }
0x4: {  	s18 =	sshll.u32 s0, $0xA;
	s2 =	sadd.s32 s3, s2  }
0x5: {  	s2 =	sadd.s32 s2, s18  }
0x6: {  	[smem:$0x3FBD] =	sst s2  }
0x7: {  	_ = 	snop  }
0x8: {  	(tm) =	ssettm $0x1  }
0x9: {  	s19 =	sld [smem:$0x3FFB];
	_ =	sdelay $0x3  }
0xa: {  	_ =	strace s19  }
0xb: {  	s2 =	sld [smem:$0x3FFC];
	_ =	sdelay $0x3  }
0xc: {  	_ =	strace s2  }
0xd: {  	s2 =	sld [smem:$0x3FFD];
	_ =	sdelay $0x3  }
0xe: {  	_ =	strace s2  }
0xf: {  	_ =	strace $0x8FFFFFFF  }
0x10: {  	s20 =	sld [smem:$0x3FDB];
	_ =	sdelay $0x1  }
0x11: {  	s21 =	simm.s32 $_scs_section_size  }
0x12: {  	s4 =	simm.s32 $_size__tile_overlayer_lowered;
	s5 =	simm.s32 $_tile_overlayer_lowered  }
0x13: {  	s6 =	simm.s32 $0x1BFF;
	s22 =	sshll.u32 s5, $0x1;
	s3 =	sadd.s32 s21, s20  }
0x14: {  	s23 =	simm.s32 $0x0;
	s4 =	sshll.u32 s4, $0x1;
	s5 =	sadd.s32 s22, s3  }
0x15: {  	[timem:s23], [sflag:s6] =	dma.local [hbm:s5], s4  }
0x16: {  	_ =	swait.ge [sflag:s6], s4  }
0x17: {  	s4 =	ssub.s32 $0x0, s4;
	[sflag:s6] =	ssyncset.done $0x0  }
0x18: {  	[sflag:s6] =	ssyncadd.s32 s4;
	_ =	sdelay $0x1  }
0x19: {  	s24 =	simm.s32 $0x1B8B  }
0x1a: {  	_ =	swait.ge [sflag:s24], $0x1  }
0x1b: {  	[sflag:s24] =	ssyncset.done $0x0  }
0x1c: {  	[sflag:s24] =	ssyncadd.s32 $0xFFFFFFFF  }
0x1d: {  	s4 =	sld [smem:$0x0]  }
0x1e: {  	s5 =	sand.u32 $0xFFFFFFFE, s1  }
0x1f: {  	p0 =	sne.s32 s1, s5  }
0x20: {  	s5 =	sshll.u32 @p0 s5, $0xE  }
0x21: {  	s5 =	sadd.s32 @p0 $0x11B8D, s5;
	s6 =	sshll.u32 @p0 s4, $0x11  }
0x22: {  	s5 =	sor.u32 @p0 s6, s5  }
0x23: {  	[sflag:s5] =	ssyncadd.remote.s32 @p0 $0x1;
	_ =	sdelay $0x1  }
0x24: {  	s5 =	simm.s32 @p0 $0x1B8D  }
0x25: {  	_ =	swait.eq @p0 [sflag:s5], $0x1  }
0x26: {  	[sflag:s5] =	ssyncadd.s32 @p0 $0xFFFFFFFF  }
0x27: {  	s6 =	sshll.u32 @!p0 s1, $0xE  }
0x28: {  	s6 =	sor.u32 @!p0 $0x4000, s6;
	s5 =	simm.s32 @!p0 $0x1B8D  }
0x29: {  	s4 =	sshll.u32 @!p0 s4, $0x11;
	s6 =	sadd.s32 @!p0 $0x11B8D, s6;
	_ =	swait.eq @!p0 [sflag:s5], $0x1  }
0x2a: {  	s4 =	sor.u32 @!p0 s4, s6;
	[sflag:s5] =	ssyncadd.s32 @!p0 $0xFFFFFFFF  }
0x2b: {  	s26 =	simm.s32 $0x1B8E;
	s25 =	sld [smem:$0x3FFE];
	[sflag:s4] =	ssyncadd.remote.s32 @!p0 $0x1  }
0x2c: {  	s27 =	simm.s32 $execute0_lowered;
	[smem:$0x3FD2] =	sst s26  }
0x2d: {  	s5 =	sshll.u32 s27, $0x1;
	_ =	strace $0x80000055;
	[dreg:$0x1] =	wrdreg $0xFFFFFFFF  }
0x2e: {  	s28 =	simm.s32 $_size_execute0_lowered;
	s3 =	sadd.s32 s3, s5;
	[dreg:$0x0] =	wrdreg $0x0  }
0x2f: {  	s5 =	sshll.u32 s28, $0x1;
	[dreg:$0x2] =	wrdreg s3  }
0x30: {  	[dreg:$0x3] =	wrdreg s5  }
0x31: {  	[dreg:$0x4] =	wrdreg $0xC0  }
0x32: {  	_ =	task [dreg:s23], $0x5FFFF  }
0x33: {  	[dreg:$0x1] =	wrdreg $0xFFFFFFFF  }
0x34: {  	[dreg:$0x0] =	wrdreg $0x60  }
0x35: {  	[dreg:$0x2] =	wrdreg s25  }
0x36: {  	[dreg:$0x3] =	wrdreg $0xA  }
0x37: {  	_ =	task.clear_ibuf [dreg:s23], $0x4FFFF;
	_ =	strace $0x90000055  }
0x38: {  	s29 =	simm.s32 $0xA;
	_ =	strace $0x80000057  }
0x39: {  	_ =	swait.ge [sflag:s29], $0x1  }
0x3a: {  	[sflag:s29] =	ssyncadd.s32 $0xFFFFFFFF  }
0x3b: {  	_ =	strace $0x90000057  }
0x3c: {  	_ =	sfence  }
0x3d: {  	s30 =	sld [smem:$0x0];
	_ =	sdelay $0x2  }
0x3e: {  	s31 =	sshll.u32 s1, $0xD;
	s1 =	sshrl.u32 s1, $0x2  }
0x3f: {  	s4 =	sand.u32 $0x4000, s31;
	s1 =	sadd.s32 s1, s30  }
0x40: {  	s0 =	sor.u32 s4, s0;
	s1 =	sshll.u32 s1, $0x11  }
0x41: {  	s0 =	sor.u32 s1, s0  }
0x42: {  	s0 =	sadd.s32 $0x8F2B, s0  }
0x43: {  	[sflag:s0] =	ssyncadd.remote.s32 $0x1  }
0x44: {  	_ =	sfence.sel $0xFFFF  }
0x45: {  	[dreg:$0x0] =	wrdreg $0xFFFFFFFF;
	(pc) =	sbr.abs _section_cstart, $3  }
0x46: {  	[dreg:$0x1] =	wrdreg $0xFFFFFFFF  }
0x47: {  	_ =	task.clear_ibuf [dreg:s23], $0x2FFFF;
	_ =	strace $0x9FFFFFFF  }
0x48: {  	(tm) =	ssettm $0x7FFFFFFF  }
0x49: {  	_ =	shalt  }
tec
execute0_lowered:
.L_overlay_start_1:
0x0: {  	(tag) =	ssettag $0x1  }
0x1: {  	s0 =	srdreg.scid  }
0x2: {  	s5 =	rddreg [dreg:$0x0];
	s1 =	sshll.u32 s0, $0x4  }
0x3: {  	s6 =	simm.s32 $0x2;
	s0 =	stileid.u32;
	s1 =	sand.u32 $0x10, s1  }
0x4: {  	s12 =	simm.s32 $0x0;
	p0 =	por $0x0, $0x0;
	s1 =	sor.u32 s0, s1  }
0x5: {  	s11 =	simm.s32 $0x0;
	s8 =	simm.s32 $0x0;
	s2 =	sshll.u32 s1, $0x7  }
.Ltmp0:
0x6: {  	s10 =	simm.s32 $0x0;
	s3 =	ssub.s32 $0x30D180, s2;
	(pc) =	sbr.rel .LBB1_1-.Ltmp0, $4  }
0x7: {  	s1 =	rddreg [dreg:$0x1];
	_ =	strace $0x80000056;
	s4 =	sshrl.u32 s3, $0xC  }
0x8: {  	s9 =	smov.u32 s2;
	s3 =	simm.s32 $0x1;
	s7 =	smul.u32 $0x3, s4  }
0x9: {  	s4 =	sadd.s32 $0x802A000, s5;
	[sflag:s3] =	ssyncpa.u1 $0x0;
	s5 =	sadd.s32 $0xB0FC000, s5  }
0xa: {  	[sflag:s6] =	ssyncpa.u1 $0x0;
	s6 =	sadd.s32 $0x3, s7;
	s7 =	sadd.s32 $0x4, s7  }
.LBB1_5:
0xb: {  	s13 =	sadd.s32 $0x8, s8  }
0xc: {  	s11 =	sadd.s32 $0x1000, s9;
	s15 =	smov.u32 s9;
	p2 =	sgt.s32 s13, $0x13  }
0xd: {  	s15 =	smov.u32 @p2 s11  }
0xe: {  	s13 =	simm.s32 @p2 $0x0;
	p2 =	sgt.s32 s15, $0x30D1F6  }
0xf: {  	s15 =	smov.u32 @p2 s2;
	p2 =	sne.s32 s10, s7  }
.Ltmp1:
0x10: {  	p1 =	slt.u32 s10, $0x2;
	(pc) =	sbr.rel @!p2 .LBB1_6-.Ltmp1, $4  }
0x11: {  	s14 =	simm.s32 @!p1 $0x2  }
0x12: {  	s12 =	smov.u32 s8;
	p0 =	por !p0, !p0;
	_ =	swait.ge @!p1 [sflag:s14], $0x400  }
0x13: {  	s11 =	smov.u32 s9;
	[sflag:s14] =	ssyncset.done @!p1 $0x0;
	s8 =	smov.u32 s13  }
0x14: {  	s10 =	sadd.s32 $0x1, s10;
	[sflag:s14] =	ssyncadd.s32 @!p1 $0xFFFFFC00;
	s9 =	smov.u32 s15  }
.LBB1_1:
0x15: {  	p1 =	sge.u32 s10, s6  }
0x16: {  	s13 =	sshll.u32 @!p1 s9, $0x7  }
0x17: {  	s14 =	sshll.u32 @!p1 s8, $0x3;
	p2 =	sgt.s32 @!p1 s9, $0x30D178;
	s16 =	sshra.s32 @!p1 s8, $0x1F  }
0x18: {  	s15 =	sand.u32 @!p1 $0xFFFFFC00, s13;
	s14 =	sand.u32 @!p1 $0xFFFFFC00, s14;
	s13 =	sand.u32 @!p1 $0x380, s13  }
0x19: {  	p2 =	por !p2, p1;
	s16 =	sand.u32 @!p1 s16, s8;
	s14 =	sadd.s32 @!p1 s15, s14  }
0x1a: {  	s15 =	sshra.s32 @!p1 s9, $0x1F;
	s13 =	sor.u32 @!p1 s13, s14;
	s14 =	smov.u32 s9  }
0x1b: {  	s15 =	sand.u32 @!p1 s15, s9;
	s14 =	simm.s32 @p2 $0x30D178;
	p2 =	sgt.s32 @!p1 s8, $0x78  }
0x1c: {  	s14 =	ssub.s32 @!p1 s14, s15;
	p2 =	por !p2, p1;
	s15 =	smov.u32 s8  }
0x1d: {  	s13 =	sshrl.u32 @!p1 s13, $0x7;
	s17 =	sadd.s32 @!p1 $0xFFCF2E88, s14;
	s15 =	simm.s32 @p2 $0x78  }
0x1e: {  	s14 =	ssub.s32 @!p1 $0x30D1F8, s14;
	p2 =	sgt.s32 @!p1 s17, $0x7F;
	s15 =	ssub.s32 @!p1 s15, s16  }
0x1f: {  	s17 =	smulhi.u32 @!p1 $0x14F994F, s13;
	p2 =	por !p2, p1;
	s16 =	sadd.s32 @!p1 $0xFFFFFF88, s15  }
0x20: {  	s14 =	simm.s32 @!p2 $0x0;
	p2 =	sgt.s32 @!p1 s16, $0x7  }
0x21: {  	s15 =	ssub.s32 @!p1 $0x80, s15;
	s16 =	sshrl.u32 @!p1 s17, $0xE;
	p2 =	por !p2, p1  }
0x22: {  	s17 =	sxor.u32 @!p1 $0xFFFFFFFF, s10;
	s16 =	smul.u32 @!p1 $0x30D1F8, s16;
	s15 =	simm.s32 @!p2 $0x0  }
0x23: {  	s17 =	sshll.u32 @!p1 s17, $0xA;
	s14 =	smul.u32 @!p1 s14, s15  }
0x24: {  	s15 =	sand.u32 @!p1 $0x400, s17;
	s13 =	ssub.s32 @!p1 s13, s16;
	s16 =	sshrl.u32 @!p1 s8, $0x3  }
0x25: {  	s17 =	sand.u32 @!p1 $0x7, s8;
	s16 =	sand.u32 @!p1 $0xF, s16;
	s13 =	sshll.u32 @!p1 s13, $0x4  }
0x26: {  	s17 =	sshll.u32 @!p1 s17, $0x12;
	s14 =	sand.u32 @!p1 $0x3FFFFFFF, s14;
	s16 =	sadd.s32 @!p1 s4, s16  }
0x27: {  	s13 =	sadd.s32 @!p1 s13, s16;
	s16 =	sor.u32 @!p1 $0x8, s17;
	s17 =	simm.s32 @!p1 $0x80  }
0x28: {  	[tilespmem:s15], [sflag:$0x1] =	stream.strided.gather @!p1 [hbm4b:s13+s16], s14, s17, s16, $0x38;
	[tilespmem:$0x1010] =	vst v63  }
0x29: {  	p1 =	seq.s32 s10, $0x0  }
0x2a: {  	p2 =	sge.u32 @!p1 s10, s7  }
0x2b: {  	p1 =	por p1, p2  }
.Ltmp2:
0x2c: {  	_ = 	snop;
	(pc) =	sbr.rel @p1 .LBB1_5-.Ltmp2, $1  }
0x2d: {  	_ =	sdelay $0x3  }
0x2e: {  	p1 =	sgt.s32 s11, $0x30D178;
	s13 =	smov.u32 s11  }
0x2f: {  	s14 =	sshra.s32 s11, $0x1F;
	s15 =	smov.u32 s12;
	s16 =	sshra.s32 s12, $0x1F  }
0x30: {  	s13 =	simm.s32 @!p1 $0x30D178;
	s14 =	sand.u32 s14, s11;
	p1 =	sgt.s32 s12, $0x78  }
0x31: {  	s28 =	sand.u32 s16, s12;
	s13 =	ssub.s32 s13, s14;
	s15 =	simm.s32 @!p1 $0x78  }
0x32: {  	s29 =	sadd.s32 $0xFFCF2E88, s13;
	s14 =	ssub.s32 s15, s28  }
0x33: {  	s13 =	ssub.s32 $0x30D1F8, s13;
	s15 =	sadd.s32 $0xFFFFFF88, s14  }
0x34: {  	p1 =	sgt.s32 s29, $0x7F;
	s14 =	ssub.s32 $0x80, s14;
	p2 =	sgt.s32 s15, $0x7  }
0x35: {  	s13 =	simm.s32 @p1 $0x0;
	s14 =	simm.s32 @p2 $0x0  }
0x36: {  	s13 =	smul.u32 s13, s14;
	_ =	sdelay $0x1  }
0x37: {  	s14 =	simm.s32 $0x1;
	s13 =	sand.u32 $0x3FFFFFFF, s13  }
0x38: {  	s14 =	simm.s32 @!p0 $0x0;
	_ =	swait.ge [sflag:s3], s13  }
0x39: {  	s30 =	sshll.u32 s14, $0xA;
	s13 =	ssub.s32 $0x0, s13;
	[sflag:s3] =	ssyncset.done $0x0  }
0x3a: {  	s22 =	sor.u32 $0x20, s30;
	[sflag:s3] =	ssyncadd.s32 s13  }
0x3b: {  	v0 =	vld.msk [tilespmem:s22+$0xFFFFFFE0], $0xff  }
0x3c: {  	s31 =	smul.u32 $0x1020, s14;
	_ =	sdelay $0x1  }
0x3d: {  	s13 =	sshrl.u32 s31, $0x2  }
0x3e: {  	s13 =	sor.u32 $0x807, s13  }
0x3f: {  	[tilespmem:s13+$0xFFFFFFF9 ss:$0x81] =	vst.msk $0xff, v0  }
0x40: {  	v0 =	vld.msk [tilespmem:s22+$0xFFFFFFE8], $0xff  }
0x41: {  	s16 =	sadd.s32 $0x40, s22  }
0x42: {  	v1 =	vld.msk [tilespmem:s16+$0xFFFFFFE0], $0xff;
	_ =	sdelay $0x2  }
0x43: {  	[tilespmem:s13+$0xFFFFFFFA ss:$0x81] =	vst.msk $0xff, v0  }
0x44: {  	s14 =	sadd.s32 $0x8, s13;
	v0 =	vld.msk [tilespmem:s22+$0xFFFFFFF0], $0xff  }
0x45: {  	[tilespmem:s14+$0xFFFFFFF9 ss:$0x81] =	vst.msk $0xff, v1  }
0x46: {  	v1 =	vld.msk [tilespmem:s16+$0xFFFFFFE8], $0xff  }
0x47: {  	s17 =	sadd.s32 $0x40, s16  }
0x48: {  	v2 =	vld.msk [tilespmem:s17+$0xFFFFFFE0], $0xff  }
0x49: {  	[tilespmem:s13+$0xFFFFFFFB ss:$0x81] =	vst.msk $0xff, v0  }
0x4a: {  	v0 =	vld.msk [tilespmem:s22+$0xFFFFFFF8], $0xff  }
0x4b: {  	[tilespmem:s14+$0xFFFFFFFA ss:$0x81] =	vst.msk $0xff, v1  }
0x4c: {  	s15 =	sadd.s32 $0x8, s14;
	v1 =	vld.msk [tilespmem:s16+$0xFFFFFFF0], $0xff  }
0x4d: {  	[tilespmem:s15+$0xFFFFFFF9 ss:$0x81] =	vst.msk $0xff, v2  }
0x4e: {  	s20 =	sadd.s32 $0x40, s17;
	v2 =	vld.msk [tilespmem:s17+$0xFFFFFFE8], $0xff  }
0x4f: {  	[tilespmem:s13+$0xFFFFFFFC ss:$0x81] =	vst.msk $0xff, v0;
	v0 =	vld.msk [tilespmem:s20+$0xFFFFFFE0], $0xff  }
0x50: {  	v3 =	vld.msk [tilespmem:s22+$0x0], $0xff  }
0x51: {  	[tilespmem:s14+$0xFFFFFFFB ss:$0x81] =	vst.msk $0xff, v1  }
0x52: {  	v1 =	vld.msk [tilespmem:s16+$0xFFFFFFF8], $0xff  }
0x53: {  	s18 =	sadd.s32 $0x8, s15;
	[tilespmem:s15+$0xFFFFFFFA ss:$0x81] =	vst.msk $0xff, v2  }
0x54: {  	v2 =	vld.msk [tilespmem:s17+$0xFFFFFFF0], $0xff;
	[tilespmem:s18+$0xFFFFFFF9 ss:$0x81] =	vst.msk $0xff, v0  }
0x55: {  	v0 =	vld.msk [tilespmem:s20+$0xFFFFFFE8], $0xff;
	[tilespmem:s13+$0xFFFFFFFD ss:$0x81] =	vst.msk $0xff, v3  }
0x56: {  	s21 =	sadd.s32 $0x40, s20;
	v3 =	vld.msk [tilespmem:s22+$0x8], $0xff  }
0x57: {  	[tilespmem:s14+$0xFFFFFFFC ss:$0x81] =	vst.msk $0xff, v1;
	v1 =	vld.msk [tilespmem:s21+$0xFFFFFFE0], $0xff  }
0x58: {  	v4 =	vld.msk [tilespmem:s16+$0x0], $0xff  }
0x59: {  	[tilespmem:s15+$0xFFFFFFFB ss:$0x81] =	vst.msk $0xff, v2  }
0x5a: {  	v2 =	vld.msk [tilespmem:s17+$0xFFFFFFF8], $0xff;
	[tilespmem:s18+$0xFFFFFFFA ss:$0x81] =	vst.msk $0xff, v0  }
0x5b: {  	s19 =	sadd.s32 $0x8, s18;
	v0 =	vld.msk [tilespmem:s20+$0xFFFFFFF0], $0xff;
	[tilespmem:s13+$0xFFFFFFFE ss:$0x81] =	vst.msk $0xff, v3  }
0x5c: {  	[tilespmem:s19+$0xFFFFFFF9 ss:$0x81] =	vst.msk $0xff, v1;
	v1 =	vld.msk [tilespmem:s22+$0x10], $0xff  }
0x5d: {  	[tilespmem:s14+$0xFFFFFFFD ss:$0x81] =	vst.msk $0xff, v4;
	v3 =	vld.msk [tilespmem:s21+$0xFFFFFFE8], $0xff  }
0x5e: {  	s24 =	sadd.s32 $0x40, s21;
	v4 =	vld.msk [tilespmem:s16+$0x8], $0xff  }
0x5f: {  	[tilespmem:s15+$0xFFFFFFFC ss:$0x81] =	vst.msk $0xff, v2;
	v2 =	vld.msk [tilespmem:s24+$0xFFFFFFE0], $0xff  }
0x60: {  	v5 =	vld.msk [tilespmem:s17+$0x0], $0xff;
	[tilespmem:s18+$0xFFFFFFFB ss:$0x81] =	vst.msk $0xff, v0  }
0x61: {  	v6 =	vld.msk [tilespmem:s20+$0xFFFFFFF8], $0xff;
	[tilespmem:s13+$0xFFFFFFFF ss:$0x81] =	vst.msk $0xff, v1  }
0x62: {  	s23 =	sand.u32 $0x1, s10;
	[tilespmem:s19+$0xFFFFFFFA ss:$0x81] =	vst.msk $0xff, v3;
	v0 =	vld.msk [tilespmem:s22+$0x18], $0xff  }
0x63: {  	s23 =	smul.u32 $0x1020, s23;
	[tilespmem:s14+$0xFFFFFFFE ss:$0x81] =	vst.msk $0xff, v4;
	v3 =	vld.msk [tilespmem:s21+$0xFFFFFFF0], $0xff;
	s22 =	sadd.s32 $0x8, s19  }
0x64: {  	v1 =	vld.msk [tilespmem:s16+$0x10], $0xff;
	[tilespmem:s22+$0xFFFFFFF9 ss:$0x81] =	vst.msk $0xff, v2  }
0x65: {  	s23 =	sshrl.u32 s23, $0x2;
	[tilespmem:s15+$0xFFFFFFFD ss:$0x81] =	vst.msk $0xff, v5;
	v4 =	vld.msk [tilespmem:s24+$0xFFFFFFE8], $0xff  }
0x66: {  	s25 =	simm.s32 $0x28;
	s23 =	sor.u32 $0x800, s23;
	s26 =	sadd.s32 $0x40, s24;
	v2 =	vld.msk [tilespmem:s17+$0x8], $0xff;
	[tilespmem:s18+$0xFFFFFFFC ss:$0x81] =	vst.msk $0xff, v6  }
.LBB1_3:
0x67: {  	v5 =	vld.msk [tilespmem:s26+$0xFFFFFFE0], $0xff;
	[tilespmem:s13+$0x0 ss:$0x81] =	vst.msk $0xff, v0;
	s13 =	smov.u32 s14;
	s14 =	smov.u32 s15;
	s15 =	smov.u32 s18  }
0x68: {  	s25 =	sadd.s32 $0x8, s25;
	s18 =	smov.u32 s19;
	[tilespmem:s19+$0xFFFFFFFB ss:$0x81] =	vst.msk $0xff, v3;
	v6 =	vld.msk [tilespmem:s20+$0x0], $0xff;
	s19 =	smov.u32 s22  }
0x69: {  	p1 =	slt.u32 s25, $0x78;
	v7 =	vld.msk [tilespmem:s21+$0xFFFFFFF8], $0xff;
	[tilespmem:s13+$0xFFFFFFFF ss:$0x81] =	vst.msk $0xff, v1  }
.Ltmp3:
0x6a: {  	[tilespmem:s22+$0xFFFFFFFA ss:$0x81] =	vst.msk $0xff, v4;
	v0 =	vld.msk [tilespmem:s16+$0x18], $0xff;
	s16 =	smov.u32 s17;
	s17 =	smov.u32 s20;
	(pc) =	sbr.rel @p1 .LBB1_3-.Ltmp3, $4  }
0x6b: {  	s22 =	sadd.s32 $0x8, s22;
	s20 =	smov.u32 s21;
	s21 =	smov.u32 s24;
	v3 =	vld.msk [tilespmem:s24+$0xFFFFFFF0], $0xff;
	[tilespmem:s14+$0xFFFFFFFE ss:$0x81] =	vst.msk $0xff, v2  }
0x6c: {  	s24 =	smov.u32 s26;
	[tilespmem:s22+$0xFFFFFFF9 ss:$0x81] =	vst.msk $0xff, v5;
	v1 =	vld.msk [tilespmem:s16+$0x10], $0xff  }
0x6d: {  	v4 =	vld.msk [tilespmem:s26+$0xFFFFFFE8], $0xff;
	[tilespmem:s15+$0xFFFFFFFD ss:$0x81] =	vst.msk $0xff, v6  }
0x6e: {  	s26 =	sadd.s32 $0x40, s26;
	[tilespmem:s18+$0xFFFFFFFC ss:$0x81] =	vst.msk $0xff, v7;
	v2 =	vld.msk [tilespmem:s17+$0x8], $0xff  }
0x6f: {  	_ =	sdelay $0x2  }
0x70: {  	[tilespmem:s22+$0xFFFFFFFA ss:$0x81] =	vst.msk $0xff, v4  }
0x71: {  	v4 =	vld.msk [tilespmem:s24+$0xFFFFFFF0], $0xff;
	_ =	sdelay $0x3  }
0x72: {  	[tilespmem:s19+$0xFFFFFFFB ss:$0x81] =	vst.msk $0xff, v3  }
0x73: {  	v3 =	vld.msk [tilespmem:s21+$0xFFFFFFF8], $0xff;
	[tilespmem:s22+$0xFFFFFFFB ss:$0x81] =	vst.msk $0xff, v4  }
0x74: {  	v4 =	vld.msk [tilespmem:s24+$0xFFFFFFF8], $0xff;
	_ =	sdelay $0x3  }
0x75: {  	v5 =	vld.msk [tilespmem:s20+$0x0], $0xff;
	[tilespmem:s19+$0xFFFFFFFC ss:$0x81] =	vst.msk $0xff, v3  }
0x76: {  	v3 =	vld.msk [tilespmem:s21+$0x0], $0xff;
	[tilespmem:s22+$0xFFFFFFFC ss:$0x81] =	vst.msk $0xff, v4  }
0x77: {  	v4 =	vld.msk [tilespmem:s24+$0x0], $0xff;
	_ =	sdelay $0x2  }
0x78: {  	[tilespmem:s18+$0xFFFFFFFD ss:$0x81] =	vst.msk $0xff, v5  }
0x79: {  	v5 =	vld.msk [tilespmem:s20+$0x8], $0xff;
	[tilespmem:s19+$0xFFFFFFFD ss:$0x81] =	vst.msk $0xff, v3  }
0x7a: {  	s25 =	sshrl.u32 s12, $0x3;
	v3 =	vld.msk [tilespmem:s21+$0x8], $0xff;
	[tilespmem:s22+$0xFFFFFFFD ss:$0x81] =	vst.msk $0xff, v4  }
0x7b: {  	s26 =	sshll.u32 s11, $0x3;
	s25 =	smul.u32 $0x1869000, s25;
	v4 =	vld.msk [tilespmem:s24+$0x8], $0xff  }
0x7c: {  	s27 =	sshll.u32 s12, $0x7;
	s26 =	sand.u32 $0xFFFFFC00, s26  }
0x7d: {  	s12 =	sand.u32 $0x380, s27;
	s25 =	sadd.s32 s26, s25;
	[tilespmem:s15+$0xFFFFFFFE ss:$0x81] =	vst.msk $0xff, v2  }
0x7e: {  	s12 =	sor.u32 s12, s25;
	v2 =	vld.msk [tilespmem:s17+$0x10], $0xff;
	[tilespmem:s18+$0xFFFFFFFE ss:$0x81] =	vst.msk $0xff, v5  }
0x7f: {  	s25 =	sshrl.u32 s12, $0x9;
	v5 =	vld.msk [tilespmem:s20+$0x10], $0xff;
	[tilespmem:s19+$0xFFFFFFFE ss:$0x81] =	vst.msk $0xff, v3  }
0x80: {  	s25 =	smulhi.u32 $0x29F323, s25;
	v3 =	vld.msk [tilespmem:s21+$0x10], $0xff;
	[tilespmem:s22+$0xFFFFFFFE ss:$0x81] =	vst.msk $0xff, v4  }
0x81: {  	v4 =	vld.msk [tilespmem:s24+$0x10], $0xff  }
0x82: {  	[tilespmem:s14+$0xFFFFFFFF ss:$0x81] =	vst.msk $0xff, v1;
	s25 =	sshrl.u32 s25, $0x2  }
0x83: {  	v1 =	vld.msk [tilespmem:s16+$0x18], $0xff;
	s28 =	smul.u32 $0xAAB, s25;
	[tilespmem:s15+$0xFFFFFFFF ss:$0x81] =	vst.msk $0xff, v2  }
0x84: {  	v2 =	vld.msk [tilespmem:s17+$0x18], $0xff;
	[tilespmem:s18+$0xFFFFFFFF ss:$0x81] =	vst.msk $0xff, v5  }
0x85: {  	s16 =	sshrl.u32 s28, $0x10;
	v61 =	vld.msk [tilespmem:s20+$0x18], $0xff;
	[tilespmem:s19+$0xFFFFFFFF ss:$0x81] =	vst.msk $0xff, v3  }
0x86: {  	s16 =	smul.u32 $0x18, s16;
	v62 =	vld.msk [tilespmem:s21+$0x18], $0xff;
	[tilespmem:s22+$0xFFFFFFFF ss:$0x81] =	vst.msk $0xff, v4  }
0x87: {  	[tilespmem:s13+$0x0 ss:$0x81] =	vst.msk $0xff, v0;
	s29 =	sand.u32 $0x7F, s11;
	s30 =	smul.u32 $0x30D200, s25;
	v63 =	vld.msk [tilespmem:s24+$0x18], $0xff  }
0x88: {  	s11 =	sor.u32 s29, s12;
	[tilespmem:s14+$0x0 ss:$0x81] =	vst.msk $0xff, v1;
	s31 =	ssub.s32 s25, s16  }
.Ltmp4:
0x89: {  	s11 =	ssub.s32 s11, s30;
	s12 =	sand.u32 $0xFFFF, s31;
	[tilespmem:s15+$0x0 ss:$0x81] =	vst.msk $0xff, v2;
	(pc) =	sbr.rel .LBB1_5-.Ltmp4, $4  }
0x8a: {  	s13 =	sshrl.u32 s11, $0x3;
	s12 =	smul.u32 $0x61A40, s12;
	[tilespmem:s18+$0x0 ss:$0x81] =	vst.msk $0xff, v61  }
0x8b: {  	s13 =	sadd.s32 s5, s13;
	[tilespmem:s19+$0x0 ss:$0x81] =	vst.msk $0xff, v62  }
0x8c: {  	s11 =	sand.u32 $0x7, s11;
	s12 =	sadd.s32 s12, s13;
	[tilespmem:s22+$0x0 ss:$0x81] =	vst.msk $0xff, v63  }
0x8d: {  	[hbm4b:s12+s11] =	stream.linear.scatter [tilespmem:s23], [sflag:$0x2], $0x400, $0x20;
	[tilespmem:$0x1010] =	vst v63  }
.LBB1_6:
0x8e: {  	_ =	sfence.sel $0x180000  }
0x8f: {  	s2 =	simm.s32 $0x1;
	[bflag:$0x0] =	sbarrier.arrive $0xFFFF  }
0x90: {  	s31 =	simm.s32 $0x2;
	[sflag:s2] =	ssyncpa.u1 $0x1  }
0x91: {  	[sflag:s31] =	ssyncpa.u1 $0x1  }
0x92: {  	p0 =	sne.s32 s0, $0x0;
	_ =	strace $0x90000056  }
0x93: {  	s0 =	sadd.s32 @!p0 $0x100000, s1;
	[bflag:$0x2] =	sbarrier.arrive $0xFFFF  }
0x94: {  	[sflag:s0] =	ssyncadd.tile.s32 @!p0 $0x1;
	_ =	shalt  }
.Lfunc_end1:
_tile_overlayer_lowered:
.L_overlay_start_2:
0x95: {  	(tag) =	ssettag $0x2  }
0x96: {  	s0 =	rddreg [dreg:$0x0];
	s2 =	stileid.u32  }
0x97: {  	s1 =	rddreg [dreg:$0x1];
	p0 =	sne.s32 s2, $0x0  }
0x98: {  	s3 =	rddreg [dreg:$0x2];
	[bflag:$0x3] =	sbarrier.arrive $0xFFFF;
	s2 =	simm.s32 @!p0 $0x1C01  }
0x99: {  	[timem:s3], [sflag:s2] =	dma.local @!p0 [hbm:s0], s1  }
0x9a: {  	s0 =	simm.s32 @!p0 $0x1  }
0x9b: {  	_ =	swait.ge @!p0 [sflag:s0], s1  }
0x9c: {  	s1 =	ssub.s32 @!p0 $0x0, s1;
	[sflag:s0] =	ssyncset.done @!p0 $0x0  }
0x9d: {  	[sflag:s0] =	ssyncadd.s32 @!p0 s1  }
0x9e: {  	[bflag:$0x3] =	sbarrier.arrive $0xFFFF  }
0x9f: {  	_ =	shalt  }

// kernel: sparse-core-data-format-call.3.cloned.1.call-start
scs
called_computation.5_lowered:
.L_overlay_start_0:
0x0: {  	s1 =	sld [smem:$0x3FD9]  }
0x1: {  	s2 =	sld [smem:$0x3FFE];
	_ =	sdelay $0x1  }
0x2: {  	s3 =	srdreg.scid  }
0x3: {  	s0 =	sand.u32 $0x1, s3  }
0x4: {  	s17 =	sshll.u32 s0, $0xA;
	s1 =	sadd.s32 s2, s1  }
0x5: {  	s1 =	sadd.s32 s1, s17  }
0x6: {  	[smem:$0x3FBD] =	sst s1  }
0x7: {  	_ = 	snop  }
0x8: {  	(tm) =	ssettm $0x1  }
0x9: {  	s18 =	sld [smem:$0x3FFB];
	_ =	sdelay $0x3  }
0xa: {  	_ =	strace s18  }
0xb: {  	s1 =	sld [smem:$0x3FFC];
	_ =	sdelay $0x3  }
0xc: {  	_ =	strace s1  }
0xd: {  	s1 =	sld [smem:$0x3FFD];
	_ =	sdelay $0x3  }
0xe: {  	_ =	strace s1  }
0xf: {  	_ =	strace $0x8FFFFFFF  }
0x10: {  	s19 =	sld [smem:$0x3FDB];
	_ =	sdelay $0x1  }
0x11: {  	s20 =	simm.s32 $_scs_section_size  }
0x12: {  	s4 =	simm.s32 $_size__tile_overlayer_lowered;
	s5 =	simm.s32 $_tile_overlayer_lowered  }
0x13: {  	s23 =	simm.s32 $0x1BFF;
	s22 =	sshll.u32 s5, $0x1;
	s1 =	sadd.s32 s20, s19  }
0x14: {  	s6 =	simm.s32 $0x0;
	s21 =	sshll.u32 s4, $0x1;
	s4 =	sadd.s32 s22, s1  }
0x15: {  	[timem:s6], [sflag:s23] =	dma.local [hbm:s4], s21  }
0x16: {  	_ =	swait.ge [sflag:s23], s21  }
0x17: {  	s2 =	ssub.s32 $0x0, s21;
	[sflag:s23] =	ssyncset.done $0x0  }
0x18: {  	[sflag:s23] =	ssyncadd.s32 s2;
	_ =	sdelay $0x1  }
0x19: {  	s24 =	simm.s32 $0x1B8B  }
0x1a: {  	_ =	swait.ge [sflag:s24], $0x1  }
0x1b: {  	[sflag:s24] =	ssyncset.done $0x0  }
0x1c: {  	s26 =	simm.s32 $0x1B8E;
	s25 =	sld [smem:$0x3FFE];
	[sflag:s24] =	ssyncadd.s32 $0xFFFFFFFF  }
0x1d: {  	s27 =	simm.s32 $execute0_lowered;
	[smem:$0x3FD2] =	sst s26  }
0x1e: {  	s4 =	sshll.u32 s27, $0x1;
	_ =	strace $0x8000004F;
	[dreg:$0x1] =	wrdreg $0xFFFFFFFF  }
0x1f: {  	s28 =	simm.s32 $_size_execute0_lowered;
	s1 =	sadd.s32 s1, s4;
	[dreg:$0x0] =	wrdreg $0x0  }
0x20: {  	s4 =	sshll.u32 s28, $0x1;
	[dreg:$0x2] =	wrdreg s1  }
0x21: {  	[dreg:$0x3] =	wrdreg s4  }
0x22: {  	[dreg:$0x4] =	wrdreg $0xC0  }
0x23: {  	_ =	task [dreg:s6], $0x5FFFF  }
0x24: {  	[dreg:$0x1] =	wrdreg $0xFFFFFFFF  }
0x25: {  	[dreg:$0x0] =	wrdreg $0x60  }
0x26: {  	[dreg:$0x2] =	wrdreg s25  }
0x27: {  	[dreg:$0x3] =	wrdreg $0xB  }
0x28: {  	_ =	task.clear_ibuf [dreg:s6], $0x4FFFF;
	_ =	strace $0x9000004F  }
0x29: {  	s29 =	simm.s32 $0xB;
	_ =	strace $0x80000051  }
0x2a: {  	_ =	swait.ge [sflag:s29], $0x1  }
0x2b: {  	[sflag:s29] =	ssyncadd.s32 $0xFFFFFFFF  }
0x2c: {  	_ =	strace $0x90000051  }
0x2d: {  	_ =	sfence  }
0x2e: {  	s30 =	sld [smem:$0x0];
	_ =	sdelay $0x2  }
0x2f: {  	s31 =	sshll.u32 s3, $0xD;
	s3 =	sshrl.u32 s3, $0x2  }
0x30: {  	s2 =	sand.u32 $0x4000, s31;
	s1 =	sadd.s32 s3, s30  }
0x31: {  	s0 =	sor.u32 s2, s0;
	s1 =	sshll.u32 s1, $0x11  }
0x32: {  	s0 =	sor.u32 s1, s0  }
0x33: {  	s0 =	sadd.s32 $0x8F2B, s0  }
0x34: {  	[sflag:s0] =	ssyncadd.remote.s32 $0x1  }
0x35: {  	_ =	sfence.sel $0xFFFF  }
0x36: {  	[dreg:$0x0] =	wrdreg $0xFFFFFFFF;
	(pc) =	sbr.abs _section_cstart, $3  }
0x37: {  	[dreg:$0x1] =	wrdreg $0xFFFFFFFF  }
0x38: {  	_ =	task.clear_ibuf [dreg:s6], $0x2FFFF;
	_ =	strace $0x9FFFFFFF  }
0x39: {  	(tm) =	ssettm $0x7FFFFFFF  }
tec
execute0_lowered:
.L_overlay_start_1:
0x0: {  	(tag) =	ssettag $0x1  }
0x1: {  	s0 =	srdreg.scid  }
0x2: {  	s5 =	rddreg [dreg:$0x0];
	s1 =	sshll.u32 s0, $0x4  }
0x3: {  	s6 =	simm.s32 $0x2;
	s0 =	stileid.u32;
	s1 =	sand.u32 $0x10, s1  }
0x4: {  	s12 =	simm.s32 $0x0;
	p0 =	por $0x0, $0x0;
	s1 =	sor.u32 s0, s1  }
0x5: {  	s11 =	simm.s32 $0x0;
	s8 =	simm.s32 $0x0;
	s2 =	sshll.u32 s1, $0x7  }
.Ltmp0:
0x6: {  	s10 =	simm.s32 $0x0;
	s3 =	ssub.s32 $0x30D180, s2;
	(pc) =	sbr.rel .LBB1_1-.Ltmp0, $4  }
0x7: {  	s1 =	rddreg [dreg:$0x1];
	_ =	strace $0x80000050;
	s4 =	sshrl.u32 s3, $0xC  }
0x8: {  	s9 =	smov.u32 s2;
	s3 =	simm.s32 $0x1;
	s7 =	smul.u32 $0x3, s4  }
0x9: {  	s4 =	sadd.s32 $0x4630A00, s5;
	[sflag:s3] =	ssyncpa.u1 $0x0;
	s5 =	sadd.s32 $0x61DC00, s5  }
0xa: {  	[sflag:s6] =	ssyncpa.u1 $0x0;
	s6 =	sadd.s32 $0x3, s7;
	s7 =	sadd.s32 $0x4, s7  }
.LBB1_5:
0xb: {  	s13 =	sadd.s32 $0x8, s8  }
0xc: {  	s11 =	sadd.s32 $0x1000, s9;
	s15 =	smov.u32 s9;
	p2 =	sgt.s32 s13, $0x13  }
0xd: {  	s15 =	smov.u32 @p2 s11  }
0xe: {  	s13 =	simm.s32 @p2 $0x0;
	p2 =	sgt.s32 s15, $0x30D1F6  }
0xf: {  	s15 =	smov.u32 @p2 s2;
	p2 =	sne.s32 s10, s7  }
.Ltmp1:
0x10: {  	p1 =	slt.u32 s10, $0x2;
	(pc) =	sbr.rel @!p2 .LBB1_6-.Ltmp1, $4  }
0x11: {  	s14 =	simm.s32 @!p1 $0x2  }
0x12: {  	s12 =	smov.u32 s8;
	p0 =	por !p0, !p0;
	_ =	swait.ge @!p1 [sflag:s14], $0x400  }
0x13: {  	s11 =	smov.u32 s9;
	[sflag:s14] =	ssyncset.done @!p1 $0x0;
	s8 =	smov.u32 s13  }
0x14: {  	s10 =	sadd.s32 $0x1, s10;
	[sflag:s14] =	ssyncadd.s32 @!p1 $0xFFFFFC00;
	s9 =	smov.u32 s15  }
.LBB1_1:
0x15: {  	p1 =	sge.u32 s10, s6  }
0x16: {  	s13 =	sshll.u32 @!p1 s9, $0x7  }
0x17: {  	s14 =	sshll.u32 @!p1 s8, $0x3;
	p2 =	sgt.s32 @!p1 s9, $0x30D178;
	s16 =	sshra.s32 @!p1 s8, $0x1F  }
0x18: {  	s15 =	sand.u32 @!p1 $0xFFFFFC00, s13;
	s14 =	sand.u32 @!p1 $0xFFFFFC00, s14;
	s13 =	sand.u32 @!p1 $0x380, s13  }
0x19: {  	p2 =	por !p2, p1;
	s16 =	sand.u32 @!p1 s16, s8;
	s14 =	sadd.s32 @!p1 s15, s14  }
0x1a: {  	s15 =	sshra.s32 @!p1 s9, $0x1F;
	s13 =	sor.u32 @!p1 s13, s14;
	s14 =	smov.u32 s9  }
0x1b: {  	s15 =	sand.u32 @!p1 s15, s9;
	s14 =	simm.s32 @p2 $0x30D178;
	p2 =	sgt.s32 @!p1 s8, $0x78  }
0x1c: {  	s14 =	ssub.s32 @!p1 s14, s15;
	p2 =	por !p2, p1;
	s15 =	smov.u32 s8  }
0x1d: {  	s13 =	sshrl.u32 @!p1 s13, $0x7;
	s17 =	sadd.s32 @!p1 $0xFFCF2E88, s14;
	s15 =	simm.s32 @p2 $0x78  }
0x1e: {  	s14 =	ssub.s32 @!p1 $0x30D1F8, s14;
	p2 =	sgt.s32 @!p1 s17, $0x7F;
	s15 =	ssub.s32 @!p1 s15, s16  }
0x1f: {  	s17 =	smulhi.u32 @!p1 $0x14F994F, s13;
	p2 =	por !p2, p1;
	s16 =	sadd.s32 @!p1 $0xFFFFFF88, s15  }
0x20: {  	s14 =	simm.s32 @!p2 $0x0;
	p2 =	sgt.s32 @!p1 s16, $0x7  }
0x21: {  	s15 =	ssub.s32 @!p1 $0x80, s15;
	s16 =	sshrl.u32 @!p1 s17, $0xE;
	p2 =	por !p2, p1  }
0x22: {  	s17 =	sxor.u32 @!p1 $0xFFFFFFFF, s10;
	s16 =	smul.u32 @!p1 $0x30D1F8, s16;
	s15 =	simm.s32 @!p2 $0x0  }
0x23: {  	s17 =	sshll.u32 @!p1 s17, $0xA;
	s14 =	smul.u32 @!p1 s14, s15  }
0x24: {  	s15 =	sand.u32 @!p1 $0x400, s17;
	s13 =	ssub.s32 @!p1 s13, s16;
	s16 =	sshrl.u32 @!p1 s8, $0x3  }
0x25: {  	s17 =	sand.u32 @!p1 $0x7, s8;
	s16 =	sand.u32 @!p1 $0xF, s16;
	s13 =	sshll.u32 @!p1 s13, $0x4  }
0x26: {  	s17 =	sshll.u32 @!p1 s17, $0x12;
	s14 =	sand.u32 @!p1 $0x3FFFFFFF, s14;
	s16 =	sadd.s32 @!p1 s4, s16  }
0x27: {  	s13 =	sadd.s32 @!p1 s13, s16;
	s16 =	sor.u32 @!p1 $0x8, s17;
	s17 =	simm.s32 @!p1 $0x80  }
0x28: {  	[tilespmem:s15], [sflag:$0x1] =	stream.strided.gather @!p1 [hbm4b:s13+s16], s14, s17, s16, $0x38;
	[tilespmem:$0x1010] =	vst v63  }
0x29: {  	p1 =	seq.s32 s10, $0x0  }
0x2a: {  	p2 =	sge.u32 @!p1 s10, s7  }
0x2b: {  	p1 =	por p1, p2  }
.Ltmp2:
0x2c: {  	_ = 	snop;
	(pc) =	sbr.rel @p1 .LBB1_5-.Ltmp2, $1  }
0x2d: {  	_ =	sdelay $0x3  }
0x2e: {  	p1 =	sgt.s32 s11, $0x30D178;
	s13 =	smov.u32 s11  }
0x2f: {  	s14 =	sshra.s32 s11, $0x1F;
	s15 =	smov.u32 s12;
	s16 =	sshra.s32 s12, $0x1F  }
0x30: {  	s13 =	simm.s32 @!p1 $0x30D178;
	s14 =	sand.u32 s14, s11;
	p1 =	sgt.s32 s12, $0x78  }
0x31: {  	s28 =	sand.u32 s16, s12;
	s13 =	ssub.s32 s13, s14;
	s15 =	simm.s32 @!p1 $0x78  }
0x32: {  	s29 =	sadd.s32 $0xFFCF2E88, s13;
	s14 =	ssub.s32 s15, s28  }
0x33: {  	s13 =	ssub.s32 $0x30D1F8, s13;
	s15 =	sadd.s32 $0xFFFFFF88, s14  }
0x34: {  	p1 =	sgt.s32 s29, $0x7F;
	s14 =	ssub.s32 $0x80, s14;
	p2 =	sgt.s32 s15, $0x7  }
0x35: {  	s13 =	simm.s32 @p1 $0x0;
	s14 =	simm.s32 @p2 $0x0  }
0x36: {  	s13 =	smul.u32 s13, s14;
	_ =	sdelay $0x1  }
0x37: {  	s14 =	simm.s32 $0x1;
	s13 =	sand.u32 $0x3FFFFFFF, s13  }
0x38: {  	s14 =	simm.s32 @!p0 $0x0;
	_ =	swait.ge [sflag:s3], s13  }
0x39: {  	s30 =	sshll.u32 s14, $0xA;
	s13 =	ssub.s32 $0x0, s13;
	[sflag:s3] =	ssyncset.done $0x0  }
0x3a: {  	s22 =	sor.u32 $0x20, s30;
	[sflag:s3] =	ssyncadd.s32 s13  }
0x3b: {  	v0 =	vld.msk [tilespmem:s22+$0xFFFFFFE0], $0xff  }
0x3c: {  	s31 =	smul.u32 $0x1020, s14;
	_ =	sdelay $0x1  }
0x3d: {  	s13 =	sshrl.u32 s31, $0x2  }
0x3e: {  	s13 =	sor.u32 $0x807, s13  }
0x3f: {  	[tilespmem:s13+$0xFFFFFFF9 ss:$0x81] =	vst.msk $0xff, v0  }
0x40: {  	v0 =	vld.msk [tilespmem:s22+$0xFFFFFFE8], $0xff  }
0x41: {  	s16 =	sadd.s32 $0x40, s22  }
0x42: {  	v1 =	vld.msk [tilespmem:s16+$0xFFFFFFE0], $0xff;
	_ =	sdelay $0x2  }
0x43: {  	[tilespmem:s13+$0xFFFFFFFA ss:$0x81] =	vst.msk $0xff, v0  }
0x44: {  	s14 =	sadd.s32 $0x8, s13;
	v0 =	vld.msk [tilespmem:s22+$0xFFFFFFF0], $0xff  }
0x45: {  	[tilespmem:s14+$0xFFFFFFF9 ss:$0x81] =	vst.msk $0xff, v1  }
0x46: {  	v1 =	vld.msk [tilespmem:s16+$0xFFFFFFE8], $0xff  }
0x47: {  	s17 =	sadd.s32 $0x40, s16  }
0x48: {  	v2 =	vld.msk [tilespmem:s17+$0xFFFFFFE0], $0xff  }
0x49: {  	[tilespmem:s13+$0xFFFFFFFB ss:$0x81] =	vst.msk $0xff, v0  }
0x4a: {  	v0 =	vld.msk [tilespmem:s22+$0xFFFFFFF8], $0xff  }
0x4b: {  	[tilespmem:s14+$0xFFFFFFFA ss:$0x81] =	vst.msk $0xff, v1  }
0x4c: {  	s15 =	sadd.s32 $0x8, s14;
	v1 =	vld.msk [tilespmem:s16+$0xFFFFFFF0], $0xff  }
0x4d: {  	[tilespmem:s15+$0xFFFFFFF9 ss:$0x81] =	vst.msk $0xff, v2  }
0x4e: {  	s20 =	sadd.s32 $0x40, s17;
	v2 =	vld.msk [tilespmem:s17+$0xFFFFFFE8], $0xff  }
0x4f: {  	[tilespmem:s13+$0xFFFFFFFC ss:$0x81] =	vst.msk $0xff, v0;
	v0 =	vld.msk [tilespmem:s20+$0xFFFFFFE0], $0xff  }
0x50: {  	v3 =	vld.msk [tilespmem:s22+$0x0], $0xff  }
0x51: {  	[tilespmem:s14+$0xFFFFFFFB ss:$0x81] =	vst.msk $0xff, v1  }
0x52: {  	v1 =	vld.msk [tilespmem:s16+$0xFFFFFFF8], $0xff  }
0x53: {  	s18 =	sadd.s32 $0x8, s15;
	[tilespmem:s15+$0xFFFFFFFA ss:$0x81] =	vst.msk $0xff, v2  }
0x54: {  	v2 =	vld.msk [tilespmem:s17+$0xFFFFFFF0], $0xff;
	[tilespmem:s18+$0xFFFFFFF9 ss:$0x81] =	vst.msk $0xff, v0  }
0x55: {  	v0 =	vld.msk [tilespmem:s20+$0xFFFFFFE8], $0xff;
	[tilespmem:s13+$0xFFFFFFFD ss:$0x81] =	vst.msk $0xff, v3  }
0x56: {  	s21 =	sadd.s32 $0x40, s20;
	v3 =	vld.msk [tilespmem:s22+$0x8], $0xff  }
0x57: {  	[tilespmem:s14+$0xFFFFFFFC ss:$0x81] =	vst.msk $0xff, v1;
	v1 =	vld.msk [tilespmem:s21+$0xFFFFFFE0], $0xff  }
0x58: {  	v4 =	vld.msk [tilespmem:s16+$0x0], $0xff  }
0x59: {  	[tilespmem:s15+$0xFFFFFFFB ss:$0x81] =	vst.msk $0xff, v2  }
0x5a: {  	v2 =	vld.msk [tilespmem:s17+$0xFFFFFFF8], $0xff;
	[tilespmem:s18+$0xFFFFFFFA ss:$0x81] =	vst.msk $0xff, v0  }
0x5b: {  	s19 =	sadd.s32 $0x8, s18;
	v0 =	vld.msk [tilespmem:s20+$0xFFFFFFF0], $0xff;
	[tilespmem:s13+$0xFFFFFFFE ss:$0x81] =	vst.msk $0xff, v3  }
0x5c: {  	[tilespmem:s19+$0xFFFFFFF9 ss:$0x81] =	vst.msk $0xff, v1;
	v1 =	vld.msk [tilespmem:s22+$0x10], $0xff  }
0x5d: {  	[tilespmem:s14+$0xFFFFFFFD ss:$0x81] =	vst.msk $0xff, v4;
	v3 =	vld.msk [tilespmem:s21+$0xFFFFFFE8], $0xff  }
0x5e: {  	s24 =	sadd.s32 $0x40, s21;
	v4 =	vld.msk [tilespmem:s16+$0x8], $0xff  }
0x5f: {  	[tilespmem:s15+$0xFFFFFFFC ss:$0x81] =	vst.msk $0xff, v2;
	v2 =	vld.msk [tilespmem:s24+$0xFFFFFFE0], $0xff  }
0x60: {  	v5 =	vld.msk [tilespmem:s17+$0x0], $0xff;
	[tilespmem:s18+$0xFFFFFFFB ss:$0x81] =	vst.msk $0xff, v0  }
0x61: {  	v6 =	vld.msk [tilespmem:s20+$0xFFFFFFF8], $0xff;
	[tilespmem:s13+$0xFFFFFFFF ss:$0x81] =	vst.msk $0xff, v1  }
0x62: {  	s23 =	sand.u32 $0x1, s10;
	[tilespmem:s19+$0xFFFFFFFA ss:$0x81] =	vst.msk $0xff, v3;
	v0 =	vld.msk [tilespmem:s22+$0x18], $0xff  }
0x63: {  	s23 =	smul.u32 $0x1020, s23;
	[tilespmem:s14+$0xFFFFFFFE ss:$0x81] =	vst.msk $0xff, v4;
	v3 =	vld.msk [tilespmem:s21+$0xFFFFFFF0], $0xff;
	s22 =	sadd.s32 $0x8, s19  }
0x64: {  	v1 =	vld.msk [tilespmem:s16+$0x10], $0xff;
	[tilespmem:s22+$0xFFFFFFF9 ss:$0x81] =	vst.msk $0xff, v2  }
0x65: {  	s23 =	sshrl.u32 s23, $0x2;
	[tilespmem:s15+$0xFFFFFFFD ss:$0x81] =	vst.msk $0xff, v5;
	v4 =	vld.msk [tilespmem:s24+$0xFFFFFFE8], $0xff  }
0x66: {  	s25 =	simm.s32 $0x28;
	s23 =	sor.u32 $0x800, s23;
	s26 =	sadd.s32 $0x40, s24;
	v2 =	vld.msk [tilespmem:s17+$0x8], $0xff;
	[tilespmem:s18+$0xFFFFFFFC ss:$0x81] =	vst.msk $0xff, v6  }
.LBB1_3:
0x67: {  	v5 =	vld.msk [tilespmem:s26+$0xFFFFFFE0], $0xff;
	[tilespmem:s13+$0x0 ss:$0x81] =	vst.msk $0xff, v0;
	s13 =	smov.u32 s14;
	s14 =	smov.u32 s15;
	s15 =	smov.u32 s18  }
0x68: {  	s25 =	sadd.s32 $0x8, s25;
	s18 =	smov.u32 s19;
	[tilespmem:s19+$0xFFFFFFFB ss:$0x81] =	vst.msk $0xff, v3;
	v6 =	vld.msk [tilespmem:s20+$0x0], $0xff;
	s19 =	smov.u32 s22  }
0x69: {  	p1 =	slt.u32 s25, $0x78;
	v7 =	vld.msk [tilespmem:s21+$0xFFFFFFF8], $0xff;
	[tilespmem:s13+$0xFFFFFFFF ss:$0x81] =	vst.msk $0xff, v1  }
.Ltmp3:
0x6a: {  	[tilespmem:s22+$0xFFFFFFFA ss:$0x81] =	vst.msk $0xff, v4;
	v0 =	vld.msk [tilespmem:s16+$0x18], $0xff;
	s16 =	smov.u32 s17;
	s17 =	smov.u32 s20;
	(pc) =	sbr.rel @p1 .LBB1_3-.Ltmp3, $4  }
0x6b: {  	s22 =	sadd.s32 $0x8, s22;
	s20 =	smov.u32 s21;
	s21 =	smov.u32 s24;
	v3 =	vld.msk [tilespmem:s24+$0xFFFFFFF0], $0xff;
	[tilespmem:s14+$0xFFFFFFFE ss:$0x81] =	vst.msk $0xff, v2  }
0x6c: {  	s24 =	smov.u32 s26;
	[tilespmem:s22+$0xFFFFFFF9 ss:$0x81] =	vst.msk $0xff, v5;
	v1 =	vld.msk [tilespmem:s16+$0x10], $0xff  }
0x6d: {  	v4 =	vld.msk [tilespmem:s26+$0xFFFFFFE8], $0xff;
	[tilespmem:s15+$0xFFFFFFFD ss:$0x81] =	vst.msk $0xff, v6  }
0x6e: {  	s26 =	sadd.s32 $0x40, s26;
	[tilespmem:s18+$0xFFFFFFFC ss:$0x81] =	vst.msk $0xff, v7;
	v2 =	vld.msk [tilespmem:s17+$0x8], $0xff  }
0x6f: {  	_ =	sdelay $0x2  }
0x70: {  	[tilespmem:s22+$0xFFFFFFFA ss:$0x81] =	vst.msk $0xff, v4  }
0x71: {  	v4 =	vld.msk [tilespmem:s24+$0xFFFFFFF0], $0xff;
	_ =	sdelay $0x3  }
0x72: {  	[tilespmem:s19+$0xFFFFFFFB ss:$0x81] =	vst.msk $0xff, v3  }
0x73: {  	v3 =	vld.msk [tilespmem:s21+$0xFFFFFFF8], $0xff;
	[tilespmem:s22+$0xFFFFFFFB ss:$0x81] =	vst.msk $0xff, v4  }
0x74: {  	v4 =	vld.msk [tilespmem:s24+$0xFFFFFFF8], $0xff;
	_ =	sdelay $0x3  }
0x75: {  	v5 =	vld.msk [tilespmem:s20+$0x0], $0xff;
	[tilespmem:s19+$0xFFFFFFFC ss:$0x81] =	vst.msk $0xff, v3  }
0x76: {  	v3 =	vld.msk [tilespmem:s21+$0x0], $0xff;
	[tilespmem:s22+$0xFFFFFFFC ss:$0x81] =	vst.msk $0xff, v4  }
0x77: {  	v4 =	vld.msk [tilespmem:s24+$0x0], $0xff;
	_ =	sdelay $0x2  }
0x78: {  	[tilespmem:s18+$0xFFFFFFFD ss:$0x81] =	vst.msk $0xff, v5  }
0x79: {  	v5 =	vld.msk [tilespmem:s20+$0x8], $0xff;
	[tilespmem:s19+$0xFFFFFFFD ss:$0x81] =	vst.msk $0xff, v3  }
0x7a: {  	s25 =	sshrl.u32 s12, $0x3;
	v3 =	vld.msk [tilespmem:s21+$0x8], $0xff;
	[tilespmem:s22+$0xFFFFFFFD ss:$0x81] =	vst.msk $0xff, v4  }
0x7b: {  	s26 =	sshll.u32 s11, $0x3;
	s25 =	smul.u32 $0x1869000, s25;
	v4 =	vld.msk [tilespmem:s24+$0x8], $0xff  }
0x7c: {  	s27 =	sshll.u32 s12, $0x7;
	s26 =	sand.u32 $0xFFFFFC00, s26  }
0x7d: {  	s12 =	sand.u32 $0x380, s27;
	s25 =	sadd.s32 s26, s25;
	[tilespmem:s15+$0xFFFFFFFE ss:$0x81] =	vst.msk $0xff, v2  }
0x7e: {  	s12 =	sor.u32 s12, s25;
	v2 =	vld.msk [tilespmem:s17+$0x10], $0xff;
	[tilespmem:s18+$0xFFFFFFFE ss:$0x81] =	vst.msk $0xff, v5  }
0x7f: {  	s25 =	sshrl.u32 s12, $0x9;
	v5 =	vld.msk [tilespmem:s20+$0x10], $0xff;
	[tilespmem:s19+$0xFFFFFFFE ss:$0x81] =	vst.msk $0xff, v3  }
0x80: {  	s25 =	smulhi.u32 $0x29F323, s25;
	v3 =	vld.msk [tilespmem:s21+$0x10], $0xff;
	[tilespmem:s22+$0xFFFFFFFE ss:$0x81] =	vst.msk $0xff, v4  }
0x81: {  	v4 =	vld.msk [tilespmem:s24+$0x10], $0xff  }
0x82: {  	[tilespmem:s14+$0xFFFFFFFF ss:$0x81] =	vst.msk $0xff, v1;
	s25 =	sshrl.u32 s25, $0x2  }
0x83: {  	v1 =	vld.msk [tilespmem:s16+$0x18], $0xff;
	s28 =	smul.u32 $0xAAB, s25;
	[tilespmem:s15+$0xFFFFFFFF ss:$0x81] =	vst.msk $0xff, v2  }
0x84: {  	v2 =	vld.msk [tilespmem:s17+$0x18], $0xff;
	[tilespmem:s18+$0xFFFFFFFF ss:$0x81] =	vst.msk $0xff, v5  }
0x85: {  	s16 =	sshrl.u32 s28, $0x10;
	v61 =	vld.msk [tilespmem:s20+$0x18], $0xff;
	[tilespmem:s19+$0xFFFFFFFF ss:$0x81] =	vst.msk $0xff, v3  }
0x86: {  	s16 =	smul.u32 $0x18, s16;
	v62 =	vld.msk [tilespmem:s21+$0x18], $0xff;
	[tilespmem:s22+$0xFFFFFFFF ss:$0x81] =	vst.msk $0xff, v4  }
0x87: {  	[tilespmem:s13+$0x0 ss:$0x81] =	vst.msk $0xff, v0;
	s29 =	sand.u32 $0x7F, s11;
	s30 =	smul.u32 $0x30D200, s25;
	v63 =	vld.msk [tilespmem:s24+$0x18], $0xff  }
0x88: {  	s11 =	sor.u32 s29, s12;
	[tilespmem:s14+$0x0 ss:$0x81] =	vst.msk $0xff, v1;
	s31 =	ssub.s32 s25, s16  }
.Ltmp4:
0x89: {  	s11 =	ssub.s32 s11, s30;
	s12 =	sand.u32 $0xFFFF, s31;
	[tilespmem:s15+$0x0 ss:$0x81] =	vst.msk $0xff, v2;
	(pc) =	sbr.rel .LBB1_5-.Ltmp4, $4  }
0x8a: {  	s13 =	sshrl.u32 s11, $0x3;
	s12 =	smul.u32 $0x61A40, s12;
	[tilespmem:s18+$0x0 ss:$0x81] =	vst.msk $0xff, v61  }
0x8b: {  	s13 =	sadd.s32 s5, s13;
	[tilespmem:s19+$0x0 ss:$0x81] =	vst.msk $0xff, v62  }
0x8c: {  	s11 =	sand.u32 $0x7, s11;
	s12 =	sadd.s32 s12, s13;
	[tilespmem:s22+$0x0 ss:$0x81] =	vst.msk $0xff, v63  }
0x8d: {  	[hbm4b:s12+s11] =	stream.linear.scatter [tilespmem:s23], [sflag:$0x2], $0x400, $0x20;
	[tilespmem:$0x1010] =	vst v63  }
.LBB1_6:
0x8e: {  	_ =	sfence.sel $0x180000  }
0x8f: {  	s2 =	simm.s32 $0x1;
	[bflag:$0x0] =	sbarrier.arrive $0xFFFF  }
0x90: {  	s31 =	simm.s32 $0x2;
	[sflag:s2] =	ssyncpa.u1 $0x1  }
0x91: {  	[sflag:s31] =	ssyncpa.u1 $0x1  }
0x92: {  	p0 =	sne.s32 s0, $0x0;
	_ =	strace $0x90000050  }
0x93: {  	s0 =	sadd.s32 @!p0 $0x100000, s1;
	[bflag:$0x2] =	sbarrier.arrive $0xFFFF  }
0x94: {  	[sflag:s0] =	ssyncadd.tile.s32 @!p0 $0x1;
	_ =	shalt  }
.Lfunc_end1:
_tile_overlayer_lowered:
.L_overlay_start_2:
0x95: {  	(tag) =	ssettag $0x2  }
0x96: {  	s0 =	rddreg [dreg:$0x0];
	s2 =	stileid.u32  }
0x97: {  	s1 =	rddreg [dreg:$0x1];
	p0 =	sne.s32 s2, $0x0  }
0x98: {  	s3 =	rddreg [dreg:$0x2];
	[bflag:$0x3] =	sbarrier.arrive $0xFFFF;
	s2 =	simm.s32 @!p0 $0x1C01  }
0x99: {  	[timem:s3], [sflag:s2] =	dma.local @!p0 [hbm:s0], s1  }
0x9a: {  	s0 =	simm.s32 @!p0 $0x1  }
0x9b: {  	_ =	swait.ge @!p0 [sflag:s0], s1  }
0x9c: {  	s1 =	ssub.s32 @!p0 $0x0, s1;
	[sflag:s0] =	ssyncset.done @!p0 $0x0  }
0x9d: {  	[sflag:s0] =	ssyncadd.s32 @!p0 s1  }
0x9e: {  	[bflag:$0x3] =	sbarrier.arrive $0xFFFF  }
0x9f: {  	_ =	shalt  }

// kernel: sparse-core-data-format-call.4.cloned.1.call-start
scs
called_computation.6_lowered:
.L_overlay_start_0:
0x0: {  	s1 =	sld [smem:$0x3FD9]  }
0x1: {  	s2 =	sld [smem:$0x3FFE];
	_ =	sdelay $0x1  }
0x2: {  	s3 =	srdreg.scid  }
0x3: {  	s0 =	sand.u32 $0x1, s3  }
0x4: {  	s17 =	sshll.u32 s0, $0xA;
	s1 =	sadd.s32 s2, s1  }
0x5: {  	s1 =	sadd.s32 s1, s17  }
0x6: {  	[smem:$0x3FBD] =	sst s1  }
0x7: {  	_ = 	snop  }
0x8: {  	(tm) =	ssettm $0x1  }
0x9: {  	s18 =	sld [smem:$0x3FFB];
	_ =	sdelay $0x3  }
0xa: {  	_ =	strace s18  }
0xb: {  	s1 =	sld [smem:$0x3FFC];
	_ =	sdelay $0x3  }
0xc: {  	_ =	strace s1  }
0xd: {  	s1 =	sld [smem:$0x3FFD];
	_ =	sdelay $0x3  }
0xe: {  	_ =	strace s1  }
0xf: {  	_ =	strace $0x8FFFFFFF  }
0x10: {  	s19 =	sld [smem:$0x3FDB];
	_ =	sdelay $0x1  }
0x11: {  	s20 =	simm.s32 $_scs_section_size  }
0x12: {  	s4 =	simm.s32 $_size__tile_overlayer_lowered;
	s5 =	simm.s32 $_tile_overlayer_lowered  }
0x13: {  	s23 =	simm.s32 $0x1BFF;
	s22 =	sshll.u32 s5, $0x1;
	s1 =	sadd.s32 s20, s19  }
0x14: {  	s6 =	simm.s32 $0x0;
	s21 =	sshll.u32 s4, $0x1;
	s4 =	sadd.s32 s22, s1  }
0x15: {  	[timem:s6], [sflag:s23] =	dma.local [hbm:s4], s21  }
0x16: {  	_ =	swait.ge [sflag:s23], s21  }
0x17: {  	s2 =	ssub.s32 $0x0, s21;
	[sflag:s23] =	ssyncset.done $0x0  }
0x18: {  	[sflag:s23] =	ssyncadd.s32 s2;
	_ =	sdelay $0x1  }
0x19: {  	s24 =	simm.s32 $0x1B8B  }
0x1a: {  	_ =	swait.ge [sflag:s24], $0x1  }
0x1b: {  	[sflag:s24] =	ssyncset.done $0x0  }
0x1c: {  	s26 =	simm.s32 $0x1B8E;
	s25 =	sld [smem:$0x3FFE];
	[sflag:s24] =	ssyncadd.s32 $0xFFFFFFFF  }
0x1d: {  	s27 =	simm.s32 $execute0_lowered;
	[smem:$0x3FD2] =	sst s26  }
0x1e: {  	s4 =	sshll.u32 s27, $0x1;
	_ =	strace $0x80000046;
	[dreg:$0x1] =	wrdreg $0xFFFFFFFF  }
0x1f: {  	s28 =	simm.s32 $_size_execute0_lowered;
	s1 =	sadd.s32 s1, s4;
	[dreg:$0x0] =	wrdreg $0x0  }
0x20: {  	s4 =	sshll.u32 s28, $0x1;
	[dreg:$0x2] =	wrdreg s1  }
0x21: {  	[dreg:$0x3] =	wrdreg s4  }
0x22: {  	[dreg:$0x4] =	wrdreg $0xC0  }
0x23: {  	_ =	task [dreg:s6], $0x5FFFF  }
0x24: {  	[dreg:$0x1] =	wrdreg $0xFFFFFFFF  }
0x25: {  	[dreg:$0x0] =	wrdreg $0x60  }
0x26: {  	[dreg:$0x2] =	wrdreg s25  }
0x27: {  	[dreg:$0x3] =	wrdreg $0x9  }
0x28: {  	_ =	task.clear_ibuf [dreg:s6], $0x4FFFF;
	_ =	strace $0x90000046  }
0x29: {  	s29 =	simm.s32 $0x9;
	_ =	strace $0x80000048  }
0x2a: {  	_ =	swait.ge [sflag:s29], $0x1  }
0x2b: {  	[sflag:s29] =	ssyncadd.s32 $0xFFFFFFFF  }
0x2c: {  	_ =	strace $0x90000048  }
0x2d: {  	_ =	sfence  }
0x2e: {  	s30 =	sld [smem:$0x0];
	_ =	sdelay $0x2  }
0x2f: {  	s31 =	sshll.u32 s3, $0xD;
	s3 =	sshrl.u32 s3, $0x2  }
0x30: {  	s2 =	sand.u32 $0x4000, s31;
	s1 =	sadd.s32 s3, s30  }
0x31: {  	s0 =	sor.u32 s2, s0;
	s1 =	sshll.u32 s1, $0x11  }
0x32: {  	s0 =	sor.u32 s1, s0  }
0x33: {  	s0 =	sadd.s32 $0x8F2B, s0  }
0x34: {  	[sflag:s0] =	ssyncadd.remote.s32 $0x1  }
0x35: {  	_ =	sfence.sel $0xFFFF  }
0x36: {  	[dreg:$0x0] =	wrdreg $0xFFFFFFFF;
	(pc) =	sbr.abs _section_cstart, $3  }
0x37: {  	[dreg:$0x1] =	wrdreg $0xFFFFFFFF  }
0x38: {  	_ =	task.clear_ibuf [dreg:s6], $0x2FFFF;
	_ =	strace $0x9FFFFFFF  }
0x39: {  	(tm) =	ssettm $0x7FFFFFFF  }
tec
execute0_lowered:
.L_overlay_start_1:
0x0: {  	(tag) =	ssettag $0x1  }
0x1: {  	s0 =	srdreg.scid  }
0x2: {  	s1 =	rddreg [dreg:$0x0];
	s2 =	stileid.u32  }
0x3: {  	_ =	strace $0x80000047;
	s29 =	simm.s32 $0x1;
	s31 =	simm.s32 $0x2  }
0x4: {  	s15 =	simm.s32 $0x0;
	s14 =	simm.s32 $0x0;
	s0 =	sshll.u32 s0, $0x4  }
0x5: {  	s9 =	simm.s32 $0x0;
	s11 =	simm.s32 $0x0;
	s0 =	sand.u32 $0x10, s0  }
0x6: {  	s26 =	sadd.s32 $0xC37400, s1;
	s28 =	sadd.s32 $0x155EA00, s1;
	s0 =	sor.u32 s2, s0  }
.Ltmp0:
0x7: {  	[dreg:$0x18] =	wrdreg s26;
	s27 =	sshll.u32 s0, $0x9;
	(pc) =	sbr.rel .LBB1_1-.Ltmp0, $4  }
0x8: {  	s12 =	simm.s32 $0x0;
	[dreg:$0x1a] =	wrdreg s28;
	s30 =	ssub.s32 $0x30D000, s27  }
0x9: {  	s13 =	simm.s32 $0x0;
	[dreg:$0x19] =	wrdreg s27;
	s0 =	sshrl.u32 s30, $0xE  }
0xa: {  	[sflag:s29] =	ssyncpa.u1 $0x0;
	[dreg:$0x1b] =	wrdreg s0;
	s8 =	sadd.s32 $0x2, s0  }
0xb: {  	[sflag:s31] =	ssyncpa.u1 $0x0;
	s10 =	smov.u32 s27;
	[dreg:$0x1c] =	wrdreg s8  }
.LBB1_12:
0xc: {  	s9 =	rddreg [dreg:$0x1d]  }
0xd: {  	s11 =	rddreg [dreg:$0x1f]  }
0xe: {  	s4 =	sld [smem:$0x7FC]  }
0xf: {  	s24 =	sld [smem:$0x7FB]  }
0x10: {  	s29 =	rddreg [dreg:$0x1a]  }
0x11: {  	s8 =	rddreg [dreg:$0x1c]  }
0x12: {  	s10 =	rddreg [dreg:$0x1e]  }
0x13: {  	s12 =	sld [smem:$0x7FA]  }
0x14: {  	s13 =	sld [smem:$0x7FD]  }
0x15: {  	s31 =	simm.s32 $0x80;
	s14 =	sld [smem:$0x7F9]  }
0x16: {  	s15 =	sld [smem:$0x7F8];
	s0 =	sshll.u32 s9, $0x7;
	s1 =	sshll.u32 s11, $0x3  }
0x17: {  	p0 =	sgt.s32 s9, $0x30CFF8;
	s2 =	sand.u32 $0xFFFFFC00, s0;
	s1 =	sand.u32 $0xFFFFFC00, s1  }
0x18: {  	s0 =	sand.u32 $0x380, s0;
	s1 =	sadd.s32 s1, s2;
	s2 =	smov.u32 s9  }
0x19: {  	s3 =	smov.u32 s11;
	s0 =	sor.u32 s0, s1;
	s2 =	simm.s32 @!p0 $0x30CFF8  }
0x1a: {  	p0 =	sgt.s32 s11, $0x60;
	s0 =	sshrl.u32 s0, $0x7;
	s2 =	sadd.s32 s4, s2  }
0x1b: {  	s3 =	simm.s32 @!p0 $0x60;
	s23 =	smulhi.u32 $0x14F994F, s0;
	s25 =	sadd.s32 $0xFFCF3008, s2  }
0x1c: {  	s3 =	sadd.s32 s24, s3;
	s2 =	ssub.s32 $0x30D1F8, s2;
	p0 =	sgt.s32 s25, $0x1FF  }
0x1d: {  	s26 =	sadd.s32 $0xFFFFFFA0, s3;
	s3 =	ssub.s32 $0x80, s3;
	s1 =	sshrl.u32 s23, $0xE  }
0x1e: {  	s2 =	simm.s32 @p0 $0x0;
	p0 =	sgt.s32 s26, $0x1F;
	s1 =	smul.u32 $0x30D1F8, s1  }
0x1f: {  	s27 =	sshrl.u32 s11, $0x3;
	s28 =	sand.u32 $0x7, s11;
	s3 =	simm.s32 @p0 $0x0  }
0x20: {  	s2 =	smul.u32 s3, s2;
	s0 =	ssub.s32 s0, s1;
	s1 =	sand.u32 $0xF, s27  }
0x21: {  	s3 =	sshll.u32 s28, $0x12;
	s0 =	sshll.u32 s0, $0x4;
	s1 =	sadd.s32 s29, s1  }
0x22: {  	s30 =	sor.u32 $0x20, s3;
	s2 =	sand.u32 $0x3FFFFFFF, s2;
	s0 =	sadd.s32 s0, s1  }
0x23: {  	[hbm4b:s0+s30] =	stream.strided.scatter [tilespmem:s18], [sflag:$0x2], s2, s31, s30, $0x10;
	[tilespmem:$0x10400] =	vst v63  }
.LBB1_13:
0x24: {  	p0 =	slt.u32 s13, $0x2  }
0x25: {  	s1 =	smov.u32 s15;
	s2 =	smov.u32 s14;
	p1 =	sgt.s32 @!p0 s15, $0x30CFF8  }
0x26: {  	s0 =	sshra.s32 @!p0 s15, $0x1F;
	p2 =	sgt.s32 @!p0 s14, $0x60;
	s3 =	sshra.s32 @!p0 s14, $0x1F  }
0x27: {  	p1 =	por !p1, p0;
	s0 =	sand.u32 @!p0 s0, s15;
	p2 =	por !p2, p0  }
0x28: {  	s3 =	sand.u32 @!p0 s3, s14;
	s1 =	simm.s32 @p1 $0x30CFF8;
	s2 =	simm.s32 @p2 $0x60  }
0x29: {  	s0 =	ssub.s32 @!p0 s1, s0;
	s1 =	ssub.s32 @!p0 s2, s3  }
0x2a: {  	s2 =	sadd.s32 @!p0 $0xFFCF3008, s0;
	s3 =	sadd.s32 @!p0 $0xFFFFFFA0, s1  }
0x2b: {  	s0 =	ssub.s32 @!p0 $0x30D1F8, s0;
	p1 =	sgt.s32 @!p0 s2, $0x1FF;
	p2 =	sgt.s32 @!p0 s3, $0x1F  }
0x2c: {  	s1 =	ssub.s32 @!p0 $0x80, s1;
	p1 =	por !p1, p0;
	p2 =	por !p2, p0  }
0x2d: {  	s0 =	simm.s32 @!p1 $0x0;
	s1 =	simm.s32 @!p2 $0x0  }
0x2e: {  	s0 =	smul.u32 @!p0 s1, s0  }
0x2f: {  	s4 =	smov.u32 s12  }
0x30: {  	s2 =	simm.s32 @!p0 $0x2;
	s1 =	sadd.s32 $0x4000, s10;
	s0 =	sand.u32 @!p0 $0x3FFFFFFF, s0  }
0x31: {  	s3 =	sadd.s32 $0x20, s12;
	p1 =	sgt.s32 s1, $0x30D1F6;
	_ =	swait.ge @!p0 [sflag:s2], s0  }
0x32: {  	s4 =	smov.u32 @p1 s3;
	s3 =	rddreg [dreg:$0x19]  }
0x33: {  	s1 =	smov.u32 @p1 s3;
	p1 =	sgt.s32 s4, $0x13  }
0x34: {  	s4 =	simm.s32 @p1 $0x0;
	p1 =	sne.s32 s13, s8  }
.Ltmp1:
0x35: {  	_ = 	snop;
	(pc) =	sbr.rel @!p1 .LBB1_14-.Ltmp1, $4  }
0x36: {  	s15 =	smov.u32 s9  }
0x37: {  	s14 =	smov.u32 s11;
	s0 =	ssub.s32 @!p0 $0x0, s0;
	[sflag:s2] =	ssyncset.done @!p0 $0x0  }
0x38: {  	s9 =	smov.u32 s10;
	s11 =	smov.u32 s12;
	[sflag:s2] =	ssyncadd.s32 @!p0 s0  }
0x39: {  	s13 =	sadd.s32 $0x1, s13;
	s10 =	smov.u32 s1;
	s12 =	smov.u32 s4  }
.LBB1_1:
0x3a: {  	s0 =	rddreg [dreg:$0x1b]  }
0x3b: {  	p0 =	sgt.u32 s13, s0  }
0x3c: {  	s6 =	smov.u32 s10;
	s0 =	sshrl.u32 @!p0 s12, $0x3  }
0x3d: {  	s1 =	sshll.u32 @!p0 s10, $0x3;
	s2 =	sshll.u32 @!p0 s12, $0x7;
	s0 =	smul.u32 @!p0 $0x1869000, s0  }
0x3e: {  	s3 =	sand.u32 @!p0 $0x7F, s10;
	p1 =	sgt.s32 @!p0 s12, $0xFFFFFFF8;
	s1 =	sand.u32 @!p0 $0xFFFFFC00, s1  }
0x3f: {  	s5 =	sshra.s32 @!p0 s12, $0x1F;
	s0 =	sadd.s32 @!p0 s0, s1;
	s1 =	sand.u32 @!p0 $0x380, s2  }
0x40: {  	s7 =	sshra.s32 @!p0 s10, $0x1F;
	p1 =	por !p1, p0;
	s0 =	sor.u32 @!p0 s1, s0  }
0x41: {  	s5 =	sand.u32 @!p0 s5, s12;
	s7 =	sand.u32 @!p0 s7, s10;
	s1 =	sshrl.u32 @!p0 s0, $0x9  }
0x42: {  	s0 =	sor.u32 @!p0 s3, s0;
	s3 =	smov.u32 s12;
	s1 =	smulhi.u32 @!p0 $0x29F323, s1  }
0x43: {  	s2 =	sxor.u32 @!p0 $0xFFFFFFFF, s13;
	s3 =	simm.s32 @p1 $0xFFFFFFF8;
	p1 =	sgt.s32 @!p0 s10, $0x30D000  }
0x44: {  	s2 =	sshll.u32 @!p0 s2, $0xE;
	p1 =	por !p1, p0;
	s1 =	sshrl.u32 @!p0 s1, $0x2  }
0x45: {  	s3 =	ssub.s32 @!p0 s3, s5;
	s6 =	simm.s32 @p1 $0x30D000;
	s4 =	smul.u32 @!p0 $0xAAB, s1  }
0x46: {  	s5 =	ssub.s32 @!p0 s6, s7;
	s6 =	sadd.s32 @!p0 $0x8, s3;
	s3 =	ssub.s32 @!p0 $0x18, s3  }
0x47: {  	s7 =	sadd.s32 @!p0 $0xFFCF3000, s5;
	p1 =	sgt.s32 @!p0 s6, $0x1F;
	s4 =	sshrl.u32 @!p0 s4, $0x10  }
0x48: {  	p2 =	sgt.s32 @!p0 s7, $0x1FF;
	p1 =	por !p1, p0;
	s4 =	smul.u32 @!p0 $0x18, s4  }
0x49: {  	s5 =	ssub.s32 @!p0 $0x30D200, s5;
	p2 =	por !p2, p0;
	s3 =	simm.s32 @!p1 $0x0  }
0x4a: {  	s5 =	simm.s32 @!p2 $0x0;
	s4 =	ssub.s32 @!p0 s1, s4;
	s1 =	smul.u32 @!p0 $0x30D200, s1  }
0x4b: {  	s2 =	sand.u32 @!p0 $0x4000, s2;
	s3 =	smul.u32 @!p0 s3, s5  }
0x4c: {  	s5 =	rddreg [dreg:$0x18];
	s0 =	ssub.s32 @!p0 s0, s1;
	s1 =	sand.u32 @!p0 $0xFFFF, s4  }
0x4d: {  	s1 =	smul.u32 @!p0 $0x61A40, s1;
	s4 =	sshrl.u32 @!p0 s0, $0x3;
	s0 =	sand.u32 @!p0 $0x7, s0  }
0x4e: {  	s3 =	sand.u32 @!p0 $0x3FFFFFFF, s3;
	s4 =	sadd.s32 @!p0 s5, s4;
	s0 =	sshll.u32 @!p0 s0, $0x12  }
0x4f: {  	s1 =	sadd.s32 @!p0 s1, s4;
	s0 =	sor.u32 @!p0 $0x1000, s0;
	s4 =	simm.s32 @!p0 $0x1869000  }
0x50: {  	[tilespmem:s2], [sflag:$0x1] =	stream.strided.gather @!p0 [hbm4b:s1+s0], s3, s4, s0, $0x38;
	[tilespmem:$0x10400] =	vst v63  }
0x51: {  	p0 =	seq.s32 s13, $0x0  }
0x52: {  	p1 =	sge.u32 @!p0 s13, s8  }
0x53: {  	p0 =	por p0, p1  }
.Ltmp2:
0x54: {  	_ = 	snop;
	(pc) =	sbr.rel @p0 .LBB1_13-.Ltmp2, $1  }
0x55: {  	_ =	sdelay $0x3  }
0x56: {  	s0 =	ssub.s32 $0x0, s11;
	s1 =	sshra.s32 s11, $0x1F;
	p0 =	sgt.s32 s11, $0xFFFFFFF8  }
0x57: {  	s2 =	smov.u32 s11;
	s25 =	ssub.s32 $0x0, s9;
	s26 =	sshra.s32 s9, $0x1F  }
0x58: {  	s3 =	smov.u32 s9;
	s2 =	simm.s32 @!p0 $0xFFFFFFF8;
	p0 =	sgt.s32 s9, $0x30D000  }
0x59: {  	s4 =	sand.u32 s0, s1;
	s1 =	sand.u32 s25, s26;
	s3 =	simm.s32 @!p0 $0x30D000  }
0x5a: {  	s2 =	sadd.s32 s4, s2;
	[smem:$0x7FC] =	sst s1;
	s1 =	sadd.s32 s1, s3  }
0x5b: {  	s27 =	sadd.s32 $0x8, s2;
	s2 =	ssub.s32 $0x18, s2;
	s28 =	sadd.s32 $0xFFCF3000, s1  }
0x5c: {  	p0 =	sgt.s32 s27, $0x1F;
	s0 =	ssub.s32 $0x30D200, s1;
	p1 =	sgt.s32 s28, $0x1FF  }
0x5d: {  	s2 =	simm.s32 @p0 $0x0;
	s0 =	simm.s32 @p1 $0x0  }
0x5e: {  	[smem:$0x7F8] =	sst s15;
	s29 =	smul.u32 s2, s0;
	s2 =	sadd.s32 $0x20, s11  }
0x5f: {  	[smem:$0x7F9] =	sst s14;
	p0 =	slt.s32 s2, $0x14  }
0x60: {  	[smem:$0x7FA] =	sst s12;
	s2 =	simm.s32 @!p0 $0x14  }
0x61: {  	[dreg:$0x1e] =	wrdreg s10;
	s7 =	ssub.s32 s2, s11  }
0x62: {  	[dreg:$0x1d] =	wrdreg s9;
	p0 =	slt.s32 s7, $0x1  }
.Ltmp3:
0x63: {  	[smem:$0x7FD] =	sst s13;
	s30 =	simm.s32 $0x1;
	(pc) =	sbr.rel @p0 .LBB1_12-.Ltmp3, $4  }
0x64: {  	[smem:$0x7FB] =	sst s4;
	s0 =	sand.u32 $0x1, s13;
	s1 =	sand.u32 $0x3FFFFFFF, s29  }
0x65: {  	s31 =	smul.u32 $0x4200, s0;
	_ =	swait.ge [sflag:s30], s1  }
0x66: {  	s1 =	ssub.s32 $0x0, s1;
	[sflag:s30] =	ssyncset.done $0x0  }
0x67: {  	[dreg:$0x1f] =	wrdreg s11;
	s18 =	sor.u32 $0x8000, s31;
	[sflag:s30] =	ssyncadd.s32 s1  }
0x68: {  	s2 =	rddreg [dreg:$0x1d]  }
0x69: {  	s1 =	sadd.s32 $0x200, s2  }
0x6a: {  	p0 =	slt.s32 s1, $0x30D1F7  }
0x6b: {  	s1 =	simm.s32 @!p0 $0x30D1F7  }
.Ltmp4:
0x6c: {  	s1 =	ssub.s32 s1, s2;
	(pc) =	sbr.rel .LBB1_4-.Ltmp4, $4  }
0x6d: {  	s22 =	sshll.u32 s0, $0xE;
	s15 =	simm.s32 $0x0;
	s1 =	sadd.s32 $0xF, s1  }
0x6e: {  	s25 =	simm.s32 $0x0;
	[smem:$0x7F7] =	sst s7;
	s30 =	sshll.u32 s1, $0x3  }
0x6f: {  	s20 =	sand.u32 $0xFFFFFFF0, s1;
	s21 =	sand.u32 $0xFFFFFE00, s1;
	s31 =	sand.u32 $0xFFFFF000, s30  }
0x70: {  	p0 =	slt.s32 s1, $0x200;
	p1 =	sge.s32 s21, s20;
	[smem:$0x7F6] =	sst s31  }
.LBB1_11:
0x71: {  	s25 =	sadd.s32 $0x1, s25  }
0x72: {  	p2 =	sne.s32 s25, s7  }
.Ltmp5:
0x73: {  	_ = 	snop;
	(pc) =	sbr.rel @!p2 .LBB1_12-.Ltmp5, $2  }
0x74: {  	_ =	sdelay $0x2  }
0x75: {  	s15 =	sadd.s32 $0x200, s15  }
.LBB1_4:
.Ltmp6:
0x76: {  	(pc) =	sbr.rel @p0 .LBB1_8-.Ltmp6, $2  }
0x77: {  	_ =	sdelay $0x2  }
0x78: {  	s26 =	sand.u32 $0x3000, s15;
	s27 =	sshll.u32 s25, $0x7  }
0x79: {  	s3 =	sshll.u32 s25, $0x3;
	s1 =	sshll.u32 s25, $0x9  }
0x7a: {  	s29 =	sand.u32 $0x200, s27;
	s7 =	sand.u32 $0x7F, s25;
	s16 =	sand.u32 $0x380, s27  }
0x7b: {  	s2 =	sshrl.u32 s3, $0x7;
	s5 =	sadd.s32 $0x800, s3;
	s6 =	sadd.s32 $0x1000, s3  }
0x7c: {  	s8 =	sadd.s32 $0x1800, s3;
	s23 =	sadd.s32 $0x2000, s3;
	s10 =	sadd.s32 $0x2800, s3  }
0x7d: {  	s13 =	sadd.s32 $0x3000, s3;
	s3 =	sadd.s32 $0x3800, s3;
	s30 =	sor.u32 $0x800, s1  }
0x7e: {  	s0 =	sand.u32 $0x1F8, s2;
	s5 =	sshrl.u32 s5, $0x7;
	s6 =	sshrl.u32 s6, $0x7  }
0x7f: {  	s19 =	sshrl.u32 s8, $0x7;
	s9 =	sshrl.u32 s23, $0x7;
	s8 =	sshrl.u32 s10, $0x7  }
0x80: {  	s3 =	sshrl.u32 s3, $0x7;
	s4 =	smul.u32 $0x84, s0;
	s5 =	sand.u32 $0x1F8, s5  }
0x81: {  	s10 =	sadd.s32 $0xA0, s2;
	s6 =	sand.u32 $0x1F8, s6;
	s5 =	smul.u32 $0x84, s5  }
0x82: {  	s12 =	sand.u32 $0x1F8, s8;
	s3 =	sand.u32 $0x1F8, s3;
	s6 =	smul.u32 $0x84, s6  }
0x83: {  	s0 =	sxor.u32 $0x100, s0;
	s3 =	smul.u32 $0x84, s3;
	s4 =	sshrl.u32 s4, $0x2  }
0x84: {  	s8 =	sadd.s32 $0x90, s2;
	s0 =	smul.u32 $0x84, s0;
	s4 =	sadd.s32 s4, s18  }
0x85: {  	s5 =	sshrl.u32 s5, $0x2;
	s6 =	sshrl.u32 s6, $0x2;
	s3 =	sshrl.u32 s3, $0x2  }
0x86: {  	s0 =	sshrl.u32 s0, $0x2;
	s4 =	sadd.s32 s7, s4;
	s17 =	sadd.s32 s5, s18  }
0x87: {  	s5 =	sand.u32 $0x1F8, s19;
	s6 =	sadd.s32 s6, s18;
	s3 =	sadd.s32 s3, s18  }
0x88: {  	s0 =	sadd.s32 s0, s18;
	[dreg:$0x2] =	wrdreg s4;
	s4 =	sadd.s32 s7, s17  }
0x89: {  	s5 =	smul.u32 $0x84, s5;
	s24 =	sadd.s32 s7, s6;
	s6 =	sand.u32 $0x1F8, s9  }
0x8a: {  	s17 =	sshrl.u32 s13, $0x7;
	s3 =	sadd.s32 s7, s3;
	[dreg:$0x3] =	wrdreg s4  }
0x8b: {  	s0 =	sadd.s32 s7, s0;
	s6 =	smul.u32 $0x84, s6;
	[dreg:$0x4] =	wrdreg s24  }
0x8c: {  	s24 =	sadd.s32 $0x80, s2;
	[dreg:$0x9] =	wrdreg s3;
	s5 =	sshrl.u32 s5, $0x2  }
0x8d: {  	[dreg:$0x12] =	wrdreg s0;
	s5 =	sadd.s32 s5, s18;
	s6 =	sshrl.u32 s6, $0x2  }
0x8e: {  	s11 =	sadd.s32 s7, s5;
	s5 =	smul.u32 $0x84, s12;
	s14 =	sadd.s32 s6, s18  }
0x8f: {  	s6 =	sand.u32 $0x1F8, s17;
	s17 =	sadd.s32 $0xC0, s2;
	[dreg:$0x5] =	wrdreg s11  }
0x90: {  	s4 =	sadd.s32 s7, s14;
	s6 =	smul.u32 $0x84, s6;
	s11 =	sadd.s32 $0xB0, s2  }
0x91: {  	s5 =	sshrl.u32 s5, $0x2;
	[dreg:$0x6] =	wrdreg s4;
	s4 =	sand.u32 $0x1F8, s8  }
0x92: {  	s5 =	sadd.s32 s5, s18;
	s23 =	sshrl.u32 s6, $0x2;
	s6 =	sand.u32 $0x1F8, s24  }
0x93: {  	s4 =	smul.u32 $0x84, s4;
	s24 =	sadd.s32 $0xE0, s2;
	s19 =	sadd.s32 s7, s5  }
0x94: {  	s5 =	sadd.s32 s23, s18;
	s6 =	smul.u32 $0x84, s6;
	s23 =	sadd.s32 $0xD0, s2  }
0x95: {  	[dreg:$0x7] =	wrdreg s19;
	s5 =	sadd.s32 s7, s5;
	s4 =	sshrl.u32 s4, $0x2  }
0x96: {  	[dreg:$0x8] =	wrdreg s5;
	s5 =	sshrl.u32 s6, $0x2;
	s4 =	sadd.s32 s4, s18  }
0x97: {  	s6 =	sand.u32 $0x1F8, s11;
	s11 =	sadd.s32 $0x110, s2;
	s5 =	sadd.s32 s5, s18  }
0x98: {  	s12 =	sadd.s32 s7, s4;
	s13 =	smul.u32 $0x84, s6;
	s6 =	sand.u32 $0x1F8, s24  }
0x99: {  	s9 =	sadd.s32 s7, s5;
	s5 =	sand.u32 $0x1F8, s10;
	s6 =	smul.u32 $0x84, s6  }
0x9a: {  	s24 =	sadd.s32 $0x140, s2;
	[dreg:$0xb] =	wrdreg s12;
	s5 =	smul.u32 $0x84, s5  }
0x9b: {  	[dreg:$0xa] =	wrdreg s9;
	s4 =	sshrl.u32 s13, $0x2;
	s9 =	sadd.s32 $0xF0, s2  }
0x9c: {  	s4 =	sadd.s32 s4, s18;
	s14 =	sshrl.u32 s5, $0x2;
	s5 =	sand.u32 $0x1F8, s17  }
0x9d: {  	s19 =	sadd.s32 s7, s4;
	s4 =	sand.u32 $0x1F8, s23;
	s17 =	sand.u32 $0x180, s27  }
0x9e: {  	s23 =	sadd.s32 $0x130, s2;
	s3 =	sadd.s32 s14, s18;
	s5 =	smul.u32 $0x84, s5  }
0x9f: {  	s4 =	smul.u32 $0x84, s4;
	[dreg:$0xd] =	wrdreg s19;
	s3 =	sadd.s32 s7, s3  }
0xa0: {  	s14 =	sadd.s32 $0x120, s2;
	[dreg:$0xc] =	wrdreg s3;
	s5 =	sshrl.u32 s5, $0x2  }
0xa1: {  	s8 =	sshrl.u32 s4, $0x2;
	s4 =	sand.u32 $0x1F8, s9;
	s5 =	sadd.s32 s5, s18  }
0xa2: {  	s3 =	sadd.s32 s8, s18;
	s4 =	smul.u32 $0x84, s4;
	s5 =	sadd.s32 s7, s5  }
0xa3: {  	s9 =	sadd.s32 $0x150, s2;
	s3 =	sadd.s32 s7, s3;
	[dreg:$0xe] =	wrdreg s5  }
0xa4: {  	s5 =	sshrl.u32 s6, $0x2;
	[dreg:$0xf] =	wrdreg s3;
	s4 =	sshrl.u32 s4, $0x2  }
0xa5: {  	s3 =	sand.u32 $0x1F8, s14;
	s5 =	sadd.s32 s5, s18;
	s4 =	sadd.s32 s4, s18  }
0xa6: {  	s3 =	smul.u32 $0x84, s3;
	s10 =	sadd.s32 s7, s5;
	s5 =	sand.u32 $0x1F8, s11  }
0xa7: {  	s12 =	sadd.s32 s7, s4;
	s11 =	sadd.s32 $0x160, s2;
	[dreg:$0x10] =	wrdreg s10  }
0xa8: {  	s13 =	smul.u32 $0x84, s5;
	[dreg:$0x11] =	wrdreg s12;
	s3 =	sshrl.u32 s3, $0x2  }
0xa9: {  	s5 =	sand.u32 $0x1F8, s24;
	s12 =	sadd.s32 $0x170, s2;
	s24 =	sadd.s32 $0x180, s2  }
0xaa: {  	s3 =	sadd.s32 s3, s18;
	s6 =	smul.u32 $0x84, s5;
	s5 =	sand.u32 $0x1F8, s12  }
0xab: {  	s4 =	sshrl.u32 s13, $0x2;
	s3 =	sadd.s32 s7, s3;
	s14 =	smul.u32 $0x84, s5  }
0xac: {  	s5 =	sadd.s32 $0x190, s2;
	s4 =	sadd.s32 s4, s18;
	[dreg:$0x14] =	wrdreg s3  }
0xad: {  	s3 =	sshrl.u32 s6, $0x2;
	s6 =	sand.u32 $0x1F8, s5;
	s19 =	sadd.s32 s7, s4  }
0xae: {  	s4 =	sand.u32 $0x1F8, s23;
	s3 =	sadd.s32 s3, s18;
	s23 =	sshrl.u32 s14, $0x2  }
0xaf: {  	s14 =	sor.u32 $0xC00, s1;
	s4 =	smul.u32 $0x84, s4;
	[dreg:$0x13] =	wrdreg s19  }
0xb0: {  	s10 =	sadd.s32 s7, s3;
	s3 =	sand.u32 $0x1F8, s11;
	s11 =	sadd.s32 $0x1B0, s2  }
0xb1: {  	s3 =	smul.u32 $0x84, s3;
	[dreg:$0x16] =	wrdreg s10;
	s8 =	sshrl.u32 s4, $0x2  }
0xb2: {  	s4 =	sand.u32 $0x1F8, s9;
	s9 =	smul.u32 $0x84, s6;
	s0 =	sadd.s32 s8, s18  }
0xb3: {  	s4 =	smul.u32 $0x84, s4;
	s19 =	sshrl.u32 s3, $0x2;
	s8 =	sadd.s32 $0x1A0, s2  }
0xb4: {  	s3 =	sadd.s32 s23, s18;
	s0 =	sadd.s32 s7, s0;
	s10 =	sand.u32 $0x1F8, s8  }
0xb5: {  	s12 =	sshrl.u32 s9, $0x2;
	s9 =	sadd.s32 $0x1C0, s2;
	s4 =	sshrl.u32 s4, $0x2  }
0xb6: {  	[dreg:$0x15] =	wrdreg s0;
	s0 =	sadd.s32 s19, s18;
	s4 =	sadd.s32 s4, s18  }
0xb7: {  	s31 =	sadd.s32 s7, s0;
	s13 =	sadd.s32 s7, s4;
	s4 =	sand.u32 $0x1F8, s24  }
0xb8: {  	s0 =	sadd.s32 s7, s3;
	[dreg:$0x17] =	wrdreg s13;
	s3 =	smul.u32 $0x84, s4  }
0xb9: {  	s4 =	smul.u32 $0x84, s10;
	s13 =	sand.u32 $0x1F8, s11;
	s10 =	sadd.s32 $0x1D0, s2  }
0xba: {  	s5 =	smul.u32 $0x84, s13;
	s6 =	sand.u32 $0x1F8, s10;
	s3 =	sshrl.u32 s3, $0x2  }
0xbb: {  	s4 =	sshrl.u32 s4, $0x2;
	s6 =	smul.u32 $0x84, s6;
	s3 =	sadd.s32 s3, s18  }
0xbc: {  	s19 =	sadd.s32 s4, s18;
	s5 =	sshrl.u32 s5, $0x2;
	s4 =	sand.u32 $0x1F8, s9  }
0xbd: {  	s9 =	sadd.s32 $0x1E0, s2;
	s2 =	sadd.s32 $0x1F0, s2;
	s1 =	sadd.s32 s7, s3  }
0xbe: {  	s3 =	sadd.s32 s12, s18;
	s4 =	smul.u32 $0x84, s4;
	s9 =	sand.u32 $0x1F8, s9  }
0xbf: {  	s2 =	sand.u32 $0x1F8, s2;
	s5 =	sadd.s32 s5, s18;
	s9 =	smul.u32 $0x84, s9  }
0xc0: {  	s11 =	sshrl.u32 s6, $0x2;
	s8 =	sadd.s32 s7, s3;
	s23 =	smul.u32 $0x84, s2  }
0xc1: {  	v1 =	vmov s16;
	s2 =	sadd.s32 s7, s5;
	s3 =	sadd.s32 s11, s18;
	s4 =	sshrl.u32 s4, $0x2  }
0xc2: {  	v0 =	vmov s17;
	s6 =	sadd.s32 s7, s3;
	s24 =	sadd.s32 s4, s18;
	s4 =	sadd.s32 s7, s19  }
0xc3: {  	s12 =	sshrl.u32 s9, $0x2;
	s13 =	sshrl.u32 s23, $0x2;
	s23 =	sand.u32 $0x3C00, s14  }
0xc4: {  	s5 =	sadd.s32 s7, s24;
	s19 =	sadd.s32 s12, s18;
	s9 =	sadd.s32 s13, s18  }
0xc5: {  	s3 =	sadd.s32 s7, s19;
	s7 =	sadd.s32 s7, s9;
	s9 =	sadd.s32 s23, s22  }
0xc6: {  	s24 =	sand.u32 $0x3800, s30;
	v2 =	vld.idx.msk [tilespmem:v1+s9+$0x0 ss:$0x1], $0xffff;
	s16 =	sadd.s32 s29, s9  }
0xc7: {  	s9 =	sadd.s32 s24, s22;
	v3 =	vld.idx.msk [tilespmem:v0+s16+$0x70 ss:$0x1], $0xffff  }
0xc8: {  	v4 =	vld.idx.msk [tilespmem:v1+s9+$0x0 ss:$0x1], $0xffff  }
0xc9: {  	s28 =	sor.u32 $0x400, s26  }
0xca: {  	s11 =	sand.u32 $0x3400, s28;
	s9 =	sadd.s32 s29, s9  }
0xcb: {  	s10 =	rddreg [dreg:$0x12];
	s23 =	sadd.s32 s11, s22;
	[tilespmem:s1+$0x0 ss:$0x21] =	vst.msk $0xffff, v2;
	v2 =	vld.idx.msk [tilespmem:v0+s9+$0x70 ss:$0x1], $0xffff  }
0xcc: {  	s12 =	rddreg [dreg:$0xa];
	[tilespmem:s7+$0x0 ss:$0x21] =	vst.msk $0xffff, v3;
	v3 =	vld.idx.msk [tilespmem:v1+s23+$0x0 ss:$0x1], $0xffff;
	s23 =	sadd.s32 s29, s23  }
0xcd: {  	s19 =	sadd.s32 s26, s22;
	s13 =	rddreg [dreg:$0x11];
	[tilespmem:s10+$0x0 ss:$0x21] =	vst.msk $0xffff, v4;
	v4 =	vld.idx.msk [tilespmem:v0+s23+$0x70 ss:$0x1], $0xffff  }
0xce: {  	v5 =	vld.idx.msk [tilespmem:v1+s19+$0x0 ss:$0x1], $0xffff  }
0xcf: {  	s17 =	sadd.s32 s29, s19  }
0xd0: {  	s10 =	rddreg [dreg:$0x2];
	[tilespmem:s0+$0x0 ss:$0x21] =	vst.msk $0xffff, v2;
	v2 =	vld.idx.msk [tilespmem:v0+s17+$0x70 ss:$0x1], $0xffff  }
0xd1: {  	s11 =	rddreg [dreg:$0x9];
	[tilespmem:s12+$0x0 ss:$0x21] =	vst.msk $0xffff, v3;
	v3 =	vld.idx.msk [tilespmem:v0+s17+$0x10 ss:$0x1], $0xffff  }
0xd2: {  	s24 =	rddreg [dreg:$0x3];
	[tilespmem:s13+$0x0 ss:$0x21] =	vst.msk $0xffff, v4  }
0xd3: {  	[tilespmem:s10+$0x0 ss:$0x21] =	vst.msk $0xffff, v5;
	v4 =	vld.idx.msk [tilespmem:v0+s17+$0x20 ss:$0x1], $0xffff  }
0xd4: {  	v5 =	vld.idx.msk [tilespmem:v0+s17+$0x30 ss:$0x1], $0xffff;
	s10 =	rddreg [dreg:$0x4]  }
0xd5: {  	s13 =	rddreg [dreg:$0x5];
	[tilespmem:s11+$0x0 ss:$0x21] =	vst.msk $0xffff, v2;
	v2 =	vld.idx.msk [tilespmem:v0+s17+$0x40 ss:$0x1], $0xffff  }
0xd6: {  	[tilespmem:s24+$0x0 ss:$0x21] =	vst.msk $0xffff, v3;
	v3 =	vld.idx.msk [tilespmem:v0+s17+$0x50 ss:$0x1], $0xffff;
	_ =	sdelay $0x1  }
0xd7: {  	s11 =	rddreg [dreg:$0x6];
	[tilespmem:s10+$0x0 ss:$0x21] =	vst.msk $0xffff, v4  }
0xd8: {  	v4 =	vld.idx.msk [tilespmem:v0+s17+$0x60 ss:$0x1], $0xffff;
	s10 =	rddreg [dreg:$0x7];
	[tilespmem:s13+$0x0 ss:$0x21] =	vst.msk $0xffff, v5  }
0xd9: {  	s13 =	rddreg [dreg:$0x8];
	[tilespmem:s11+$0x0 ss:$0x21] =	vst.msk $0xffff, v2;
	v2 =	vld.idx.msk [tilespmem:v0+s23+$0x10 ss:$0x1], $0xffff  }
0xda: {  	s11 =	rddreg [dreg:$0xb];
	[tilespmem:s10+$0x0 ss:$0x21] =	vst.msk $0xffff, v3;
	v3 =	vld.idx.msk [tilespmem:v0+s23+$0x20 ss:$0x1], $0xffff;
	_ =	sdelay $0x2  }
0xdb: {  	s10 =	rddreg [dreg:$0xc];
	[tilespmem:s13+$0x0 ss:$0x21] =	vst.msk $0xffff, v4;
	v4 =	vld.idx.msk [tilespmem:v0+s23+$0x30 ss:$0x1], $0xffff  }
0xdc: {  	s13 =	rddreg [dreg:$0xd];
	[tilespmem:s11+$0x0 ss:$0x21] =	vst.msk $0xffff, v2;
	v2 =	vld.idx.msk [tilespmem:v0+s23+$0x40 ss:$0x1], $0xffff  }
0xdd: {  	s11 =	rddreg [dreg:$0xe];
	[tilespmem:s10+$0x0 ss:$0x21] =	vst.msk $0xffff, v3;
	v3 =	vld.idx.msk [tilespmem:v0+s23+$0x50 ss:$0x1], $0xffff;
	_ =	sdelay $0x1  }
0xde: {  	v8 =	vld.idx.msk [tilespmem:v0+s9+$0x40 ss:$0x1], $0xffff  }
0xdf: {  	s10 =	rddreg [dreg:$0xf];
	[tilespmem:s13+$0x0 ss:$0x21] =	vst.msk $0xffff, v4;
	v4 =	vld.idx.msk [tilespmem:v0+s23+$0x60 ss:$0x1], $0xffff  }
0xe0: {  	s13 =	rddreg [dreg:$0x10];
	[tilespmem:s11+$0x0 ss:$0x21] =	vst.msk $0xffff, v2;
	v2 =	vld.idx.msk [tilespmem:v0+s9+$0x10 ss:$0x1], $0xffff  }
0xe1: {  	s11 =	rddreg [dreg:$0x13];
	[tilespmem:s10+$0x0 ss:$0x21] =	vst.msk $0xffff, v3;
	v3 =	vld.idx.msk [tilespmem:v0+s9+$0x20 ss:$0x1], $0xffff  }
0xe2: {  	v5 =	vld.idx.msk [tilespmem:v0+s9+$0x30 ss:$0x1], $0xffff  }
0xe3: {  	p2 =	sgt.s32 s21, $0x200;
	v6 =	vld.idx.msk [tilespmem:v0+s9+$0x50 ss:$0x1], $0xffff  }
.Ltmp7:
0xe4: {  	v7 =	vld.idx.msk [tilespmem:v0+s9+$0x60 ss:$0x1], $0xffff;
	s10 =	rddreg [dreg:$0x14];
	[tilespmem:s13+$0x0 ss:$0x21] =	vst.msk $0xffff, v4;
	(pc) =	sbr.rel @!p2 .LBB1_7-.Ltmp7, $4  }
0xe5: {  	v4 =	vld.idx.msk [tilespmem:v0+s16+$0x20 ss:$0x1], $0xffff;
	s13 =	rddreg [dreg:$0x15];
	[tilespmem:s11+$0x0 ss:$0x21] =	vst.msk $0xffff, v2  }
0xe6: {  	v2 =	vld.idx.msk [tilespmem:v0+s16+$0x10 ss:$0x1], $0xffff;
	s11 =	rddreg [dreg:$0x16];
	[tilespmem:s10+$0x0 ss:$0x21] =	vst.msk $0xffff, v3  }
0xe7: {  	v3 =	vld.idx.msk [tilespmem:v0+s16+$0x30 ss:$0x1], $0xffff;
	s9 =	rddreg [dreg:$0x17];
	[tilespmem:s13+$0x0 ss:$0x21] =	vst.msk $0xffff, v5  }
0xe8: {  	s14 =	sadd.s32 $0x1000, s14;
	s24 =	smov.u32 s15;
	s17 =	simm.s32 $0x200;
	[tilespmem:s11+$0x0 ss:$0x21] =	vst.msk $0xffff, v8;
	v5 =	vld.idx.msk [tilespmem:v0+s16+$0x40 ss:$0x1], $0xffff  }
.LBB1_6:
0xe9: {  	s10 =	sand.u32 $0x3C00, s14  }
0xea: {  	s10 =	sadd.s32 s10, s22  }
0xeb: {  	s30 =	sadd.s32 $0x1000, s30;
	v8 =	vld.idx.msk [tilespmem:v1+s10+$0x0 ss:$0x1], $0xffff;
	[tilespmem:s9+$0x0 ss:$0x21] =	vst.msk $0xffff, v6  }
0xec: {  	s11 =	sand.u32 $0x3800, s30;
	v6 =	vld.idx.msk [tilespmem:v0+s16+$0x50 ss:$0x1], $0xffff;
	[tilespmem:s31+$0x0 ss:$0x21] =	vst.msk $0xffff, v7  }
0xed: {  	s12 =	sadd.s32 s11, s22;
	v7 =	vld.idx.msk [tilespmem:v0+s16+$0x60 ss:$0x1], $0xffff;
	[tilespmem:s8+$0x0 ss:$0x21] =	vst.msk $0xffff, v2  }
0xee: {  	s28 =	sadd.s32 $0x1000, s28;
	s16 =	sadd.s32 s29, s10;
	[tilespmem:s4+$0x0 ss:$0x21] =	vst.msk $0xffff, v4;
	v4 =	vld.idx.msk [tilespmem:v1+s12+$0x0 ss:$0x1], $0xffff  }
0xef: {  	s13 =	sand.u32 $0x3400, s28;
	s9 =	sadd.s32 s29, s12;
	[tilespmem:s2+$0x0 ss:$0x21] =	vst.msk $0xffff, v3;
	v2 =	vld.idx.msk [tilespmem:v0+s16+$0x70 ss:$0x1], $0xffff  }
0xf0: {  	s24 =	sadd.s32 $0x1000, s24;
	s10 =	sadd.s32 s13, s22;
	[tilespmem:s5+$0x0 ss:$0x21] =	vst.msk $0xffff, v5;
	v3 =	vld.idx.msk [tilespmem:v0+s9+$0x70 ss:$0x1], $0xffff  }
0xf1: {  	s11 =	sand.u32 $0x3000, s24;
	v5 =	vld.idx.msk [tilespmem:v1+s10+$0x0 ss:$0x1], $0xffff;
	s10 =	sadd.s32 s29, s10;
	[tilespmem:s1+$0x0 ss:$0x21] =	vst.msk $0xffff, v8  }
0xf2: {  	s11 =	sadd.s32 s11, s22;
	[tilespmem:s6+$0x0 ss:$0x21] =	vst.msk $0xffff, v6;
	v6 =	vld.idx.msk [tilespmem:v0+s10+$0x70 ss:$0x1], $0xffff  }
0xf3: {  	s13 =	rddreg [dreg:$0x12];
	[tilespmem:s3+$0x0 ss:$0x21] =	vst.msk $0xffff, v7;
	v7 =	vld.idx.msk [tilespmem:v1+s11+$0x0 ss:$0x1], $0xffff;
	s11 =	sadd.s32 s29, s11  }
0xf4: {  	[tilespmem:s13+$0x0 ss:$0x21] =	vst.msk $0xffff, v4;
	v8 =	vld.idx.msk [tilespmem:v0+s11+$0x70 ss:$0x1], $0xffff  }
0xf5: {  	[tilespmem:s7+$0x0 ss:$0x21] =	vst.msk $0xffff, v2;
	v2 =	vld.idx.msk [tilespmem:v0+s11+$0x10 ss:$0x1], $0xffff  }
0xf6: {  	s23 =	rddreg [dreg:$0xa];
	v4 =	vld.idx.msk [tilespmem:v0+s11+$0x20 ss:$0x1], $0xffff;
	[tilespmem:s0+$0x0 ss:$0x21] =	vst.msk $0xffff, v3  }
0xf7: {  	s12 =	rddreg [dreg:$0x11];
	v3 =	vld.idx.msk [tilespmem:v0+s11+$0x30 ss:$0x1], $0xffff;
	[tilespmem:s23+$0x0 ss:$0x21] =	vst.msk $0xffff, v5  }
0xf8: {  	s13 =	rddreg [dreg:$0x2];
	v5 =	vld.idx.msk [tilespmem:v0+s11+$0x40 ss:$0x1], $0xffff;
	[tilespmem:s12+$0x0 ss:$0x21] =	vst.msk $0xffff, v6  }
0xf9: {  	s19 =	rddreg [dreg:$0x9];
	[tilespmem:s13+$0x0 ss:$0x21] =	vst.msk $0xffff, v7;
	v6 =	vld.idx.msk [tilespmem:v0+s11+$0x50 ss:$0x1], $0xffff  }
0xfa: {  	s23 =	rddreg [dreg:$0x3];
	v7 =	vld.idx.msk [tilespmem:v0+s11+$0x60 ss:$0x1], $0xffff;
	[tilespmem:s19+$0x0 ss:$0x21] =	vst.msk $0xffff, v8  }
0xfb: {  	s12 =	rddreg [dreg:$0x4];
	[tilespmem:s23+$0x0 ss:$0x21] =	vst.msk $0xffff, v2;
	v2 =	vld.idx.msk [tilespmem:v0+s10+$0x10 ss:$0x1], $0xffff  }
0xfc: {  	s13 =	rddreg [dreg:$0x5];
	[tilespmem:s12+$0x0 ss:$0x21] =	vst.msk $0xffff, v4;
	v4 =	vld.idx.msk [tilespmem:v0+s10+$0x20 ss:$0x1], $0xffff  }
0xfd: {  	s11 =	rddreg [dreg:$0x6];
	[tilespmem:s13+$0x0 ss:$0x21] =	vst.msk $0xffff, v3;
	v3 =	vld.idx.msk [tilespmem:v0+s10+$0x30 ss:$0x1], $0xffff  }
0xfe: {  	s19 =	rddreg [dreg:$0x7];
	[tilespmem:s11+$0x0 ss:$0x21] =	vst.msk $0xffff, v5;
	v5 =	vld.idx.msk [tilespmem:v0+s10+$0x40 ss:$0x1], $0xffff  }
0xff: {  	s23 =	rddreg [dreg:$0x8];
	[tilespmem:s19+$0x0 ss:$0x21] =	vst.msk $0xffff, v6;
	v6 =	vld.idx.msk [tilespmem:v0+s10+$0x50 ss:$0x1], $0xffff  }
0x100: {  	s11 =	rddreg [dreg:$0xb];
	[tilespmem:s23+$0x0 ss:$0x21] =	vst.msk $0xffff, v7;
	v7 =	vld.idx.msk [tilespmem:v0+s10+$0x60 ss:$0x1], $0xffff  }
0x101: {  	s19 =	rddreg [dreg:$0xc];
	[tilespmem:s11+$0x0 ss:$0x21] =	vst.msk $0xffff, v2;
	v2 =	vld.idx.msk [tilespmem:v0+s9+$0x10 ss:$0x1], $0xffff  }
0x102: {  	s23 =	rddreg [dreg:$0xd];
	[tilespmem:s19+$0x0 ss:$0x21] =	vst.msk $0xffff, v4;
	v4 =	vld.idx.msk [tilespmem:v0+s9+$0x20 ss:$0x1], $0xffff  }
0x103: {  	s11 =	rddreg [dreg:$0xe];
	[tilespmem:s23+$0x0 ss:$0x21] =	vst.msk $0xffff, v3;
	v3 =	vld.idx.msk [tilespmem:v0+s9+$0x30 ss:$0x1], $0xffff  }
0x104: {  	s17 =	sadd.s32 $0x200, s17;
	s12 =	rddreg [dreg:$0xf];
	[tilespmem:s11+$0x0 ss:$0x21] =	vst.msk $0xffff, v5;
	v5 =	vld.idx.msk [tilespmem:v0+s9+$0x40 ss:$0x1], $0xffff  }
0x105: {  	p2 =	slt.s32 s17, s21;
	s19 =	rddreg [dreg:$0x10];
	[tilespmem:s12+$0x0 ss:$0x21] =	vst.msk $0xffff, v6;
	v6 =	vld.idx.msk [tilespmem:v0+s9+$0x50 ss:$0x1], $0xffff  }
.Ltmp8:
0x106: {  	s23 =	rddreg [dreg:$0x13];
	[tilespmem:s19+$0x0 ss:$0x21] =	vst.msk $0xffff, v7;
	v7 =	vld.idx.msk [tilespmem:v0+s9+$0x60 ss:$0x1], $0xffff;
	(pc) =	sbr.rel @p2 .LBB1_6-.Ltmp8, $4  }
0x107: {  	s13 =	rddreg [dreg:$0x14];
	[tilespmem:s23+$0x0 ss:$0x21] =	vst.msk $0xffff, v2;
	v2 =	vld.idx.msk [tilespmem:v0+s16+$0x10 ss:$0x1], $0xffff  }
0x108: {  	s19 =	rddreg [dreg:$0x15];
	[tilespmem:s13+$0x0 ss:$0x21] =	vst.msk $0xffff, v4;
	v4 =	vld.idx.msk [tilespmem:v0+s16+$0x20 ss:$0x1], $0xffff  }
0x109: {  	s23 =	rddreg [dreg:$0x16];
	[tilespmem:s19+$0x0 ss:$0x21] =	vst.msk $0xffff, v3;
	v3 =	vld.idx.msk [tilespmem:v0+s16+$0x30 ss:$0x1], $0xffff  }
0x10a: {  	s14 =	sadd.s32 $0x1000, s14;
	s9 =	rddreg [dreg:$0x17];
	[tilespmem:s23+$0x0 ss:$0x21] =	vst.msk $0xffff, v5;
	v5 =	vld.idx.msk [tilespmem:v0+s16+$0x40 ss:$0x1], $0xffff  }
.LBB1_7:
0x10b: {  	_ =	sdelay $0x2  }
0x10c: {  	[tilespmem:s9+$0x0 ss:$0x21] =	vst.msk $0xffff, v6  }
0x10d: {  	v1 =	vld.idx.msk [tilespmem:v0+s16+$0x50 ss:$0x1], $0xffff;
	[tilespmem:s31+$0x0 ss:$0x21] =	vst.msk $0xffff, v7  }
0x10e: {  	v63 =	vld.idx.msk [tilespmem:v0+s16+$0x60 ss:$0x1], $0xffff;
	[tilespmem:s8+$0x0 ss:$0x21] =	vst.msk $0xffff, v2  }
0x10f: {  	[tilespmem:s4+$0x0 ss:$0x21] =	vst.msk $0xffff, v4  }
0x110: {  	[tilespmem:s2+$0x0 ss:$0x21] =	vst.msk $0xffff, v3  }
0x111: {  	[tilespmem:s5+$0x0 ss:$0x21] =	vst.msk $0xffff, v5  }
0x112: {  	[tilespmem:s6+$0x0 ss:$0x21] =	vst.msk $0xffff, v1  }
0x113: {  	[tilespmem:s3+$0x0 ss:$0x21] =	vst.msk $0xffff, v63  }
0x114: {  	s7 =	sld [smem:$0x7F7]  }
.LBB1_8:
.Ltmp9:
0x115: {  	(pc) =	sbr.rel @p1 .LBB1_11-.Ltmp9, $1  }
0x116: {  	_ =	sdelay $0x3  }
0x117: {  	s1 =	sand.u32 $0x200, s27;
	s31 =	sld [smem:$0x7F6]  }
0x118: {  	s2 =	sand.u32 $0x180, s27;
	s3 =	sadd.s32 s1, s22  }
0x119: {  	s0 =	sshrl.u32 s25, $0x4;
	s4 =	sand.u32 $0x7F, s25;
	s2 =	sadd.s32 s2, s3  }
0x11a: {  	s3 =	sadd.s32 s4, s18;
	s4 =	smov.u32 s21;
	s1 =	sadd.s32 s26, s31  }
.LBB1_10:
0x11b: {  	s5 =	sand.u32 $0x3C00, s1  }
0x11c: {  	s6 =	sand.u32 $0x70, s4;
	s30 =	sadd.s32 s4, s0;
	s5 =	sadd.s32 s5, s2  }
0x11d: {  	s4 =	sadd.s32 $0x10, s4;
	s31 =	sand.u32 $0x1F8, s30;
	s5 =	sadd.s32 s6, s5  }
0x11e: {  	p2 =	slt.s32 s4, s20;
	v0 =	vld [tilespmem:s5+$0x0];
	s5 =	smul.u32 $0x84, s31  }
.Ltmp10:
0x11f: {  	_ = 	snop;
	(pc) =	sbr.rel @p2 .LBB1_10-.Ltmp10, $4  }
0x120: {  	_ = 	snop  }
0x121: {  	s5 =	sshrl.u32 s5, $0x2  }
0x122: {  	s5 =	sadd.s32 s5, s3  }
0x123: {  	s1 =	sadd.s32 $0x80, s1;
	[tilespmem:s5+$0x0 ss:$0x21] =	vst.msk $0xffff, v0  }
.Ltmp11:
0x124: {  	_ = 	snop;
	(pc) =	sbr.rel .LBB1_11-.Ltmp11, $1  }
0x125: {  	_ =	sdelay $0x3  }
.LBB1_14:
0x126: {  	_ =	sfence.sel $0x180000  }
0x127: {  	s0 =	simm.s32 $0x1;
	[bflag:$0x0] =	sbarrier.arrive $0xFFFF  }
0x128: {  	s30 =	simm.s32 $0x2;
	[sflag:s0] =	ssyncpa.u1 $0x1  }
0x129: {  	[sflag:s30] =	ssyncpa.u1 $0x1  }
0x12a: {  	_ =	strace $0x90000047  }
0x12b: {  	s31 =	stileid.u32;
	[bflag:$0x2] =	sbarrier.arrive $0xFFFF  }
0x12c: {  	p0 =	sne.s32 s31, $0x0;
	s0 =	rddreg [dreg:$0x1]  }
0x12d: {  	s0 =	sadd.s32 @!p0 $0x100000, s0  }
0x12e: {  	[sflag:s0] =	ssyncadd.tile.s32 @!p0 $0x1;
	_ =	shalt  }
.Lfunc_end1:
_tile_overlayer_lowered:
.L_overlay_start_2:
0x12f: {  	(tag) =	ssettag $0x2  }
0x130: {  	s0 =	rddreg [dreg:$0x0];
	s2 =	stileid.u32  }
0x131: {  	s1 =	rddreg [dreg:$0x1];
	p0 =	sne.s32 s2, $0x0  }
0x132: {  	s3 =	rddreg [dreg:$0x2];
	[bflag:$0x3] =	sbarrier.arrive $0xFFFF;
	s2 =	simm.s32 @!p0 $0x1C01  }
0x133: {  	[timem:s3], [sflag:s2] =	dma.local @!p0 [hbm:s0], s1  }
0x134: {  	s0 =	simm.s32 @!p0 $0x1  }
0x135: {  	_ =	swait.ge @!p0 [sflag:s0], s1  }
0x136: {  	s1 =	ssub.s32 @!p0 $0x0, s1;
	[sflag:s0] =	ssyncset.done @!p0 $0x0  }
0x137: {  	[sflag:s0] =	ssyncadd.s32 @!p0 s1  }
0x138: {  	[bflag:$0x3] =	sbarrier.arrive $0xFFFF  }
0x139: {  	_ =	shalt  }

// kernel: sparse-core-data-format-call.cloned.1.call-start
scs
called_computation.2_lowered:
.L_overlay_start_0:
0x0: {  	s1 =	sld [smem:$0x3FD9]  }
0x1: {  	s2 =	sld [smem:$0x3FFE];
	_ =	sdelay $0x1  }
0x2: {  	s3 =	srdreg.scid  }
0x3: {  	s0 =	sand.u32 $0x1, s3  }
0x4: {  	s17 =	sshll.u32 s0, $0xA;
	s1 =	sadd.s32 s2, s1  }
0x5: {  	s1 =	sadd.s32 s1, s17  }
0x6: {  	[smem:$0x3FBD] =	sst s1  }
0x7: {  	_ = 	snop  }
0x8: {  	(tm) =	ssettm $0x1  }
0x9: {  	s18 =	sld [smem:$0x3FFB];
	_ =	sdelay $0x3  }
0xa: {  	_ =	strace s18  }
0xb: {  	s1 =	sld [smem:$0x3FFC];
	_ =	sdelay $0x3  }
0xc: {  	_ =	strace s1  }
0xd: {  	s1 =	sld [smem:$0x3FFD];
	_ =	sdelay $0x3  }
0xe: {  	_ =	strace s1  }
0xf: {  	_ =	strace $0x8FFFFFFF  }
0x10: {  	s19 =	sld [smem:$0x3FDB];
	_ =	sdelay $0x1  }
0x11: {  	s20 =	simm.s32 $_scs_section_size  }
0x12: {  	s4 =	simm.s32 $_size__tile_overlayer_lowered;
	s5 =	simm.s32 $_tile_overlayer_lowered  }
0x13: {  	s23 =	simm.s32 $0x1BFF;
	s22 =	sshll.u32 s5, $0x1;
	s1 =	sadd.s32 s20, s19  }
0x14: {  	s6 =	simm.s32 $0x0;
	s21 =	sshll.u32 s4, $0x1;
	s4 =	sadd.s32 s22, s1  }
0x15: {  	[timem:s6], [sflag:s23] =	dma.local [hbm:s4], s21  }
0x16: {  	_ =	swait.ge [sflag:s23], s21  }
0x17: {  	s2 =	ssub.s32 $0x0, s21;
	[sflag:s23] =	ssyncset.done $0x0  }
0x18: {  	[sflag:s23] =	ssyncadd.s32 s2;
	_ =	sdelay $0x1  }
0x19: {  	s24 =	simm.s32 $0x1B8B  }
0x1a: {  	_ =	swait.ge [sflag:s24], $0x1  }
0x1b: {  	[sflag:s24] =	ssyncset.done $0x0  }
0x1c: {  	s26 =	simm.s32 $0x1B8E;
	s25 =	sld [smem:$0x3FFE];
	[sflag:s24] =	ssyncadd.s32 $0xFFFFFFFF  }
0x1d: {  	s27 =	simm.s32 $execute0_lowered;
	[smem:$0x3FD2] =	sst s26  }
0x1e: {  	s4 =	sshll.u32 s27, $0x1;
	_ =	strace $0x8000005B;
	[dreg:$0x1] =	wrdreg $0xFFFFFFFF  }
0x1f: {  	s28 =	simm.s32 $_size_execute0_lowered;
	s1 =	sadd.s32 s1, s4;
	[dreg:$0x0] =	wrdreg $0x0  }
0x20: {  	s4 =	sshll.u32 s28, $0x1;
	[dreg:$0x2] =	wrdreg s1  }
0x21: {  	[dreg:$0x3] =	wrdreg s4  }
0x22: {  	[dreg:$0x4] =	wrdreg $0xC0  }
0x23: {  	_ =	task [dreg:s6], $0x5FFFF  }
0x24: {  	[dreg:$0x1] =	wrdreg $0xFFFFFFFF  }
0x25: {  	[dreg:$0x0] =	wrdreg $0x60  }
0x26: {  	[dreg:$0x2] =	wrdreg s25  }
0x27: {  	[dreg:$0x3] =	wrdreg $0x9  }
0x28: {  	_ =	task.clear_ibuf [dreg:s6], $0x4FFFF;
	_ =	strace $0x9000005B  }
0x29: {  	s29 =	simm.s32 $0x9;
	_ =	strace $0x8000005D  }
0x2a: {  	_ =	swait.ge [sflag:s29], $0x1  }
0x2b: {  	[sflag:s29] =	ssyncadd.s32 $0xFFFFFFFF  }
0x2c: {  	_ =	strace $0x9000005D  }
0x2d: {  	_ =	sfence  }
0x2e: {  	s30 =	sld [smem:$0x0];
	_ =	sdelay $0x2  }
0x2f: {  	s31 =	sshll.u32 s3, $0xD;
	s3 =	sshrl.u32 s3, $0x2  }
0x30: {  	s2 =	sand.u32 $0x4000, s31;
	s1 =	sadd.s32 s3, s30  }
0x31: {  	s0 =	sor.u32 s2, s0;
	s1 =	sshll.u32 s1, $0x11  }
0x32: {  	s0 =	sor.u32 s1, s0  }
0x33: {  	s0 =	sadd.s32 $0x8F2B, s0  }
0x34: {  	[sflag:s0] =	ssyncadd.remote.s32 $0x1  }
0x35: {  	_ =	sfence.sel $0xFFFF  }
0x36: {  	[dreg:$0x0] =	wrdreg $0xFFFFFFFF;
	(pc) =	sbr.abs _section_cstart, $3  }
0x37: {  	[dreg:$0x1] =	wrdreg $0xFFFFFFFF  }
0x38: {  	_ =	task.clear_ibuf [dreg:s6], $0x2FFFF;
	_ =	strace $0x9FFFFFFF  }
0x39: {  	(tm) =	ssettm $0x7FFFFFFF  }
tec
execute0_lowered:
.L_overlay_start_1:
0x0: {  	(tag) =	ssettag $0x1  }
0x1: {  	s0 =	srdreg.scid  }
0x2: {  	s1 =	rddreg [dreg:$0x0];
	s2 =	stileid.u32  }
0x3: {  	_ =	strace $0x8000005C;
	s29 =	simm.s32 $0x1;
	s31 =	simm.s32 $0x2  }
0x4: {  	s15 =	simm.s32 $0x0;
	s14 =	simm.s32 $0x0;
	s0 =	sshll.u32 s0, $0x4  }
0x5: {  	s9 =	simm.s32 $0x0;
	s11 =	simm.s32 $0x0;
	s0 =	sand.u32 $0x10, s0  }
0x6: {  	s26 =	sadd.s32 $0x4C4BC00, s1;
	s28 =	sadd.s32 $0x3D3A00, s1;
	s0 =	sor.u32 s2, s0  }
.Ltmp0:
0x7: {  	[dreg:$0x18] =	wrdreg s26;
	s27 =	sshll.u32 s0, $0x9;
	(pc) =	sbr.rel .LBB1_1-.Ltmp0, $4  }
0x8: {  	s12 =	simm.s32 $0x0;
	[dreg:$0x1a] =	wrdreg s28;
	s30 =	ssub.s32 $0x30D000, s27  }
0x9: {  	s13 =	simm.s32 $0x0;
	[dreg:$0x19] =	wrdreg s27;
	s0 =	sshrl.u32 s30, $0xE  }
0xa: {  	[sflag:s29] =	ssyncpa.u1 $0x0;
	[dreg:$0x1b] =	wrdreg s0;
	s8 =	sadd.s32 $0x2, s0  }
0xb: {  	[sflag:s31] =	ssyncpa.u1 $0x0;
	s10 =	smov.u32 s27;
	[dreg:$0x1c] =	wrdreg s8  }
.LBB1_12:
0xc: {  	s9 =	rddreg [dreg:$0x1d]  }
0xd: {  	s11 =	rddreg [dreg:$0x1f]  }
0xe: {  	s4 =	sld [smem:$0x7FC]  }
0xf: {  	s24 =	sld [smem:$0x7FB]  }
0x10: {  	s29 =	rddreg [dreg:$0x1a]  }
0x11: {  	s8 =	rddreg [dreg:$0x1c]  }
0x12: {  	s10 =	rddreg [dreg:$0x1e]  }
0x13: {  	s12 =	sld [smem:$0x7FA]  }
0x14: {  	s13 =	sld [smem:$0x7FD]  }
0x15: {  	s31 =	simm.s32 $0x80;
	s14 =	sld [smem:$0x7F9]  }
0x16: {  	s15 =	sld [smem:$0x7F8];
	s0 =	sshll.u32 s9, $0x7;
	s1 =	sshll.u32 s11, $0x3  }
0x17: {  	p0 =	sgt.s32 s9, $0x30CFF8;
	s2 =	sand.u32 $0xFFFFFC00, s0;
	s1 =	sand.u32 $0xFFFFFC00, s1  }
0x18: {  	s0 =	sand.u32 $0x380, s0;
	s1 =	sadd.s32 s1, s2;
	s2 =	smov.u32 s9  }
0x19: {  	s3 =	smov.u32 s11;
	s0 =	sor.u32 s0, s1;
	s2 =	simm.s32 @!p0 $0x30CFF8  }
0x1a: {  	p0 =	sgt.s32 s11, $0x60;
	s0 =	sshrl.u32 s0, $0x7;
	s2 =	sadd.s32 s4, s2  }
0x1b: {  	s3 =	simm.s32 @!p0 $0x60;
	s23 =	smulhi.u32 $0x14F994F, s0;
	s25 =	sadd.s32 $0xFFCF3008, s2  }
0x1c: {  	s3 =	sadd.s32 s24, s3;
	s2 =	ssub.s32 $0x30D1F8, s2;
	p0 =	sgt.s32 s25, $0x1FF  }
0x1d: {  	s26 =	sadd.s32 $0xFFFFFFA0, s3;
	s3 =	ssub.s32 $0x80, s3;
	s1 =	sshrl.u32 s23, $0xE  }
0x1e: {  	s2 =	simm.s32 @p0 $0x0;
	p0 =	sgt.s32 s26, $0x1F;
	s1 =	smul.u32 $0x30D1F8, s1  }
0x1f: {  	s27 =	sshrl.u32 s11, $0x3;
	s28 =	sand.u32 $0x7, s11;
	s3 =	simm.s32 @p0 $0x0  }
0x20: {  	s2 =	smul.u32 s3, s2;
	s0 =	ssub.s32 s0, s1;
	s1 =	sand.u32 $0xF, s27  }
0x21: {  	s3 =	sshll.u32 s28, $0x12;
	s0 =	sshll.u32 s0, $0x4;
	s1 =	sadd.s32 s29, s1  }
0x22: {  	s30 =	sor.u32 $0x20, s3;
	s2 =	sand.u32 $0x3FFFFFFF, s2;
	s0 =	sadd.s32 s0, s1  }
0x23: {  	[hbm4b:s0+s30] =	stream.strided.scatter [tilespmem:s18], [sflag:$0x2], s2, s31, s30, $0x10;
	[tilespmem:$0x10400] =	vst v63  }
.LBB1_13:
0x24: {  	p0 =	slt.u32 s13, $0x2  }
0x25: {  	s1 =	smov.u32 s15;
	s2 =	smov.u32 s14;
	p1 =	sgt.s32 @!p0 s15, $0x30CFF8  }
0x26: {  	s0 =	sshra.s32 @!p0 s15, $0x1F;
	p2 =	sgt.s32 @!p0 s14, $0x60;
	s3 =	sshra.s32 @!p0 s14, $0x1F  }
0x27: {  	p1 =	por !p1, p0;
	s0 =	sand.u32 @!p0 s0, s15;
	p2 =	por !p2, p0  }
0x28: {  	s3 =	sand.u32 @!p0 s3, s14;
	s1 =	simm.s32 @p1 $0x30CFF8;
	s2 =	simm.s32 @p2 $0x60  }
0x29: {  	s0 =	ssub.s32 @!p0 s1, s0;
	s1 =	ssub.s32 @!p0 s2, s3  }
0x2a: {  	s2 =	sadd.s32 @!p0 $0xFFCF3008, s0;
	s3 =	sadd.s32 @!p0 $0xFFFFFFA0, s1  }
0x2b: {  	s0 =	ssub.s32 @!p0 $0x30D1F8, s0;
	p1 =	sgt.s32 @!p0 s2, $0x1FF;
	p2 =	sgt.s32 @!p0 s3, $0x1F  }
0x2c: {  	s1 =	ssub.s32 @!p0 $0x80, s1;
	p1 =	por !p1, p0;
	p2 =	por !p2, p0  }
0x2d: {  	s0 =	simm.s32 @!p1 $0x0;
	s1 =	simm.s32 @!p2 $0x0  }
0x2e: {  	s0 =	smul.u32 @!p0 s1, s0  }
0x2f: {  	s4 =	smov.u32 s12  }
0x30: {  	s2 =	simm.s32 @!p0 $0x2;
	s1 =	sadd.s32 $0x4000, s10;
	s0 =	sand.u32 @!p0 $0x3FFFFFFF, s0  }
0x31: {  	s3 =	sadd.s32 $0x20, s12;
	p1 =	sgt.s32 s1, $0x30D1F6;
	_ =	swait.ge @!p0 [sflag:s2], s0  }
0x32: {  	s4 =	smov.u32 @p1 s3;
	s3 =	rddreg [dreg:$0x19]  }
0x33: {  	s1 =	smov.u32 @p1 s3;
	p1 =	sgt.s32 s4, $0x13  }
0x34: {  	s4 =	simm.s32 @p1 $0x0;
	p1 =	sne.s32 s13, s8  }
.Ltmp1:
0x35: {  	_ = 	snop;
	(pc) =	sbr.rel @!p1 .LBB1_14-.Ltmp1, $4  }
0x36: {  	s15 =	smov.u32 s9  }
0x37: {  	s14 =	smov.u32 s11;
	s0 =	ssub.s32 @!p0 $0x0, s0;
	[sflag:s2] =	ssyncset.done @!p0 $0x0  }
0x38: {  	s9 =	smov.u32 s10;
	s11 =	smov.u32 s12;
	[sflag:s2] =	ssyncadd.s32 @!p0 s0  }
0x39: {  	s13 =	sadd.s32 $0x1, s13;
	s10 =	smov.u32 s1;
	s12 =	smov.u32 s4  }
.LBB1_1:
0x3a: {  	s0 =	rddreg [dreg:$0x1b]  }
0x3b: {  	p0 =	sgt.u32 s13, s0  }
0x3c: {  	s6 =	smov.u32 s10;
	s0 =	sshrl.u32 @!p0 s12, $0x3  }
0x3d: {  	s1 =	sshll.u32 @!p0 s10, $0x3;
	s2 =	sshll.u32 @!p0 s12, $0x7;
	s0 =	smul.u32 @!p0 $0x1869000, s0  }
0x3e: {  	s3 =	sand.u32 @!p0 $0x7F, s10;
	p1 =	sgt.s32 @!p0 s12, $0xFFFFFFF8;
	s1 =	sand.u32 @!p0 $0xFFFFFC00, s1  }
0x3f: {  	s5 =	sshra.s32 @!p0 s12, $0x1F;
	s0 =	sadd.s32 @!p0 s0, s1;
	s1 =	sand.u32 @!p0 $0x380, s2  }
0x40: {  	s7 =	sshra.s32 @!p0 s10, $0x1F;
	p1 =	por !p1, p0;
	s0 =	sor.u32 @!p0 s1, s0  }
0x41: {  	s5 =	sand.u32 @!p0 s5, s12;
	s7 =	sand.u32 @!p0 s7, s10;
	s1 =	sshrl.u32 @!p0 s0, $0x9  }
0x42: {  	s0 =	sor.u32 @!p0 s3, s0;
	s3 =	smov.u32 s12;
	s1 =	smulhi.u32 @!p0 $0x29F323, s1  }
0x43: {  	s2 =	sxor.u32 @!p0 $0xFFFFFFFF, s13;
	s3 =	simm.s32 @p1 $0xFFFFFFF8;
	p1 =	sgt.s32 @!p0 s10, $0x30D000  }
0x44: {  	s2 =	sshll.u32 @!p0 s2, $0xE;
	p1 =	por !p1, p0;
	s1 =	sshrl.u32 @!p0 s1, $0x2  }
0x45: {  	s3 =	ssub.s32 @!p0 s3, s5;
	s6 =	simm.s32 @p1 $0x30D000;
	s4 =	smul.u32 @!p0 $0xAAB, s1  }
0x46: {  	s5 =	ssub.s32 @!p0 s6, s7;
	s6 =	sadd.s32 @!p0 $0x8, s3;
	s3 =	ssub.s32 @!p0 $0x18, s3  }
0x47: {  	s7 =	sadd.s32 @!p0 $0xFFCF3000, s5;
	p1 =	sgt.s32 @!p0 s6, $0x1F;
	s4 =	sshrl.u32 @!p0 s4, $0x10  }
0x48: {  	p2 =	sgt.s32 @!p0 s7, $0x1FF;
	p1 =	por !p1, p0;
	s4 =	smul.u32 @!p0 $0x18, s4  }
0x49: {  	s5 =	ssub.s32 @!p0 $0x30D200, s5;
	p2 =	por !p2, p0;
	s3 =	simm.s32 @!p1 $0x0  }
0x4a: {  	s5 =	simm.s32 @!p2 $0x0;
	s4 =	ssub.s32 @!p0 s1, s4;
	s1 =	smul.u32 @!p0 $0x30D200, s1  }
0x4b: {  	s2 =	sand.u32 @!p0 $0x4000, s2;
	s3 =	smul.u32 @!p0 s3, s5  }
0x4c: {  	s5 =	rddreg [dreg:$0x18];
	s0 =	ssub.s32 @!p0 s0, s1;
	s1 =	sand.u32 @!p0 $0xFFFF, s4  }
0x4d: {  	s1 =	smul.u32 @!p0 $0x61A40, s1;
	s4 =	sshrl.u32 @!p0 s0, $0x3;
	s0 =	sand.u32 @!p0 $0x7, s0  }
0x4e: {  	s3 =	sand.u32 @!p0 $0x3FFFFFFF, s3;
	s4 =	sadd.s32 @!p0 s5, s4;
	s0 =	sshll.u32 @!p0 s0, $0x12  }
0x4f: {  	s1 =	sadd.s32 @!p0 s1, s4;
	s0 =	sor.u32 @!p0 $0x1000, s0;
	s4 =	simm.s32 @!p0 $0x1869000  }
0x50: {  	[tilespmem:s2], [sflag:$0x1] =	stream.strided.gather @!p0 [hbm4b:s1+s0], s3, s4, s0, $0x38;
	[tilespmem:$0x10400] =	vst v63  }
0x51: {  	p0 =	seq.s32 s13, $0x0  }
0x52: {  	p1 =	sge.u32 @!p0 s13, s8  }
0x53: {  	p0 =	por p0, p1  }
.Ltmp2:
0x54: {  	_ = 	snop;
	(pc) =	sbr.rel @p0 .LBB1_13-.Ltmp2, $1  }
0x55: {  	_ =	sdelay $0x3  }
0x56: {  	s0 =	ssub.s32 $0x0, s11;
	s1 =	sshra.s32 s11, $0x1F;
	p0 =	sgt.s32 s11, $0xFFFFFFF8  }
0x57: {  	s2 =	smov.u32 s11;
	s25 =	ssub.s32 $0x0, s9;
	s26 =	sshra.s32 s9, $0x1F  }
0x58: {  	s3 =	smov.u32 s9;
	s2 =	simm.s32 @!p0 $0xFFFFFFF8;
	p0 =	sgt.s32 s9, $0x30D000  }
0x59: {  	s4 =	sand.u32 s0, s1;
	s1 =	sand.u32 s25, s26;
	s3 =	simm.s32 @!p0 $0x30D000  }
0x5a: {  	s2 =	sadd.s32 s4, s2;
	[smem:$0x7FC] =	sst s1;
	s1 =	sadd.s32 s1, s3  }
0x5b: {  	s27 =	sadd.s32 $0x8, s2;
	s2 =	ssub.s32 $0x18, s2;
	s28 =	sadd.s32 $0xFFCF3000, s1  }
0x5c: {  	p0 =	sgt.s32 s27, $0x1F;
	s0 =	ssub.s32 $0x30D200, s1;
	p1 =	sgt.s32 s28, $0x1FF  }
0x5d: {  	s2 =	simm.s32 @p0 $0x0;
	s0 =	simm.s32 @p1 $0x0  }
0x5e: {  	[smem:$0x7F8] =	sst s15;
	s29 =	smul.u32 s2, s0;
	s2 =	sadd.s32 $0x20, s11  }
0x5f: {  	[smem:$0x7F9] =	sst s14;
	p0 =	slt.s32 s2, $0x14  }
0x60: {  	[smem:$0x7FA] =	sst s12;
	s2 =	simm.s32 @!p0 $0x14  }
0x61: {  	[dreg:$0x1e] =	wrdreg s10;
	s7 =	ssub.s32 s2, s11  }
0x62: {  	[dreg:$0x1d] =	wrdreg s9;
	p0 =	slt.s32 s7, $0x1  }
.Ltmp3:
0x63: {  	[smem:$0x7FD] =	sst s13;
	s30 =	simm.s32 $0x1;
	(pc) =	sbr.rel @p0 .LBB1_12-.Ltmp3, $4  }
0x64: {  	[smem:$0x7FB] =	sst s4;
	s0 =	sand.u32 $0x1, s13;
	s1 =	sand.u32 $0x3FFFFFFF, s29  }
0x65: {  	s31 =	smul.u32 $0x4200, s0;
	_ =	swait.ge [sflag:s30], s1  }
0x66: {  	s1 =	ssub.s32 $0x0, s1;
	[sflag:s30] =	ssyncset.done $0x0  }
0x67: {  	[dreg:$0x1f] =	wrdreg s11;
	s18 =	sor.u32 $0x8000, s31;
	[sflag:s30] =	ssyncadd.s32 s1  }
0x68: {  	s2 =	rddreg [dreg:$0x1d]  }
0x69: {  	s1 =	sadd.s32 $0x200, s2  }
0x6a: {  	p0 =	slt.s32 s1, $0x30D1F7  }
0x6b: {  	s1 =	simm.s32 @!p0 $0x30D1F7  }
.Ltmp4:
0x6c: {  	s1 =	ssub.s32 s1, s2;
	(pc) =	sbr.rel .LBB1_4-.Ltmp4, $4  }
0x6d: {  	s22 =	sshll.u32 s0, $0xE;
	s15 =	simm.s32 $0x0;
	s1 =	sadd.s32 $0xF, s1  }
0x6e: {  	s25 =	simm.s32 $0x0;
	[smem:$0x7F7] =	sst s7;
	s30 =	sshll.u32 s1, $0x3  }
0x6f: {  	s20 =	sand.u32 $0xFFFFFFF0, s1;
	s21 =	sand.u32 $0xFFFFFE00, s1;
	s31 =	sand.u32 $0xFFFFF000, s30  }
0x70: {  	p0 =	slt.s32 s1, $0x200;
	p1 =	sge.s32 s21, s20;
	[smem:$0x7F6] =	sst s31  }
.LBB1_11:
0x71: {  	s25 =	sadd.s32 $0x1, s25  }
0x72: {  	p2 =	sne.s32 s25, s7  }
.Ltmp5:
0x73: {  	_ = 	snop;
	(pc) =	sbr.rel @!p2 .LBB1_12-.Ltmp5, $2  }
0x74: {  	_ =	sdelay $0x2  }
0x75: {  	s15 =	sadd.s32 $0x200, s15  }
.LBB1_4:
.Ltmp6:
0x76: {  	(pc) =	sbr.rel @p0 .LBB1_8-.Ltmp6, $2  }
0x77: {  	_ =	sdelay $0x2  }
0x78: {  	s26 =	sand.u32 $0x3000, s15;
	s27 =	sshll.u32 s25, $0x7  }
0x79: {  	s3 =	sshll.u32 s25, $0x3;
	s1 =	sshll.u32 s25, $0x9  }
0x7a: {  	s29 =	sand.u32 $0x200, s27;
	s7 =	sand.u32 $0x7F, s25;
	s16 =	sand.u32 $0x380, s27  }
0x7b: {  	s2 =	sshrl.u32 s3, $0x7;
	s5 =	sadd.s32 $0x800, s3;
	s6 =	sadd.s32 $0x1000, s3  }
0x7c: {  	s8 =	sadd.s32 $0x1800, s3;
	s23 =	sadd.s32 $0x2000, s3;
	s10 =	sadd.s32 $0x2800, s3  }
0x7d: {  	s13 =	sadd.s32 $0x3000, s3;
	s3 =	sadd.s32 $0x3800, s3;
	s30 =	sor.u32 $0x800, s1  }
0x7e: {  	s0 =	sand.u32 $0x1F8, s2;
	s5 =	sshrl.u32 s5, $0x7;
	s6 =	sshrl.u32 s6, $0x7  }
0x7f: {  	s19 =	sshrl.u32 s8, $0x7;
	s9 =	sshrl.u32 s23, $0x7;
	s8 =	sshrl.u32 s10, $0x7  }
0x80: {  	s3 =	sshrl.u32 s3, $0x7;
	s4 =	smul.u32 $0x84, s0;
	s5 =	sand.u32 $0x1F8, s5  }
0x81: {  	s10 =	sadd.s32 $0xA0, s2;
	s6 =	sand.u32 $0x1F8, s6;
	s5 =	smul.u32 $0x84, s5  }
0x82: {  	s12 =	sand.u32 $0x1F8, s8;
	s3 =	sand.u32 $0x1F8, s3;
	s6 =	smul.u32 $0x84, s6  }
0x83: {  	s0 =	sxor.u32 $0x100, s0;
	s3 =	smul.u32 $0x84, s3;
	s4 =	sshrl.u32 s4, $0x2  }
0x84: {  	s8 =	sadd.s32 $0x90, s2;
	s0 =	smul.u32 $0x84, s0;
	s4 =	sadd.s32 s4, s18  }
0x85: {  	s5 =	sshrl.u32 s5, $0x2;
	s6 =	sshrl.u32 s6, $0x2;
	s3 =	sshrl.u32 s3, $0x2  }
0x86: {  	s0 =	sshrl.u32 s0, $0x2;
	s4 =	sadd.s32 s7, s4;
	s17 =	sadd.s32 s5, s18  }
0x87: {  	s5 =	sand.u32 $0x1F8, s19;
	s6 =	sadd.s32 s6, s18;
	s3 =	sadd.s32 s3, s18  }
0x88: {  	s0 =	sadd.s32 s0, s18;
	[dreg:$0x2] =	wrdreg s4;
	s4 =	sadd.s32 s7, s17  }
0x89: {  	s5 =	smul.u32 $0x84, s5;
	s24 =	sadd.s32 s7, s6;
	s6 =	sand.u32 $0x1F8, s9  }
0x8a: {  	s17 =	sshrl.u32 s13, $0x7;
	s3 =	sadd.s32 s7, s3;
	[dreg:$0x3] =	wrdreg s4  }
0x8b: {  	s0 =	sadd.s32 s7, s0;
	s6 =	smul.u32 $0x84, s6;
	[dreg:$0x4] =	wrdreg s24  }
0x8c: {  	s24 =	sadd.s32 $0x80, s2;
	[dreg:$0x9] =	wrdreg s3;
	s5 =	sshrl.u32 s5, $0x2  }
0x8d: {  	[dreg:$0x12] =	wrdreg s0;
	s5 =	sadd.s32 s5, s18;
	s6 =	sshrl.u32 s6, $0x2  }
0x8e: {  	s11 =	sadd.s32 s7, s5;
	s5 =	smul.u32 $0x84, s12;
	s14 =	sadd.s32 s6, s18  }
0x8f: {  	s6 =	sand.u32 $0x1F8, s17;
	s17 =	sadd.s32 $0xC0, s2;
	[dreg:$0x5] =	wrdreg s11  }
0x90: {  	s4 =	sadd.s32 s7, s14;
	s6 =	smul.u32 $0x84, s6;
	s11 =	sadd.s32 $0xB0, s2  }
0x91: {  	s5 =	sshrl.u32 s5, $0x2;
	[dreg:$0x6] =	wrdreg s4;
	s4 =	sand.u32 $0x1F8, s8  }
0x92: {  	s5 =	sadd.s32 s5, s18;
	s23 =	sshrl.u32 s6, $0x2;
	s6 =	sand.u32 $0x1F8, s24  }
0x93: {  	s4 =	smul.u32 $0x84, s4;
	s24 =	sadd.s32 $0xE0, s2;
	s19 =	sadd.s32 s7, s5  }
0x94: {  	s5 =	sadd.s32 s23, s18;
	s6 =	smul.u32 $0x84, s6;
	s23 =	sadd.s32 $0xD0, s2  }
0x95: {  	[dreg:$0x7] =	wrdreg s19;
	s5 =	sadd.s32 s7, s5;
	s4 =	sshrl.u32 s4, $0x2  }
0x96: {  	[dreg:$0x8] =	wrdreg s5;
	s5 =	sshrl.u32 s6, $0x2;
	s4 =	sadd.s32 s4, s18  }
0x97: {  	s6 =	sand.u32 $0x1F8, s11;
	s11 =	sadd.s32 $0x110, s2;
	s5 =	sadd.s32 s5, s18  }
0x98: {  	s12 =	sadd.s32 s7, s4;
	s13 =	smul.u32 $0x84, s6;
	s6 =	sand.u32 $0x1F8, s24  }
0x99: {  	s9 =	sadd.s32 s7, s5;
	s5 =	sand.u32 $0x1F8, s10;
	s6 =	smul.u32 $0x84, s6  }
0x9a: {  	s24 =	sadd.s32 $0x140, s2;
	[dreg:$0xb] =	wrdreg s12;
	s5 =	smul.u32 $0x84, s5  }
0x9b: {  	[dreg:$0xa] =	wrdreg s9;
	s4 =	sshrl.u32 s13, $0x2;
	s9 =	sadd.s32 $0xF0, s2  }
0x9c: {  	s4 =	sadd.s32 s4, s18;
	s14 =	sshrl.u32 s5, $0x2;
	s5 =	sand.u32 $0x1F8, s17  }
0x9d: {  	s19 =	sadd.s32 s7, s4;
	s4 =	sand.u32 $0x1F8, s23;
	s17 =	sand.u32 $0x180, s27  }
0x9e: {  	s23 =	sadd.s32 $0x130, s2;
	s3 =	sadd.s32 s14, s18;
	s5 =	smul.u32 $0x84, s5  }
0x9f: {  	s4 =	smul.u32 $0x84, s4;
	[dreg:$0xd] =	wrdreg s19;
	s3 =	sadd.s32 s7, s3  }
0xa0: {  	s14 =	sadd.s32 $0x120, s2;
	[dreg:$0xc] =	wrdreg s3;
	s5 =	sshrl.u32 s5, $0x2  }
0xa1: {  	s8 =	sshrl.u32 s4, $0x2;
	s4 =	sand.u32 $0x1F8, s9;
	s5 =	sadd.s32 s5, s18  }
0xa2: {  	s3 =	sadd.s32 s8, s18;
	s4 =	smul.u32 $0x84, s4;
	s5 =	sadd.s32 s7, s5  }
0xa3: {  	s9 =	sadd.s32 $0x150, s2;
	s3 =	sadd.s32 s7, s3;
	[dreg:$0xe] =	wrdreg s5  }
0xa4: {  	s5 =	sshrl.u32 s6, $0x2;
	[dreg:$0xf] =	wrdreg s3;
	s4 =	sshrl.u32 s4, $0x2  }
0xa5: {  	s3 =	sand.u32 $0x1F8, s14;
	s5 =	sadd.s32 s5, s18;
	s4 =	sadd.s32 s4, s18  }
0xa6: {  	s3 =	smul.u32 $0x84, s3;
	s10 =	sadd.s32 s7, s5;
	s5 =	sand.u32 $0x1F8, s11  }
0xa7: {  	s12 =	sadd.s32 s7, s4;
	s11 =	sadd.s32 $0x160, s2;
	[dreg:$0x10] =	wrdreg s10  }
0xa8: {  	s13 =	smul.u32 $0x84, s5;
	[dreg:$0x11] =	wrdreg s12;
	s3 =	sshrl.u32 s3, $0x2  }
0xa9: {  	s5 =	sand.u32 $0x1F8, s24;
	s12 =	sadd.s32 $0x170, s2;
	s24 =	sadd.s32 $0x180, s2  }
0xaa: {  	s3 =	sadd.s32 s3, s18;
	s6 =	smul.u32 $0x84, s5;
	s5 =	sand.u32 $0x1F8, s12  }
0xab: {  	s4 =	sshrl.u32 s13, $0x2;
	s3 =	sadd.s32 s7, s3;
	s14 =	smul.u32 $0x84, s5  }
0xac: {  	s5 =	sadd.s32 $0x190, s2;
	s4 =	sadd.s32 s4, s18;
	[dreg:$0x14] =	wrdreg s3  }
0xad: {  	s3 =	sshrl.u32 s6, $0x2;
	s6 =	sand.u32 $0x1F8, s5;
	s19 =	sadd.s32 s7, s4  }
0xae: {  	s4 =	sand.u32 $0x1F8, s23;
	s3 =	sadd.s32 s3, s18;
	s23 =	sshrl.u32 s14, $0x2  }
0xaf: {  	s14 =	sor.u32 $0xC00, s1;
	s4 =	smul.u32 $0x84, s4;
	[dreg:$0x13] =	wrdreg s19  }
0xb0: {  	s10 =	sadd.s32 s7, s3;
	s3 =	sand.u32 $0x1F8, s11;
	s11 =	sadd.s32 $0x1B0, s2  }
0xb1: {  	s3 =	smul.u32 $0x84, s3;
	[dreg:$0x16] =	wrdreg s10;
	s8 =	sshrl.u32 s4, $0x2  }
0xb2: {  	s4 =	sand.u32 $0x1F8, s9;
	s9 =	smul.u32 $0x84, s6;
	s0 =	sadd.s32 s8, s18  }
0xb3: {  	s4 =	smul.u32 $0x84, s4;
	s19 =	sshrl.u32 s3, $0x2;
	s8 =	sadd.s32 $0x1A0, s2  }
0xb4: {  	s3 =	sadd.s32 s23, s18;
	s0 =	sadd.s32 s7, s0;
	s10 =	sand.u32 $0x1F8, s8  }
0xb5: {  	s12 =	sshrl.u32 s9, $0x2;
	s9 =	sadd.s32 $0x1C0, s2;
	s4 =	sshrl.u32 s4, $0x2  }
0xb6: {  	[dreg:$0x15] =	wrdreg s0;
	s0 =	sadd.s32 s19, s18;
	s4 =	sadd.s32 s4, s18  }
0xb7: {  	s31 =	sadd.s32 s7, s0;
	s13 =	sadd.s32 s7, s4;
	s4 =	sand.u32 $0x1F8, s24  }
0xb8: {  	s0 =	sadd.s32 s7, s3;
	[dreg:$0x17] =	wrdreg s13;
	s3 =	smul.u32 $0x84, s4  }
0xb9: {  	s4 =	smul.u32 $0x84, s10;
	s13 =	sand.u32 $0x1F8, s11;
	s10 =	sadd.s32 $0x1D0, s2  }
0xba: {  	s5 =	smul.u32 $0x84, s13;
	s6 =	sand.u32 $0x1F8, s10;
	s3 =	sshrl.u32 s3, $0x2  }
0xbb: {  	s4 =	sshrl.u32 s4, $0x2;
	s6 =	smul.u32 $0x84, s6;
	s3 =	sadd.s32 s3, s18  }
0xbc: {  	s19 =	sadd.s32 s4, s18;
	s5 =	sshrl.u32 s5, $0x2;
	s4 =	sand.u32 $0x1F8, s9  }
0xbd: {  	s9 =	sadd.s32 $0x1E0, s2;
	s2 =	sadd.s32 $0x1F0, s2;
	s1 =	sadd.s32 s7, s3  }
0xbe: {  	s3 =	sadd.s32 s12, s18;
	s4 =	smul.u32 $0x84, s4;
	s9 =	sand.u32 $0x1F8, s9  }
0xbf: {  	s2 =	sand.u32 $0x1F8, s2;
	s5 =	sadd.s32 s5, s18;
	s9 =	smul.u32 $0x84, s9  }
0xc0: {  	s11 =	sshrl.u32 s6, $0x2;
	s8 =	sadd.s32 s7, s3;
	s23 =	smul.u32 $0x84, s2  }
0xc1: {  	v1 =	vmov s16;
	s2 =	sadd.s32 s7, s5;
	s3 =	sadd.s32 s11, s18;
	s4 =	sshrl.u32 s4, $0x2  }
0xc2: {  	v0 =	vmov s17;
	s6 =	sadd.s32 s7, s3;
	s24 =	sadd.s32 s4, s18;
	s4 =	sadd.s32 s7, s19  }
0xc3: {  	s12 =	sshrl.u32 s9, $0x2;
	s13 =	sshrl.u32 s23, $0x2;
	s23 =	sand.u32 $0x3C00, s14  }
0xc4: {  	s5 =	sadd.s32 s7, s24;
	s19 =	sadd.s32 s12, s18;
	s9 =	sadd.s32 s13, s18  }
0xc5: {  	s3 =	sadd.s32 s7, s19;
	s7 =	sadd.s32 s7, s9;
	s9 =	sadd.s32 s23, s22  }
0xc6: {  	s24 =	sand.u32 $0x3800, s30;
	v2 =	vld.idx.msk [tilespmem:v1+s9+$0x0 ss:$0x1], $0xffff;
	s16 =	sadd.s32 s29, s9  }
0xc7: {  	s9 =	sadd.s32 s24, s22;
	v3 =	vld.idx.msk [tilespmem:v0+s16+$0x70 ss:$0x1], $0xffff  }
0xc8: {  	v4 =	vld.idx.msk [tilespmem:v1+s9+$0x0 ss:$0x1], $0xffff  }
0xc9: {  	s28 =	sor.u32 $0x400, s26  }
0xca: {  	s11 =	sand.u32 $0x3400, s28;
	s9 =	sadd.s32 s29, s9  }
0xcb: {  	s10 =	rddreg [dreg:$0x12];
	s23 =	sadd.s32 s11, s22;
	[tilespmem:s1+$0x0 ss:$0x21] =	vst.msk $0xffff, v2;
	v2 =	vld.idx.msk [tilespmem:v0+s9+$0x70 ss:$0x1], $0xffff  }
0xcc: {  	s12 =	rddreg [dreg:$0xa];
	[tilespmem:s7+$0x0 ss:$0x21] =	vst.msk $0xffff, v3;
	v3 =	vld.idx.msk [tilespmem:v1+s23+$0x0 ss:$0x1], $0xffff;
	s23 =	sadd.s32 s29, s23  }
0xcd: {  	s19 =	sadd.s32 s26, s22;
	s13 =	rddreg [dreg:$0x11];
	[tilespmem:s10+$0x0 ss:$0x21] =	vst.msk $0xffff, v4;
	v4 =	vld.idx.msk [tilespmem:v0+s23+$0x70 ss:$0x1], $0xffff  }
0xce: {  	v5 =	vld.idx.msk [tilespmem:v1+s19+$0x0 ss:$0x1], $0xffff  }
0xcf: {  	s17 =	sadd.s32 s29, s19  }
0xd0: {  	s10 =	rddreg [dreg:$0x2];
	[tilespmem:s0+$0x0 ss:$0x21] =	vst.msk $0xffff, v2;
	v2 =	vld.idx.msk [tilespmem:v0+s17+$0x70 ss:$0x1], $0xffff  }
0xd1: {  	s11 =	rddreg [dreg:$0x9];
	[tilespmem:s12+$0x0 ss:$0x21] =	vst.msk $0xffff, v3;
	v3 =	vld.idx.msk [tilespmem:v0+s17+$0x10 ss:$0x1], $0xffff  }
0xd2: {  	s24 =	rddreg [dreg:$0x3];
	[tilespmem:s13+$0x0 ss:$0x21] =	vst.msk $0xffff, v4  }
0xd3: {  	[tilespmem:s10+$0x0 ss:$0x21] =	vst.msk $0xffff, v5;
	v4 =	vld.idx.msk [tilespmem:v0+s17+$0x20 ss:$0x1], $0xffff  }
0xd4: {  	v5 =	vld.idx.msk [tilespmem:v0+s17+$0x30 ss:$0x1], $0xffff;
	s10 =	rddreg [dreg:$0x4]  }
0xd5: {  	s13 =	rddreg [dreg:$0x5];
	[tilespmem:s11+$0x0 ss:$0x21] =	vst.msk $0xffff, v2;
	v2 =	vld.idx.msk [tilespmem:v0+s17+$0x40 ss:$0x1], $0xffff  }
0xd6: {  	[tilespmem:s24+$0x0 ss:$0x21] =	vst.msk $0xffff, v3;
	v3 =	vld.idx.msk [tilespmem:v0+s17+$0x50 ss:$0x1], $0xffff;
	_ =	sdelay $0x1  }
0xd7: {  	s11 =	rddreg [dreg:$0x6];
	[tilespmem:s10+$0x0 ss:$0x21] =	vst.msk $0xffff, v4  }
0xd8: {  	v4 =	vld.idx.msk [tilespmem:v0+s17+$0x60 ss:$0x1], $0xffff;
	s10 =	rddreg [dreg:$0x7];
	[tilespmem:s13+$0x0 ss:$0x21] =	vst.msk $0xffff, v5  }
0xd9: {  	s13 =	rddreg [dreg:$0x8];
	[tilespmem:s11+$0x0 ss:$0x21] =	vst.msk $0xffff, v2;
	v2 =	vld.idx.msk [tilespmem:v0+s23+$0x10 ss:$0x1], $0xffff  }
0xda: {  	s11 =	rddreg [dreg:$0xb];
	[tilespmem:s10+$0x0 ss:$0x21] =	vst.msk $0xffff, v3;
	v3 =	vld.idx.msk [tilespmem:v0+s23+$0x20 ss:$0x1], $0xffff;
	_ =	sdelay $0x2  }
0xdb: {  	s10 =	rddreg [dreg:$0xc];
	[tilespmem:s13+$0x0 ss:$0x21] =	vst.msk $0xffff, v4;
	v4 =	vld.idx.msk [tilespmem:v0+s23+$0x30 ss:$0x1], $0xffff  }
0xdc: {  	s13 =	rddreg [dreg:$0xd];
	[tilespmem:s11+$0x0 ss:$0x21] =	vst.msk $0xffff, v2;
	v2 =	vld.idx.msk [tilespmem:v0+s23+$0x40 ss:$0x1], $0xffff  }
0xdd: {  	s11 =	rddreg [dreg:$0xe];
	[tilespmem:s10+$0x0 ss:$0x21] =	vst.msk $0xffff, v3;
	v3 =	vld.idx.msk [tilespmem:v0+s23+$0x50 ss:$0x1], $0xffff;
	_ =	sdelay $0x1  }
0xde: {  	v8 =	vld.idx.msk [tilespmem:v0+s9+$0x40 ss:$0x1], $0xffff  }
0xdf: {  	s10 =	rddreg [dreg:$0xf];
	[tilespmem:s13+$0x0 ss:$0x21] =	vst.msk $0xffff, v4;
	v4 =	vld.idx.msk [tilespmem:v0+s23+$0x60 ss:$0x1], $0xffff  }
0xe0: {  	s13 =	rddreg [dreg:$0x10];
	[tilespmem:s11+$0x0 ss:$0x21] =	vst.msk $0xffff, v2;
	v2 =	vld.idx.msk [tilespmem:v0+s9+$0x10 ss:$0x1], $0xffff  }
0xe1: {  	s11 =	rddreg [dreg:$0x13];
	[tilespmem:s10+$0x0 ss:$0x21] =	vst.msk $0xffff, v3;
	v3 =	vld.idx.msk [tilespmem:v0+s9+$0x20 ss:$0x1], $0xffff  }
0xe2: {  	v5 =	vld.idx.msk [tilespmem:v0+s9+$0x30 ss:$0x1], $0xffff  }
0xe3: {  	p2 =	sgt.s32 s21, $0x200;
	v6 =	vld.idx.msk [tilespmem:v0+s9+$0x50 ss:$0x1], $0xffff  }
.Ltmp7:
0xe4: {  	v7 =	vld.idx.msk [tilespmem:v0+s9+$0x60 ss:$0x1], $0xffff;
	s10 =	rddreg [dreg:$0x14];
	[tilespmem:s13+$0x0 ss:$0x21] =	vst.msk $0xffff, v4;
	(pc) =	sbr.rel @!p2 .LBB1_7-.Ltmp7, $4  }
0xe5: {  	v4 =	vld.idx.msk [tilespmem:v0+s16+$0x20 ss:$0x1], $0xffff;
	s13 =	rddreg [dreg:$0x15];
	[tilespmem:s11+$0x0 ss:$0x21] =	vst.msk $0xffff, v2  }
0xe6: {  	v2 =	vld.idx.msk [tilespmem:v0+s16+$0x10 ss:$0x1], $0xffff;
	s11 =	rddreg [dreg:$0x16];
	[tilespmem:s10+$0x0 ss:$0x21] =	vst.msk $0xffff, v3  }
0xe7: {  	v3 =	vld.idx.msk [tilespmem:v0+s16+$0x30 ss:$0x1], $0xffff;
	s9 =	rddreg [dreg:$0x17];
	[tilespmem:s13+$0x0 ss:$0x21] =	vst.msk $0xffff, v5  }
0xe8: {  	s14 =	sadd.s32 $0x1000, s14;
	s24 =	smov.u32 s15;
	s17 =	simm.s32 $0x200;
	[tilespmem:s11+$0x0 ss:$0x21] =	vst.msk $0xffff, v8;
	v5 =	vld.idx.msk [tilespmem:v0+s16+$0x40 ss:$0x1], $0xffff  }
.LBB1_6:
0xe9: {  	s10 =	sand.u32 $0x3C00, s14  }
0xea: {  	s10 =	sadd.s32 s10, s22  }
0xeb: {  	s30 =	sadd.s32 $0x1000, s30;
	v8 =	vld.idx.msk [tilespmem:v1+s10+$0x0 ss:$0x1], $0xffff;
	[tilespmem:s9+$0x0 ss:$0x21] =	vst.msk $0xffff, v6  }
0xec: {  	s11 =	sand.u32 $0x3800, s30;
	v6 =	vld.idx.msk [tilespmem:v0+s16+$0x50 ss:$0x1], $0xffff;
	[tilespmem:s31+$0x0 ss:$0x21] =	vst.msk $0xffff, v7  }
0xed: {  	s12 =	sadd.s32 s11, s22;
	v7 =	vld.idx.msk [tilespmem:v0+s16+$0x60 ss:$0x1], $0xffff;
	[tilespmem:s8+$0x0 ss:$0x21] =	vst.msk $0xffff, v2  }
0xee: {  	s28 =	sadd.s32 $0x1000, s28;
	s16 =	sadd.s32 s29, s10;
	[tilespmem:s4+$0x0 ss:$0x21] =	vst.msk $0xffff, v4;
	v4 =	vld.idx.msk [tilespmem:v1+s12+$0x0 ss:$0x1], $0xffff  }
0xef: {  	s13 =	sand.u32 $0x3400, s28;
	s9 =	sadd.s32 s29, s12;
	[tilespmem:s2+$0x0 ss:$0x21] =	vst.msk $0xffff, v3;
	v2 =	vld.idx.msk [tilespmem:v0+s16+$0x70 ss:$0x1], $0xffff  }
0xf0: {  	s24 =	sadd.s32 $0x1000, s24;
	s10 =	sadd.s32 s13, s22;
	[tilespmem:s5+$0x0 ss:$0x21] =	vst.msk $0xffff, v5;
	v3 =	vld.idx.msk [tilespmem:v0+s9+$0x70 ss:$0x1], $0xffff  }
0xf1: {  	s11 =	sand.u32 $0x3000, s24;
	v5 =	vld.idx.msk [tilespmem:v1+s10+$0x0 ss:$0x1], $0xffff;
	s10 =	sadd.s32 s29, s10;
	[tilespmem:s1+$0x0 ss:$0x21] =	vst.msk $0xffff, v8  }
0xf2: {  	s11 =	sadd.s32 s11, s22;
	[tilespmem:s6+$0x0 ss:$0x21] =	vst.msk $0xffff, v6;
	v6 =	vld.idx.msk [tilespmem:v0+s10+$0x70 ss:$0x1], $0xffff  }
0xf3: {  	s13 =	rddreg [dreg:$0x12];
	[tilespmem:s3+$0x0 ss:$0x21] =	vst.msk $0xffff, v7;
	v7 =	vld.idx.msk [tilespmem:v1+s11+$0x0 ss:$0x1], $0xffff;
	s11 =	sadd.s32 s29, s11  }
0xf4: {  	[tilespmem:s13+$0x0 ss:$0x21] =	vst.msk $0xffff, v4;
	v8 =	vld.idx.msk [tilespmem:v0+s11+$0x70 ss:$0x1], $0xffff  }
0xf5: {  	[tilespmem:s7+$0x0 ss:$0x21] =	vst.msk $0xffff, v2;
	v2 =	vld.idx.msk [tilespmem:v0+s11+$0x10 ss:$0x1], $0xffff  }
0xf6: {  	s23 =	rddreg [dreg:$0xa];
	v4 =	vld.idx.msk [tilespmem:v0+s11+$0x20 ss:$0x1], $0xffff;
	[tilespmem:s0+$0x0 ss:$0x21] =	vst.msk $0xffff, v3  }
0xf7: {  	s12 =	rddreg [dreg:$0x11];
	v3 =	vld.idx.msk [tilespmem:v0+s11+$0x30 ss:$0x1], $0xffff;
	[tilespmem:s23+$0x0 ss:$0x21] =	vst.msk $0xffff, v5  }
0xf8: {  	s13 =	rddreg [dreg:$0x2];
	v5 =	vld.idx.msk [tilespmem:v0+s11+$0x40 ss:$0x1], $0xffff;
	[tilespmem:s12+$0x0 ss:$0x21] =	vst.msk $0xffff, v6  }
0xf9: {  	s19 =	rddreg [dreg:$0x9];
	[tilespmem:s13+$0x0 ss:$0x21] =	vst.msk $0xffff, v7;
	v6 =	vld.idx.msk [tilespmem:v0+s11+$0x50 ss:$0x1], $0xffff  }
0xfa: {  	s23 =	rddreg [dreg:$0x3];
	v7 =	vld.idx.msk [tilespmem:v0+s11+$0x60 ss:$0x1], $0xffff;
	[tilespmem:s19+$0x0 ss:$0x21] =	vst.msk $0xffff, v8  }
0xfb: {  	s12 =	rddreg [dreg:$0x4];
	[tilespmem:s23+$0x0 ss:$0x21] =	vst.msk $0xffff, v2;
	v2 =	vld.idx.msk [tilespmem:v0+s10+$0x10 ss:$0x1], $0xffff  }
0xfc: {  	s13 =	rddreg [dreg:$0x5];
	[tilespmem:s12+$0x0 ss:$0x21] =	vst.msk $0xffff, v4;
	v4 =	vld.idx.msk [tilespmem:v0+s10+$0x20 ss:$0x1], $0xffff  }
0xfd: {  	s11 =	rddreg [dreg:$0x6];
	[tilespmem:s13+$0x0 ss:$0x21] =	vst.msk $0xffff, v3;
	v3 =	vld.idx.msk [tilespmem:v0+s10+$0x30 ss:$0x1], $0xffff  }
0xfe: {  	s19 =	rddreg [dreg:$0x7];
	[tilespmem:s11+$0x0 ss:$0x21] =	vst.msk $0xffff, v5;
	v5 =	vld.idx.msk [tilespmem:v0+s10+$0x40 ss:$0x1], $0xffff  }
0xff: {  	s23 =	rddreg [dreg:$0x8];
	[tilespmem:s19+$0x0 ss:$0x21] =	vst.msk $0xffff, v6;
	v6 =	vld.idx.msk [tilespmem:v0+s10+$0x50 ss:$0x1], $0xffff  }
0x100: {  	s11 =	rddreg [dreg:$0xb];
	[tilespmem:s23+$0x0 ss:$0x21] =	vst.msk $0xffff, v7;
	v7 =	vld.idx.msk [tilespmem:v0+s10+$0x60 ss:$0x1], $0xffff  }
0x101: {  	s19 =	rddreg [dreg:$0xc];
	[tilespmem:s11+$0x0 ss:$0x21] =	vst.msk $0xffff, v2;
	v2 =	vld.idx.msk [tilespmem:v0+s9+$0x10 ss:$0x1], $0xffff  }
0x102: {  	s23 =	rddreg [dreg:$0xd];
	[tilespmem:s19+$0x0 ss:$0x21] =	vst.msk $0xffff, v4;
	v4 =	vld.idx.msk [tilespmem:v0+s9+$0x20 ss:$0x1], $0xffff  }
0x103: {  	s11 =	rddreg [dreg:$0xe];
	[tilespmem:s23+$0x0 ss:$0x21] =	vst.msk $0xffff, v3;
	v3 =	vld.idx.msk [tilespmem:v0+s9+$0x30 ss:$0x1], $0xffff  }
0x104: {  	s17 =	sadd.s32 $0x200, s17;
	s12 =	rddreg [dreg:$0xf];
	[tilespmem:s11+$0x0 ss:$0x21] =	vst.msk $0xffff, v5;
	v5 =	vld.idx.msk [tilespmem:v0+s9+$0x40 ss:$0x1], $0xffff  }
0x105: {  	p2 =	slt.s32 s17, s21;
	s19 =	rddreg [dreg:$0x10];
	[tilespmem:s12+$0x0 ss:$0x21] =	vst.msk $0xffff, v6;
	v6 =	vld.idx.msk [tilespmem:v0+s9+$0x50 ss:$0x1], $0xffff  }
.Ltmp8:
0x106: {  	s23 =	rddreg [dreg:$0x13];
	[tilespmem:s19+$0x0 ss:$0x21] =	vst.msk $0xffff, v7;
	v7 =	vld.idx.msk [tilespmem:v0+s9+$0x60 ss:$0x1], $0xffff;
	(pc) =	sbr.rel @p2 .LBB1_6-.Ltmp8, $4  }
0x107: {  	s13 =	rddreg [dreg:$0x14];
	[tilespmem:s23+$0x0 ss:$0x21] =	vst.msk $0xffff, v2;
	v2 =	vld.idx.msk [tilespmem:v0+s16+$0x10 ss:$0x1], $0xffff  }
0x108: {  	s19 =	rddreg [dreg:$0x15];
	[tilespmem:s13+$0x0 ss:$0x21] =	vst.msk $0xffff, v4;
	v4 =	vld.idx.msk [tilespmem:v0+s16+$0x20 ss:$0x1], $0xffff  }
0x109: {  	s23 =	rddreg [dreg:$0x16];
	[tilespmem:s19+$0x0 ss:$0x21] =	vst.msk $0xffff, v3;
	v3 =	vld.idx.msk [tilespmem:v0+s16+$0x30 ss:$0x1], $0xffff  }
0x10a: {  	s14 =	sadd.s32 $0x1000, s14;
	s9 =	rddreg [dreg:$0x17];
	[tilespmem:s23+$0x0 ss:$0x21] =	vst.msk $0xffff, v5;
	v5 =	vld.idx.msk [tilespmem:v0+s16+$0x40 ss:$0x1], $0xffff  }
.LBB1_7:
0x10b: {  	_ =	sdelay $0x2  }
0x10c: {  	[tilespmem:s9+$0x0 ss:$0x21] =	vst.msk $0xffff, v6  }
0x10d: {  	v1 =	vld.idx.msk [tilespmem:v0+s16+$0x50 ss:$0x1], $0xffff;
	[tilespmem:s31+$0x0 ss:$0x21] =	vst.msk $0xffff, v7  }
0x10e: {  	v63 =	vld.idx.msk [tilespmem:v0+s16+$0x60 ss:$0x1], $0xffff;
	[tilespmem:s8+$0x0 ss:$0x21] =	vst.msk $0xffff, v2  }
0x10f: {  	[tilespmem:s4+$0x0 ss:$0x21] =	vst.msk $0xffff, v4  }
0x110: {  	[tilespmem:s2+$0x0 ss:$0x21] =	vst.msk $0xffff, v3  }
0x111: {  	[tilespmem:s5+$0x0 ss:$0x21] =	vst.msk $0xffff, v5  }
0x112: {  	[tilespmem:s6+$0x0 ss:$0x21] =	vst.msk $0xffff, v1  }
0x113: {  	[tilespmem:s3+$0x0 ss:$0x21] =	vst.msk $0xffff, v63  }
0x114: {  	s7 =	sld [smem:$0x7F7]  }
.LBB1_8:
.Ltmp9:
0x115: {  	(pc) =	sbr.rel @p1 .LBB1_11-.Ltmp9, $1  }
0x116: {  	_ =	sdelay $0x3  }
0x117: {  	s1 =	sand.u32 $0x200, s27;
	s31 =	sld [smem:$0x7F6]  }
0x118: {  	s2 =	sand.u32 $0x180, s27;
	s3 =	sadd.s32 s1, s22  }
0x119: {  	s0 =	sshrl.u32 s25, $0x4;
	s4 =	sand.u32 $0x7F, s25;
	s2 =	sadd.s32 s2, s3  }
0x11a: {  	s3 =	sadd.s32 s4, s18;
	s4 =	smov.u32 s21;
	s1 =	sadd.s32 s26, s31  }
.LBB1_10:
0x11b: {  	s5 =	sand.u32 $0x3C00, s1  }
0x11c: {  	s6 =	sand.u32 $0x70, s4;
	s30 =	sadd.s32 s4, s0;
	s5 =	sadd.s32 s5, s2  }
0x11d: {  	s4 =	sadd.s32 $0x10, s4;
	s31 =	sand.u32 $0x1F8, s30;
	s5 =	sadd.s32 s6, s5  }
0x11e: {  	p2 =	slt.s32 s4, s20;
	v0 =	vld [tilespmem:s5+$0x0];
	s5 =	smul.u32 $0x84, s31  }
.Ltmp10:
0x11f: {  	_ = 	snop;
	(pc) =	sbr.rel @p2 .LBB1_10-.Ltmp10, $4  }
0x120: {  	_ = 	snop  }
0x121: {  	s5 =	sshrl.u32 s5, $0x2  }
0x122: {  	s5 =	sadd.s32 s5, s3  }
0x123: {  	s1 =	sadd.s32 $0x80, s1;
	[tilespmem:s5+$0x0 ss:$0x21] =	vst.msk $0xffff, v0  }
.Ltmp11:
0x124: {  	_ = 	snop;
	(pc) =	sbr.rel .LBB1_11-.Ltmp11, $1  }
0x125: {  	_ =	sdelay $0x3  }
.LBB1_14:
0x126: {  	_ =	sfence.sel $0x180000  }
0x127: {  	s0 =	simm.s32 $0x1;
	[bflag:$0x0] =	sbarrier.arrive $0xFFFF  }
0x128: {  	s30 =	simm.s32 $0x2;
	[sflag:s0] =	ssyncpa.u1 $0x1  }
0x129: {  	[sflag:s30] =	ssyncpa.u1 $0x1  }
0x12a: {  	_ =	strace $0x9000005C  }
0x12b: {  	s31 =	stileid.u32;
	[bflag:$0x2] =	sbarrier.arrive $0xFFFF  }
0x12c: {  	p0 =	sne.s32 s31, $0x0;
	s0 =	rddreg [dreg:$0x1]  }
0x12d: {  	s0 =	sadd.s32 @!p0 $0x100000, s0  }
0x12e: {  	[sflag:s0] =	ssyncadd.tile.s32 @!p0 $0x1;
	_ =	shalt  }
.Lfunc_end1:
_tile_overlayer_lowered:
.L_overlay_start_2:
0x12f: {  	(tag) =	ssettag $0x2  }
0x130: {  	s0 =	rddreg [dreg:$0x0];
	s2 =	stileid.u32  }
0x131: {  	s1 =	rddreg [dreg:$0x1];
	p0 =	sne.s32 s2, $0x0  }
0x132: {  	s3 =	rddreg [dreg:$0x2];
	[bflag:$0x3] =	sbarrier.arrive $0xFFFF;
	s2 =	simm.s32 @!p0 $0x1C01  }
0x133: {  	[timem:s3], [sflag:s2] =	dma.local @!p0 [hbm:s0], s1  }
0x134: {  	s0 =	simm.s32 @!p0 $0x1  }
0x135: {  	_ =	swait.ge @!p0 [sflag:s0], s1  }
0x136: {  	s1 =	ssub.s32 @!p0 $0x0, s1;
	[sflag:s0] =	ssyncset.done @!p0 $0x0  }
0x137: {  	[sflag:s0] =	ssyncadd.s32 @!p0 s1  }
0x138: {  	[bflag:$0x3] =	sbarrier.arrive $0xFFFF  }
0x139: {  	_ =	shalt  }

</sc_bundles>
